<compile_context>
chip_gen: v7x
topology: tpu7x:2x2x1
jax: 0.10.2.dev20260603
libtpu: 0.0.44.dev20260713+nightly
codegen_flags: <defaults>
</compile_context>

<pallas_src>
import functools

import jax
import jax.numpy as jnp
from jax import lax
from jax.experimental import pallas as pl
from jax.experimental.pallas import tpu as pltpu
from jax.experimental.pallas import tpu_sc as plsc

NC, NS = 2, 16
NW = NC * NS
B = 16384 * 50
D = 64
V = 1_000_000
CHUNK = 128
PER_W = B // NW
NBLK = PER_W // CHUNK

VBLK = V // CHUNK
VTAIL = V - VBLK * CHUNK
SLOTS0 = 246

_mesh = plsc.VectorSubcoreMesh(
    core_axis_name="c", subcore_axis_name="s", num_cores=NC, num_subcores=NS
)


def _iota16():
    return lax.iota(jnp.int32, 16)


def _pair_transpose(src, dst, nil):
    iota = _iota16()

    qhs = []
    for il0 in range(0, nil, 16):
        iv = iota + il0
        qhs.append((iv, iv // 2, (iv % 2) * D))

    @pl.loop(0, 16)
    def _(s):
        rot = (iota + s) % 16
        pend = []
        for il0i in range(len(qhs)):
            iv, q0, h64 = qhs[il0i]
            for c0 in range(0, D, 16):
                cv = rot + c0
                v = plsc.load_gather(src, [cv, iv])
                pend.append((v, q0, h64 + cv))
                if len(pend) > 10:
                    w, d0, d1 = pend.pop(0)
                    plsc.store_scatter(dst, [d0, d1], w)
        for w, d0, d1 in pend:
            plsc.store_scatter(dst, [d0, d1], w)


def _block_transpose(row, tbuf):
    iota = _iota16()
    ivs = [iota + i0 for i0 in range(0, CHUNK, 16)]

    @pl.loop(0, 16)
    def _(s):
        rot = (iota + s) % 16
        pend = []
        for c0 in range(0, D, 16):
            cv = rot + c0
            c8 = cv // 8
            cm = cv % 8
            for iv in ivs:
                v = plsc.load_gather(row, [iv, cv])
                pend.append((v, c8, cm, iv))
                if len(pend) > 10:
                    w, d0, d1, d2 = pend.pop(0)
                    plsc.store_scatter(tbuf, [d0, d1, d2], w)
        for w, d0, d1, d2 in pend:
            plsc.store_scatter(tbuf, [d0, d1, d2], w)


@functools.partial(
    pl.kernel,
    out_type=jax.ShapeDtypeStruct((V // 2, 2 * D), jnp.float32),
    mesh=_mesh,
    scratch_types=[
        pltpu.VMEM((D, CHUNK), jnp.float32),
        pltpu.VMEM((D, CHUNK), jnp.float32),
        pltpu.VMEM((D, CHUNK), jnp.float32),
        pltpu.VMEM((D, CHUNK), jnp.float32),
        pltpu.VMEM((D, D), jnp.float32),
        pltpu.VMEM((D // 2, CHUNK), jnp.float32),
        pltpu.SemaphoreType.DMA,
        pltpu.SemaphoreType.DMA,
        pltpu.SemaphoreType.DMA,
        pltpu.SemaphoreType.DMA,
    ],
    compiler_params=pltpu.CompilerParams(use_tc_tiling_on_sc=True,
                                         needs_layout_passes=False),
)
def _table_transpose(tt_hbm, t2_hbm, stage0, stage1, tbuf0, tbuf1,
                     stail, ttail, rsem0, rsem1, wsem0, wsem1):
    wid = lax.axis_index("s") * NC + lax.axis_index("c")
    nb_w = jnp.where(wid < VBLK - (VBLK // NW) * NW, VBLK // NW + 1,
                     VBLK // NW)
    stages = (stage0, stage1)
    tbufs = (tbuf0, tbuf1)
    rsems = (rsem0, rsem1)
    wsems = (wsem0, wsem1)

    def blk(t):
        return wid + NW * t

    def fire_read(t, stage, rsem):
        pltpu.async_copy(tt_hbm.at[:, pl.ds(blk(t) * CHUNK, CHUNK)], stage,
                         rsem)

    fire_read(0, stage0, rsem0)

    @pl.loop(0, SLOTS0, step=2)
    def _(t0):
        for p in range(2):
            t = t0 + p
            stage, tbuf, rsem, wsem = stages[p], tbufs[p], rsems[p], wsems[p]

            @pl.when(t < nb_w)
            def _():
                pltpu.make_async_copy(
                    tt_hbm.at[:, pl.ds(0, CHUNK)], stage, rsem
                ).wait()

                @pl.when(t + 1 < nb_w)
                def _():
                    fire_read(t + 1, stages[1 - p], rsems[1 - p])

                @pl.when(t >= 2)
                def _():
                    pltpu.make_async_copy(
                        tbuf, t2_hbm.at[pl.ds(0, D), :], wsem
                    ).wait()

                _pair_transpose(stage, tbuf, CHUNK)
                pltpu.async_copy(
                    tbuf, t2_hbm.at[pl.ds(blk(t) * (CHUNK // 2), D), :], wsem)

    for p in range(2):
        @pl.when(nb_w >= 2 - p)
        def _():
            pltpu.make_async_copy(
                tbufs[p], t2_hbm.at[pl.ds(0, D), :], wsems[p]
            ).wait()

    @pl.when(wid == 0)
    def _():
        pltpu.sync_copy(tt_hbm.at[:, pl.ds(VBLK * CHUNK, VTAIL)], stail)
        _pair_transpose(stail, ttail, VTAIL)
        pltpu.sync_copy(ttail, t2_hbm.at[pl.ds(VBLK * (CHUNK // 2),
                                               VTAIL // 2), :])


@functools.partial(
    pl.kernel,
    out_type=jax.ShapeDtypeStruct((50, 8, 128, 8, 128), jnp.float32),
    mesh=_mesh,
    scratch_types=[
        pltpu.VMEM((PER_W,), jnp.int32),
        pltpu.VMEM((CHUNK, D), jnp.float32),
        pltpu.VMEM((CHUNK, D), jnp.float32),
        pltpu.VMEM((8, 8, CHUNK), jnp.float32),
        pltpu.VMEM((8, 8, CHUNK), jnp.float32),
        pltpu.SemaphoreType.DMA,
        pltpu.SemaphoreType.DMA,
        pltpu.SemaphoreType.DMA,
        pltpu.SemaphoreType.DMA,
    ],
    compiler_params=pltpu.CompilerParams(use_tc_tiling_on_sc=False,
                                         needs_layout_passes=False),
)
def _gather(x_hbm, t_hbm, out_hbm, idx_v, rows0, rows1, tbuf0, tbuf1,
            gsem0, gsem1, wsem0, wsem1):
    wid = lax.axis_index("s") * NC + lax.axis_index("c")
    pltpu.sync_copy(x_hbm.at[pl.ds(wid * PER_W, PER_W)], idx_v)
    rows = (rows0, rows1)
    tbufs = (tbuf0, tbuf1)
    gsems = (gsem0, gsem1)
    wsems = (wsem0, wsem1)

    def fire_gather(t, dst, gsem):
        pltpu.async_copy(
            t_hbm.at[idx_v.at[pl.ds(t * CHUNK, CHUNK)]], dst, gsem)

    fire_gather(0, rows0, gsem0)

    @pl.loop(0, NBLK, step=2)
    def _(t0):
        for p in range(2):
            t = t0 + p
            row, tbuf, gsem, wsem = rows[p], tbufs[p], gsems[p], wsems[p]
            pltpu.make_async_copy(
                t_hbm.at[pl.ds(0, CHUNK)], row, gsem
            ).wait()

            @pl.when(t + 1 < NBLK)
            def _():
                fire_gather(t + 1, rows[1 - p], gsems[1 - p])

            @pl.when(t >= 2)
            def _():
                pltpu.make_async_copy(
                    tbuf, out_hbm.at[0, :, 0], wsem
                ).wait()

            _block_transpose(row, tbuf)
            bl = wid * NBLK + t
            pltpu.async_copy(tbuf, out_hbm.at[bl // 128, :, bl % 128], wsem)

    for p in range(2):
        pltpu.make_async_copy(
            tbufs[p], out_hbm.at[0, :, 0], wsems[p]
        ).wait()


def kernel(x, table):
    t2 = _table_transpose(table.T)
    tl = t2.reshape(V, D)
    xtf = x.T.reshape(B).astype(jnp.int32)
    o5 = _gather(xtf, tl)
    return (o5.transpose(2, 4, 0, 1, 3)
            .reshape(x.shape[0], x.shape[1], D))

# --- scband reference (transcript-rebuilt; emitter-appended) ---
"""Pipeline reference for scband-embedding-88794153877957 (READ-ONLY COPY).

The authoritative reference and input builder live on the scoring server;
editing this copy changes nothing except your own understanding.
"""

import jax, jax.numpy as jnp
import numpy as np

GRAPH_SIZE = 1000000
H_SIZE = 64

def setup_inputs(seed: int = 0) -> dict:
    key = jax.random.key(seed)
    k1, k2 = jax.random.split(key)
    x = jax.random.randint(k1, (16384, 50), 0, GRAPH_SIZE, dtype=jnp.int64 if jax.config.jax_enable_x64 else jnp.int32)
    # nn.Embedding default init: N(0, 1)
    table = jax.random.normal(k2, (GRAPH_SIZE, H_SIZE), dtype=jnp.float32)
    return {"x": x, "table": table}

def reference(x, table):
    # y = embedding(x)
    y = jnp.take(table, x, axis=0)
    return y

if __name__ == "__main__":
    import jax
    _d = setup_inputs()
    print(jax.jit(kernel)(*tuple(_d.values())))

</pallas_src>

<mosaic_0001>
#map = affine_map<(d0, d1) -> (0, 0)>
module attributes {stable_mosaic.version = 14 : i64} {
  func.func @_table_transpose(%arg0: i32, %arg1: i32, %arg2: memref<64x1000000xf32, #tpu.memory_space<hbm>>, %arg3: memref<500000x128xf32, #tpu.memory_space<hbm>>, %arg4: memref<64x128xf32, #tpu.memory_space<vmem>>, %arg5: memref<64x128xf32, #tpu.memory_space<vmem>>, %arg6: memref<64x128xf32, #tpu.memory_space<vmem>>, %arg7: memref<64x128xf32, #tpu.memory_space<vmem>>, %arg8: memref<64x64xf32, #tpu.memory_space<vmem>>, %arg9: memref<32x128xf32, #tpu.memory_space<vmem>>, %arg10: memref<!tpu.dma_semaphore, #tpu.memory_space<semaphore_mem>>, %arg11: memref<!tpu.dma_semaphore, #tpu.memory_space<semaphore_mem>>, %arg12: memref<!tpu.dma_semaphore, #tpu.memory_space<semaphore_mem>>, %arg13: memref<!tpu.dma_semaphore, #tpu.memory_space<semaphore_mem>>) attributes {dimension_semantics = [#tpu.dimension_semantics<core_parallel>, #tpu.dimension_semantics<subcore_parallel>], iteration_bounds = array<i64: 2, 16>, scalar_prefetch = 0 : i64, scratch_operands = 10 : i64, tpu.core_type = #tpu.core_type<sc_vector_subcore>, window_params = [{transform_indices = #map}, {transform_indices = #map}]} {
    %mul3A = arith.constant 2 : i32
    %mul3A_0 = arith.muli %arg1, %mul3A : i32
    %add3A = arith.addi %mul3A_0, %arg0 : i32
    %lt3A = arith.constant 4 : i32
    %lt3A_1 = arith.cmpi slt, %add3A, %lt3A : i32
    %jit3A = arith.constant 245 : i32
    %jit3A_2 = arith.constant 244 : i32
    %select_n3A = arith.select %lt3A_1, %jit3A, %jit3A_2 : i32
    %add3A_3 = arith.constant 0 : i32
    %add3A_4 = arith.addi %add3A, %add3A_3 : i32
    %mul3A_5 = arith.constant 128 : i32
    %mul3A_6 = arith.muli %add3A_4, %mul3A_5 : i32
    %dma_start3A = arith.constant 0 : i32
    %dma_start3A_7 = tpu.memref_slice %arg2[%dma_start3A, %mul3A_6] : memref<64x1000000xf32, #tpu.memory_space<hbm>> -> memref<64x128xf32, #tpu.memory_space<hbm>>
    %dma_start3A_8 = arith.constant 0 : i32
    %dma_start3A_9 = tpu.memref_slice %arg2[%dma_start3A_8, %mul3A_6] : memref<64x1000000xf32, #tpu.memory_space<hbm>> -> memref<64x128xf32, #tpu.memory_space<hbm>>
    tpu.enqueue_dma source(%dma_start3A_9 : memref<64x128xf32, #tpu.memory_space<hbm>>) target(%arg4 : memref<64x128xf32, #tpu.memory_space<vmem>>) target_semaphore(%arg10 : memref<!tpu.dma_semaphore, #tpu.memory_space<semaphore_mem>>)
    %scan3A = arith.constant 0 : i32
    %scan3A_10 = arith.constant 123 : i32
    %scan3A_11 = arith.addi %scan3A, %scan3A_10 : i32
    %scan3A_12 = arith.constant 1 : i32
    scf.for %scan3A_25 = %scan3A to %scan3A_11 step %scan3A_12  : i32 {
      %mul3A_26 = arith.constant 2 : i32
      %mul3A_27 = arith.muli %scan3A_25, %mul3A_26 : i32
      %add3A_28 = arith.constant 0 : i32
      %add3A_29 = arith.addi %add3A_28, %mul3A_27 : i32
      %add3A_30 = arith.constant 0 : i32
      %add3A_31 = arith.addi %add3A_29, %add3A_30 : i32
      %lt3A_32 = arith.cmpi slt, %add3A_31, %select_n3A : i32
      %convert_element_type3A_33 = arith.extui %lt3A_32 : i1 to i32
      %cond3A_34 = arith.constant 0 : i32
      %cond3A_35 = arith.cmpi ne, %convert_element_type3A_33, %cond3A_34 : i32
      scf.if %cond3A_35 {
        %dma_wait3A = arith.constant 0 : i32
        %dma_wait3A_42 = arith.constant 0 : i32
        %dma_wait3A_43 = tpu.memref_slice %arg2[%dma_wait3A, %dma_wait3A_42] : memref<64x1000000xf32, #tpu.memory_space<hbm>> -> memref<64x128xf32, #tpu.memory_space<hbm>>
        %dma_wait3A_44 = arith.constant 0 : i32
        %dma_wait3A_45 = arith.constant 0 : i32
        %dma_wait3A_46 = tpu.memref_slice %arg2[%dma_wait3A_44, %dma_wait3A_45] : memref<64x1000000xf32, #tpu.memory_space<hbm>> -> memref<64x128xf32, #tpu.memory_space<hbm>>
        tpu.wait_dma2 semaphore(%arg10 : memref<!tpu.dma_semaphore, #tpu.memory_space<semaphore_mem>>) src(%dma_wait3A_46 : memref<64x128xf32, #tpu.memory_space<hbm>>) dst(%arg4 : memref<64x128xf32, #tpu.memory_space<vmem>>)
        %add3A_47 = arith.constant 1 : i32
        %add3A_48 = arith.addi %add3A_31, %add3A_47 : i32
        %lt3A_49 = arith.cmpi slt, %add3A_48, %select_n3A : i32
        %convert_element_type3A_50 = arith.extui %lt3A_49 : i1 to i32
        %cond3A_51 = arith.constant 0 : i32
        %cond3A_52 = arith.cmpi ne, %convert_element_type3A_50, %cond3A_51 : i32
        scf.if %cond3A_52 {
          %add3A_538 = arith.constant 1 : i32
          %add3A_539 = arith.addi %add3A_31, %add3A_538 : i32
          %mul3A_540 = arith.constant 32 : i32
          %mul3A_541 = arith.muli %mul3A_540, %add3A_539 : i32
          %add3A_542 = arith.addi %add3A, %mul3A_541 : i32
          %mul3A_543 = arith.constant 128 : i32
          %mul3A_544 = arith.muli %add3A_542, %mul3A_543 : i32
          %dma_start3A_545 = arith.constant 0 : i32
          %dma_start3A_546 = tpu.memref_slice %arg2[%dma_start3A_545, %mul3A_544] : memref<64x1000000xf32, #tpu.memory_space<hbm>> -> memref<64x128xf32, #tpu.memory_space<hbm>>
          %dma_start3A_547 = arith.constant 0 : i32
          %dma_start3A_548 = tpu.memref_slice %arg2[%dma_start3A_547, %mul3A_544] : memref<64x1000000xf32, #tpu.memory_space<hbm>> -> memref<64x128xf32, #tpu.memory_space<hbm>>
          tpu.enqueue_dma source(%dma_start3A_548 : memref<64x128xf32, #tpu.memory_space<hbm>>) target(%arg5 : memref<64x128xf32, #tpu.memory_space<vmem>>) target_semaphore(%arg11 : memref<!tpu.dma_semaphore, #tpu.memory_space<semaphore_mem>>)
        } else {
        }
        %ge3A_53 = arith.constant 2 : i32
        %ge3A_54 = arith.cmpi sge, %add3A_31, %ge3A_53 : i32
        %convert_element_type3A_55 = arith.extui %ge3A_54 : i1 to i32
        %cond3A_56 = arith.constant 0 : i32
        %cond3A_57 = arith.cmpi ne, %convert_element_type3A_55, %cond3A_56 : i32
        scf.if %cond3A_57 {
          %dma_wait3A_538 = arith.constant 0 : i32
          %dma_wait3A_539 = arith.constant 0 : i32
          %dma_wait3A_540 = tpu.memref_slice %arg3[%dma_wait3A_538, %dma_wait3A_539] : memref<500000x128xf32, #tpu.memory_space<hbm>> -> memref<64x128xf32, #tpu.memory_space<hbm>>
          %dma_wait3A_541 = arith.constant 0 : i32
          %dma_wait3A_542 = arith.constant 0 : i32
          %dma_wait3A_543 = tpu.memref_slice %arg3[%dma_wait3A_541, %dma_wait3A_542] : memref<500000x128xf32, #tpu.memory_space<hbm>> -> memref<64x128xf32, #tpu.memory_space<hbm>>
          tpu.wait_dma2 semaphore(%arg12 : memref<!tpu.dma_semaphore, #tpu.memory_space<semaphore_mem>>) src(%arg6 : memref<64x128xf32, #tpu.memory_space<vmem>>) dst(%dma_wait3A_543 : memref<64x128xf32, #tpu.memory_space<hbm>>)
        } else {
        }
        %iota3A = tpu.iota {dimensions = array<i32: 0>} : vector<16xi32>
        %add3A_58 = arith.constant 0 : i32
        %add3A_59 = vector.broadcast %add3A_58 : i32 to vector<16xi32>
        %add3A_60 = arith.addi %iota3A, %add3A_59 : vector<16xi32>
        %jit3A_61 = arith.constant 2 : i32
        %div3A = vector.broadcast %jit3A_61 : i32 to vector<16xi32>
        %div3A_62 = arith.divsi %add3A_60, %div3A : vector<16xi32>
        %sign3A = arith.constant 0 : i32
        %sign3A_63 = vector.broadcast %sign3A : i32 to vector<16xi32>
        %sign3A_64 = arith.cmpi sgt, %add3A_60, %sign3A_63 : vector<16xi32>
        %sign3A_65 = arith.extui %sign3A_64 : vector<16xi1> to vector<16xi32>
        %sign3A_66 = arith.constant 0 : i32
        %sign3A_67 = vector.broadcast %sign3A_66 : i32 to vector<16xi32>
        %sign3A_68 = arith.cmpi slt, %add3A_60, %sign3A_67 : vector<16xi32>
        %sign3A_69 = arith.extui %sign3A_68 : vector<16xi1> to vector<16xi32>
        %sign3A_70 = arith.subi %sign3A_65, %sign3A_69 : vector<16xi32>
        %sign3A_71 = arith.constant 0 : i32
        %sign3A_72 = arith.cmpi sgt, %jit3A_61, %sign3A_71 : i32
        %sign3A_73 = arith.extui %sign3A_72 : i1 to i32
        %sign3A_74 = arith.constant 0 : i32
        %sign3A_75 = arith.cmpi slt, %jit3A_61, %sign3A_74 : i32
        %sign3A_76 = arith.extui %sign3A_75 : i1 to i32
        %sign3A_77 = arith.subi %sign3A_73, %sign3A_76 : i32
        %ne3A = vector.broadcast %sign3A_77 : i32 to vector<16xi32>
        %ne3A_78 = arith.cmpi ne, %sign3A_70, %ne3A : vector<16xi32>
        %rem3A = vector.broadcast %jit3A_61 : i32 to vector<16xi32>
        %rem3A_79 = arith.remsi %add3A_60, %rem3A : vector<16xi32>
        %ne3A_80 = arith.constant 0 : i32
        %ne3A_81 = vector.broadcast %ne3A_80 : i32 to vector<16xi32>
        %ne3A_82 = arith.cmpi ne, %rem3A_79, %ne3A_81 : vector<16xi32>
        %and3A = arith.andi %ne3A_78, %ne3A_82 : vector<16xi1>
        %sub3A = arith.constant 1 : i32
        %sub3A_83 = vector.broadcast %sub3A : i32 to vector<16xi32>
        %sub3A_84 = arith.subi %div3A_62, %sub3A_83 : vector<16xi32>
        %select_n3A_85 = arith.select %and3A, %sub3A_84, %div3A_62 : vector<16xi1>, vector<16xi32>
        %jit3A_86 = arith.constant 2 : i32
        %eq3A_87 = arith.constant 0 : i32
        %eq3A_88 = arith.cmpi eq, %jit3A_86, %eq3A_87 : i32
        %jit3A_89 = arith.constant 1 : i32
        %select_n3A_90 = arith.select %eq3A_88, %jit3A_89, %jit3A_86 : i32
        %rem3A_91 = vector.broadcast %select_n3A_90 : i32 to vector<16xi32>
        %rem3A_92 = arith.remsi %add3A_60, %rem3A_91 : vector<16xi32>
        %ne3A_93 = arith.constant 0 : i32
        %ne3A_94 = vector.broadcast %ne3A_93 : i32 to vector<16xi32>
        %ne3A_95 = arith.cmpi ne, %rem3A_92, %ne3A_94 : vector<16xi32>
        %lt3A_96 = arith.constant 0 : i32
        %lt3A_97 = vector.broadcast %lt3A_96 : i32 to vector<16xi32>
        %lt3A_98 = arith.cmpi slt, %rem3A_92, %lt3A_97 : vector<16xi32>
        %lt3A_99 = arith.constant 0 : i32
        %lt3A_100 = arith.cmpi slt, %select_n3A_90, %lt3A_99 : i32
        %ne3A_101 = vector.broadcast %lt3A_100 : i1 to vector<16xi1>
        %ne3A_102 = vector.broadcast %ne3A_101 : vector<16xi1> to vector<16xi1>
        %ne3A_103 = arith.xori %lt3A_98, %ne3A_102 : vector<16xi1>
        %and3A_104 = arith.andi %ne3A_103, %ne3A_95 : vector<16xi1>
        %add3A_105 = vector.broadcast %select_n3A_90 : i32 to vector<16xi32>
        %add3A_106 = arith.addi %rem3A_92, %add3A_105 : vector<16xi32>
        %select_n3A_107 = arith.select %and3A_104, %add3A_106, %rem3A_92 : vector<16xi1>, vector<16xi32>
        %mul3A_108 = arith.constant 64 : i32
        %mul3A_109 = vector.broadcast %mul3A_108 : i32 to vector<16xi32>
        %mul3A_110 = arith.muli %select_n3A_107, %mul3A_109 : vector<16xi32>
        %add3A_111 = arith.constant 16 : i32
        %add3A_112 = vector.broadcast %add3A_111 : i32 to vector<16xi32>
        %add3A_113 = arith.addi %iota3A, %add3A_112 : vector<16xi32>
        %jit3A_114 = arith.constant 2 : i32
        %div3A_115 = vector.broadcast %jit3A_114 : i32 to vector<16xi32>
        %div3A_116 = arith.divsi %add3A_113, %div3A_115 : vector<16xi32>
        %sign3A_117 = arith.constant 0 : i32
        %sign3A_118 = vector.broadcast %sign3A_117 : i32 to vector<16xi32>
        %sign3A_119 = arith.cmpi sgt, %add3A_113, %sign3A_118 : vector<16xi32>
        %sign3A_120 = arith.extui %sign3A_119 : vector<16xi1> to vector<16xi32>
        %sign3A_121 = arith.constant 0 : i32
        %sign3A_122 = vector.broadcast %sign3A_121 : i32 to vector<16xi32>
        %sign3A_123 = arith.cmpi slt, %add3A_113, %sign3A_122 : vector<16xi32>
        %sign3A_124 = arith.extui %sign3A_123 : vector<16xi1> to vector<16xi32>
        %sign3A_125 = arith.subi %sign3A_120, %sign3A_124 : vector<16xi32>
        %sign3A_126 = arith.constant 0 : i32
        %sign3A_127 = arith.cmpi sgt, %jit3A_114, %sign3A_126 : i32
        %sign3A_128 = arith.extui %sign3A_127 : i1 to i32
        %sign3A_129 = arith.constant 0 : i32
        %sign3A_130 = arith.cmpi slt, %jit3A_114, %sign3A_129 : i32
        %sign3A_131 = arith.extui %sign3A_130 : i1 to i32
        %sign3A_132 = arith.subi %sign3A_128, %sign3A_131 : i32
        %ne3A_133 = vector.broadcast %sign3A_132 : i32 to vector<16xi32>
        %ne3A_134 = arith.cmpi ne, %sign3A_125, %ne3A_133 : vector<16xi32>
        %rem3A_135 = vector.broadcast %jit3A_114 : i32 to vector<16xi32>
        %rem3A_136 = arith.remsi %add3A_113, %rem3A_135 : vector<16xi32>
        %ne3A_137 = arith.constant 0 : i32
        %ne3A_138 = vector.broadcast %ne3A_137 : i32 to vector<16xi32>
        %ne3A_139 = arith.cmpi ne, %rem3A_136, %ne3A_138 : vector<16xi32>
        %and3A_140 = arith.andi %ne3A_134, %ne3A_139 : vector<16xi1>
        %sub3A_141 = arith.constant 1 : i32
        %sub3A_142 = vector.broadcast %sub3A_141 : i32 to vector<16xi32>
        %sub3A_143 = arith.subi %div3A_116, %sub3A_142 : vector<16xi32>
        %select_n3A_144 = arith.select %and3A_140, %sub3A_143, %div3A_116 : vector<16xi1>, vector<16xi32>
        %jit3A_145 = arith.constant 2 : i32
        %eq3A_146 = arith.constant 0 : i32
        %eq3A_147 = arith.cmpi eq, %jit3A_145, %eq3A_146 : i32
        %jit3A_148 = arith.constant 1 : i32
        %select_n3A_149 = arith.select %eq3A_147, %jit3A_148, %jit3A_145 : i32
        %rem3A_150 = vector.broadcast %select_n3A_149 : i32 to vector<16xi32>
        %rem3A_151 = arith.remsi %add3A_113, %rem3A_150 : vector<16xi32>
        %ne3A_152 = arith.constant 0 : i32
        %ne3A_153 = vector.broadcast %ne3A_152 : i32 to vector<16xi32>
        %ne3A_154 = arith.cmpi ne, %rem3A_151, %ne3A_153 : vector<16xi32>
        %lt3A_155 = arith.constant 0 : i32
        %lt3A_156 = vector.broadcast %lt3A_155 : i32 to vector<16xi32>
        %lt3A_157 = arith.cmpi slt, %rem3A_151, %lt3A_156 : vector<16xi32>
        %lt3A_158 = arith.constant 0 : i32
        %lt3A_159 = arith.cmpi slt, %select_n3A_149, %lt3A_158 : i32
        %ne3A_160 = vector.broadcast %lt3A_159 : i1 to vector<16xi1>
        %ne3A_161 = vector.broadcast %ne3A_160 : vector<16xi1> to vector<16xi1>
        %ne3A_162 = arith.xori %lt3A_157, %ne3A_161 : vector<16xi1>
        %and3A_163 = arith.andi %ne3A_162, %ne3A_154 : vector<16xi1>
        %add3A_164 = vector.broadcast %select_n3A_149 : i32 to vector<16xi32>
        %add3A_165 = arith.addi %rem3A_151, %add3A_164 : vector<16xi32>
        %select_n3A_166 = arith.select %and3A_163, %add3A_165, %rem3A_151 : vector<16xi1>, vector<16xi32>
        %mul3A_167 = arith.constant 64 : i32
        %mul3A_168 = vector.broadcast %mul3A_167 : i32 to vector<16xi32>
        %mul3A_169 = arith.muli %select_n3A_166, %mul3A_168 : vector<16xi32>
        %add3A_170 = arith.constant 32 : i32
        %add3A_171 = vector.broadcast %add3A_170 : i32 to vector<16xi32>
        %add3A_172 = arith.addi %iota3A, %add3A_171 : vector<16xi32>
        %jit3A_173 = arith.constant 2 : i32
        %div3A_174 = vector.broadcast %jit3A_173 : i32 to vector<16xi32>
        %div3A_175 = arith.divsi %add3A_172, %div3A_174 : vector<16xi32>
        %sign3A_176 = arith.constant 0 : i32
        %sign3A_177 = vector.broadcast %sign3A_176 : i32 to vector<16xi32>
        %sign3A_178 = arith.cmpi sgt, %add3A_172, %sign3A_177 : vector<16xi32>
        %sign3A_179 = arith.extui %sign3A_178 : vector<16xi1> to vector<16xi32>
        %sign3A_180 = arith.constant 0 : i32
        %sign3A_181 = vector.broadcast %sign3A_180 : i32 to vector<16xi32>
        %sign3A_182 = arith.cmpi slt, %add3A_172, %sign3A_181 : vector<16xi32>
        %sign3A_183 = arith.extui %sign3A_182 : vector<16xi1> to vector<16xi32>
        %sign3A_184 = arith.subi %sign3A_179, %sign3A_183 : vector<16xi32>
        %sign3A_185 = arith.constant 0 : i32
        %sign3A_186 = arith.cmpi sgt, %jit3A_173, %sign3A_185 : i32
        %sign3A_187 = arith.extui %sign3A_186 : i1 to i32
        %sign3A_188 = arith.constant 0 : i32
        %sign3A_189 = arith.cmpi slt, %jit3A_173, %sign3A_188 : i32
        %sign3A_190 = arith.extui %sign3A_189 : i1 to i32
        %sign3A_191 = arith.subi %sign3A_187, %sign3A_190 : i32
        %ne3A_192 = vector.broadcast %sign3A_191 : i32 to vector<16xi32>
        %ne3A_193 = arith.cmpi ne, %sign3A_184, %ne3A_192 : vector<16xi32>
        %rem3A_194 = vector.broadcast %jit3A_173 : i32 to vector<16xi32>
        %rem3A_195 = arith.remsi %add3A_172, %rem3A_194 : vector<16xi32>
        %ne3A_196 = arith.constant 0 : i32
        %ne3A_197 = vector.broadcast %ne3A_196 : i32 to vector<16xi32>
        %ne3A_198 = arith.cmpi ne, %rem3A_195, %ne3A_197 : vector<16xi32>
        %and3A_199 = arith.andi %ne3A_193, %ne3A_198 : vector<16xi1>
        %sub3A_200 = arith.constant 1 : i32
        %sub3A_201 = vector.broadcast %sub3A_200 : i32 to vector<16xi32>
        %sub3A_202 = arith.subi %div3A_175, %sub3A_201 : vector<16xi32>
        %select_n3A_203 = arith.select %and3A_199, %sub3A_202, %div3A_175 : vector<16xi1>, vector<16xi32>
        %jit3A_204 = arith.constant 2 : i32
        %eq3A_205 = arith.constant 0 : i32
        %eq3A_206 = arith.cmpi eq, %jit3A_204, %eq3A_205 : i32
        %jit3A_207 = arith.constant 1 : i32
        %select_n3A_208 = arith.select %eq3A_206, %jit3A_207, %jit3A_204 : i32
        %rem3A_209 = vector.broadcast %select_n3A_208 : i32 to vector<16xi32>
        %rem3A_210 = arith.remsi %add3A_172, %rem3A_209 : vector<16xi32>
        %ne3A_211 = arith.constant 0 : i32
        %ne3A_212 = vector.broadcast %ne3A_211 : i32 to vector<16xi32>
        %ne3A_213 = arith.cmpi ne, %rem3A_210, %ne3A_212 : vector<16xi32>
        %lt3A_214 = arith.constant 0 : i32
        %lt3A_215 = vector.broadcast %lt3A_214 : i32 to vector<16xi32>
        %lt3A_216 = arith.cmpi slt, %rem3A_210, %lt3A_215 : vector<16xi32>
        %lt3A_217 = arith.constant 0 : i32
        %lt3A_218 = arith.cmpi slt, %select_n3A_208, %lt3A_217 : i32
        %ne3A_219 = vector.broadcast %lt3A_218 : i1 to vector<16xi1>
        %ne3A_220 = vector.broadcast %ne3A_219 : vector<16xi1> to vector<16xi1>
        %ne3A_221 = arith.xori %lt3A_216, %ne3A_220 : vector<16xi1>
        %and3A_222 = arith.andi %ne3A_221, %ne3A_213 : vector<16xi1>
        %add3A_223 = vector.broadcast %select_n3A_208 : i32 to vector<16xi32>
        %add3A_224 = arith.addi %rem3A_210, %add3A_223 : vector<16xi32>
        %select_n3A_225 = arith.select %and3A_222, %add3A_224, %rem3A_210 : vector<16xi1>, vector<16xi32>
        %mul3A_226 = arith.constant 64 : i32
        %mul3A_227 = vector.broadcast %mul3A_226 : i32 to vector<16xi32>
        %mul3A_228 = arith.muli %select_n3A_225, %mul3A_227 : vector<16xi32>
        %add3A_229 = arith.constant 48 : i32
        %add3A_230 = vector.broadcast %add3A_229 : i32 to vector<16xi32>
        %add3A_231 = arith.addi %iota3A, %add3A_230 : vector<16xi32>
        %jit3A_232 = arith.constant 2 : i32
        %div3A_233 = vector.broadcast %jit3A_232 : i32 to vector<16xi32>
        %div3A_234 = arith.divsi %add3A_231, %div3A_233 : vector<16xi32>
        %sign3A_235 = arith.constant 0 : i32
        %sign3A_236 = vector.broadcast %sign3A_235 : i32 to vector<16xi32>
        %sign3A_237 = arith.cmpi sgt, %add3A_231, %sign3A_236 : vector<16xi32>
        %sign3A_238 = arith.extui %sign3A_237 : vector<16xi1> to vector<16xi32>
        %sign3A_239 = arith.constant 0 : i32
        %sign3A_240 = vector.broadcast %sign3A_239 : i32 to vector<16xi32>
        %sign3A_241 = arith.cmpi slt, %add3A_231, %sign3A_240 : vector<16xi32>
        %sign3A_242 = arith.extui %sign3A_241 : vector<16xi1> to vector<16xi32>
        %sign3A_243 = arith.subi %sign3A_238, %sign3A_242 : vector<16xi32>
        %sign3A_244 = arith.constant 0 : i32
        %sign3A_245 = arith.cmpi sgt, %jit3A_232, %sign3A_244 : i32
        %sign3A_246 = arith.extui %sign3A_245 : i1 to i32
        %sign3A_247 = arith.constant 0 : i32
        %sign3A_248 = arith.cmpi slt, %jit3A_232, %sign3A_247 : i32
        %sign3A_249 = arith.extui %sign3A_248 : i1 to i32
        %sign3A_250 = arith.subi %sign3A_246, %sign3A_249 : i32
        %ne3A_251 = vector.broadcast %sign3A_250 : i32 to vector<16xi32>
        %ne3A_252 = arith.cmpi ne, %sign3A_243, %ne3A_251 : vector<16xi32>
        %rem3A_253 = vector.broadcast %jit3A_232 : i32 to vector<16xi32>
        %rem3A_254 = arith.remsi %add3A_231, %rem3A_253 : vector<16xi32>
        %ne3A_255 = arith.constant 0 : i32
        %ne3A_256 = vector.broadcast %ne3A_255 : i32 to vector<16xi32>
        %ne3A_257 = arith.cmpi ne, %rem3A_254, %ne3A_256 : vector<16xi32>
        %and3A_258 = arith.andi %ne3A_252, %ne3A_257 : vector<16xi1>
        %sub3A_259 = arith.constant 1 : i32
        %sub3A_260 = vector.broadcast %sub3A_259 : i32 to vector<16xi32>
        %sub3A_261 = arith.subi %div3A_234, %sub3A_260 : vector<16xi32>
        %select_n3A_262 = arith.select %and3A_258, %sub3A_261, %div3A_234 : vector<16xi1>, vector<16xi32>
        %jit3A_263 = arith.constant 2 : i32
        %eq3A_264 = arith.constant 0 : i32
        %eq3A_265 = arith.cmpi eq, %jit3A_263, %eq3A_264 : i32
        %jit3A_266 = arith.constant 1 : i32
        %select_n3A_267 = arith.select %eq3A_265, %jit3A_266, %jit3A_263 : i32
        %rem3A_268 = vector.broadcast %select_n3A_267 : i32 to vector<16xi32>
        %rem3A_269 = arith.remsi %add3A_231, %rem3A_268 : vector<16xi32>
        %ne3A_270 = arith.constant 0 : i32
        %ne3A_271 = vector.broadcast %ne3A_270 : i32 to vector<16xi32>
        %ne3A_272 = arith.cmpi ne, %rem3A_269, %ne3A_271 : vector<16xi32>
        %lt3A_273 = arith.constant 0 : i32
        %lt3A_274 = vector.broadcast %lt3A_273 : i32 to vector<16xi32>
        %lt3A_275 = arith.cmpi slt, %rem3A_269, %lt3A_274 : vector<16xi32>
        %lt3A_276 = arith.constant 0 : i32
        %lt3A_277 = arith.cmpi slt, %select_n3A_267, %lt3A_276 : i32
        %ne3A_278 = vector.broadcast %lt3A_277 : i1 to vector<16xi1>
        %ne3A_279 = vector.broadcast %ne3A_278 : vector<16xi1> to vector<16xi1>
        %ne3A_280 = arith.xori %lt3A_275, %ne3A_279 : vector<16xi1>
        %and3A_281 = arith.andi %ne3A_280, %ne3A_272 : vector<16xi1>
        %add3A_282 = vector.broadcast %select_n3A_267 : i32 to vector<16xi32>
        %add3A_283 = arith.addi %rem3A_269, %add3A_282 : vector<16xi32>
        %select_n3A_284 = arith.select %and3A_281, %add3A_283, %rem3A_269 : vector<16xi1>, vector<16xi32>
        %mul3A_285 = arith.constant 64 : i32
        %mul3A_286 = vector.broadcast %mul3A_285 : i32 to vector<16xi32>
        %mul3A_287 = arith.muli %select_n3A_284, %mul3A_286 : vector<16xi32>
        %add3A_288 = arith.constant 64 : i32
        %add3A_289 = vector.broadcast %add3A_288 : i32 to vector<16xi32>
        %add3A_290 = arith.addi %iota3A, %add3A_289 : vector<16xi32>
        %jit3A_291 = arith.constant 2 : i32
        %div3A_292 = vector.broadcast %jit3A_291 : i32 to vector<16xi32>
        %div3A_293 = arith.divsi %add3A_290, %div3A_292 : vector<16xi32>
        %sign3A_294 = arith.constant 0 : i32
        %sign3A_295 = vector.broadcast %sign3A_294 : i32 to vector<16xi32>
        %sign3A_296 = arith.cmpi sgt, %add3A_290, %sign3A_295 : vector<16xi32>
        %sign3A_297 = arith.extui %sign3A_296 : vector<16xi1> to vector<16xi32>
        %sign3A_298 = arith.constant 0 : i32
        %sign3A_299 = vector.broadcast %sign3A_298 : i32 to vector<16xi32>
        %sign3A_300 = arith.cmpi slt, %add3A_290, %sign3A_299 : vector<16xi32>
        %sign3A_301 = arith.extui %sign3A_300 : vector<16xi1> to vector<16xi32>
        %sign3A_302 = arith.subi %sign3A_297, %sign3A_301 : vector<16xi32>
        %sign3A_303 = arith.constant 0 : i32
        %sign3A_304 = arith.cmpi sgt, %jit3A_291, %sign3A_303 : i32
        %sign3A_305 = arith.extui %sign3A_304 : i1 to i32
        %sign3A_306 = arith.constant 0 : i32
        %sign3A_307 = arith.cmpi slt, %jit3A_291, %sign3A_306 : i32
        %sign3A_308 = arith.extui %sign3A_307 : i1 to i32
        %sign3A_309 = arith.subi %sign3A_305, %sign3A_308 : i32
        %ne3A_310 = vector.broadcast %sign3A_309 : i32 to vector<16xi32>
        %ne3A_311 = arith.cmpi ne, %sign3A_302, %ne3A_310 : vector<16xi32>
        %rem3A_312 = vector.broadcast %jit3A_291 : i32 to vector<16xi32>
        %rem3A_313 = arith.remsi %add3A_290, %rem3A_312 : vector<16xi32>
        %ne3A_314 = arith.constant 0 : i32
        %ne3A_315 = vector.broadcast %ne3A_314 : i32 to vector<16xi32>
        %ne3A_316 = arith.cmpi ne, %rem3A_313, %ne3A_315 : vector<16xi32>
        %and3A_317 = arith.andi %ne3A_311, %ne3A_316 : vector<16xi1>
        %sub3A_318 = arith.constant 1 : i32
        %sub3A_319 = vector.broadcast %sub3A_318 : i32 to vector<16xi32>
        %sub3A_320 = arith.subi %div3A_293, %sub3A_319 : vector<16xi32>
        %select_n3A_321 = arith.select %and3A_317, %sub3A_320, %div3A_293 : vector<16xi1>, vector<16xi32>
        %jit3A_322 = arith.constant 2 : i32
        %eq3A_323 = arith.constant 0 : i32
        %eq3A_324 = arith.cmpi eq, %jit3A_322, %eq3A_323 : i32
        %jit3A_325 = arith.constant 1 : i32
        %select_n3A_326 = arith.select %eq3A_324, %jit3A_325, %jit3A_322 : i32
        %rem3A_327 = vector.broadcast %select_n3A_326 : i32 to vector<16xi32>
        %rem3A_328 = arith.remsi %add3A_290, %rem3A_327 : vector<16xi32>
        %ne3A_329 = arith.constant 0 : i32
        %ne3A_330 = vector.broadcast %ne3A_329 : i32 to vector<16xi32>
        %ne3A_331 = arith.cmpi ne, %rem3A_328, %ne3A_330 : vector<16xi32>
        %lt3A_332 = arith.constant 0 : i32
        %lt3A_333 = vector.broadcast %lt3A_332 : i32 to vector<16xi32>
        %lt3A_334 = arith.cmpi slt, %rem3A_328, %lt3A_333 : vector<16xi32>
        %lt3A_335 = arith.constant 0 : i32
        %lt3A_336 = arith.cmpi slt, %select_n3A_326, %lt3A_335 : i32
        %ne3A_337 = vector.broadcast %lt3A_336 : i1 to vector<16xi1>
        %ne3A_338 = vector.broadcast %ne3A_337 : vector<16xi1> to vector<16xi1>
        %ne3A_339 = arith.xori %lt3A_334, %ne3A_338 : vector<16xi1>
        %and3A_340 = arith.andi %ne3A_339, %ne3A_331 : vector<16xi1>
        %add3A_341 = vector.broadcast %select_n3A_326 : i32 to vector<16xi32>
        %add3A_342 = arith.addi %rem3A_328, %add3A_341 : vector<16xi32>
        %select_n3A_343 = arith.select %and3A_340, %add3A_342, %rem3A_328 : vector<16xi1>, vector<16xi32>
        %mul3A_344 = arith.constant 64 : i32
        %mul3A_345 = vector.broadcast %mul3A_344 : i32 to vector<16xi32>
        %mul3A_346 = arith.muli %select_n3A_343, %mul3A_345 : vector<16xi32>
        %add3A_347 = arith.constant 80 : i32
        %add3A_348 = vector.broadcast %add3A_347 : i32 to vector<16xi32>
        %add3A_349 = arith.addi %iota3A, %add3A_348 : vector<16xi32>
        %jit3A_350 = arith.constant 2 : i32
        %div3A_351 = vector.broadcast %jit3A_350 : i32 to vector<16xi32>
        %div3A_352 = arith.divsi %add3A_349, %div3A_351 : vector<16xi32>
        %sign3A_353 = arith.constant 0 : i32
        %sign3A_354 = vector.broadcast %sign3A_353 : i32 to vector<16xi32>
        %sign3A_355 = arith.cmpi sgt, %add3A_349, %sign3A_354 : vector<16xi32>
        %sign3A_356 = arith.extui %sign3A_355 : vector<16xi1> to vector<16xi32>
        %sign3A_357 = arith.constant 0 : i32
        %sign3A_358 = vector.broadcast %sign3A_357 : i32 to vector<16xi32>
        %sign3A_359 = arith.cmpi slt, %add3A_349, %sign3A_358 : vector<16xi32>
        %sign3A_360 = arith.extui %sign3A_359 : vector<16xi1> to vector<16xi32>
        %sign3A_361 = arith.subi %sign3A_356, %sign3A_360 : vector<16xi32>
        %sign3A_362 = arith.constant 0 : i32
        %sign3A_363 = arith.cmpi sgt, %jit3A_350, %sign3A_362 : i32
        %sign3A_364 = arith.extui %sign3A_363 : i1 to i32
        %sign3A_365 = arith.constant 0 : i32
        %sign3A_366 = arith.cmpi slt, %jit3A_350, %sign3A_365 : i32
        %sign3A_367 = arith.extui %sign3A_366 : i1 to i32
        %sign3A_368 = arith.subi %sign3A_364, %sign3A_367 : i32
        %ne3A_369 = vector.broadcast %sign3A_368 : i32 to vector<16xi32>
        %ne3A_370 = arith.cmpi ne, %sign3A_361, %ne3A_369 : vector<16xi32>
        %rem3A_371 = vector.broadcast %jit3A_350 : i32 to vector<16xi32>
        %rem3A_372 = arith.remsi %add3A_349, %rem3A_371 : vector<16xi32>
        %ne3A_373 = arith.constant 0 : i32
        %ne3A_374 = vector.broadcast %ne3A_373 : i32 to vector<16xi32>
        %ne3A_375 = arith.cmpi ne, %rem3A_372, %ne3A_374 : vector<16xi32>
        %and3A_376 = arith.andi %ne3A_370, %ne3A_375 : vector<16xi1>
        %sub3A_377 = arith.constant 1 : i32
        %sub3A_378 = vector.broadcast %sub3A_377 : i32 to vector<16xi32>
        %sub3A_379 = arith.subi %div3A_352, %sub3A_378 : vector<16xi32>
        %select_n3A_380 = arith.select %and3A_376, %sub3A_379, %div3A_352 : vector<16xi1>, vector<16xi32>
        %jit3A_381 = arith.constant 2 : i32
        %eq3A_382 = arith.constant 0 : i32
        %eq3A_383 = arith.cmpi eq, %jit3A_381, %eq3A_382 : i32
        %jit3A_384 = arith.constant 1 : i32
        %select_n3A_385 = arith.select %eq3A_383, %jit3A_384, %jit3A_381 : i32
        %rem3A_386 = vector.broadcast %select_n3A_385 : i32 to vector<16xi32>
        %rem3A_387 = arith.remsi %add3A_349, %rem3A_386 : vector<16xi32>
        %ne3A_388 = arith.constant 0 : i32
        %ne3A_389 = vector.broadcast %ne3A_388 : i32 to vector<16xi32>
        %ne3A_390 = arith.cmpi ne, %rem3A_387, %ne3A_389 : vector<16xi32>
        %lt3A_391 = arith.constant 0 : i32
        %lt3A_392 = vector.broadcast %lt3A_391 : i32 to vector<16xi32>
        %lt3A_393 = arith.cmpi slt, %rem3A_387, %lt3A_392 : vector<16xi32>
        %lt3A_394 = arith.constant 0 : i32
        %lt3A_395 = arith.cmpi slt, %select_n3A_385, %lt3A_394 : i32
        %ne3A_396 = vector.broadcast %lt3A_395 : i1 to vector<16xi1>
        %ne3A_397 = vector.broadcast %ne3A_396 : vector<16xi1> to vector<16xi1>
        %ne3A_398 = arith.xori %lt3A_393, %ne3A_397 : vector<16xi1>
        %and3A_399 = arith.andi %ne3A_398, %ne3A_390 : vector<16xi1>
        %add3A_400 = vector.broadcast %select_n3A_385 : i32 to vector<16xi32>
        %add3A_401 = arith.addi %rem3A_387, %add3A_400 : vector<16xi32>
        %select_n3A_402 = arith.select %and3A_399, %add3A_401, %rem3A_387 : vector<16xi1>, vector<16xi32>
        %mul3A_403 = arith.constant 64 : i32
        %mul3A_404 = vector.broadcast %mul3A_403 : i32 to vector<16xi32>
        %mul3A_405 = arith.muli %select_n3A_402, %mul3A_404 : vector<16xi32>
        %add3A_406 = arith.constant 96 : i32
        %add3A_407 = vector.broadcast %add3A_406 : i32 to vector<16xi32>
        %add3A_408 = arith.addi %iota3A, %add3A_407 : vector<16xi32>
        %jit3A_409 = arith.constant 2 : i32
        %div3A_410 = vector.broadcast %jit3A_409 : i32 to vector<16xi32>
        %div3A_411 = arith.divsi %add3A_408, %div3A_410 : vector<16xi32>
        %sign3A_412 = arith.constant 0 : i32
        %sign3A_413 = vector.broadcast %sign3A_412 : i32 to vector<16xi32>
        %sign3A_414 = arith.cmpi sgt, %add3A_408, %sign3A_413 : vector<16xi32>
        %sign3A_415 = arith.extui %sign3A_414 : vector<16xi1> to vector<16xi32>
        %sign3A_416 = arith.constant 0 : i32
        %sign3A_417 = vector.broadcast %sign3A_416 : i32 to vector<16xi32>
        %sign3A_418 = arith.cmpi slt, %add3A_408, %sign3A_417 : vector<16xi32>
        %sign3A_419 = arith.extui %sign3A_418 : vector<16xi1> to vector<16xi32>
        %sign3A_420 = arith.subi %sign3A_415, %sign3A_419 : vector<16xi32>
        %sign3A_421 = arith.constant 0 : i32
        %sign3A_422 = arith.cmpi sgt, %jit3A_409, %sign3A_421 : i32
        %sign3A_423 = arith.extui %sign3A_422 : i1 to i32
        %sign3A_424 = arith.constant 0 : i32
        %sign3A_425 = arith.cmpi slt, %jit3A_409, %sign3A_424 : i32
        %sign3A_426 = arith.extui %sign3A_425 : i1 to i32
        %sign3A_427 = arith.subi %sign3A_423, %sign3A_426 : i32
        %ne3A_428 = vector.broadcast %sign3A_427 : i32 to vector<16xi32>
        %ne3A_429 = arith.cmpi ne, %sign3A_420, %ne3A_428 : vector<16xi32>
        %rem3A_430 = vector.broadcast %jit3A_409 : i32 to vector<16xi32>
        %rem3A_431 = arith.remsi %add3A_408, %rem3A_430 : vector<16xi32>
        %ne3A_432 = arith.constant 0 : i32
        %ne3A_433 = vector.broadcast %ne3A_432 : i32 to vector<16xi32>
        %ne3A_434 = arith.cmpi ne, %rem3A_431, %ne3A_433 : vector<16xi32>
        %and3A_435 = arith.andi %ne3A_429, %ne3A_434 : vector<16xi1>
        %sub3A_436 = arith.constant 1 : i32
        %sub3A_437 = vector.broadcast %sub3A_436 : i32 to vector<16xi32>
        %sub3A_438 = arith.subi %div3A_411, %sub3A_437 : vector<16xi32>
        %select_n3A_439 = arith.select %and3A_435, %sub3A_438, %div3A_411 : vector<16xi1>, vector<16xi32>
        %jit3A_440 = arith.constant 2 : i32
        %eq3A_441 = arith.constant 0 : i32
        %eq3A_442 = arith.cmpi eq, %jit3A_440, %eq3A_441 : i32
        %jit3A_443 = arith.constant 1 : i32
        %select_n3A_444 = arith.select %eq3A_442, %jit3A_443, %jit3A_440 : i32
        %rem3A_445 = vector.broadcast %select_n3A_444 : i32 to vector<16xi32>
        %rem3A_446 = arith.remsi %add3A_408, %rem3A_445 : vector<16xi32>
        %ne3A_447 = arith.constant 0 : i32
        %ne3A_448 = vector.broadcast %ne3A_447 : i32 to vector<16xi32>
        %ne3A_449 = arith.cmpi ne, %rem3A_446, %ne3A_448 : vector<16xi32>
        %lt3A_450 = arith.constant 0 : i32
        %lt3A_451 = vector.broadcast %lt3A_450 : i32 to vector<16xi32>
        %lt3A_452 = arith.cmpi slt, %rem3A_446, %lt3A_451 : vector<16xi32>
        %lt3A_453 = arith.constant 0 : i32
        %lt3A_454 = arith.cmpi slt, %select_n3A_444, %lt3A_453 : i32
        %ne3A_455 = vector.broadcast %lt3A_454 : i1 to vector<16xi1>
        %ne3A_456 = vector.broadcast %ne3A_455 : vector<16xi1> to vector<16xi1>
        %ne3A_457 = arith.xori %lt3A_452, %ne3A_456 : vector<16xi1>
        %and3A_458 = arith.andi %ne3A_457, %ne3A_449 : vector<16xi1>
        %add3A_459 = vector.broadcast %select_n3A_444 : i32 to vector<16xi32>
        %add3A_460 = arith.addi %rem3A_446, %add3A_459 : vector<16xi32>
        %select_n3A_461 = arith.select %and3A_458, %add3A_460, %rem3A_446 : vector<16xi1>, vector<16xi32>
        %mul3A_462 = arith.constant 64 : i32
        %mul3A_463 = vector.broadcast %mul3A_462 : i32 to vector<16xi32>
        %mul3A_464 = arith.muli %select_n3A_461, %mul3A_463 : vector<16xi32>
        %add3A_465 = arith.constant 112 : i32
        %add3A_466 = vector.broadcast %add3A_465 : i32 to vector<16xi32>
        %add3A_467 = arith.addi %iota3A, %add3A_466 : vector<16xi32>
        %jit3A_468 = arith.constant 2 : i32
        %div3A_469 = vector.broadcast %jit3A_468 : i32 to vector<16xi32>
        %div3A_470 = arith.divsi %add3A_467, %div3A_469 : vector<16xi32>
        %sign3A_471 = arith.constant 0 : i32
        %sign3A_472 = vector.broadcast %sign3A_471 : i32 to vector<16xi32>
        %sign3A_473 = arith.cmpi sgt, %add3A_467, %sign3A_472 : vector<16xi32>
        %sign3A_474 = arith.extui %sign3A_473 : vector<16xi1> to vector<16xi32>
        %sign3A_475 = arith.constant 0 : i32
        %sign3A_476 = vector.broadcast %sign3A_475 : i32 to vector<16xi32>
        %sign3A_477 = arith.cmpi slt, %add3A_467, %sign3A_476 : vector<16xi32>
        %sign3A_478 = arith.extui %sign3A_477 : vector<16xi1> to vector<16xi32>
        %sign3A_479 = arith.subi %sign3A_474, %sign3A_478 : vector<16xi32>
        %sign3A_480 = arith.constant 0 : i32
        %sign3A_481 = arith.cmpi sgt, %jit3A_468, %sign3A_480 : i32
        %sign3A_482 = arith.extui %sign3A_481 : i1 to i32
        %sign3A_483 = arith.constant 0 : i32
        %sign3A_484 = arith.cmpi slt, %jit3A_468, %sign3A_483 : i32
        %sign3A_485 = arith.extui %sign3A_484 : i1 to i32
        %sign3A_486 = arith.subi %sign3A_482, %sign3A_485 : i32
        %ne3A_487 = vector.broadcast %sign3A_486 : i32 to vector<16xi32>
        %ne3A_488 = arith.cmpi ne, %sign3A_479, %ne3A_487 : vector<16xi32>
        %rem3A_489 = vector.broadcast %jit3A_468 : i32 to vector<16xi32>
        %rem3A_490 = arith.remsi %add3A_467, %rem3A_489 : vector<16xi32>
        %ne3A_491 = arith.constant 0 : i32
        %ne3A_492 = vector.broadcast %ne3A_491 : i32 to vector<16xi32>
        %ne3A_493 = arith.cmpi ne, %rem3A_490, %ne3A_492 : vector<16xi32>
        %and3A_494 = arith.andi %ne3A_488, %ne3A_493 : vector<16xi1>
        %sub3A_495 = arith.constant 1 : i32
        %sub3A_496 = vector.broadcast %sub3A_495 : i32 to vector<16xi32>
        %sub3A_497 = arith.subi %div3A_470, %sub3A_496 : vector<16xi32>
        %select_n3A_498 = arith.select %and3A_494, %sub3A_497, %div3A_470 : vector<16xi1>, vector<16xi32>
        %jit3A_499 = arith.constant 2 : i32
        %eq3A_500 = arith.constant 0 : i32
        %eq3A_501 = arith.cmpi eq, %jit3A_499, %eq3A_500 : i32
        %jit3A_502 = arith.constant 1 : i32
        %select_n3A_503 = arith.select %eq3A_501, %jit3A_502, %jit3A_499 : i32
        %rem3A_504 = vector.broadcast %select_n3A_503 : i32 to vector<16xi32>
        %rem3A_505 = arith.remsi %add3A_467, %rem3A_504 : vector<16xi32>
        %ne3A_506 = arith.constant 0 : i32
        %ne3A_507 = vector.broadcast %ne3A_506 : i32 to vector<16xi32>
        %ne3A_508 = arith.cmpi ne, %rem3A_505, %ne3A_507 : vector<16xi32>
        %lt3A_509 = arith.constant 0 : i32
        %lt3A_510 = vector.broadcast %lt3A_509 : i32 to vector<16xi32>
        %lt3A_511 = arith.cmpi slt, %rem3A_505, %lt3A_510 : vector<16xi32>
        %lt3A_512 = arith.constant 0 : i32
        %lt3A_513 = arith.cmpi slt, %select_n3A_503, %lt3A_512 : i32
        %ne3A_514 = vector.broadcast %lt3A_513 : i1 to vector<16xi1>
        %ne3A_515 = vector.broadcast %ne3A_514 : vector<16xi1> to vector<16xi1>
        %ne3A_516 = arith.xori %lt3A_511, %ne3A_515 : vector<16xi1>
        %and3A_517 = arith.andi %ne3A_516, %ne3A_508 : vector<16xi1>
        %add3A_518 = vector.broadcast %select_n3A_503 : i32 to vector<16xi32>
        %add3A_519 = arith.addi %rem3A_505, %add3A_518 : vector<16xi32>
        %select_n3A_520 = arith.select %and3A_517, %add3A_519, %rem3A_505 : vector<16xi1>, vector<16xi32>
        %mul3A_521 = arith.constant 64 : i32
        %mul3A_522 = vector.broadcast %mul3A_521 : i32 to vector<16xi32>
        %mul3A_523 = arith.muli %select_n3A_520, %mul3A_522 : vector<16xi32>
        %scan3A_524 = arith.constant 0 : i32
        %scan3A_525 = arith.constant 16 : i32
        %scan3A_526 = arith.addi %scan3A_524, %scan3A_525 : i32
        %scan3A_527 = arith.constant 1 : i32
        scf.for %scan3A_538 = %scan3A_524 to %scan3A_526 step %scan3A_527  : i32 {
          %mul3A_539 = arith.constant 1 : i32
          %mul3A_540 = arith.muli %scan3A_538, %mul3A_539 : i32
          %add3A_541 = arith.constant 0 : i32
          %add3A_542 = arith.addi %add3A_541, %mul3A_540 : i32
          %add3A_543 = vector.broadcast %add3A_542 : i32 to vector<16xi32>
          %add3A_544 = arith.addi %iota3A, %add3A_543 : vector<16xi32>
          %jit3A_545 = arith.constant 16 : i32
          %eq3A_546 = arith.constant 0 : i32
          %eq3A_547 = arith.cmpi eq, %jit3A_545, %eq3A_546 : i32
          %jit3A_548 = arith.constant 1 : i32
          %select_n3A_549 = arith.select %eq3A_547, %jit3A_548, %jit3A_545 : i32
          %rem3A_550 = vector.broadcast %select_n3A_549 : i32 to vector<16xi32>
          %rem3A_551 = arith.remsi %add3A_544, %rem3A_550 : vector<16xi32>
          %ne3A_552 = arith.constant 0 : i32
          %ne3A_553 = vector.broadcast %ne3A_552 : i32 to vector<16xi32>
          %ne3A_554 = arith.cmpi ne, %rem3A_551, %ne3A_553 : vector<16xi32>
          %lt3A_555 = arith.constant 0 : i32
          %lt3A_556 = vector.broadcast %lt3A_555 : i32 to vector<16xi32>
          %lt3A_557 = arith.cmpi slt, %rem3A_551, %lt3A_556 : vector<16xi32>
          %lt3A_558 = arith.constant 0 : i32
          %lt3A_559 = arith.cmpi slt, %select_n3A_549, %lt3A_558 : i32
          %ne3A_560 = vector.broadcast %lt3A_559 : i1 to vector<16xi1>
          %ne3A_561 = vector.broadcast %ne3A_560 : vector<16xi1> to vector<16xi1>
          %ne3A_562 = arith.xori %lt3A_557, %ne3A_561 : vector<16xi1>
          %and3A_563 = arith.andi %ne3A_562, %ne3A_554 : vector<16xi1>
          %add3A_564 = vector.broadcast %select_n3A_549 : i32 to vector<16xi32>
          %add3A_565 = arith.addi %rem3A_551, %add3A_564 : vector<16xi32>
          %select_n3A_566 = arith.select %and3A_563, %add3A_565, %rem3A_551 : vector<16xi1>, vector<16xi32>
          %add3A_567 = arith.constant 0 : i32
          %add3A_568 = vector.broadcast %add3A_567 : i32 to vector<16xi32>
          %add3A_569 = arith.addi %select_n3A_566, %add3A_568 : vector<16xi32>
          %gather3A = tpu.vector_load_idx %arg4[%add3A_569, %add3A_60] : memref<64x128xf32, #tpu.memory_space<vmem>>[vector<16xi32>, vector<16xi32>], vector<16xf32>,
          %add3A_570 = arith.addi %mul3A_110, %add3A_569 : vector<16xi32>
          %add3A_571 = arith.constant 16 : i32
          %add3A_572 = vector.broadcast %add3A_571 : i32 to vector<16xi32>
          %add3A_573 = arith.addi %select_n3A_566, %add3A_572 : vector<16xi32>
          %gather3A_574 = tpu.vector_load_idx %arg4[%add3A_573, %add3A_60] : memref<64x128xf32, #tpu.memory_space<vmem>>[vector<16xi32>, vector<16xi32>], vector<16xf32>,
          %add3A_575 = arith.addi %mul3A_110, %add3A_573 : vector<16xi32>
          %add3A_576 = arith.constant 32 : i32
          %add3A_577 = vector.broadcast %add3A_576 : i32 to vector<16xi32>
          %add3A_578 = arith.addi %select_n3A_566, %add3A_577 : vector<16xi32>
          %gather3A_579 = tpu.vector_load_idx %arg4[%add3A_578, %add3A_60] : memref<64x128xf32, #tpu.memory_space<vmem>>[vector<16xi32>, vector<16xi32>], vector<16xf32>,
          %add3A_580 = arith.addi %mul3A_110, %add3A_578 : vector<16xi32>
          %add3A_581 = arith.constant 48 : i32
          %add3A_582 = vector.broadcast %add3A_581 : i32 to vector<16xi32>
          %add3A_583 = arith.addi %select_n3A_566, %add3A_582 : vector<16xi32>
          %gather3A_584 = tpu.vector_load_idx %arg4[%add3A_583, %add3A_60] : memref<64x128xf32, #tpu.memory_space<vmem>>[vector<16xi32>, vector<16xi32>], vector<16xf32>,
          %add3A_585 = arith.addi %mul3A_110, %add3A_583 : vector<16xi32>
          %add3A_586 = arith.constant 0 : i32
          %add3A_587 = vector.broadcast %add3A_586 : i32 to vector<16xi32>
          %add3A_588 = arith.addi %select_n3A_566, %add3A_587 : vector<16xi32>
          %gather3A_589 = tpu.vector_load_idx %arg4[%add3A_588, %add3A_113] : memref<64x128xf32, #tpu.memory_space<vmem>>[vector<16xi32>, vector<16xi32>], vector<16xf32>,
          %add3A_590 = arith.addi %mul3A_169, %add3A_588 : vector<16xi32>
          %add3A_591 = arith.constant 16 : i32
          %add3A_592 = vector.broadcast %add3A_591 : i32 to vector<16xi32>
          %add3A_593 = arith.addi %select_n3A_566, %add3A_592 : vector<16xi32>
          %gather3A_594 = tpu.vector_load_idx %arg4[%add3A_593, %add3A_113] : memref<64x128xf32, #tpu.memory_space<vmem>>[vector<16xi32>, vector<16xi32>], vector<16xf32>,
          %add3A_595 = arith.addi %mul3A_169, %add3A_593 : vector<16xi32>
          %add3A_596 = arith.constant 32 : i32
          %add3A_597 = vector.broadcast %add3A_596 : i32 to vector<16xi32>
          %add3A_598 = arith.addi %select_n3A_566, %add3A_597 : vector<16xi32>
          %gather3A_599 = tpu.vector_load_idx %arg4[%add3A_598, %add3A_113] : memref<64x128xf32, #tpu.memory_space<vmem>>[vector<16xi32>, vector<16xi32>], vector<16xf32>,
          %add3A_600 = arith.addi %mul3A_169, %add3A_598 : vector<16xi32>
          %add3A_601 = arith.constant 48 : i32
          %add3A_602 = vector.broadcast %add3A_601 : i32 to vector<16xi32>
          %add3A_603 = arith.addi %select_n3A_566, %add3A_602 : vector<16xi32>
          %gather3A_604 = tpu.vector_load_idx %arg4[%add3A_603, %add3A_113] : memref<64x128xf32, #tpu.memory_space<vmem>>[vector<16xi32>, vector<16xi32>], vector<16xf32>,
          %add3A_605 = arith.addi %mul3A_169, %add3A_603 : vector<16xi32>
          %add3A_606 = arith.constant 0 : i32
          %add3A_607 = vector.broadcast %add3A_606 : i32 to vector<16xi32>
          %add3A_608 = arith.addi %select_n3A_566, %add3A_607 : vector<16xi32>
          %gather3A_609 = tpu.vector_load_idx %arg4[%add3A_608, %add3A_172] : memref<64x128xf32, #tpu.memory_space<vmem>>[vector<16xi32>, vector<16xi32>], vector<16xf32>,
          %add3A_610 = arith.addi %mul3A_228, %add3A_608 : vector<16xi32>
          %add3A_611 = arith.constant 16 : i32
          %add3A_612 = vector.broadcast %add3A_611 : i32 to vector<16xi32>
          %add3A_613 = arith.addi %select_n3A_566, %add3A_612 : vector<16xi32>
          %gather3A_614 = tpu.vector_load_idx %arg4[%add3A_613, %add3A_172] : memref<64x128xf32, #tpu.memory_space<vmem>>[vector<16xi32>, vector<16xi32>], vector<16xf32>,
          %add3A_615 = arith.addi %mul3A_228, %add3A_613 : vector<16xi32>
          %add3A_616 = arith.constant 32 : i32
          %add3A_617 = vector.broadcast %add3A_616 : i32 to vector<16xi32>
          %add3A_618 = arith.addi %select_n3A_566, %add3A_617 : vector<16xi32>
          %gather3A_619 = tpu.vector_load_idx %arg4[%add3A_618, %add3A_172] : memref<64x128xf32, #tpu.memory_space<vmem>>[vector<16xi32>, vector<16xi32>], vector<16xf32>,
          %add3A_620 = arith.addi %mul3A_228, %add3A_618 : vector<16xi32>
          tpu.vector_store_idx %arg6[%select_n3A_85, %add3A_570], %gather3A : memref<64x128xf32, #tpu.memory_space<vmem>>[vector<16xi32>, vector<16xi32>], vector<16xf32>,
          %add3A_621 = arith.constant 48 : i32
          %add3A_622 = vector.broadcast %add3A_621 : i32 to vector<16xi32>
          %add3A_623 = arith.addi %select_n3A_566, %add3A_622 : vector<16xi32>
          %gather3A_624 = tpu.vector_load_idx %arg4[%add3A_623, %add3A_172] : memref<64x128xf32, #tpu.memory_space<vmem>>[vector<16xi32>, vector<16xi32>], vector<16xf32>,
          %add3A_625 = arith.addi %mul3A_228, %add3A_623 : vector<16xi32>
          tpu.vector_store_idx %arg6[%select_n3A_85, %add3A_575], %gather3A_574 : memref<64x128xf32, #tpu.memory_space<vmem>>[vector<16xi32>, vector<16xi32>], vector<16xf32>,
          %add3A_626 = arith.constant 0 : i32
          %add3A_627 = vector.broadcast %add3A_626 : i32 to vector<16xi32>
          %add3A_628 = arith.addi %select_n3A_566, %add3A_627 : vector<16xi32>
          %gather3A_629 = tpu.vector_load_idx %arg4[%add3A_628, %add3A_231] : memref<64x128xf32, #tpu.memory_space<vmem>>[vector<16xi32>, vector<16xi32>], vector<16xf32>,
          %add3A_630 = arith.addi %mul3A_287, %add3A_628 : vector<16xi32>
          tpu.vector_store_idx %arg6[%select_n3A_85, %add3A_580], %gather3A_579 : memref<64x128xf32, #tpu.memory_space<vmem>>[vector<16xi32>, vector<16xi32>], vector<16xf32>,
          %add3A_631 = arith.constant 16 : i32
          %add3A_632 = vector.broadcast %add3A_631 : i32 to vector<16xi32>
          %add3A_633 = arith.addi %select_n3A_566, %add3A_632 : vector<16xi32>
          %gather3A_634 = tpu.vector_load_idx %arg4[%add3A_633, %add3A_231] : memref<64x128xf32, #tpu.memory_space<vmem>>[vector<16xi32>, vector<16xi32>], vector<16xf32>,
          %add3A_635 = arith.addi %mul3A_287, %add3A_633 : vector<16xi32>
          tpu.vector_store_idx %arg6[%select_n3A_85, %add3A_585], %gather3A_584 : memref<64x128xf32, #tpu.memory_space<vmem>>[vector<16xi32>, vector<16xi32>], vector<16xf32>,
          %add3A_636 = arith.constant 32 : i32
          %add3A_637 = vector.broadcast %add3A_636 : i32 to vector<16xi32>
          %add3A_638 = arith.addi %select_n3A_566, %add3A_637 : vector<16xi32>
          %gather3A_639 = tpu.vector_load_idx %arg4[%add3A_638, %add3A_231] : memref<64x128xf32, #tpu.memory_space<vmem>>[vector<16xi32>, vector<16xi32>], vector<16xf32>,
          %add3A_640 = arith.addi %mul3A_287, %add3A_638 : vector<16xi32>
          tpu.vector_store_idx %arg6[%select_n3A_144, %add3A_590], %gather3A_589 : memref<64x128xf32, #tpu.memory_space<vmem>>[vector<16xi32>, vector<16xi32>], vector<16xf32>,
          %add3A_641 = arith.constant 48 : i32
          %add3A_642 = vector.broadcast %add3A_641 : i32 to vector<16xi32>
          %add3A_643 = arith.addi %select_n3A_566, %add3A_642 : vector<16xi32>
          %gather3A_644 = tpu.vector_load_idx %arg4[%add3A_643, %add3A_231] : memref<64x128xf32, #tpu.memory_space<vmem>>[vector<16xi32>, vector<16xi32>], vector<16xf32>,
          %add3A_645 = arith.addi %mul3A_287, %add3A_643 : vector<16xi32>
          tpu.vector_store_idx %arg6[%select_n3A_144, %add3A_595], %gather3A_594 : memref<64x128xf32, #tpu.memory_space<vmem>>[vector<16xi32>, vector<16xi32>], vector<16xf32>,
          %add3A_646 = arith.constant 0 : i32
          %add3A_647 = vector.broadcast %add3A_646 : i32 to vector<16xi32>
          %add3A_648 = arith.addi %select_n3A_566, %add3A_647 : vector<16xi32>
          %gather3A_649 = tpu.vector_load_idx %arg4[%add3A_648, %add3A_290] : memref<64x128xf32, #tpu.memory_space<vmem>>[vector<16xi32>, vector<16xi32>], vector<16xf32>,
          %add3A_650 = arith.addi %mul3A_346, %add3A_648 : vector<16xi32>
          tpu.vector_store_idx %arg6[%select_n3A_144, %add3A_600], %gather3A_599 : memref<64x128xf32, #tpu.memory_space<vmem>>[vector<16xi32>, vector<16xi32>], vector<16xf32>,
          %add3A_651 = arith.constant 16 : i32
          %add3A_652 = vector.broadcast %add3A_651 : i32 to vector<16xi32>
          %add3A_653 = arith.addi %select_n3A_566, %add3A_652 : vector<16xi32>
          %gather3A_654 = tpu.vector_load_idx %arg4[%add3A_653, %add3A_290] : memref<64x128xf32, #tpu.memory_space<vmem>>[vector<16xi32>, vector<16xi32>], vector<16xf32>,
          %add3A_655 = arith.addi %mul3A_346, %add3A_653 : vector<16xi32>
          tpu.vector_store_idx %arg6[%select_n3A_144, %add3A_605], %gather3A_604 : memref<64x128xf32, #tpu.memory_space<vmem>>[vector<16xi32>, vector<16xi32>], vector<16xf32>,
          %add3A_656 = arith.constant 32 : i32
          %add3A_657 = vector.broadcast %add3A_656 : i32 to vector<16xi32>
          %add3A_658 = arith.addi %select_n3A_566, %add3A_657 : vector<16xi32>
          %gather3A_659 = tpu.vector_load_idx %arg4[%add3A_658, %add3A_290] : memref<64x128xf32, #tpu.memory_space<vmem>>[vector<16xi32>, vector<16xi32>], vector<16xf32>,
          %add3A_660 = arith.addi %mul3A_346, %add3A_658 : vector<16xi32>
          tpu.vector_store_idx %arg6[%select_n3A_203, %add3A_610], %gather3A_609 : memref<64x128xf32, #tpu.memory_space<vmem>>[vector<16xi32>, vector<16xi32>], vector<16xf32>,
          %add3A_661 = arith.constant 48 : i32
          %add3A_662 = vector.broadcast %add3A_661 : i32 to vector<16xi32>
          %add3A_663 = arith.addi %select_n3A_566, %add3A_662 : vector<16xi32>
          %gather3A_664 = tpu.vector_load_idx %arg4[%add3A_663, %add3A_290] : memref<64x128xf32, #tpu.memory_space<vmem>>[vector<16xi32>, vector<16xi32>], vector<16xf32>,
          %add3A_665 = arith.addi %mul3A_346, %add3A_663 : vector<16xi32>
          tpu.vector_store_idx %arg6[%select_n3A_203, %add3A_615], %gather3A_614 : memref<64x128xf32, #tpu.memory_space<vmem>>[vector<16xi32>, vector<16xi32>], vector<16xf32>,
          %add3A_666 = arith.constant 0 : i32
          %add3A_667 = vector.broadcast %add3A_666 : i32 to vector<16xi32>
          %add3A_668 = arith.addi %select_n3A_566, %add3A_667 : vector<16xi32>
          %gather3A_669 = tpu.vector_load_idx %arg4[%add3A_668, %add3A_349] : memref<64x128xf32, #tpu.memory_space<vmem>>[vector<16xi32>, vector<16xi32>], vector<16xf32>,
          %add3A_670 = arith.addi %mul3A_405, %add3A_668 : vector<16xi32>
          tpu.vector_store_idx %arg6[%select_n3A_203, %add3A_620], %gather3A_619 : memref<64x128xf32, #tpu.memory_space<vmem>>[vector<16xi32>, vector<16xi32>], vector<16xf32>,
          %add3A_671 = arith.constant 16 : i32
          %add3A_672 = vector.broadcast %add3A_671 : i32 to vector<16xi32>
          %add3A_673 = arith.addi %select_n3A_566, %add3A_672 : vector<16xi32>
          %gather3A_674 = tpu.vector_load_idx %arg4[%add3A_673, %add3A_349] : memref<64x128xf32, #tpu.memory_space<vmem>>[vector<16xi32>, vector<16xi32>], vector<16xf32>,
          %add3A_675 = arith.addi %mul3A_405, %add3A_673 : vector<16xi32>
          tpu.vector_store_idx %arg6[%select_n3A_203, %add3A_625], %gather3A_624 : memref<64x128xf32, #tpu.memory_space<vmem>>[vector<16xi32>, vector<16xi32>], vector<16xf32>,
          %add3A_676 = arith.constant 32 : i32
          %add3A_677 = vector.broadcast %add3A_676 : i32 to vector<16xi32>
          %add3A_678 = arith.addi %select_n3A_566, %add3A_677 : vector<16xi32>
          %gather3A_679 = tpu.vector_load_idx %arg4[%add3A_678, %add3A_349] : memref<64x128xf32, #tpu.memory_space<vmem>>[vector<16xi32>, vector<16xi32>], vector<16xf32>,
          %add3A_680 = arith.addi %mul3A_405, %add3A_678 : vector<16xi32>
          tpu.vector_store_idx %arg6[%select_n3A_262, %add3A_630], %gather3A_629 : memref<64x128xf32, #tpu.memory_space<vmem>>[vector<16xi32>, vector<16xi32>], vector<16xf32>,
          %add3A_681 = arith.constant 48 : i32
          %add3A_682 = vector.broadcast %add3A_681 : i32 to vector<16xi32>
          %add3A_683 = arith.addi %select_n3A_566, %add3A_682 : vector<16xi32>
          %gather3A_684 = tpu.vector_load_idx %arg4[%add3A_683, %add3A_349] : memref<64x128xf32, #tpu.memory_space<vmem>>[vector<16xi32>, vector<16xi32>], vector<16xf32>,
          %add3A_685 = arith.addi %mul3A_405, %add3A_683 : vector<16xi32>
          tpu.vector_store_idx %arg6[%select_n3A_262, %add3A_635], %gather3A_634 : memref<64x128xf32, #tpu.memory_space<vmem>>[vector<16xi32>, vector<16xi32>], vector<16xf32>,
          %add3A_686 = arith.constant 0 : i32
          %add3A_687 = vector.broadcast %add3A_686 : i32 to vector<16xi32>
          %add3A_688 = arith.addi %select_n3A_566, %add3A_687 : vector<16xi32>
          %gather3A_689 = tpu.vector_load_idx %arg4[%add3A_688, %add3A_408] : memref<64x128xf32, #tpu.memory_space<vmem>>[vector<16xi32>, vector<16xi32>], vector<16xf32>,
          %add3A_690 = arith.addi %mul3A_464, %add3A_688 : vector<16xi32>
          tpu.vector_store_idx %arg6[%select_n3A_262, %add3A_640], %gather3A_639 : memref<64x128xf32, #tpu.memory_space<vmem>>[vector<16xi32>, vector<16xi32>], vector<16xf32>,
          %add3A_691 = arith.constant 16 : i32
          %add3A_692 = vector.broadcast %add3A_691 : i32 to vector<16xi32>
          %add3A_693 = arith.addi %select_n3A_566, %add3A_692 : vector<16xi32>
          %gather3A_694 = tpu.vector_load_idx %arg4[%add3A_693, %add3A_408] : memref<64x128xf32, #tpu.memory_space<vmem>>[vector<16xi32>, vector<16xi32>], vector<16xf32>,
          %add3A_695 = arith.addi %mul3A_464, %add3A_693 : vector<16xi32>
          tpu.vector_store_idx %arg6[%select_n3A_262, %add3A_645], %gather3A_644 : memref<64x128xf32, #tpu.memory_space<vmem>>[vector<16xi32>, vector<16xi32>], vector<16xf32>,
          %add3A_696 = arith.constant 32 : i32
          %add3A_697 = vector.broadcast %add3A_696 : i32 to vector<16xi32>
          %add3A_698 = arith.addi %select_n3A_566, %add3A_697 : vector<16xi32>
          %gather3A_699 = tpu.vector_load_idx %arg4[%add3A_698, %add3A_408] : memref<64x128xf32, #tpu.memory_space<vmem>>[vector<16xi32>, vector<16xi32>], vector<16xf32>,
          %add3A_700 = arith.addi %mul3A_464, %add3A_698 : vector<16xi32>
          tpu.vector_store_idx %arg6[%select_n3A_321, %add3A_650], %gather3A_649 : memref<64x128xf32, #tpu.memory_space<vmem>>[vector<16xi32>, vector<16xi32>], vector<16xf32>,
          %add3A_701 = arith.constant 48 : i32
          %add3A_702 = vector.broadcast %add3A_701 : i32 to vector<16xi32>
          %add3A_703 = arith.addi %select_n3A_566, %add3A_702 : vector<16xi32>
          %gather3A_704 = tpu.vector_load_idx %arg4[%add3A_703, %add3A_408] : memref<64x128xf32, #tpu.memory_space<vmem>>[vector<16xi32>, vector<16xi32>], vector<16xf32>,
          %add3A_705 = arith.addi %mul3A_464, %add3A_703 : vector<16xi32>
          tpu.vector_store_idx %arg6[%select_n3A_321, %add3A_655], %gather3A_654 : memref<64x128xf32, #tpu.memory_space<vmem>>[vector<16xi32>, vector<16xi32>], vector<16xf32>,
          %add3A_706 = arith.constant 0 : i32
          %add3A_707 = vector.broadcast %add3A_706 : i32 to vector<16xi32>
          %add3A_708 = arith.addi %select_n3A_566, %add3A_707 : vector<16xi32>
          %gather3A_709 = tpu.vector_load_idx %arg4[%add3A_708, %add3A_467] : memref<64x128xf32, #tpu.memory_space<vmem>>[vector<16xi32>, vector<16xi32>], vector<16xf32>,
          %add3A_710 = arith.addi %mul3A_523, %add3A_708 : vector<16xi32>
          tpu.vector_store_idx %arg6[%select_n3A_321, %add3A_660], %gather3A_659 : memref<64x128xf32, #tpu.memory_space<vmem>>[vector<16xi32>, vector<16xi32>], vector<16xf32>,
          %add3A_711 = arith.constant 16 : i32
          %add3A_712 = vector.broadcast %add3A_711 : i32 to vector<16xi32>
          %add3A_713 = arith.addi %select_n3A_566, %add3A_712 : vector<16xi32>
          %gather3A_714 = tpu.vector_load_idx %arg4[%add3A_713, %add3A_467] : memref<64x128xf32, #tpu.memory_space<vmem>>[vector<16xi32>, vector<16xi32>], vector<16xf32>,
          %add3A_715 = arith.addi %mul3A_523, %add3A_713 : vector<16xi32>
          tpu.vector_store_idx %arg6[%select_n3A_321, %add3A_665], %gather3A_664 : memref<64x128xf32, #tpu.memory_space<vmem>>[vector<16xi32>, vector<16xi32>], vector<16xf32>,
          %add3A_716 = arith.constant 32 : i32
          %add3A_717 = vector.broadcast %add3A_716 : i32 to vector<16xi32>
          %add3A_718 = arith.addi %select_n3A_566, %add3A_717 : vector<16xi32>
          %gather3A_719 = tpu.vector_load_idx %arg4[%add3A_718, %add3A_467] : memref<64x128xf32, #tpu.memory_space<vmem>>[vector<16xi32>, vector<16xi32>], vector<16xf32>,
          %add3A_720 = arith.addi %mul3A_523, %add3A_718 : vector<16xi32>
          tpu.vector_store_idx %arg6[%select_n3A_380, %add3A_670], %gather3A_669 : memref<64x128xf32, #tpu.memory_space<vmem>>[vector<16xi32>, vector<16xi32>], vector<16xf32>,
          %add3A_721 = arith.constant 48 : i32
          %add3A_722 = vector.broadcast %add3A_721 : i32 to vector<16xi32>
          %add3A_723 = arith.addi %select_n3A_566, %add3A_722 : vector<16xi32>
          %gather3A_724 = tpu.vector_load_idx %arg4[%add3A_723, %add3A_467] : memref<64x128xf32, #tpu.memory_space<vmem>>[vector<16xi32>, vector<16xi32>], vector<16xf32>,
          %add3A_725 = arith.addi %mul3A_523, %add3A_723 : vector<16xi32>
          tpu.vector_store_idx %arg6[%select_n3A_380, %add3A_675], %gather3A_674 : memref<64x128xf32, #tpu.memory_space<vmem>>[vector<16xi32>, vector<16xi32>], vector<16xf32>,
          tpu.vector_store_idx %arg6[%select_n3A_380, %add3A_680], %gather3A_679 : memref<64x128xf32, #tpu.memory_space<vmem>>[vector<16xi32>, vector<16xi32>], vector<16xf32>,
          tpu.vector_store_idx %arg6[%select_n3A_380, %add3A_685], %gather3A_684 : memref<64x128xf32, #tpu.memory_space<vmem>>[vector<16xi32>, vector<16xi32>], vector<16xf32>,
          tpu.vector_store_idx %arg6[%select_n3A_439, %add3A_690], %gather3A_689 : memref<64x128xf32, #tpu.memory_space<vmem>>[vector<16xi32>, vector<16xi32>], vector<16xf32>,
          tpu.vector_store_idx %arg6[%select_n3A_439, %add3A_695], %gather3A_694 : memref<64x128xf32, #tpu.memory_space<vmem>>[vector<16xi32>, vector<16xi32>], vector<16xf32>,
          tpu.vector_store_idx %arg6[%select_n3A_439, %add3A_700], %gather3A_699 : memref<64x128xf32, #tpu.memory_space<vmem>>[vector<16xi32>, vector<16xi32>], vector<16xf32>,
          tpu.vector_store_idx %arg6[%select_n3A_439, %add3A_705], %gather3A_704 : memref<64x128xf32, #tpu.memory_space<vmem>>[vector<16xi32>, vector<16xi32>], vector<16xf32>,
          tpu.vector_store_idx %arg6[%select_n3A_498, %add3A_710], %gather3A_709 : memref<64x128xf32, #tpu.memory_space<vmem>>[vector<16xi32>, vector<16xi32>], vector<16xf32>,
          tpu.vector_store_idx %arg6[%select_n3A_498, %add3A_715], %gather3A_714 : memref<64x128xf32, #tpu.memory_space<vmem>>[vector<16xi32>, vector<16xi32>], vector<16xf32>,
          tpu.vector_store_idx %arg6[%select_n3A_498, %add3A_720], %gather3A_719 : memref<64x128xf32, #tpu.memory_space<vmem>>[vector<16xi32>, vector<16xi32>], vector<16xf32>,
          tpu.vector_store_idx %arg6[%select_n3A_498, %add3A_725], %gather3A_724 : memref<64x128xf32, #tpu.memory_space<vmem>>[vector<16xi32>, vector<16xi32>], vector<16xf32>,
        }
        %scan3A_528 = arith.constant 16 : i32
        %mul3A_529 = arith.constant 32 : i32
        %mul3A_530 = arith.muli %mul3A_529, %add3A_31 : i32
        %add3A_531 = arith.addi %add3A, %mul3A_530 : i32
        %mul3A_532 = arith.constant 64 : i32
        %mul3A_533 = arith.muli %add3A_531, %mul3A_532 : i32
        %dma_start3A_534 = arith.constant 0 : i32
        %dma_start3A_535 = tpu.memref_slice %arg3[%mul3A_533, %dma_start3A_534] : memref<500000x128xf32, #tpu.memory_space<hbm>> -> memref<64x128xf32, #tpu.memory_space<hbm>>
        %dma_start3A_536 = arith.constant 0 : i32
        %dma_start3A_537 = tpu.memref_slice %arg3[%mul3A_533, %dma_start3A_536] : memref<500000x128xf32, #tpu.memory_space<hbm>> -> memref<64x128xf32, #tpu.memory_space<hbm>>
        tpu.enqueue_dma source(%arg6 : memref<64x128xf32, #tpu.memory_space<vmem>>) target(%dma_start3A_537 : memref<64x128xf32, #tpu.memory_space<hbm>>) target_semaphore(%arg12 : memref<!tpu.dma_semaphore, #tpu.memory_space<semaphore_mem>>)
      } else {
      }
      %add3A_36 = arith.constant 1 : i32
      %add3A_37 = arith.addi %add3A_29, %add3A_36 : i32
      %lt3A_38 = arith.cmpi slt, %add3A_37, %select_n3A : i32
      %convert_element_type3A_39 = arith.extui %lt3A_38 : i1 to i32
      %cond3A_40 = arith.constant 0 : i32
      %cond3A_41 = arith.cmpi ne, %convert_element_type3A_39, %cond3A_40 : i32
      scf.if %cond3A_41 {
        %dma_wait3A = arith.constant 0 : i32
        %dma_wait3A_42 = arith.constant 0 : i32
        %dma_wait3A_43 = tpu.memref_slice %arg2[%dma_wait3A, %dma_wait3A_42] : memref<64x1000000xf32, #tpu.memory_space<hbm>> -> memref<64x128xf32, #tpu.memory_space<hbm>>
        %dma_wait3A_44 = arith.constant 0 : i32
        %dma_wait3A_45 = arith.constant 0 : i32
        %dma_wait3A_46 = tpu.memref_slice %arg2[%dma_wait3A_44, %dma_wait3A_45] : memref<64x1000000xf32, #tpu.memory_space<hbm>> -> memref<64x128xf32, #tpu.memory_space<hbm>>
        tpu.wait_dma2 semaphore(%arg11 : memref<!tpu.dma_semaphore, #tpu.memory_space<semaphore_mem>>) src(%dma_wait3A_46 : memref<64x128xf32, #tpu.memory_space<hbm>>) dst(%arg5 : memref<64x128xf32, #tpu.memory_space<vmem>>)
        %add3A_47 = arith.constant 1 : i32
        %add3A_48 = arith.addi %add3A_37, %add3A_47 : i32
        %lt3A_49 = arith.cmpi slt, %add3A_48, %select_n3A : i32
        %convert_element_type3A_50 = arith.extui %lt3A_49 : i1 to i32
        %cond3A_51 = arith.constant 0 : i32
        %cond3A_52 = arith.cmpi ne, %convert_element_type3A_50, %cond3A_51 : i32
        scf.if %cond3A_52 {
          %add3A_538 = arith.constant 1 : i32
          %add3A_539 = arith.addi %add3A_37, %add3A_538 : i32
          %mul3A_540 = arith.constant 32 : i32
          %mul3A_541 = arith.muli %mul3A_540, %add3A_539 : i32
          %add3A_542 = arith.addi %add3A, %mul3A_541 : i32
          %mul3A_543 = arith.constant 128 : i32
          %mul3A_544 = arith.muli %add3A_542, %mul3A_543 : i32
          %dma_start3A_545 = arith.constant 0 : i32
          %dma_start3A_546 = tpu.memref_slice %arg2[%dma_start3A_545, %mul3A_544] : memref<64x1000000xf32, #tpu.memory_space<hbm>> -> memref<64x128xf32, #tpu.memory_space<hbm>>
          %dma_start3A_547 = arith.constant 0 : i32
          %dma_start3A_548 = tpu.memref_slice %arg2[%dma_start3A_547, %mul3A_544] : memref<64x1000000xf32, #tpu.memory_space<hbm>> -> memref<64x128xf32, #tpu.memory_space<hbm>>
          tpu.enqueue_dma source(%dma_start3A_548 : memref<64x128xf32, #tpu.memory_space<hbm>>) target(%arg4 : memref<64x128xf32, #tpu.memory_space<vmem>>) target_semaphore(%arg10 : memref<!tpu.dma_semaphore, #tpu.memory_space<semaphore_mem>>)
        } else {
        }
        %ge3A_53 = arith.constant 2 : i32
        %ge3A_54 = arith.cmpi sge, %add3A_37, %ge3A_53 : i32
        %convert_element_type3A_55 = arith.extui %ge3A_54 : i1 to i32
        %cond3A_56 = arith.constant 0 : i32
        %cond3A_57 = arith.cmpi ne, %convert_element_type3A_55, %cond3A_56 : i32
        scf.if %cond3A_57 {
          %dma_wait3A_538 = arith.constant 0 : i32
          %dma_wait3A_539 = arith.constant 0 : i32
          %dma_wait3A_540 = tpu.memref_slice %arg3[%dma_wait3A_538, %dma_wait3A_539] : memref<500000x128xf32, #tpu.memory_space<hbm>> -> memref<64x128xf32, #tpu.memory_space<hbm>>
          %dma_wait3A_541 = arith.constant 0 : i32
          %dma_wait3A_542 = arith.constant 0 : i32
          %dma_wait3A_543 = tpu.memref_slice %arg3[%dma_wait3A_541, %dma_wait3A_542] : memref<500000x128xf32, #tpu.memory_space<hbm>> -> memref<64x128xf32, #tpu.memory_space<hbm>>
          tpu.wait_dma2 semaphore(%arg13 : memref<!tpu.dma_semaphore, #tpu.memory_space<semaphore_mem>>) src(%arg7 : memref<64x128xf32, #tpu.memory_space<vmem>>) dst(%dma_wait3A_543 : memref<64x128xf32, #tpu.memory_space<hbm>>)
        } else {
        }
        %iota3A = tpu.iota {dimensions = array<i32: 0>} : vector<16xi32>
        %add3A_58 = arith.constant 0 : i32
        %add3A_59 = vector.broadcast %add3A_58 : i32 to vector<16xi32>
        %add3A_60 = arith.addi %iota3A, %add3A_59 : vector<16xi32>
        %jit3A_61 = arith.constant 2 : i32
        %div3A = vector.broadcast %jit3A_61 : i32 to vector<16xi32>
        %div3A_62 = arith.divsi %add3A_60, %div3A : vector<16xi32>
        %sign3A = arith.constant 0 : i32
        %sign3A_63 = vector.broadcast %sign3A : i32 to vector<16xi32>
        %sign3A_64 = arith.cmpi sgt, %add3A_60, %sign3A_63 : vector<16xi32>
        %sign3A_65 = arith.extui %sign3A_64 : vector<16xi1> to vector<16xi32>
        %sign3A_66 = arith.constant 0 : i32
        %sign3A_67 = vector.broadcast %sign3A_66 : i32 to vector<16xi32>
        %sign3A_68 = arith.cmpi slt, %add3A_60, %sign3A_67 : vector<16xi32>
        %sign3A_69 = arith.extui %sign3A_68 : vector<16xi1> to vector<16xi32>
        %sign3A_70 = arith.subi %sign3A_65, %sign3A_69 : vector<16xi32>
        %sign3A_71 = arith.constant 0 : i32
        %sign3A_72 = arith.cmpi sgt, %jit3A_61, %sign3A_71 : i32
        %sign3A_73 = arith.extui %sign3A_72 : i1 to i32
        %sign3A_74 = arith.constant 0 : i32
        %sign3A_75 = arith.cmpi slt, %jit3A_61, %sign3A_74 : i32
        %sign3A_76 = arith.extui %sign3A_75 : i1 to i32
        %sign3A_77 = arith.subi %sign3A_73, %sign3A_76 : i32
        %ne3A = vector.broadcast %sign3A_77 : i32 to vector<16xi32>
        %ne3A_78 = arith.cmpi ne, %sign3A_70, %ne3A : vector<16xi32>
        %rem3A = vector.broadcast %jit3A_61 : i32 to vector<16xi32>
        %rem3A_79 = arith.remsi %add3A_60, %rem3A : vector<16xi32>
        %ne3A_80 = arith.constant 0 : i32
        %ne3A_81 = vector.broadcast %ne3A_80 : i32 to vector<16xi32>
        %ne3A_82 = arith.cmpi ne, %rem3A_79, %ne3A_81 : vector<16xi32>
        %and3A = arith.andi %ne3A_78, %ne3A_82 : vector<16xi1>
        %sub3A = arith.constant 1 : i32
        %sub3A_83 = vector.broadcast %sub3A : i32 to vector<16xi32>
        %sub3A_84 = arith.subi %div3A_62, %sub3A_83 : vector<16xi32>
        %select_n3A_85 = arith.select %and3A, %sub3A_84, %div3A_62 : vector<16xi1>, vector<16xi32>
        %jit3A_86 = arith.constant 2 : i32
        %eq3A_87 = arith.constant 0 : i32
        %eq3A_88 = arith.cmpi eq, %jit3A_86, %eq3A_87 : i32
        %jit3A_89 = arith.constant 1 : i32
        %select_n3A_90 = arith.select %eq3A_88, %jit3A_89, %jit3A_86 : i32
        %rem3A_91 = vector.broadcast %select_n3A_90 : i32 to vector<16xi32>
        %rem3A_92 = arith.remsi %add3A_60, %rem3A_91 : vector<16xi32>
        %ne3A_93 = arith.constant 0 : i32
        %ne3A_94 = vector.broadcast %ne3A_93 : i32 to vector<16xi32>
        %ne3A_95 = arith.cmpi ne, %rem3A_92, %ne3A_94 : vector<16xi32>
        %lt3A_96 = arith.constant 0 : i32
        %lt3A_97 = vector.broadcast %lt3A_96 : i32 to vector<16xi32>
        %lt3A_98 = arith.cmpi slt, %rem3A_92, %lt3A_97 : vector<16xi32>
        %lt3A_99 = arith.constant 0 : i32
        %lt3A_100 = arith.cmpi slt, %select_n3A_90, %lt3A_99 : i32
        %ne3A_101 = vector.broadcast %lt3A_100 : i1 to vector<16xi1>
        %ne3A_102 = vector.broadcast %ne3A_101 : vector<16xi1> to vector<16xi1>
        %ne3A_103 = arith.xori %lt3A_98, %ne3A_102 : vector<16xi1>
        %and3A_104 = arith.andi %ne3A_103, %ne3A_95 : vector<16xi1>
        %add3A_105 = vector.broadcast %select_n3A_90 : i32 to vector<16xi32>
        %add3A_106 = arith.addi %rem3A_92, %add3A_105 : vector<16xi32>
        %select_n3A_107 = arith.select %and3A_104, %add3A_106, %rem3A_92 : vector<16xi1>, vector<16xi32>
        %mul3A_108 = arith.constant 64 : i32
        %mul3A_109 = vector.broadcast %mul3A_108 : i32 to vector<16xi32>
        %mul3A_110 = arith.muli %select_n3A_107, %mul3A_109 : vector<16xi32>
        %add3A_111 = arith.constant 16 : i32
        %add3A_112 = vector.broadcast %add3A_111 : i32 to vector<16xi32>
        %add3A_113 = arith.addi %iota3A, %add3A_112 : vector<16xi32>
        %jit3A_114 = arith.constant 2 : i32
        %div3A_115 = vector.broadcast %jit3A_114 : i32 to vector<16xi32>
        %div3A_116 = arith.divsi %add3A_113, %div3A_115 : vector<16xi32>
        %sign3A_117 = arith.constant 0 : i32
        %sign3A_118 = vector.broadcast %sign3A_117 : i32 to vector<16xi32>
        %sign3A_119 = arith.cmpi sgt, %add3A_113, %sign3A_118 : vector<16xi32>
        %sign3A_120 = arith.extui %sign3A_119 : vector<16xi1> to vector<16xi32>
        %sign3A_121 = arith.constant 0 : i32
        %sign3A_122 = vector.broadcast %sign3A_121 : i32 to vector<16xi32>
        %sign3A_123 = arith.cmpi slt, %add3A_113, %sign3A_122 : vector<16xi32>
        %sign3A_124 = arith.extui %sign3A_123 : vector<16xi1> to vector<16xi32>
        %sign3A_125 = arith.subi %sign3A_120, %sign3A_124 : vector<16xi32>
        %sign3A_126 = arith.constant 0 : i32
        %sign3A_127 = arith.cmpi sgt, %jit3A_114, %sign3A_126 : i32
        %sign3A_128 = arith.extui %sign3A_127 : i1 to i32
        %sign3A_129 = arith.constant 0 : i32
        %sign3A_130 = arith.cmpi slt, %jit3A_114, %sign3A_129 : i32
        %sign3A_131 = arith.extui %sign3A_130 : i1 to i32
        %sign3A_132 = arith.subi %sign3A_128, %sign3A_131 : i32
        %ne3A_133 = vector.broadcast %sign3A_132 : i32 to vector<16xi32>
        %ne3A_134 = arith.cmpi ne, %sign3A_125, %ne3A_133 : vector<16xi32>
        %rem3A_135 = vector.broadcast %jit3A_114 : i32 to vector<16xi32>
        %rem3A_136 = arith.remsi %add3A_113, %rem3A_135 : vector<16xi32>
        %ne3A_137 = arith.constant 0 : i32
        %ne3A_138 = vector.broadcast %ne3A_137 : i32 to vector<16xi32>
        %ne3A_139 = arith.cmpi ne, %rem3A_136, %ne3A_138 : vector<16xi32>
        %and3A_140 = arith.andi %ne3A_134, %ne3A_139 : vector<16xi1>
        %sub3A_141 = arith.constant 1 : i32
        %sub3A_142 = vector.broadcast %sub3A_141 : i32 to vector<16xi32>
        %sub3A_143 = arith.subi %div3A_116, %sub3A_142 : vector<16xi32>
        %select_n3A_144 = arith.select %and3A_140, %sub3A_143, %div3A_116 : vector<16xi1>, vector<16xi32>
        %jit3A_145 = arith.constant 2 : i32
        %eq3A_146 = arith.constant 0 : i32
        %eq3A_147 = arith.cmpi eq, %jit3A_145, %eq3A_146 : i32
        %jit3A_148 = arith.constant 1 : i32
        %select_n3A_149 = arith.select %eq3A_147, %jit3A_148, %jit3A_145 : i32
        %rem3A_150 = vector.broadcast %select_n3A_149 : i32 to vector<16xi32>
        %rem3A_151 = arith.remsi %add3A_113, %rem3A_150 : vector<16xi32>
        %ne3A_152 = arith.constant 0 : i32
        %ne3A_153 = vector.broadcast %ne3A_152 : i32 to vector<16xi32>
        %ne3A_154 = arith.cmpi ne, %rem3A_151, %ne3A_153 : vector<16xi32>
        %lt3A_155 = arith.constant 0 : i32
        %lt3A_156 = vector.broadcast %lt3A_155 : i32 to vector<16xi32>
        %lt3A_157 = arith.cmpi slt, %rem3A_151, %lt3A_156 : vector<16xi32>
        %lt3A_158 = arith.constant 0 : i32
        %lt3A_159 = arith.cmpi slt, %select_n3A_149, %lt3A_158 : i32
        %ne3A_160 = vector.broadcast %lt3A_159 : i1 to vector<16xi1>
        %ne3A_161 = vector.broadcast %ne3A_160 : vector<16xi1> to vector<16xi1>
        %ne3A_162 = arith.xori %lt3A_157, %ne3A_161 : vector<16xi1>
        %and3A_163 = arith.andi %ne3A_162, %ne3A_154 : vector<16xi1>
        %add3A_164 = vector.broadcast %select_n3A_149 : i32 to vector<16xi32>
        %add3A_165 = arith.addi %rem3A_151, %add3A_164 : vector<16xi32>
        %select_n3A_166 = arith.select %and3A_163, %add3A_165, %rem3A_151 : vector<16xi1>, vector<16xi32>
        %mul3A_167 = arith.constant 64 : i32
        %mul3A_168 = vector.broadcast %mul3A_167 : i32 to vector<16xi32>
        %mul3A_169 = arith.muli %select_n3A_166, %mul3A_168 : vector<16xi32>
        %add3A_170 = arith.constant 32 : i32
        %add3A_171 = vector.broadcast %add3A_170 : i32 to vector<16xi32>
        %add3A_172 = arith.addi %iota3A, %add3A_171 : vector<16xi32>
        %jit3A_173 = arith.constant 2 : i32
        %div3A_174 = vector.broadcast %jit3A_173 : i32 to vector<16xi32>
        %div3A_175 = arith.divsi %add3A_172, %div3A_174 : vector<16xi32>
        %sign3A_176 = arith.constant 0 : i32
        %sign3A_177 = vector.broadcast %sign3A_176 : i32 to vector<16xi32>
        %sign3A_178 = arith.cmpi sgt, %add3A_172, %sign3A_177 : vector<16xi32>
        %sign3A_179 = arith.extui %sign3A_178 : vector<16xi1> to vector<16xi32>
        %sign3A_180 = arith.constant 0 : i32
        %sign3A_181 = vector.broadcast %sign3A_180 : i32 to vector<16xi32>
        %sign3A_182 = arith.cmpi slt, %add3A_172, %sign3A_181 : vector<16xi32>
        %sign3A_183 = arith.extui %sign3A_182 : vector<16xi1> to vector<16xi32>
        %sign3A_184 = arith.subi %sign3A_179, %sign3A_183 : vector<16xi32>
        %sign3A_185 = arith.constant 0 : i32
        %sign3A_186 = arith.cmpi sgt, %jit3A_173, %sign3A_185 : i32
        %sign3A_187 = arith.extui %sign3A_186 : i1 to i32
        %sign3A_188 = arith.constant 0 : i32
        %sign3A_189 = arith.cmpi slt, %jit3A_173, %sign3A_188 : i32
        %sign3A_190 = arith.extui %sign3A_189 : i1 to i32
        %sign3A_191 = arith.subi %sign3A_187, %sign3A_190 : i32
        %ne3A_192 = vector.broadcast %sign3A_191 : i32 to vector<16xi32>
        %ne3A_193 = arith.cmpi ne, %sign3A_184, %ne3A_192 : vector<16xi32>
        %rem3A_194 = vector.broadcast %jit3A_173 : i32 to vector<16xi32>
        %rem3A_195 = arith.remsi %add3A_172, %rem3A_194 : vector<16xi32>
        %ne3A_196 = arith.constant 0 : i32
        %ne3A_197 = vector.broadcast %ne3A_196 : i32 to vector<16xi32>
        %ne3A_198 = arith.cmpi ne, %rem3A_195, %ne3A_197 : vector<16xi32>
        %and3A_199 = arith.andi %ne3A_193, %ne3A_198 : vector<16xi1>
        %sub3A_200 = arith.constant 1 : i32
        %sub3A_201 = vector.broadcast %sub3A_200 : i32 to vector<16xi32>
        %sub3A_202 = arith.subi %div3A_175, %sub3A_201 : vector<16xi32>
        %select_n3A_203 = arith.select %and3A_199, %sub3A_202, %div3A_175 : vector<16xi1>, vector<16xi32>
        %jit3A_204 = arith.constant 2 : i32
        %eq3A_205 = arith.constant 0 : i32
        %eq3A_206 = arith.cmpi eq, %jit3A_204, %eq3A_205 : i32
        %jit3A_207 = arith.constant 1 : i32
        %select_n3A_208 = arith.select %eq3A_206, %jit3A_207, %jit3A_204 : i32
        %rem3A_209 = vector.broadcast %select_n3A_208 : i32 to vector<16xi32>
        %rem3A_210 = arith.remsi %add3A_172, %rem3A_209 : vector<16xi32>
        %ne3A_211 = arith.constant 0 : i32
        %ne3A_212 = vector.broadcast %ne3A_211 : i32 to vector<16xi32>
        %ne3A_213 = arith.cmpi ne, %rem3A_210, %ne3A_212 : vector<16xi32>
        %lt3A_214 = arith.constant 0 : i32
        %lt3A_215 = vector.broadcast %lt3A_214 : i32 to vector<16xi32>
        %lt3A_216 = arith.cmpi slt, %rem3A_210, %lt3A_215 : vector<16xi32>
        %lt3A_217 = arith.constant 0 : i32
        %lt3A_218 = arith.cmpi slt, %select_n3A_208, %lt3A_217 : i32
        %ne3A_219 = vector.broadcast %lt3A_218 : i1 to vector<16xi1>
        %ne3A_220 = vector.broadcast %ne3A_219 : vector<16xi1> to vector<16xi1>
        %ne3A_221 = arith.xori %lt3A_216, %ne3A_220 : vector<16xi1>
        %and3A_222 = arith.andi %ne3A_221, %ne3A_213 : vector<16xi1>
        %add3A_223 = vector.broadcast %select_n3A_208 : i32 to vector<16xi32>
        %add3A_224 = arith.addi %rem3A_210, %add3A_223 : vector<16xi32>
        %select_n3A_225 = arith.select %and3A_222, %add3A_224, %rem3A_210 : vector<16xi1>, vector<16xi32>
        %mul3A_226 = arith.constant 64 : i32
        %mul3A_227 = vector.broadcast %mul3A_226 : i32 to vector<16xi32>
        %mul3A_228 = arith.muli %select_n3A_225, %mul3A_227 : vector<16xi32>
        %add3A_229 = arith.constant 48 : i32
        %add3A_230 = vector.broadcast %add3A_229 : i32 to vector<16xi32>
        %add3A_231 = arith.addi %iota3A, %add3A_230 : vector<16xi32>
        %jit3A_232 = arith.constant 2 : i32
        %div3A_233 = vector.broadcast %jit3A_232 : i32 to vector<16xi32>
        %div3A_234 = arith.divsi %add3A_231, %div3A_233 : vector<16xi32>
        %sign3A_235 = arith.constant 0 : i32
        %sign3A_236 = vector.broadcast %sign3A_235 : i32 to vector<16xi32>
        %sign3A_237 = arith.cmpi sgt, %add3A_231, %sign3A_236 : vector<16xi32>
        %sign3A_238 = arith.extui %sign3A_237 : vector<16xi1> to vector<16xi32>
        %sign3A_239 = arith.constant 0 : i32
        %sign3A_240 = vector.broadcast %sign3A_239 : i32 to vector<16xi32>
        %sign3A_241 = arith.cmpi slt, %add3A_231, %sign3A_240 : vector<16xi32>
        %sign3A_242 = arith.extui %sign3A_241 : vector<16xi1> to vector<16xi32>
        %sign3A_243 = arith.subi %sign3A_238, %sign3A_242 : vector<16xi32>
        %sign3A_244 = arith.constant 0 : i32
        %sign3A_245 = arith.cmpi sgt, %jit3A_232, %sign3A_244 : i32
        %sign3A_246 = arith.extui %sign3A_245 : i1 to i32
        %sign3A_247 = arith.constant 0 : i32
        %sign3A_248 = arith.cmpi slt, %jit3A_232, %sign3A_247 : i32
        %sign3A_249 = arith.extui %sign3A_248 : i1 to i32
        %sign3A_250 = arith.subi %sign3A_246, %sign3A_249 : i32
        %ne3A_251 = vector.broadcast %sign3A_250 : i32 to vector<16xi32>
        %ne3A_252 = arith.cmpi ne, %sign3A_243, %ne3A_251 : vector<16xi32>
        %rem3A_253 = vector.broadcast %jit3A_232 : i32 to vector<16xi32>
        %rem3A_254 = arith.remsi %add3A_231, %rem3A_253 : vector<16xi32>
        %ne3A_255 = arith.constant 0 : i32
        %ne3A_256 = vector.broadcast %ne3A_255 : i32 to vector<16xi32>
        %ne3A_257 = arith.cmpi ne, %rem3A_254, %ne3A_256 : vector<16xi32>
        %and3A_258 = arith.andi %ne3A_252, %ne3A_257 : vector<16xi1>
        %sub3A_259 = arith.constant 1 : i32
        %sub3A_260 = vector.broadcast %sub3A_259 : i32 to vector<16xi32>
        %sub3A_261 = arith.subi %div3A_234, %sub3A_260 : vector<16xi32>
        %select_n3A_262 = arith.select %and3A_258, %sub3A_261, %div3A_234 : vector<16xi1>, vector<16xi32>
        %jit3A_263 = arith.constant 2 : i32
        %eq3A_264 = arith.constant 0 : i32
        %eq3A_265 = arith.cmpi eq, %jit3A_263, %eq3A_264 : i32
        %jit3A_266 = arith.constant 1 : i32
        %select_n3A_267 = arith.select %eq3A_265, %jit3A_266, %jit3A_263 : i32
        %rem3A_268 = vector.broadcast %select_n3A_267 : i32 to vector<16xi32>
        %rem3A_269 = arith.remsi %add3A_231, %rem3A_268 : vector<16xi32>
        %ne3A_270 = arith.constant 0 : i32
        %ne3A_271 = vector.broadcast %ne3A_270 : i32 to vector<16xi32>
        %ne3A_272 = arith.cmpi ne, %rem3A_269, %ne3A_271 : vector<16xi32>
        %lt3A_273 = arith.constant 0 : i32
        %lt3A_274 = vector.broadcast %lt3A_273 : i32 to vector<16xi32>
        %lt3A_275 = arith.cmpi slt, %rem3A_269, %lt3A_274 : vector<16xi32>
        %lt3A_276 = arith.constant 0 : i32
        %lt3A_277 = arith.cmpi slt, %select_n3A_267, %lt3A_276 : i32
        %ne3A_278 = vector.broadcast %lt3A_277 : i1 to vector<16xi1>
        %ne3A_279 = vector.broadcast %ne3A_278 : vector<16xi1> to vector<16xi1>
        %ne3A_280 = arith.xori %lt3A_275, %ne3A_279 : vector<16xi1>
        %and3A_281 = arith.andi %ne3A_280, %ne3A_272 : vector<16xi1>
        %add3A_282 = vector.broadcast %select_n3A_267 : i32 to vector<16xi32>
        %add3A_283 = arith.addi %rem3A_269, %add3A_282 : vector<16xi32>
        %select_n3A_284 = arith.select %and3A_281, %add3A_283, %rem3A_269 : vector<16xi1>, vector<16xi32>
        %mul3A_285 = arith.constant 64 : i32
        %mul3A_286 = vector.broadcast %mul3A_285 : i32 to vector<16xi32>
        %mul3A_287 = arith.muli %select_n3A_284, %mul3A_286 : vector<16xi32>
        %add3A_288 = arith.constant 64 : i32
        %add3A_289 = vector.broadcast %add3A_288 : i32 to vector<16xi32>
        %add3A_290 = arith.addi %iota3A, %add3A_289 : vector<16xi32>
        %jit3A_291 = arith.constant 2 : i32
        %div3A_292 = vector.broadcast %jit3A_291 : i32 to vector<16xi32>
        %div3A_293 = arith.divsi %add3A_290, %div3A_292 : vector<16xi32>
        %sign3A_294 = arith.constant 0 : i32
        %sign3A_295 = vector.broadcast %sign3A_294 : i32 to vector<16xi32>
        %sign3A_296 = arith.cmpi sgt, %add3A_290, %sign3A_295 : vector<16xi32>
        %sign3A_297 = arith.extui %sign3A_296 : vector<16xi1> to vector<16xi32>
        %sign3A_298 = arith.constant 0 : i32
        %sign3A_299 = vector.broadcast %sign3A_298 : i32 to vector<16xi32>
        %sign3A_300 = arith.cmpi slt, %add3A_290, %sign3A_299 : vector<16xi32>
        %sign3A_301 = arith.extui %sign3A_300 : vector<16xi1> to vector<16xi32>
        %sign3A_302 = arith.subi %sign3A_297, %sign3A_301 : vector<16xi32>
        %sign3A_303 = arith.constant 0 : i32
        %sign3A_304 = arith.cmpi sgt, %jit3A_291, %sign3A_303 : i32
        %sign3A_305 = arith.extui %sign3A_304 : i1 to i32
        %sign3A_306 = arith.constant 0 : i32
        %sign3A_307 = arith.cmpi slt, %jit3A_291, %sign3A_306 : i32
        %sign3A_308 = arith.extui %sign3A_307 : i1 to i32
        %sign3A_309 = arith.subi %sign3A_305, %sign3A_308 : i32
        %ne3A_310 = vector.broadcast %sign3A_309 : i32 to vector<16xi32>
        %ne3A_311 = arith.cmpi ne, %sign3A_302, %ne3A_310 : vector<16xi32>
        %rem3A_312 = vector.broadcast %jit3A_291 : i32 to vector<16xi32>
        %rem3A_313 = arith.remsi %add3A_290, %rem3A_312 : vector<16xi32>
        %ne3A_314 = arith.constant 0 : i32
        %ne3A_315 = vector.broadcast %ne3A_314 : i32 to vector<16xi32>
        %ne3A_316 = arith.cmpi ne, %rem3A_313, %ne3A_315 : vector<16xi32>
        %and3A_317 = arith.andi %ne3A_311, %ne3A_316 : vector<16xi1>
        %sub3A_318 = arith.constant 1 : i32
        %sub3A_319 = vector.broadcast %sub3A_318 : i32 to vector<16xi32>
        %sub3A_320 = arith.subi %div3A_293, %sub3A_319 : vector<16xi32>
        %select_n3A_321 = arith.select %and3A_317, %sub3A_320, %div3A_293 : vector<16xi1>, vector<16xi32>
        %jit3A_322 = arith.constant 2 : i32
        %eq3A_323 = arith.constant 0 : i32
        %eq3A_324 = arith.cmpi eq, %jit3A_322, %eq3A_323 : i32
        %jit3A_325 = arith.constant 1 : i32
        %select_n3A_326 = arith.select %eq3A_324, %jit3A_325, %jit3A_322 : i32
        %rem3A_327 = vector.broadcast %select_n3A_326 : i32 to vector<16xi32>
        %rem3A_328 = arith.remsi %add3A_290, %rem3A_327 : vector<16xi32>
        %ne3A_329 = arith.constant 0 : i32
        %ne3A_330 = vector.broadcast %ne3A_329 : i32 to vector<16xi32>
        %ne3A_331 = arith.cmpi ne, %rem3A_328, %ne3A_330 : vector<16xi32>
        %lt3A_332 = arith.constant 0 : i32
        %lt3A_333 = vector.broadcast %lt3A_332 : i32 to vector<16xi32>
        %lt3A_334 = arith.cmpi slt, %rem3A_328, %lt3A_333 : vector<16xi32>
        %lt3A_335 = arith.constant 0 : i32
        %lt3A_336 = arith.cmpi slt, %select_n3A_326, %lt3A_335 : i32
        %ne3A_337 = vector.broadcast %lt3A_336 : i1 to vector<16xi1>
        %ne3A_338 = vector.broadcast %ne3A_337 : vector<16xi1> to vector<16xi1>
        %ne3A_339 = arith.xori %lt3A_334, %ne3A_338 : vector<16xi1>
        %and3A_340 = arith.andi %ne3A_339, %ne3A_331 : vector<16xi1>
        %add3A_341 = vector.broadcast %select_n3A_326 : i32 to vector<16xi32>
        %add3A_342 = arith.addi %rem3A_328, %add3A_341 : vector<16xi32>
        %select_n3A_343 = arith.select %and3A_340, %add3A_342, %rem3A_328 : vector<16xi1>, vector<16xi32>
        %mul3A_344 = arith.constant 64 : i32
        %mul3A_345 = vector.broadcast %mul3A_344 : i32 to vector<16xi32>
        %mul3A_346 = arith.muli %select_n3A_343, %mul3A_345 : vector<16xi32>
        %add3A_347 = arith.constant 80 : i32
        %add3A_348 = vector.broadcast %add3A_347 : i32 to vector<16xi32>
        %add3A_349 = arith.addi %iota3A, %add3A_348 : vector<16xi32>
        %jit3A_350 = arith.constant 2 : i32
        %div3A_351 = vector.broadcast %jit3A_350 : i32 to vector<16xi32>
        %div3A_352 = arith.divsi %add3A_349, %div3A_351 : vector<16xi32>
        %sign3A_353 = arith.constant 0 : i32
        %sign3A_354 = vector.broadcast %sign3A_353 : i32 to vector<16xi32>
        %sign3A_355 = arith.cmpi sgt, %add3A_349, %sign3A_354 : vector<16xi32>
        %sign3A_356 = arith.extui %sign3A_355 : vector<16xi1> to vector<16xi32>
        %sign3A_357 = arith.constant 0 : i32
        %sign3A_358 = vector.broadcast %sign3A_357 : i32 to vector<16xi32>
        %sign3A_359 = arith.cmpi slt, %add3A_349, %sign3A_358 : vector<16xi32>
        %sign3A_360 = arith.extui %sign3A_359 : vector<16xi1> to vector<16xi32>
        %sign3A_361 = arith.subi %sign3A_356, %sign3A_360 : vector<16xi32>
        %sign3A_362 = arith.constant 0 : i32
        %sign3A_363 = arith.cmpi sgt, %jit3A_350, %sign3A_362 : i32
        %sign3A_364 = arith.extui %sign3A_363 : i1 to i32
        %sign3A_365 = arith.constant 0 : i32
        %sign3A_366 = arith.cmpi slt, %jit3A_350, %sign3A_365 : i32
        %sign3A_367 = arith.extui %sign3A_366 : i1 to i32
        %sign3A_368 = arith.subi %sign3A_364, %sign3A_367 : i32
        %ne3A_369 = vector.broadcast %sign3A_368 : i32 to vector<16xi32>
        %ne3A_370 = arith.cmpi ne, %sign3A_361, %ne3A_369 : vector<16xi32>
        %rem3A_371 = vector.broadcast %jit3A_350 : i32 to vector<16xi32>
        %rem3A_372 = arith.remsi %add3A_349, %rem3A_371 : vector<16xi32>
        %ne3A_373 = arith.constant 0 : i32
        %ne3A_374 = vector.broadcast %ne3A_373 : i32 to vector<16xi32>
        %ne3A_375 = arith.cmpi ne, %rem3A_372, %ne3A_374 : vector<16xi32>
        %and3A_376 = arith.andi %ne3A_370, %ne3A_375 : vector<16xi1>
        %sub3A_377 = arith.constant 1 : i32
        %sub3A_378 = vector.broadcast %sub3A_377 : i32 to vector<16xi32>
        %sub3A_379 = arith.subi %div3A_352, %sub3A_378 : vector<16xi32>
        %select_n3A_380 = arith.select %and3A_376, %sub3A_379, %div3A_352 : vector<16xi1>, vector<16xi32>
        %jit3A_381 = arith.constant 2 : i32
        %eq3A_382 = arith.constant 0 : i32
        %eq3A_383 = arith.cmpi eq, %jit3A_381, %eq3A_382 : i32
        %jit3A_384 = arith.constant 1 : i32
        %select_n3A_385 = arith.select %eq3A_383, %jit3A_384, %jit3A_381 : i32
        %rem3A_386 = vector.broadcast %select_n3A_385 : i32 to vector<16xi32>
        %rem3A_387 = arith.remsi %add3A_349, %rem3A_386 : vector<16xi32>
        %ne3A_388 = arith.constant 0 : i32
        %ne3A_389 = vector.broadcast %ne3A_388 : i32 to vector<16xi32>
        %ne3A_390 = arith.cmpi ne, %rem3A_387, %ne3A_389 : vector<16xi32>
        %lt3A_391 = arith.constant 0 : i32
        %lt3A_392 = vector.broadcast %lt3A_391 : i32 to vector<16xi32>
        %lt3A_393 = arith.cmpi slt, %rem3A_387, %lt3A_392 : vector<16xi32>
        %lt3A_394 = arith.constant 0 : i32
        %lt3A_395 = arith.cmpi slt, %select_n3A_385, %lt3A_394 : i32
        %ne3A_396 = vector.broadcast %lt3A_395 : i1 to vector<16xi1>
        %ne3A_397 = vector.broadcast %ne3A_396 : vector<16xi1> to vector<16xi1>
        %ne3A_398 = arith.xori %lt3A_393, %ne3A_397 : vector<16xi1>
        %and3A_399 = arith.andi %ne3A_398, %ne3A_390 : vector<16xi1>
        %add3A_400 = vector.broadcast %select_n3A_385 : i32 to vector<16xi32>
        %add3A_401 = arith.addi %rem3A_387, %add3A_400 : vector<16xi32>
        %select_n3A_402 = arith.select %and3A_399, %add3A_401, %rem3A_387 : vector<16xi1>, vector<16xi32>
        %mul3A_403 = arith.constant 64 : i32
        %mul3A_404 = vector.broadcast %mul3A_403 : i32 to vector<16xi32>
        %mul3A_405 = arith.muli %select_n3A_402, %mul3A_404 : vector<16xi32>
        %add3A_406 = arith.constant 96 : i32
        %add3A_407 = vector.broadcast %add3A_406 : i32 to vector<16xi32>
        %add3A_408 = arith.addi %iota3A, %add3A_407 : vector<16xi32>
        %jit3A_409 = arith.constant 2 : i32
        %div3A_410 = vector.broadcast %jit3A_409 : i32 to vector<16xi32>
        %div3A_411 = arith.divsi %add3A_408, %div3A_410 : vector<16xi32>
        %sign3A_412 = arith.constant 0 : i32
        %sign3A_413 = vector.broadcast %sign3A_412 : i32 to vector<16xi32>
        %sign3A_414 = arith.cmpi sgt, %add3A_408, %sign3A_413 : vector<16xi32>
        %sign3A_415 = arith.extui %sign3A_414 : vector<16xi1> to vector<16xi32>
        %sign3A_416 = arith.constant 0 : i32
        %sign3A_417 = vector.broadcast %sign3A_416 : i32 to vector<16xi32>
        %sign3A_418 = arith.cmpi slt, %add3A_408, %sign3A_417 : vector<16xi32>
        %sign3A_419 = arith.extui %sign3A_418 : vector<16xi1> to vector<16xi32>
        %sign3A_420 = arith.subi %sign3A_415, %sign3A_419 : vector<16xi32>
        %sign3A_421 = arith.constant 0 : i32
        %sign3A_422 = arith.cmpi sgt, %jit3A_409, %sign3A_421 : i32
        %sign3A_423 = arith.extui %sign3A_422 : i1 to i32
        %sign3A_424 = arith.constant 0 : i32
        %sign3A_425 = arith.cmpi slt, %jit3A_409, %sign3A_424 : i32
        %sign3A_426 = arith.extui %sign3A_425 : i1 to i32
        %sign3A_427 = arith.subi %sign3A_423, %sign3A_426 : i32
        %ne3A_428 = vector.broadcast %sign3A_427 : i32 to vector<16xi32>
        %ne3A_429 = arith.cmpi ne, %sign3A_420, %ne3A_428 : vector<16xi32>
        %rem3A_430 = vector.broadcast %jit3A_409 : i32 to vector<16xi32>
        %rem3A_431 = arith.remsi %add3A_408, %rem3A_430 : vector<16xi32>
        %ne3A_432 = arith.constant 0 : i32
        %ne3A_433 = vector.broadcast %ne3A_432 : i32 to vector<16xi32>
        %ne3A_434 = arith.cmpi ne, %rem3A_431, %ne3A_433 : vector<16xi32>
        %and3A_435 = arith.andi %ne3A_429, %ne3A_434 : vector<16xi1>
        %sub3A_436 = arith.constant 1 : i32
        %sub3A_437 = vector.broadcast %sub3A_436 : i32 to vector<16xi32>
        %sub3A_438 = arith.subi %div3A_411, %sub3A_437 : vector<16xi32>
        %select_n3A_439 = arith.select %and3A_435, %sub3A_438, %div3A_411 : vector<16xi1>, vector<16xi32>
        %jit3A_440 = arith.constant 2 : i32
        %eq3A_441 = arith.constant 0 : i32
        %eq3A_442 = arith.cmpi eq, %jit3A_440, %eq3A_441 : i32
        %jit3A_443 = arith.constant 1 : i32
        %select_n3A_444 = arith.select %eq3A_442, %jit3A_443, %jit3A_440 : i32
        %rem3A_445 = vector.broadcast %select_n3A_444 : i32 to vector<16xi32>
        %rem3A_446 = arith.remsi %add3A_408, %rem3A_445 : vector<16xi32>
        %ne3A_447 = arith.constant 0 : i32
        %ne3A_448 = vector.broadcast %ne3A_447 : i32 to vector<16xi32>
        %ne3A_449 = arith.cmpi ne, %rem3A_446, %ne3A_448 : vector<16xi32>
        %lt3A_450 = arith.constant 0 : i32
        %lt3A_451 = vector.broadcast %lt3A_450 : i32 to vector<16xi32>
        %lt3A_452 = arith.cmpi slt, %rem3A_446, %lt3A_451 : vector<16xi32>
        %lt3A_453 = arith.constant 0 : i32
        %lt3A_454 = arith.cmpi slt, %select_n3A_444, %lt3A_453 : i32
        %ne3A_455 = vector.broadcast %lt3A_454 : i1 to vector<16xi1>
        %ne3A_456 = vector.broadcast %ne3A_455 : vector<16xi1> to vector<16xi1>
        %ne3A_457 = arith.xori %lt3A_452, %ne3A_456 : vector<16xi1>
        %and3A_458 = arith.andi %ne3A_457, %ne3A_449 : vector<16xi1>
        %add3A_459 = vector.broadcast %select_n3A_444 : i32 to vector<16xi32>
        %add3A_460 = arith.addi %rem3A_446, %add3A_459 : vector<16xi32>
        %select_n3A_461 = arith.select %and3A_458, %add3A_460, %rem3A_446 : vector<16xi1>, vector<16xi32>
        %mul3A_462 = arith.constant 64 : i32
        %mul3A_463 = vector.broadcast %mul3A_462 : i32 to vector<16xi32>
        %mul3A_464 = arith.muli %select_n3A_461, %mul3A_463 : vector<16xi32>
        %add3A_465 = arith.constant 112 : i32
        %add3A_466 = vector.broadcast %add3A_465 : i32 to vector<16xi32>
        %add3A_467 = arith.addi %iota3A, %add3A_466 : vector<16xi32>
        %jit3A_468 = arith.constant 2 : i32
        %div3A_469 = vector.broadcast %jit3A_468 : i32 to vector<16xi32>
        %div3A_470 = arith.divsi %add3A_467, %div3A_469 : vector<16xi32>
        %sign3A_471 = arith.constant 0 : i32
        %sign3A_472 = vector.broadcast %sign3A_471 : i32 to vector<16xi32>
        %sign3A_473 = arith.cmpi sgt, %add3A_467, %sign3A_472 : vector<16xi32>
        %sign3A_474 = arith.extui %sign3A_473 : vector<16xi1> to vector<16xi32>
        %sign3A_475 = arith.constant 0 : i32
        %sign3A_476 = vector.broadcast %sign3A_475 : i32 to vector<16xi32>
        %sign3A_477 = arith.cmpi slt, %add3A_467, %sign3A_476 : vector<16xi32>
        %sign3A_478 = arith.extui %sign3A_477 : vector<16xi1> to vector<16xi32>
        %sign3A_479 = arith.subi %sign3A_474, %sign3A_478 : vector<16xi32>
        %sign3A_480 = arith.constant 0 : i32
        %sign3A_481 = arith.cmpi sgt, %jit3A_468, %sign3A_480 : i32
        %sign3A_482 = arith.extui %sign3A_481 : i1 to i32
        %sign3A_483 = arith.constant 0 : i32
        %sign3A_484 = arith.cmpi slt, %jit3A_468, %sign3A_483 : i32
        %sign3A_485 = arith.extui %sign3A_484 : i1 to i32
        %sign3A_486 = arith.subi %sign3A_482, %sign3A_485 : i32
        %ne3A_487 = vector.broadcast %sign3A_486 : i32 to vector<16xi32>
        %ne3A_488 = arith.cmpi ne, %sign3A_479, %ne3A_487 : vector<16xi32>
        %rem3A_489 = vector.broadcast %jit3A_468 : i32 to vector<16xi32>
        %rem3A_490 = arith.remsi %add3A_467, %rem3A_489 : vector<16xi32>
        %ne3A_491 = arith.constant 0 : i32
        %ne3A_492 = vector.broadcast %ne3A_491 : i32 to vector<16xi32>
        %ne3A_493 = arith.cmpi ne, %rem3A_490, %ne3A_492 : vector<16xi32>
        %and3A_494 = arith.andi %ne3A_488, %ne3A_493 : vector<16xi1>
        %sub3A_495 = arith.constant 1 : i32
        %sub3A_496 = vector.broadcast %sub3A_495 : i32 to vector<16xi32>
        %sub3A_497 = arith.subi %div3A_470, %sub3A_496 : vector<16xi32>
        %select_n3A_498 = arith.select %and3A_494, %sub3A_497, %div3A_470 : vector<16xi1>, vector<16xi32>
        %jit3A_499 = arith.constant 2 : i32
        %eq3A_500 = arith.constant 0 : i32
        %eq3A_501 = arith.cmpi eq, %jit3A_499, %eq3A_500 : i32
        %jit3A_502 = arith.constant 1 : i32
        %select_n3A_503 = arith.select %eq3A_501, %jit3A_502, %jit3A_499 : i32
        %rem3A_504 = vector.broadcast %select_n3A_503 : i32 to vector<16xi32>
        %rem3A_505 = arith.remsi %add3A_467, %rem3A_504 : vector<16xi32>
        %ne3A_506 = arith.constant 0 : i32
        %ne3A_507 = vector.broadcast %ne3A_506 : i32 to vector<16xi32>
        %ne3A_508 = arith.cmpi ne, %rem3A_505, %ne3A_507 : vector<16xi32>
        %lt3A_509 = arith.constant 0 : i32
        %lt3A_510 = vector.broadcast %lt3A_509 : i32 to vector<16xi32>
        %lt3A_511 = arith.cmpi slt, %rem3A_505, %lt3A_510 : vector<16xi32>
        %lt3A_512 = arith.constant 0 : i32
        %lt3A_513 = arith.cmpi slt, %select_n3A_503, %lt3A_512 : i32
        %ne3A_514 = vector.broadcast %lt3A_513 : i1 to vector<16xi1>
        %ne3A_515 = vector.broadcast %ne3A_514 : vector<16xi1> to vector<16xi1>
        %ne3A_516 = arith.xori %lt3A_511, %ne3A_515 : vector<16xi1>
        %and3A_517 = arith.andi %ne3A_516, %ne3A_508 : vector<16xi1>
        %add3A_518 = vector.broadcast %select_n3A_503 : i32 to vector<16xi32>
        %add3A_519 = arith.addi %rem3A_505, %add3A_518 : vector<16xi32>
        %select_n3A_520 = arith.select %and3A_517, %add3A_519, %rem3A_505 : vector<16xi1>, vector<16xi32>
        %mul3A_521 = arith.constant 64 : i32
        %mul3A_522 = vector.broadcast %mul3A_521 : i32 to vector<16xi32>
        %mul3A_523 = arith.muli %select_n3A_520, %mul3A_522 : vector<16xi32>
        %scan3A_524 = arith.constant 0 : i32
        %scan3A_525 = arith.constant 16 : i32
        %scan3A_526 = arith.addi %scan3A_524, %scan3A_525 : i32
        %scan3A_527 = arith.constant 1 : i32
        scf.for %scan3A_538 = %scan3A_524 to %scan3A_526 step %scan3A_527  : i32 {
          %mul3A_539 = arith.constant 1 : i32
          %mul3A_540 = arith.muli %scan3A_538, %mul3A_539 : i32
          %add3A_541 = arith.constant 0 : i32
          %add3A_542 = arith.addi %add3A_541, %mul3A_540 : i32
          %add3A_543 = vector.broadcast %add3A_542 : i32 to vector<16xi32>
          %add3A_544 = arith.addi %iota3A, %add3A_543 : vector<16xi32>
          %jit3A_545 = arith.constant 16 : i32
          %eq3A_546 = arith.constant 0 : i32
          %eq3A_547 = arith.cmpi eq, %jit3A_545, %eq3A_546 : i32
          %jit3A_548 = arith.constant 1 : i32
          %select_n3A_549 = arith.select %eq3A_547, %jit3A_548, %jit3A_545 : i32
          %rem3A_550 = vector.broadcast %select_n3A_549 : i32 to vector<16xi32>
          %rem3A_551 = arith.remsi %add3A_544, %rem3A_550 : vector<16xi32>
          %ne3A_552 = arith.constant 0 : i32
          %ne3A_553 = vector.broadcast %ne3A_552 : i32 to vector<16xi32>
          %ne3A_554 = arith.cmpi ne, %rem3A_551, %ne3A_553 : vector<16xi32>
          %lt3A_555 = arith.constant 0 : i32
          %lt3A_556 = vector.broadcast %lt3A_555 : i32 to vector<16xi32>
          %lt3A_557 = arith.cmpi slt, %rem3A_551, %lt3A_556 : vector<16xi32>
          %lt3A_558 = arith.constant 0 : i32
          %lt3A_559 = arith.cmpi slt, %select_n3A_549, %lt3A_558 : i32
          %ne3A_560 = vector.broadcast %lt3A_559 : i1 to vector<16xi1>
          %ne3A_561 = vector.broadcast %ne3A_560 : vector<16xi1> to vector<16xi1>
          %ne3A_562 = arith.xori %lt3A_557, %ne3A_561 : vector<16xi1>
          %and3A_563 = arith.andi %ne3A_562, %ne3A_554 : vector<16xi1>
          %add3A_564 = vector.broadcast %select_n3A_549 : i32 to vector<16xi32>
          %add3A_565 = arith.addi %rem3A_551, %add3A_564 : vector<16xi32>
          %select_n3A_566 = arith.select %and3A_563, %add3A_565, %rem3A_551 : vector<16xi1>, vector<16xi32>
          %add3A_567 = arith.constant 0 : i32
          %add3A_568 = vector.broadcast %add3A_567 : i32 to vector<16xi32>
          %add3A_569 = arith.addi %select_n3A_566, %add3A_568 : vector<16xi32>
          %gather3A = tpu.vector_load_idx %arg5[%add3A_569, %add3A_60] : memref<64x128xf32, #tpu.memory_space<vmem>>[vector<16xi32>, vector<16xi32>], vector<16xf32>,
          %add3A_570 = arith.addi %mul3A_110, %add3A_569 : vector<16xi32>
          %add3A_571 = arith.constant 16 : i32
          %add3A_572 = vector.broadcast %add3A_571 : i32 to vector<16xi32>
          %add3A_573 = arith.addi %select_n3A_566, %add3A_572 : vector<16xi32>
          %gather3A_574 = tpu.vector_load_idx %arg5[%add3A_573, %add3A_60] : memref<64x128xf32, #tpu.memory_space<vmem>>[vector<16xi32>, vector<16xi32>], vector<16xf32>,
          %add3A_575 = arith.addi %mul3A_110, %add3A_573 : vector<16xi32>
          %add3A_576 = arith.constant 32 : i32
          %add3A_577 = vector.broadcast %add3A_576 : i32 to vector<16xi32>
          %add3A_578 = arith.addi %select_n3A_566, %add3A_577 : vector<16xi32>
          %gather3A_579 = tpu.vector_load_idx %arg5[%add3A_578, %add3A_60] : memref<64x128xf32, #tpu.memory_space<vmem>>[vector<16xi32>, vector<16xi32>], vector<16xf32>,
          %add3A_580 = arith.addi %mul3A_110, %add3A_578 : vector<16xi32>
          %add3A_581 = arith.constant 48 : i32
          %add3A_582 = vector.broadcast %add3A_581 : i32 to vector<16xi32>
          %add3A_583 = arith.addi %select_n3A_566, %add3A_582 : vector<16xi32>
          %gather3A_584 = tpu.vector_load_idx %arg5[%add3A_583, %add3A_60] : memref<64x128xf32, #tpu.memory_space<vmem>>[vector<16xi32>, vector<16xi32>], vector<16xf32>,
          %add3A_585 = arith.addi %mul3A_110, %add3A_583 : vector<16xi32>
          %add3A_586 = arith.constant 0 : i32
          %add3A_587 = vector.broadcast %add3A_586 : i32 to vector<16xi32>
          %add3A_588 = arith.addi %select_n3A_566, %add3A_587 : vector<16xi32>
          %gather3A_589 = tpu.vector_load_idx %arg5[%add3A_588, %add3A_113] : memref<64x128xf32, #tpu.memory_space<vmem>>[vector<16xi32>, vector<16xi32>], vector<16xf32>,
          %add3A_590 = arith.addi %mul3A_169, %add3A_588 : vector<16xi32>
          %add3A_591 = arith.constant 16 : i32
          %add3A_592 = vector.broadcast %add3A_591 : i32 to vector<16xi32>
          %add3A_593 = arith.addi %select_n3A_566, %add3A_592 : vector<16xi32>
          %gather3A_594 = tpu.vector_load_idx %arg5[%add3A_593, %add3A_113] : memref<64x128xf32, #tpu.memory_space<vmem>>[vector<16xi32>, vector<16xi32>], vector<16xf32>,
          %add3A_595 = arith.addi %mul3A_169, %add3A_593 : vector<16xi32>
          %add3A_596 = arith.constant 32 : i32
          %add3A_597 = vector.broadcast %add3A_596 : i32 to vector<16xi32>
          %add3A_598 = arith.addi %select_n3A_566, %add3A_597 : vector<16xi32>
          %gather3A_599 = tpu.vector_load_idx %arg5[%add3A_598, %add3A_113] : memref<64x128xf32, #tpu.memory_space<vmem>>[vector<16xi32>, vector<16xi32>], vector<16xf32>,
          %add3A_600 = arith.addi %mul3A_169, %add3A_598 : vector<16xi32>
          %add3A_601 = arith.constant 48 : i32
          %add3A_602 = vector.broadcast %add3A_601 : i32 to vector<16xi32>
          %add3A_603 = arith.addi %select_n3A_566, %add3A_602 : vector<16xi32>
          %gather3A_604 = tpu.vector_load_idx %arg5[%add3A_603, %add3A_113] : memref<64x128xf32, #tpu.memory_space<vmem>>[vector<16xi32>, vector<16xi32>], vector<16xf32>,
          %add3A_605 = arith.addi %mul3A_169, %add3A_603 : vector<16xi32>
          %add3A_606 = arith.constant 0 : i32
          %add3A_607 = vector.broadcast %add3A_606 : i32 to vector<16xi32>
          %add3A_608 = arith.addi %select_n3A_566, %add3A_607 : vector<16xi32>
          %gather3A_609 = tpu.vector_load_idx %arg5[%add3A_608, %add3A_172] : memref<64x128xf32, #tpu.memory_space<vmem>>[vector<16xi32>, vector<16xi32>], vector<16xf32>,
          %add3A_610 = arith.addi %mul3A_228, %add3A_608 : vector<16xi32>
          %add3A_611 = arith.constant 16 : i32
          %add3A_612 = vector.broadcast %add3A_611 : i32 to vector<16xi32>
          %add3A_613 = arith.addi %select_n3A_566, %add3A_612 : vector<16xi32>
          %gather3A_614 = tpu.vector_load_idx %arg5[%add3A_613, %add3A_172] : memref<64x128xf32, #tpu.memory_space<vmem>>[vector<16xi32>, vector<16xi32>], vector<16xf32>,
          %add3A_615 = arith.addi %mul3A_228, %add3A_613 : vector<16xi32>
          %add3A_616 = arith.constant 32 : i32
          %add3A_617 = vector.broadcast %add3A_616 : i32 to vector<16xi32>
          %add3A_618 = arith.addi %select_n3A_566, %add3A_617 : vector<16xi32>
          %gather3A_619 = tpu.vector_load_idx %arg5[%add3A_618, %add3A_172] : memref<64x128xf32, #tpu.memory_space<vmem>>[vector<16xi32>, vector<16xi32>], vector<16xf32>,
          %add3A_620 = arith.addi %mul3A_228, %add3A_618 : vector<16xi32>
          tpu.vector_store_idx %arg7[%select_n3A_85, %add3A_570], %gather3A : memref<64x128xf32, #tpu.memory_space<vmem>>[vector<16xi32>, vector<16xi32>], vector<16xf32>,
          %add3A_621 = arith.constant 48 : i32
          %add3A_622 = vector.broadcast %add3A_621 : i32 to vector<16xi32>
          %add3A_623 = arith.addi %select_n3A_566, %add3A_622 : vector<16xi32>
          %gather3A_624 = tpu.vector_load_idx %arg5[%add3A_623, %add3A_172] : memref<64x128xf32, #tpu.memory_space<vmem>>[vector<16xi32>, vector<16xi32>], vector<16xf32>,
          %add3A_625 = arith.addi %mul3A_228, %add3A_623 : vector<16xi32>
          tpu.vector_store_idx %arg7[%select_n3A_85, %add3A_575], %gather3A_574 : memref<64x128xf32, #tpu.memory_space<vmem>>[vector<16xi32>, vector<16xi32>], vector<16xf32>,
          %add3A_626 = arith.constant 0 : i32
          %add3A_627 = vector.broadcast %add3A_626 : i32 to vector<16xi32>
          %add3A_628 = arith.addi %select_n3A_566, %add3A_627 : vector<16xi32>
          %gather3A_629 = tpu.vector_load_idx %arg5[%add3A_628, %add3A_231] : memref<64x128xf32, #tpu.memory_space<vmem>>[vector<16xi32>, vector<16xi32>], vector<16xf32>,
          %add3A_630 = arith.addi %mul3A_287, %add3A_628 : vector<16xi32>
          tpu.vector_store_idx %arg7[%select_n3A_85, %add3A_580], %gather3A_579 : memref<64x128xf32, #tpu.memory_space<vmem>>[vector<16xi32>, vector<16xi32>], vector<16xf32>,
          %add3A_631 = arith.constant 16 : i32
          %add3A_632 = vector.broadcast %add3A_631 : i32 to vector<16xi32>
          %add3A_633 = arith.addi %select_n3A_566, %add3A_632 : vector<16xi32>
          %gather3A_634 = tpu.vector_load_idx %arg5[%add3A_633, %add3A_231] : memref<64x128xf32, #tpu.memory_space<vmem>>[vector<16xi32>, vector<16xi32>], vector<16xf32>,
          %add3A_635 = arith.addi %mul3A_287, %add3A_633 : vector<16xi32>
          tpu.vector_store_idx %arg7[%select_n3A_85, %add3A_585], %gather3A_584 : memref<64x128xf32, #tpu.memory_space<vmem>>[vector<16xi32>, vector<16xi32>], vector<16xf32>,
          %add3A_636 = arith.constant 32 : i32
          %add3A_637 = vector.broadcast %add3A_636 : i32 to vector<16xi32>
          %add3A_638 = arith.addi %select_n3A_566, %add3A_637 : vector<16xi32>
          %gather3A_639 = tpu.vector_load_idx %arg5[%add3A_638, %add3A_231] : memref<64x128xf32, #tpu.memory_space<vmem>>[vector<16xi32>, vector<16xi32>], vector<16xf32>,
          %add3A_640 = arith.addi %mul3A_287, %add3A_638 : vector<16xi32>
          tpu.vector_store_idx %arg7[%select_n3A_144, %add3A_590], %gather3A_589 : memref<64x128xf32, #tpu.memory_space<vmem>>[vector<16xi32>, vector<16xi32>], vector<16xf32>,
          %add3A_641 = arith.constant 48 : i32
          %add3A_642 = vector.broadcast %add3A_641 : i32 to vector<16xi32>
          %add3A_643 = arith.addi %select_n3A_566, %add3A_642 : vector<16xi32>
          %gather3A_644 = tpu.vector_load_idx %arg5[%add3A_643, %add3A_231] : memref<64x128xf32, #tpu.memory_space<vmem>>[vector<16xi32>, vector<16xi32>], vector<16xf32>,
          %add3A_645 = arith.addi %mul3A_287, %add3A_643 : vector<16xi32>
          tpu.vector_store_idx %arg7[%select_n3A_144, %add3A_595], %gather3A_594 : memref<64x128xf32, #tpu.memory_space<vmem>>[vector<16xi32>, vector<16xi32>], vector<16xf32>,
          %add3A_646 = arith.constant 0 : i32
          %add3A_647 = vector.broadcast %add3A_646 : i32 to vector<16xi32>
          %add3A_648 = arith.addi %select_n3A_566, %add3A_647 : vector<16xi32>
          %gather3A_649 = tpu.vector_load_idx %arg5[%add3A_648, %add3A_290] : memref<64x128xf32, #tpu.memory_space<vmem>>[vector<16xi32>, vector<16xi32>], vector<16xf32>,
          %add3A_650 = arith.addi %mul3A_346, %add3A_648 : vector<16xi32>
          tpu.vector_store_idx %arg7[%select_n3A_144, %add3A_600], %gather3A_599 : memref<64x128xf32, #tpu.memory_space<vmem>>[vector<16xi32>, vector<16xi32>], vector<16xf32>,
          %add3A_651 = arith.constant 16 : i32
          %add3A_652 = vector.broadcast %add3A_651 : i32 to vector<16xi32>
          %add3A_653 = arith.addi %select_n3A_566, %add3A_652 : vector<16xi32>
          %gather3A_654 = tpu.vector_load_idx %arg5[%add3A_653, %add3A_290] : memref<64x128xf32, #tpu.memory_space<vmem>>[vector<16xi32>, vector<16xi32>], vector<16xf32>,
          %add3A_655 = arith.addi %mul3A_346, %add3A_653 : vector<16xi32>
          tpu.vector_store_idx %arg7[%select_n3A_144, %add3A_605], %gather3A_604 : memref<64x128xf32, #tpu.memory_space<vmem>>[vector<16xi32>, vector<16xi32>], vector<16xf32>,
          %add3A_656 = arith.constant 32 : i32
          %add3A_657 = vector.broadcast %add3A_656 : i32 to vector<16xi32>
          %add3A_658 = arith.addi %select_n3A_566, %add3A_657 : vector<16xi32>
          %gather3A_659 = tpu.vector_load_idx %arg5[%add3A_658, %add3A_290] : memref<64x128xf32, #tpu.memory_space<vmem>>[vector<16xi32>, vector<16xi32>], vector<16xf32>,
          %add3A_660 = arith.addi %mul3A_346, %add3A_658 : vector<16xi32>
          tpu.vector_store_idx %arg7[%select_n3A_203, %add3A_610], %gather3A_609 : memref<64x128xf32, #tpu.memory_space<vmem>>[vector<16xi32>, vector<16xi32>], vector<16xf32>,
          %add3A_661 = arith.constant 48 : i32
          %add3A_662 = vector.broadcast %add3A_661 : i32 to vector<16xi32>
          %add3A_663 = arith.addi %select_n3A_566, %add3A_662 : vector<16xi32>
          %gather3A_664 = tpu.vector_load_idx %arg5[%add3A_663, %add3A_290] : memref<64x128xf32, #tpu.memory_space<vmem>>[vector<16xi32>, vector<16xi32>], vector<16xf32>,
          %add3A_665 = arith.addi %mul3A_346, %add3A_663 : vector<16xi32>
          tpu.vector_store_idx %arg7[%select_n3A_203, %add3A_615], %gather3A_614 : memref<64x128xf32, #tpu.memory_space<vmem>>[vector<16xi32>, vector<16xi32>], vector<16xf32>,
          %add3A_666 = arith.constant 0 : i32
          %add3A_667 = vector.broadcast %add3A_666 : i32 to vector<16xi32>
          %add3A_668 = arith.addi %select_n3A_566, %add3A_667 : vector<16xi32>
          %gather3A_669 = tpu.vector_load_idx %arg5[%add3A_668, %add3A_349] : memref<64x128xf32, #tpu.memory_space<vmem>>[vector<16xi32>, vector<16xi32>], vector<16xf32>,
          %add3A_670 = arith.addi %mul3A_405, %add3A_668 : vector<16xi32>
          tpu.vector_store_idx %arg7[%select_n3A_203, %add3A_620], %gather3A_619 : memref<64x128xf32, #tpu.memory_space<vmem>>[vector<16xi32>, vector<16xi32>], vector<16xf32>,
          %add3A_671 = arith.constant 16 : i32
          %add3A_672 = vector.broadcast %add3A_671 : i32 to vector<16xi32>
          %add3A_673 = arith.addi %select_n3A_566, %add3A_672 : vector<16xi32>
          %gather3A_674 = tpu.vector_load_idx %arg5[%add3A_673, %add3A_349] : memref<64x128xf32, #tpu.memory_space<vmem>>[vector<16xi32>, vector<16xi32>], vector<16xf32>,
          %add3A_675 = arith.addi %mul3A_405, %add3A_673 : vector<16xi32>
          tpu.vector_store_idx %arg7[%select_n3A_203, %add3A_625], %gather3A_624 : memref<64x128xf32, #tpu.memory_space<vmem>>[vector<16xi32>, vector<16xi32>], vector<16xf32>,
          %add3A_676 = arith.constant 32 : i32
          %add3A_677 = vector.broadcast %add3A_676 : i32 to vector<16xi32>
          %add3A_678 = arith.addi %select_n3A_566, %add3A_677 : vector<16xi32>
          %gather3A_679 = tpu.vector_load_idx %arg5[%add3A_678, %add3A_349] : memref<64x128xf32, #tpu.memory_space<vmem>>[vector<16xi32>, vector<16xi32>], vector<16xf32>,
          %add3A_680 = arith.addi %mul3A_405, %add3A_678 : vector<16xi32>
          tpu.vector_store_idx %arg7[%select_n3A_262, %add3A_630], %gather3A_629 : memref<64x128xf32, #tpu.memory_space<vmem>>[vector<16xi32>, vector<16xi32>], vector<16xf32>,
          %add3A_681 = arith.constant 48 : i32
          %add3A_682 = vector.broadcast %add3A_681 : i32 to vector<16xi32>
          %add3A_683 = arith.addi %select_n3A_566, %add3A_682 : vector<16xi32>
          %gather3A_684 = tpu.vector_load_idx %arg5[%add3A_683, %add3A_349] : memref<64x128xf32, #tpu.memory_space<vmem>>[vector<16xi32>, vector<16xi32>], vector<16xf32>,
          %add3A_685 = arith.addi %mul3A_405, %add3A_683 : vector<16xi32>
          tpu.vector_store_idx %arg7[%select_n3A_262, %add3A_635], %gather3A_634 : memref<64x128xf32, #tpu.memory_space<vmem>>[vector<16xi32>, vector<16xi32>], vector<16xf32>,
          %add3A_686 = arith.constant 0 : i32
          %add3A_687 = vector.broadcast %add3A_686 : i32 to vector<16xi32>
          %add3A_688 = arith.addi %select_n3A_566, %add3A_687 : vector<16xi32>
          %gather3A_689 = tpu.vector_load_idx %arg5[%add3A_688, %add3A_408] : memref<64x128xf32, #tpu.memory_space<vmem>>[vector<16xi32>, vector<16xi32>], vector<16xf32>,
          %add3A_690 = arith.addi %mul3A_464, %add3A_688 : vector<16xi32>
          tpu.vector_store_idx %arg7[%select_n3A_262, %add3A_640], %gather3A_639 : memref<64x128xf32, #tpu.memory_space<vmem>>[vector<16xi32>, vector<16xi32>], vector<16xf32>,
          %add3A_691 = arith.constant 16 : i32
          %add3A_692 = vector.broadcast %add3A_691 : i32 to vector<16xi32>
          %add3A_693 = arith.addi %select_n3A_566, %add3A_692 : vector<16xi32>
          %gather3A_694 = tpu.vector_load_idx %arg5[%add3A_693, %add3A_408] : memref<64x128xf32, #tpu.memory_space<vmem>>[vector<16xi32>, vector<16xi32>], vector<16xf32>,
          %add3A_695 = arith.addi %mul3A_464, %add3A_693 : vector<16xi32>
          tpu.vector_store_idx %arg7[%select_n3A_262, %add3A_645], %gather3A_644 : memref<64x128xf32, #tpu.memory_space<vmem>>[vector<16xi32>, vector<16xi32>], vector<16xf32>,
          %add3A_696 = arith.constant 32 : i32
          %add3A_697 = vector.broadcast %add3A_696 : i32 to vector<16xi32>
          %add3A_698 = arith.addi %select_n3A_566, %add3A_697 : vector<16xi32>
          %gather3A_699 = tpu.vector_load_idx %arg5[%add3A_698, %add3A_408] : memref<64x128xf32, #tpu.memory_space<vmem>>[vector<16xi32>, vector<16xi32>], vector<16xf32>,
          %add3A_700 = arith.addi %mul3A_464, %add3A_698 : vector<16xi32>
          tpu.vector_store_idx %arg7[%select_n3A_321, %add3A_650], %gather3A_649 : memref<64x128xf32, #tpu.memory_space<vmem>>[vector<16xi32>, vector<16xi32>], vector<16xf32>,
          %add3A_701 = arith.constant 48 : i32
          %add3A_702 = vector.broadcast %add3A_701 : i32 to vector<16xi32>
          %add3A_703 = arith.addi %select_n3A_566, %add3A_702 : vector<16xi32>
          %gather3A_704 = tpu.vector_load_idx %arg5[%add3A_703, %add3A_408] : memref<64x128xf32, #tpu.memory_space<vmem>>[vector<16xi32>, vector<16xi32>], vector<16xf32>,
          %add3A_705 = arith.addi %mul3A_464, %add3A_703 : vector<16xi32>
          tpu.vector_store_idx %arg7[%select_n3A_321, %add3A_655], %gather3A_654 : memref<64x128xf32, #tpu.memory_space<vmem>>[vector<16xi32>, vector<16xi32>], vector<16xf32>,
          %add3A_706 = arith.constant 0 : i32
          %add3A_707 = vector.broadcast %add3A_706 : i32 to vector<16xi32>
          %add3A_708 = arith.addi %select_n3A_566, %add3A_707 : vector<16xi32>
          %gather3A_709 = tpu.vector_load_idx %arg5[%add3A_708, %add3A_467] : memref<64x128xf32, #tpu.memory_space<vmem>>[vector<16xi32>, vector<16xi32>], vector<16xf32>,
          %add3A_710 = arith.addi %mul3A_523, %add3A_708 : vector<16xi32>
          tpu.vector_store_idx %arg7[%select_n3A_321, %add3A_660], %gather3A_659 : memref<64x128xf32, #tpu.memory_space<vmem>>[vector<16xi32>, vector<16xi32>], vector<16xf32>,
          %add3A_711 = arith.constant 16 : i32
          %add3A_712 = vector.broadcast %add3A_711 : i32 to vector<16xi32>
          %add3A_713 = arith.addi %select_n3A_566, %add3A_712 : vector<16xi32>
          %gather3A_714 = tpu.vector_load_idx %arg5[%add3A_713, %add3A_467] : memref<64x128xf32, #tpu.memory_space<vmem>>[vector<16xi32>, vector<16xi32>], vector<16xf32>,
          %add3A_715 = arith.addi %mul3A_523, %add3A_713 : vector<16xi32>
          tpu.vector_store_idx %arg7[%select_n3A_321, %add3A_665], %gather3A_664 : memref<64x128xf32, #tpu.memory_space<vmem>>[vector<16xi32>, vector<16xi32>], vector<16xf32>,
          %add3A_716 = arith.constant 32 : i32
          %add3A_717 = vector.broadcast %add3A_716 : i32 to vector<16xi32>
          %add3A_718 = arith.addi %select_n3A_566, %add3A_717 : vector<16xi32>
          %gather3A_719 = tpu.vector_load_idx %arg5[%add3A_718, %add3A_467] : memref<64x128xf32, #tpu.memory_space<vmem>>[vector<16xi32>, vector<16xi32>], vector<16xf32>,
          %add3A_720 = arith.addi %mul3A_523, %add3A_718 : vector<16xi32>
          tpu.vector_store_idx %arg7[%select_n3A_380, %add3A_670], %gather3A_669 : memref<64x128xf32, #tpu.memory_space<vmem>>[vector<16xi32>, vector<16xi32>], vector<16xf32>,
          %add3A_721 = arith.constant 48 : i32
          %add3A_722 = vector.broadcast %add3A_721 : i32 to vector<16xi32>
          %add3A_723 = arith.addi %select_n3A_566, %add3A_722 : vector<16xi32>
          %gather3A_724 = tpu.vector_load_idx %arg5[%add3A_723, %add3A_467] : memref<64x128xf32, #tpu.memory_space<vmem>>[vector<16xi32>, vector<16xi32>], vector<16xf32>,
          %add3A_725 = arith.addi %mul3A_523, %add3A_723 : vector<16xi32>
          tpu.vector_store_idx %arg7[%select_n3A_380, %add3A_675], %gather3A_674 : memref<64x128xf32, #tpu.memory_space<vmem>>[vector<16xi32>, vector<16xi32>], vector<16xf32>,
          tpu.vector_store_idx %arg7[%select_n3A_380, %add3A_680], %gather3A_679 : memref<64x128xf32, #tpu.memory_space<vmem>>[vector<16xi32>, vector<16xi32>], vector<16xf32>,
          tpu.vector_store_idx %arg7[%select_n3A_380, %add3A_685], %gather3A_684 : memref<64x128xf32, #tpu.memory_space<vmem>>[vector<16xi32>, vector<16xi32>], vector<16xf32>,
          tpu.vector_store_idx %arg7[%select_n3A_439, %add3A_690], %gather3A_689 : memref<64x128xf32, #tpu.memory_space<vmem>>[vector<16xi32>, vector<16xi32>], vector<16xf32>,
          tpu.vector_store_idx %arg7[%select_n3A_439, %add3A_695], %gather3A_694 : memref<64x128xf32, #tpu.memory_space<vmem>>[vector<16xi32>, vector<16xi32>], vector<16xf32>,
          tpu.vector_store_idx %arg7[%select_n3A_439, %add3A_700], %gather3A_699 : memref<64x128xf32, #tpu.memory_space<vmem>>[vector<16xi32>, vector<16xi32>], vector<16xf32>,
          tpu.vector_store_idx %arg7[%select_n3A_439, %add3A_705], %gather3A_704 : memref<64x128xf32, #tpu.memory_space<vmem>>[vector<16xi32>, vector<16xi32>], vector<16xf32>,
          tpu.vector_store_idx %arg7[%select_n3A_498, %add3A_710], %gather3A_709 : memref<64x128xf32, #tpu.memory_space<vmem>>[vector<16xi32>, vector<16xi32>], vector<16xf32>,
          tpu.vector_store_idx %arg7[%select_n3A_498, %add3A_715], %gather3A_714 : memref<64x128xf32, #tpu.memory_space<vmem>>[vector<16xi32>, vector<16xi32>], vector<16xf32>,
          tpu.vector_store_idx %arg7[%select_n3A_498, %add3A_720], %gather3A_719 : memref<64x128xf32, #tpu.memory_space<vmem>>[vector<16xi32>, vector<16xi32>], vector<16xf32>,
          tpu.vector_store_idx %arg7[%select_n3A_498, %add3A_725], %gather3A_724 : memref<64x128xf32, #tpu.memory_space<vmem>>[vector<16xi32>, vector<16xi32>], vector<16xf32>,
        }
        %scan3A_528 = arith.constant 16 : i32
        %mul3A_529 = arith.constant 32 : i32
        %mul3A_530 = arith.muli %mul3A_529, %add3A_37 : i32
        %add3A_531 = arith.addi %add3A, %mul3A_530 : i32
        %mul3A_532 = arith.constant 64 : i32
        %mul3A_533 = arith.muli %add3A_531, %mul3A_532 : i32
        %dma_start3A_534 = arith.constant 0 : i32
        %dma_start3A_535 = tpu.memref_slice %arg3[%mul3A_533, %dma_start3A_534] : memref<500000x128xf32, #tpu.memory_space<hbm>> -> memref<64x128xf32, #tpu.memory_space<hbm>>
        %dma_start3A_536 = arith.constant 0 : i32
        %dma_start3A_537 = tpu.memref_slice %arg3[%mul3A_533, %dma_start3A_536] : memref<500000x128xf32, #tpu.memory_space<hbm>> -> memref<64x128xf32, #tpu.memory_space<hbm>>
        tpu.enqueue_dma source(%arg7 : memref<64x128xf32, #tpu.memory_space<vmem>>) target(%dma_start3A_537 : memref<64x128xf32, #tpu.memory_space<hbm>>) target_semaphore(%arg13 : memref<!tpu.dma_semaphore, #tpu.memory_space<semaphore_mem>>)
      } else {
      }
    }
    %scan3A_13 = arith.constant 123 : i32
    %ge3A = arith.constant 2 : i32
    %ge3A_14 = arith.cmpi sge, %select_n3A, %ge3A : i32
    %convert_element_type3A = arith.extui %ge3A_14 : i1 to i32
    %cond3A = arith.constant 0 : i32
    %cond3A_15 = arith.cmpi ne, %convert_element_type3A, %cond3A : i32
    scf.if %cond3A_15 {
      %dma_wait3A = arith.constant 0 : i32
      %dma_wait3A_25 = arith.constant 0 : i32
      %dma_wait3A_26 = tpu.memref_slice %arg3[%dma_wait3A, %dma_wait3A_25] : memref<500000x128xf32, #tpu.memory_space<hbm>> -> memref<64x128xf32, #tpu.memory_space<hbm>>
      %dma_wait3A_27 = arith.constant 0 : i32
      %dma_wait3A_28 = arith.constant 0 : i32
      %dma_wait3A_29 = tpu.memref_slice %arg3[%dma_wait3A_27, %dma_wait3A_28] : memref<500000x128xf32, #tpu.memory_space<hbm>> -> memref<64x128xf32, #tpu.memory_space<hbm>>
      tpu.wait_dma2 semaphore(%arg12 : memref<!tpu.dma_semaphore, #tpu.memory_space<semaphore_mem>>) src(%arg6 : memref<64x128xf32, #tpu.memory_space<vmem>>) dst(%dma_wait3A_29 : memref<64x128xf32, #tpu.memory_space<hbm>>)
    } else {
    }
    %ge3A_16 = arith.constant 1 : i32
    %ge3A_17 = arith.cmpi sge, %select_n3A, %ge3A_16 : i32
    %convert_element_type3A_18 = arith.extui %ge3A_17 : i1 to i32
    %cond3A_19 = arith.constant 0 : i32
    %cond3A_20 = arith.cmpi ne, %convert_element_type3A_18, %cond3A_19 : i32
    scf.if %cond3A_20 {
      %dma_wait3A = arith.constant 0 : i32
      %dma_wait3A_25 = arith.constant 0 : i32
      %dma_wait3A_26 = tpu.memref_slice %arg3[%dma_wait3A, %dma_wait3A_25] : memref<500000x128xf32, #tpu.memory_space<hbm>> -> memref<64x128xf32, #tpu.memory_space<hbm>>
      %dma_wait3A_27 = arith.constant 0 : i32
      %dma_wait3A_28 = arith.constant 0 : i32
      %dma_wait3A_29 = tpu.memref_slice %arg3[%dma_wait3A_27, %dma_wait3A_28] : memref<500000x128xf32, #tpu.memory_space<hbm>> -> memref<64x128xf32, #tpu.memory_space<hbm>>
      tpu.wait_dma2 semaphore(%arg13 : memref<!tpu.dma_semaphore, #tpu.memory_space<semaphore_mem>>) src(%arg7 : memref<64x128xf32, #tpu.memory_space<vmem>>) dst(%dma_wait3A_29 : memref<64x128xf32, #tpu.memory_space<hbm>>)
    } else {
    }
    %eq3A = arith.constant 0 : i32
    %eq3A_21 = arith.cmpi eq, %add3A, %eq3A : i32
    %convert_element_type3A_22 = arith.extui %eq3A_21 : i1 to i32
    %cond3A_23 = arith.constant 0 : i32
    %cond3A_24 = arith.cmpi ne, %convert_element_type3A_22, %cond3A_23 : i32
    scf.if %cond3A_24 {
      "tpu.region"() ({
        %run_scoped3A = tpu.sem_alloc : memref<!tpu.dma_semaphore, #tpu.memory_space<semaphore_mem>>
        %dma_start3A_260 = arith.constant 0 : i32
        %dma_start3A_261 = arith.constant 999936 : i32
        %dma_start3A_262 = tpu.memref_slice %arg2[%dma_start3A_260, %dma_start3A_261] : memref<64x1000000xf32, #tpu.memory_space<hbm>> -> memref<64x64xf32, #tpu.memory_space<hbm>>
        %dma_start3A_263 = arith.constant 0 : i32
        %dma_start3A_264 = arith.constant 999936 : i32
        %dma_start3A_265 = tpu.memref_slice %arg2[%dma_start3A_263, %dma_start3A_264] : memref<64x1000000xf32, #tpu.memory_space<hbm>> -> memref<64x64xf32, #tpu.memory_space<hbm>>
        tpu.enqueue_dma source(%dma_start3A_265 : memref<64x64xf32, #tpu.memory_space<hbm>>) target(%arg8 : memref<64x64xf32, #tpu.memory_space<vmem>>) target_semaphore(%run_scoped3A : memref<!tpu.dma_semaphore, #tpu.memory_space<semaphore_mem>>)
        %dma_wait3A = arith.constant 0 : i32
        %dma_wait3A_266 = arith.constant 999936 : i32
        %dma_wait3A_267 = tpu.memref_slice %arg2[%dma_wait3A, %dma_wait3A_266] : memref<64x1000000xf32, #tpu.memory_space<hbm>> -> memref<64x64xf32, #tpu.memory_space<hbm>>
        %dma_wait3A_268 = arith.constant 0 : i32
        %dma_wait3A_269 = arith.constant 999936 : i32
        %dma_wait3A_270 = tpu.memref_slice %arg2[%dma_wait3A_268, %dma_wait3A_269] : memref<64x1000000xf32, #tpu.memory_space<hbm>> -> memref<64x64xf32, #tpu.memory_space<hbm>>
        tpu.wait_dma2 semaphore(%run_scoped3A : memref<!tpu.dma_semaphore, #tpu.memory_space<semaphore_mem>>) src(%dma_wait3A_270 : memref<64x64xf32, #tpu.memory_space<hbm>>) dst(%arg8 : memref<64x64xf32, #tpu.memory_space<vmem>>)
        tpu.yield
      }) : () -> ()
      %iota3A = tpu.iota {dimensions = array<i32: 0>} : vector<16xi32>
      %add3A_25 = arith.constant 0 : i32
      %add3A_26 = vector.broadcast %add3A_25 : i32 to vector<16xi32>
      %add3A_27 = arith.addi %iota3A, %add3A_26 : vector<16xi32>
      %jit3A_28 = arith.constant 2 : i32
      %div3A = vector.broadcast %jit3A_28 : i32 to vector<16xi32>
      %div3A_29 = arith.divsi %add3A_27, %div3A : vector<16xi32>
      %sign3A = arith.constant 0 : i32
      %sign3A_30 = vector.broadcast %sign3A : i32 to vector<16xi32>
      %sign3A_31 = arith.cmpi sgt, %add3A_27, %sign3A_30 : vector<16xi32>
      %sign3A_32 = arith.extui %sign3A_31 : vector<16xi1> to vector<16xi32>
      %sign3A_33 = arith.constant 0 : i32
      %sign3A_34 = vector.broadcast %sign3A_33 : i32 to vector<16xi32>
      %sign3A_35 = arith.cmpi slt, %add3A_27, %sign3A_34 : vector<16xi32>
      %sign3A_36 = arith.extui %sign3A_35 : vector<16xi1> to vector<16xi32>
      %sign3A_37 = arith.subi %sign3A_32, %sign3A_36 : vector<16xi32>
      %sign3A_38 = arith.constant 0 : i32
      %sign3A_39 = arith.cmpi sgt, %jit3A_28, %sign3A_38 : i32
      %sign3A_40 = arith.extui %sign3A_39 : i1 to i32
      %sign3A_41 = arith.constant 0 : i32
      %sign3A_42 = arith.cmpi slt, %jit3A_28, %sign3A_41 : i32
      %sign3A_43 = arith.extui %sign3A_42 : i1 to i32
      %sign3A_44 = arith.subi %sign3A_40, %sign3A_43 : i32
      %ne3A = vector.broadcast %sign3A_44 : i32 to vector<16xi32>
      %ne3A_45 = arith.cmpi ne, %sign3A_37, %ne3A : vector<16xi32>
      %rem3A = vector.broadcast %jit3A_28 : i32 to vector<16xi32>
      %rem3A_46 = arith.remsi %add3A_27, %rem3A : vector<16xi32>
      %ne3A_47 = arith.constant 0 : i32
      %ne3A_48 = vector.broadcast %ne3A_47 : i32 to vector<16xi32>
      %ne3A_49 = arith.cmpi ne, %rem3A_46, %ne3A_48 : vector<16xi32>
      %and3A = arith.andi %ne3A_45, %ne3A_49 : vector<16xi1>
      %sub3A = arith.constant 1 : i32
      %sub3A_50 = vector.broadcast %sub3A : i32 to vector<16xi32>
      %sub3A_51 = arith.subi %div3A_29, %sub3A_50 : vector<16xi32>
      %select_n3A_52 = arith.select %and3A, %sub3A_51, %div3A_29 : vector<16xi1>, vector<16xi32>
      %jit3A_53 = arith.constant 2 : i32
      %eq3A_54 = arith.constant 0 : i32
      %eq3A_55 = arith.cmpi eq, %jit3A_53, %eq3A_54 : i32
      %jit3A_56 = arith.constant 1 : i32
      %select_n3A_57 = arith.select %eq3A_55, %jit3A_56, %jit3A_53 : i32
      %rem3A_58 = vector.broadcast %select_n3A_57 : i32 to vector<16xi32>
      %rem3A_59 = arith.remsi %add3A_27, %rem3A_58 : vector<16xi32>
      %ne3A_60 = arith.constant 0 : i32
      %ne3A_61 = vector.broadcast %ne3A_60 : i32 to vector<16xi32>
      %ne3A_62 = arith.cmpi ne, %rem3A_59, %ne3A_61 : vector<16xi32>
      %lt3A_63 = arith.constant 0 : i32
      %lt3A_64 = vector.broadcast %lt3A_63 : i32 to vector<16xi32>
      %lt3A_65 = arith.cmpi slt, %rem3A_59, %lt3A_64 : vector<16xi32>
      %lt3A_66 = arith.constant 0 : i32
      %lt3A_67 = arith.cmpi slt, %select_n3A_57, %lt3A_66 : i32
      %ne3A_68 = vector.broadcast %lt3A_67 : i1 to vector<16xi1>
      %ne3A_69 = vector.broadcast %ne3A_68 : vector<16xi1> to vector<16xi1>
      %ne3A_70 = arith.xori %lt3A_65, %ne3A_69 : vector<16xi1>
      %and3A_71 = arith.andi %ne3A_70, %ne3A_62 : vector<16xi1>
      %add3A_72 = vector.broadcast %select_n3A_57 : i32 to vector<16xi32>
      %add3A_73 = arith.addi %rem3A_59, %add3A_72 : vector<16xi32>
      %select_n3A_74 = arith.select %and3A_71, %add3A_73, %rem3A_59 : vector<16xi1>, vector<16xi32>
      %mul3A_75 = arith.constant 64 : i32
      %mul3A_76 = vector.broadcast %mul3A_75 : i32 to vector<16xi32>
      %mul3A_77 = arith.muli %select_n3A_74, %mul3A_76 : vector<16xi32>
      %add3A_78 = arith.constant 16 : i32
      %add3A_79 = vector.broadcast %add3A_78 : i32 to vector<16xi32>
      %add3A_80 = arith.addi %iota3A, %add3A_79 : vector<16xi32>
      %jit3A_81 = arith.constant 2 : i32
      %div3A_82 = vector.broadcast %jit3A_81 : i32 to vector<16xi32>
      %div3A_83 = arith.divsi %add3A_80, %div3A_82 : vector<16xi32>
      %sign3A_84 = arith.constant 0 : i32
      %sign3A_85 = vector.broadcast %sign3A_84 : i32 to vector<16xi32>
      %sign3A_86 = arith.cmpi sgt, %add3A_80, %sign3A_85 : vector<16xi32>
      %sign3A_87 = arith.extui %sign3A_86 : vector<16xi1> to vector<16xi32>
      %sign3A_88 = arith.constant 0 : i32
      %sign3A_89 = vector.broadcast %sign3A_88 : i32 to vector<16xi32>
      %sign3A_90 = arith.cmpi slt, %add3A_80, %sign3A_89 : vector<16xi32>
      %sign3A_91 = arith.extui %sign3A_90 : vector<16xi1> to vector<16xi32>
      %sign3A_92 = arith.subi %sign3A_87, %sign3A_91 : vector<16xi32>
      %sign3A_93 = arith.constant 0 : i32
      %sign3A_94 = arith.cmpi sgt, %jit3A_81, %sign3A_93 : i32
      %sign3A_95 = arith.extui %sign3A_94 : i1 to i32
      %sign3A_96 = arith.constant 0 : i32
      %sign3A_97 = arith.cmpi slt, %jit3A_81, %sign3A_96 : i32
      %sign3A_98 = arith.extui %sign3A_97 : i1 to i32
      %sign3A_99 = arith.subi %sign3A_95, %sign3A_98 : i32
      %ne3A_100 = vector.broadcast %sign3A_99 : i32 to vector<16xi32>
      %ne3A_101 = arith.cmpi ne, %sign3A_92, %ne3A_100 : vector<16xi32>
      %rem3A_102 = vector.broadcast %jit3A_81 : i32 to vector<16xi32>
      %rem3A_103 = arith.remsi %add3A_80, %rem3A_102 : vector<16xi32>
      %ne3A_104 = arith.constant 0 : i32
      %ne3A_105 = vector.broadcast %ne3A_104 : i32 to vector<16xi32>
      %ne3A_106 = arith.cmpi ne, %rem3A_103, %ne3A_105 : vector<16xi32>
      %and3A_107 = arith.andi %ne3A_101, %ne3A_106 : vector<16xi1>
      %sub3A_108 = arith.constant 1 : i32
      %sub3A_109 = vector.broadcast %sub3A_108 : i32 to vector<16xi32>
      %sub3A_110 = arith.subi %div3A_83, %sub3A_109 : vector<16xi32>
      %select_n3A_111 = arith.select %and3A_107, %sub3A_110, %div3A_83 : vector<16xi1>, vector<16xi32>
      %jit3A_112 = arith.constant 2 : i32
      %eq3A_113 = arith.constant 0 : i32
      %eq3A_114 = arith.cmpi eq, %jit3A_112, %eq3A_113 : i32
      %jit3A_115 = arith.constant 1 : i32
      %select_n3A_116 = arith.select %eq3A_114, %jit3A_115, %jit3A_112 : i32
      %rem3A_117 = vector.broadcast %select_n3A_116 : i32 to vector<16xi32>
      %rem3A_118 = arith.remsi %add3A_80, %rem3A_117 : vector<16xi32>
      %ne3A_119 = arith.constant 0 : i32
      %ne3A_120 = vector.broadcast %ne3A_119 : i32 to vector<16xi32>
      %ne3A_121 = arith.cmpi ne, %rem3A_118, %ne3A_120 : vector<16xi32>
      %lt3A_122 = arith.constant 0 : i32
      %lt3A_123 = vector.broadcast %lt3A_122 : i32 to vector<16xi32>
      %lt3A_124 = arith.cmpi slt, %rem3A_118, %lt3A_123 : vector<16xi32>
      %lt3A_125 = arith.constant 0 : i32
      %lt3A_126 = arith.cmpi slt, %select_n3A_116, %lt3A_125 : i32
      %ne3A_127 = vector.broadcast %lt3A_126 : i1 to vector<16xi1>
      %ne3A_128 = vector.broadcast %ne3A_127 : vector<16xi1> to vector<16xi1>
      %ne3A_129 = arith.xori %lt3A_124, %ne3A_128 : vector<16xi1>
      %and3A_130 = arith.andi %ne3A_129, %ne3A_121 : vector<16xi1>
      %add3A_131 = vector.broadcast %select_n3A_116 : i32 to vector<16xi32>
      %add3A_132 = arith.addi %rem3A_118, %add3A_131 : vector<16xi32>
      %select_n3A_133 = arith.select %and3A_130, %add3A_132, %rem3A_118 : vector<16xi1>, vector<16xi32>
      %mul3A_134 = arith.constant 64 : i32
      %mul3A_135 = vector.broadcast %mul3A_134 : i32 to vector<16xi32>
      %mul3A_136 = arith.muli %select_n3A_133, %mul3A_135 : vector<16xi32>
      %add3A_137 = arith.constant 32 : i32
      %add3A_138 = vector.broadcast %add3A_137 : i32 to vector<16xi32>
      %add3A_139 = arith.addi %iota3A, %add3A_138 : vector<16xi32>
      %jit3A_140 = arith.constant 2 : i32
      %div3A_141 = vector.broadcast %jit3A_140 : i32 to vector<16xi32>
      %div3A_142 = arith.divsi %add3A_139, %div3A_141 : vector<16xi32>
      %sign3A_143 = arith.constant 0 : i32
      %sign3A_144 = vector.broadcast %sign3A_143 : i32 to vector<16xi32>
      %sign3A_145 = arith.cmpi sgt, %add3A_139, %sign3A_144 : vector<16xi32>
      %sign3A_146 = arith.extui %sign3A_145 : vector<16xi1> to vector<16xi32>
      %sign3A_147 = arith.constant 0 : i32
      %sign3A_148 = vector.broadcast %sign3A_147 : i32 to vector<16xi32>
      %sign3A_149 = arith.cmpi slt, %add3A_139, %sign3A_148 : vector<16xi32>
      %sign3A_150 = arith.extui %sign3A_149 : vector<16xi1> to vector<16xi32>
      %sign3A_151 = arith.subi %sign3A_146, %sign3A_150 : vector<16xi32>
      %sign3A_152 = arith.constant 0 : i32
      %sign3A_153 = arith.cmpi sgt, %jit3A_140, %sign3A_152 : i32
      %sign3A_154 = arith.extui %sign3A_153 : i1 to i32
      %sign3A_155 = arith.constant 0 : i32
      %sign3A_156 = arith.cmpi slt, %jit3A_140, %sign3A_155 : i32
      %sign3A_157 = arith.extui %sign3A_156 : i1 to i32
      %sign3A_158 = arith.subi %sign3A_154, %sign3A_157 : i32
      %ne3A_159 = vector.broadcast %sign3A_158 : i32 to vector<16xi32>
      %ne3A_160 = arith.cmpi ne, %sign3A_151, %ne3A_159 : vector<16xi32>
      %rem3A_161 = vector.broadcast %jit3A_140 : i32 to vector<16xi32>
      %rem3A_162 = arith.remsi %add3A_139, %rem3A_161 : vector<16xi32>
      %ne3A_163 = arith.constant 0 : i32
      %ne3A_164 = vector.broadcast %ne3A_163 : i32 to vector<16xi32>
      %ne3A_165 = arith.cmpi ne, %rem3A_162, %ne3A_164 : vector<16xi32>
      %and3A_166 = arith.andi %ne3A_160, %ne3A_165 : vector<16xi1>
      %sub3A_167 = arith.constant 1 : i32
      %sub3A_168 = vector.broadcast %sub3A_167 : i32 to vector<16xi32>
      %sub3A_169 = arith.subi %div3A_142, %sub3A_168 : vector<16xi32>
      %select_n3A_170 = arith.select %and3A_166, %sub3A_169, %div3A_142 : vector<16xi1>, vector<16xi32>
      %jit3A_171 = arith.constant 2 : i32
      %eq3A_172 = arith.constant 0 : i32
      %eq3A_173 = arith.cmpi eq, %jit3A_171, %eq3A_172 : i32
      %jit3A_174 = arith.constant 1 : i32
      %select_n3A_175 = arith.select %eq3A_173, %jit3A_174, %jit3A_171 : i32
      %rem3A_176 = vector.broadcast %select_n3A_175 : i32 to vector<16xi32>
      %rem3A_177 = arith.remsi %add3A_139, %rem3A_176 : vector<16xi32>
      %ne3A_178 = arith.constant 0 : i32
      %ne3A_179 = vector.broadcast %ne3A_178 : i32 to vector<16xi32>
      %ne3A_180 = arith.cmpi ne, %rem3A_177, %ne3A_179 : vector<16xi32>
      %lt3A_181 = arith.constant 0 : i32
      %lt3A_182 = vector.broadcast %lt3A_181 : i32 to vector<16xi32>
      %lt3A_183 = arith.cmpi slt, %rem3A_177, %lt3A_182 : vector<16xi32>
      %lt3A_184 = arith.constant 0 : i32
      %lt3A_185 = arith.cmpi slt, %select_n3A_175, %lt3A_184 : i32
      %ne3A_186 = vector.broadcast %lt3A_185 : i1 to vector<16xi1>
      %ne3A_187 = vector.broadcast %ne3A_186 : vector<16xi1> to vector<16xi1>
      %ne3A_188 = arith.xori %lt3A_183, %ne3A_187 : vector<16xi1>
      %and3A_189 = arith.andi %ne3A_188, %ne3A_180 : vector<16xi1>
      %add3A_190 = vector.broadcast %select_n3A_175 : i32 to vector<16xi32>
      %add3A_191 = arith.addi %rem3A_177, %add3A_190 : vector<16xi32>
      %select_n3A_192 = arith.select %and3A_189, %add3A_191, %rem3A_177 : vector<16xi1>, vector<16xi32>
      %mul3A_193 = arith.constant 64 : i32
      %mul3A_194 = vector.broadcast %mul3A_193 : i32 to vector<16xi32>
      %mul3A_195 = arith.muli %select_n3A_192, %mul3A_194 : vector<16xi32>
      %add3A_196 = arith.constant 48 : i32
      %add3A_197 = vector.broadcast %add3A_196 : i32 to vector<16xi32>
      %add3A_198 = arith.addi %iota3A, %add3A_197 : vector<16xi32>
      %jit3A_199 = arith.constant 2 : i32
      %div3A_200 = vector.broadcast %jit3A_199 : i32 to vector<16xi32>
      %div3A_201 = arith.divsi %add3A_198, %div3A_200 : vector<16xi32>
      %sign3A_202 = arith.constant 0 : i32
      %sign3A_203 = vector.broadcast %sign3A_202 : i32 to vector<16xi32>
      %sign3A_204 = arith.cmpi sgt, %add3A_198, %sign3A_203 : vector<16xi32>
      %sign3A_205 = arith.extui %sign3A_204 : vector<16xi1> to vector<16xi32>
      %sign3A_206 = arith.constant 0 : i32
      %sign3A_207 = vector.broadcast %sign3A_206 : i32 to vector<16xi32>
      %sign3A_208 = arith.cmpi slt, %add3A_198, %sign3A_207 : vector<16xi32>
      %sign3A_209 = arith.extui %sign3A_208 : vector<16xi1> to vector<16xi32>
      %sign3A_210 = arith.subi %sign3A_205, %sign3A_209 : vector<16xi32>
      %sign3A_211 = arith.constant 0 : i32
      %sign3A_212 = arith.cmpi sgt, %jit3A_199, %sign3A_211 : i32
      %sign3A_213 = arith.extui %sign3A_212 : i1 to i32
      %sign3A_214 = arith.constant 0 : i32
      %sign3A_215 = arith.cmpi slt, %jit3A_199, %sign3A_214 : i32
      %sign3A_216 = arith.extui %sign3A_215 : i1 to i32
      %sign3A_217 = arith.subi %sign3A_213, %sign3A_216 : i32
      %ne3A_218 = vector.broadcast %sign3A_217 : i32 to vector<16xi32>
      %ne3A_219 = arith.cmpi ne, %sign3A_210, %ne3A_218 : vector<16xi32>
      %rem3A_220 = vector.broadcast %jit3A_199 : i32 to vector<16xi32>
      %rem3A_221 = arith.remsi %add3A_198, %rem3A_220 : vector<16xi32>
      %ne3A_222 = arith.constant 0 : i32
      %ne3A_223 = vector.broadcast %ne3A_222 : i32 to vector<16xi32>
      %ne3A_224 = arith.cmpi ne, %rem3A_221, %ne3A_223 : vector<16xi32>
      %and3A_225 = arith.andi %ne3A_219, %ne3A_224 : vector<16xi1>
      %sub3A_226 = arith.constant 1 : i32
      %sub3A_227 = vector.broadcast %sub3A_226 : i32 to vector<16xi32>
      %sub3A_228 = arith.subi %div3A_201, %sub3A_227 : vector<16xi32>
      %select_n3A_229 = arith.select %and3A_225, %sub3A_228, %div3A_201 : vector<16xi1>, vector<16xi32>
      %jit3A_230 = arith.constant 2 : i32
      %eq3A_231 = arith.constant 0 : i32
      %eq3A_232 = arith.cmpi eq, %jit3A_230, %eq3A_231 : i32
      %jit3A_233 = arith.constant 1 : i32
      %select_n3A_234 = arith.select %eq3A_232, %jit3A_233, %jit3A_230 : i32
      %rem3A_235 = vector.broadcast %select_n3A_234 : i32 to vector<16xi32>
      %rem3A_236 = arith.remsi %add3A_198, %rem3A_235 : vector<16xi32>
      %ne3A_237 = arith.constant 0 : i32
      %ne3A_238 = vector.broadcast %ne3A_237 : i32 to vector<16xi32>
      %ne3A_239 = arith.cmpi ne, %rem3A_236, %ne3A_238 : vector<16xi32>
      %lt3A_240 = arith.constant 0 : i32
      %lt3A_241 = vector.broadcast %lt3A_240 : i32 to vector<16xi32>
      %lt3A_242 = arith.cmpi slt, %rem3A_236, %lt3A_241 : vector<16xi32>
      %lt3A_243 = arith.constant 0 : i32
      %lt3A_244 = arith.cmpi slt, %select_n3A_234, %lt3A_243 : i32
      %ne3A_245 = vector.broadcast %lt3A_244 : i1 to vector<16xi1>
      %ne3A_246 = vector.broadcast %ne3A_245 : vector<16xi1> to vector<16xi1>
      %ne3A_247 = arith.xori %lt3A_242, %ne3A_246 : vector<16xi1>
      %and3A_248 = arith.andi %ne3A_247, %ne3A_239 : vector<16xi1>
      %add3A_249 = vector.broadcast %select_n3A_234 : i32 to vector<16xi32>
      %add3A_250 = arith.addi %rem3A_236, %add3A_249 : vector<16xi32>
      %select_n3A_251 = arith.select %and3A_248, %add3A_250, %rem3A_236 : vector<16xi1>, vector<16xi32>
      %mul3A_252 = arith.constant 64 : i32
      %mul3A_253 = vector.broadcast %mul3A_252 : i32 to vector<16xi32>
      %mul3A_254 = arith.muli %select_n3A_251, %mul3A_253 : vector<16xi32>
      %scan3A_255 = arith.constant 0 : i32
      %scan3A_256 = arith.constant 16 : i32
      %scan3A_257 = arith.addi %scan3A_255, %scan3A_256 : i32
      %scan3A_258 = arith.constant 1 : i32
      scf.for %scan3A_260 = %scan3A_255 to %scan3A_257 step %scan3A_258  : i32 {
        %mul3A_261 = arith.constant 1 : i32
        %mul3A_262 = arith.muli %scan3A_260, %mul3A_261 : i32
        %add3A_263 = arith.constant 0 : i32
        %add3A_264 = arith.addi %add3A_263, %mul3A_262 : i32
        %add3A_265 = vector.broadcast %add3A_264 : i32 to vector<16xi32>
        %add3A_266 = arith.addi %iota3A, %add3A_265 : vector<16xi32>
        %jit3A_267 = arith.constant 16 : i32
        %eq3A_268 = arith.constant 0 : i32
        %eq3A_269 = arith.cmpi eq, %jit3A_267, %eq3A_268 : i32
        %jit3A_270 = arith.constant 1 : i32
        %select_n3A_271 = arith.select %eq3A_269, %jit3A_270, %jit3A_267 : i32
        %rem3A_272 = vector.broadcast %select_n3A_271 : i32 to vector<16xi32>
        %rem3A_273 = arith.remsi %add3A_266, %rem3A_272 : vector<16xi32>
        %ne3A_274 = arith.constant 0 : i32
        %ne3A_275 = vector.broadcast %ne3A_274 : i32 to vector<16xi32>
        %ne3A_276 = arith.cmpi ne, %rem3A_273, %ne3A_275 : vector<16xi32>
        %lt3A_277 = arith.constant 0 : i32
        %lt3A_278 = vector.broadcast %lt3A_277 : i32 to vector<16xi32>
        %lt3A_279 = arith.cmpi slt, %rem3A_273, %lt3A_278 : vector<16xi32>
        %lt3A_280 = arith.constant 0 : i32
        %lt3A_281 = arith.cmpi slt, %select_n3A_271, %lt3A_280 : i32
        %ne3A_282 = vector.broadcast %lt3A_281 : i1 to vector<16xi1>
        %ne3A_283 = vector.broadcast %ne3A_282 : vector<16xi1> to vector<16xi1>
        %ne3A_284 = arith.xori %lt3A_279, %ne3A_283 : vector<16xi1>
        %and3A_285 = arith.andi %ne3A_284, %ne3A_276 : vector<16xi1>
        %add3A_286 = vector.broadcast %select_n3A_271 : i32 to vector<16xi32>
        %add3A_287 = arith.addi %rem3A_273, %add3A_286 : vector<16xi32>
        %select_n3A_288 = arith.select %and3A_285, %add3A_287, %rem3A_273 : vector<16xi1>, vector<16xi32>
        %add3A_289 = arith.constant 0 : i32
        %add3A_290 = vector.broadcast %add3A_289 : i32 to vector<16xi32>
        %add3A_291 = arith.addi %select_n3A_288, %add3A_290 : vector<16xi32>
        %gather3A = tpu.vector_load_idx %arg8[%add3A_291, %add3A_27] : memref<64x64xf32, #tpu.memory_space<vmem>>[vector<16xi32>, vector<16xi32>], vector<16xf32>,
        %add3A_292 = arith.addi %mul3A_77, %add3A_291 : vector<16xi32>
        %add3A_293 = arith.constant 16 : i32
        %add3A_294 = vector.broadcast %add3A_293 : i32 to vector<16xi32>
        %add3A_295 = arith.addi %select_n3A_288, %add3A_294 : vector<16xi32>
        %gather3A_296 = tpu.vector_load_idx %arg8[%add3A_295, %add3A_27] : memref<64x64xf32, #tpu.memory_space<vmem>>[vector<16xi32>, vector<16xi32>], vector<16xf32>,
        %add3A_297 = arith.addi %mul3A_77, %add3A_295 : vector<16xi32>
        %add3A_298 = arith.constant 32 : i32
        %add3A_299 = vector.broadcast %add3A_298 : i32 to vector<16xi32>
        %add3A_300 = arith.addi %select_n3A_288, %add3A_299 : vector<16xi32>
        %gather3A_301 = tpu.vector_load_idx %arg8[%add3A_300, %add3A_27] : memref<64x64xf32, #tpu.memory_space<vmem>>[vector<16xi32>, vector<16xi32>], vector<16xf32>,
        %add3A_302 = arith.addi %mul3A_77, %add3A_300 : vector<16xi32>
        %add3A_303 = arith.constant 48 : i32
        %add3A_304 = vector.broadcast %add3A_303 : i32 to vector<16xi32>
        %add3A_305 = arith.addi %select_n3A_288, %add3A_304 : vector<16xi32>
        %gather3A_306 = tpu.vector_load_idx %arg8[%add3A_305, %add3A_27] : memref<64x64xf32, #tpu.memory_space<vmem>>[vector<16xi32>, vector<16xi32>], vector<16xf32>,
        %add3A_307 = arith.addi %mul3A_77, %add3A_305 : vector<16xi32>
        %add3A_308 = arith.constant 0 : i32
        %add3A_309 = vector.broadcast %add3A_308 : i32 to vector<16xi32>
        %add3A_310 = arith.addi %select_n3A_288, %add3A_309 : vector<16xi32>
        %gather3A_311 = tpu.vector_load_idx %arg8[%add3A_310, %add3A_80] : memref<64x64xf32, #tpu.memory_space<vmem>>[vector<16xi32>, vector<16xi32>], vector<16xf32>,
        %add3A_312 = arith.addi %mul3A_136, %add3A_310 : vector<16xi32>
        %add3A_313 = arith.constant 16 : i32
        %add3A_314 = vector.broadcast %add3A_313 : i32 to vector<16xi32>
        %add3A_315 = arith.addi %select_n3A_288, %add3A_314 : vector<16xi32>
        %gather3A_316 = tpu.vector_load_idx %arg8[%add3A_315, %add3A_80] : memref<64x64xf32, #tpu.memory_space<vmem>>[vector<16xi32>, vector<16xi32>], vector<16xf32>,
        %add3A_317 = arith.addi %mul3A_136, %add3A_315 : vector<16xi32>
        %add3A_318 = arith.constant 32 : i32
        %add3A_319 = vector.broadcast %add3A_318 : i32 to vector<16xi32>
        %add3A_320 = arith.addi %select_n3A_288, %add3A_319 : vector<16xi32>
        %gather3A_321 = tpu.vector_load_idx %arg8[%add3A_320, %add3A_80] : memref<64x64xf32, #tpu.memory_space<vmem>>[vector<16xi32>, vector<16xi32>], vector<16xf32>,
        %add3A_322 = arith.addi %mul3A_136, %add3A_320 : vector<16xi32>
        %add3A_323 = arith.constant 48 : i32
        %add3A_324 = vector.broadcast %add3A_323 : i32 to vector<16xi32>
        %add3A_325 = arith.addi %select_n3A_288, %add3A_324 : vector<16xi32>
        %gather3A_326 = tpu.vector_load_idx %arg8[%add3A_325, %add3A_80] : memref<64x64xf32, #tpu.memory_space<vmem>>[vector<16xi32>, vector<16xi32>], vector<16xf32>,
        %add3A_327 = arith.addi %mul3A_136, %add3A_325 : vector<16xi32>
        %add3A_328 = arith.constant 0 : i32
        %add3A_329 = vector.broadcast %add3A_328 : i32 to vector<16xi32>
        %add3A_330 = arith.addi %select_n3A_288, %add3A_329 : vector<16xi32>
        %gather3A_331 = tpu.vector_load_idx %arg8[%add3A_330, %add3A_139] : memref<64x64xf32, #tpu.memory_space<vmem>>[vector<16xi32>, vector<16xi32>], vector<16xf32>,
        %add3A_332 = arith.addi %mul3A_195, %add3A_330 : vector<16xi32>
        %add3A_333 = arith.constant 16 : i32
        %add3A_334 = vector.broadcast %add3A_333 : i32 to vector<16xi32>
        %add3A_335 = arith.addi %select_n3A_288, %add3A_334 : vector<16xi32>
        %gather3A_336 = tpu.vector_load_idx %arg8[%add3A_335, %add3A_139] : memref<64x64xf32, #tpu.memory_space<vmem>>[vector<16xi32>, vector<16xi32>], vector<16xf32>,
        %add3A_337 = arith.addi %mul3A_195, %add3A_335 : vector<16xi32>
        %add3A_338 = arith.constant 32 : i32
        %add3A_339 = vector.broadcast %add3A_338 : i32 to vector<16xi32>
        %add3A_340 = arith.addi %select_n3A_288, %add3A_339 : vector<16xi32>
        %gather3A_341 = tpu.vector_load_idx %arg8[%add3A_340, %add3A_139] : memref<64x64xf32, #tpu.memory_space<vmem>>[vector<16xi32>, vector<16xi32>], vector<16xf32>,
        %add3A_342 = arith.addi %mul3A_195, %add3A_340 : vector<16xi32>
        tpu.vector_store_idx %arg9[%select_n3A_52, %add3A_292], %gather3A : memref<32x128xf32, #tpu.memory_space<vmem>>[vector<16xi32>, vector<16xi32>], vector<16xf32>,
        %add3A_343 = arith.constant 48 : i32
        %add3A_344 = vector.broadcast %add3A_343 : i32 to vector<16xi32>
        %add3A_345 = arith.addi %select_n3A_288, %add3A_344 : vector<16xi32>
        %gather3A_346 = tpu.vector_load_idx %arg8[%add3A_345, %add3A_139] : memref<64x64xf32, #tpu.memory_space<vmem>>[vector<16xi32>, vector<16xi32>], vector<16xf32>,
        %add3A_347 = arith.addi %mul3A_195, %add3A_345 : vector<16xi32>
        tpu.vector_store_idx %arg9[%select_n3A_52, %add3A_297], %gather3A_296 : memref<32x128xf32, #tpu.memory_space<vmem>>[vector<16xi32>, vector<16xi32>], vector<16xf32>,
        %add3A_348 = arith.constant 0 : i32
        %add3A_349 = vector.broadcast %add3A_348 : i32 to vector<16xi32>
        %add3A_350 = arith.addi %select_n3A_288, %add3A_349 : vector<16xi32>
        %gather3A_351 = tpu.vector_load_idx %arg8[%add3A_350, %add3A_198] : memref<64x64xf32, #tpu.memory_space<vmem>>[vector<16xi32>, vector<16xi32>], vector<16xf32>,
        %add3A_352 = arith.addi %mul3A_254, %add3A_350 : vector<16xi32>
        tpu.vector_store_idx %arg9[%select_n3A_52, %add3A_302], %gather3A_301 : memref<32x128xf32, #tpu.memory_space<vmem>>[vector<16xi32>, vector<16xi32>], vector<16xf32>,
        %add3A_353 = arith.constant 16 : i32
        %add3A_354 = vector.broadcast %add3A_353 : i32 to vector<16xi32>
        %add3A_355 = arith.addi %select_n3A_288, %add3A_354 : vector<16xi32>
        %gather3A_356 = tpu.vector_load_idx %arg8[%add3A_355, %add3A_198] : memref<64x64xf32, #tpu.memory_space<vmem>>[vector<16xi32>, vector<16xi32>], vector<16xf32>,
        %add3A_357 = arith.addi %mul3A_254, %add3A_355 : vector<16xi32>
        tpu.vector_store_idx %arg9[%select_n3A_52, %add3A_307], %gather3A_306 : memref<32x128xf32, #tpu.memory_space<vmem>>[vector<16xi32>, vector<16xi32>], vector<16xf32>,
        %add3A_358 = arith.constant 32 : i32
        %add3A_359 = vector.broadcast %add3A_358 : i32 to vector<16xi32>
        %add3A_360 = arith.addi %select_n3A_288, %add3A_359 : vector<16xi32>
        %gather3A_361 = tpu.vector_load_idx %arg8[%add3A_360, %add3A_198] : memref<64x64xf32, #tpu.memory_space<vmem>>[vector<16xi32>, vector<16xi32>], vector<16xf32>,
        %add3A_362 = arith.addi %mul3A_254, %add3A_360 : vector<16xi32>
        tpu.vector_store_idx %arg9[%select_n3A_111, %add3A_312], %gather3A_311 : memref<32x128xf32, #tpu.memory_space<vmem>>[vector<16xi32>, vector<16xi32>], vector<16xf32>,
        %add3A_363 = arith.constant 48 : i32
        %add3A_364 = vector.broadcast %add3A_363 : i32 to vector<16xi32>
        %add3A_365 = arith.addi %select_n3A_288, %add3A_364 : vector<16xi32>
        %gather3A_366 = tpu.vector_load_idx %arg8[%add3A_365, %add3A_198] : memref<64x64xf32, #tpu.memory_space<vmem>>[vector<16xi32>, vector<16xi32>], vector<16xf32>,
        %add3A_367 = arith.addi %mul3A_254, %add3A_365 : vector<16xi32>
        tpu.vector_store_idx %arg9[%select_n3A_111, %add3A_317], %gather3A_316 : memref<32x128xf32, #tpu.memory_space<vmem>>[vector<16xi32>, vector<16xi32>], vector<16xf32>,
        tpu.vector_store_idx %arg9[%select_n3A_111, %add3A_322], %gather3A_321 : memref<32x128xf32, #tpu.memory_space<vmem>>[vector<16xi32>, vector<16xi32>], vector<16xf32>,
        tpu.vector_store_idx %arg9[%select_n3A_111, %add3A_327], %gather3A_326 : memref<32x128xf32, #tpu.memory_space<vmem>>[vector<16xi32>, vector<16xi32>], vector<16xf32>,
        tpu.vector_store_idx %arg9[%select_n3A_170, %add3A_332], %gather3A_331 : memref<32x128xf32, #tpu.memory_space<vmem>>[vector<16xi32>, vector<16xi32>], vector<16xf32>,
        tpu.vector_store_idx %arg9[%select_n3A_170, %add3A_337], %gather3A_336 : memref<32x128xf32, #tpu.memory_space<vmem>>[vector<16xi32>, vector<16xi32>], vector<16xf32>,
        tpu.vector_store_idx %arg9[%select_n3A_170, %add3A_342], %gather3A_341 : memref<32x128xf32, #tpu.memory_space<vmem>>[vector<16xi32>, vector<16xi32>], vector<16xf32>,
        tpu.vector_store_idx %arg9[%select_n3A_170, %add3A_347], %gather3A_346 : memref<32x128xf32, #tpu.memory_space<vmem>>[vector<16xi32>, vector<16xi32>], vector<16xf32>,
        tpu.vector_store_idx %arg9[%select_n3A_229, %add3A_352], %gather3A_351 : memref<32x128xf32, #tpu.memory_space<vmem>>[vector<16xi32>, vector<16xi32>], vector<16xf32>,
        tpu.vector_store_idx %arg9[%select_n3A_229, %add3A_357], %gather3A_356 : memref<32x128xf32, #tpu.memory_space<vmem>>[vector<16xi32>, vector<16xi32>], vector<16xf32>,
        tpu.vector_store_idx %arg9[%select_n3A_229, %add3A_362], %gather3A_361 : memref<32x128xf32, #tpu.memory_space<vmem>>[vector<16xi32>, vector<16xi32>], vector<16xf32>,
        tpu.vector_store_idx %arg9[%select_n3A_229, %add3A_367], %gather3A_366 : memref<32x128xf32, #tpu.memory_space<vmem>>[vector<16xi32>, vector<16xi32>], vector<16xf32>,
      }
      %scan3A_259 = arith.constant 16 : i32
      "tpu.region"() ({
        %run_scoped3A = tpu.sem_alloc : memref<!tpu.dma_semaphore, #tpu.memory_space<semaphore_mem>>
        %dma_start3A_260 = arith.constant 499968 : i32
        %dma_start3A_261 = arith.constant 0 : i32
        %dma_start3A_262 = tpu.memref_slice %arg3[%dma_start3A_260, %dma_start3A_261] : memref<500000x128xf32, #tpu.memory_space<hbm>> -> memref<32x128xf32, #tpu.memory_space<hbm>>
        %dma_start3A_263 = arith.constant 499968 : i32
        %dma_start3A_264 = arith.constant 0 : i32
        %dma_start3A_265 = tpu.memref_slice %arg3[%dma_start3A_263, %dma_start3A_264] : memref<500000x128xf32, #tpu.memory_space<hbm>> -> memref<32x128xf32, #tpu.memory_space<hbm>>
        tpu.enqueue_dma source(%arg9 : memref<32x128xf32, #tpu.memory_space<vmem>>) target(%dma_start3A_265 : memref<32x128xf32, #tpu.memory_space<hbm>>) target_semaphore(%run_scoped3A : memref<!tpu.dma_semaphore, #tpu.memory_space<semaphore_mem>>)
        %dma_wait3A = arith.constant 499968 : i32
        %dma_wait3A_266 = arith.constant 0 : i32
        %dma_wait3A_267 = tpu.memref_slice %arg3[%dma_wait3A, %dma_wait3A_266] : memref<500000x128xf32, #tpu.memory_space<hbm>> -> memref<32x128xf32, #tpu.memory_space<hbm>>
        %dma_wait3A_268 = arith.constant 499968 : i32
        %dma_wait3A_269 = arith.constant 0 : i32
        %dma_wait3A_270 = tpu.memref_slice %arg3[%dma_wait3A_268, %dma_wait3A_269] : memref<500000x128xf32, #tpu.memory_space<hbm>> -> memref<32x128xf32, #tpu.memory_space<hbm>>
        tpu.wait_dma2 semaphore(%run_scoped3A : memref<!tpu.dma_semaphore, #tpu.memory_space<semaphore_mem>>) src(%arg9 : memref<32x128xf32, #tpu.memory_space<vmem>>) dst(%dma_wait3A_270 : memref<32x128xf32, #tpu.memory_space<hbm>>)
        tpu.yield
      }) : () -> ()
    } else {
    }
    return
  }
}

#map = affine_map<(d0, d1) -> (0)>
#map1 = affine_map<(d0, d1) -> (0, 0)>
#map2 = affine_map<(d0, d1) -> (0, 0, 0, 0, 0)>
module attributes {stable_mosaic.version = 14 : i64} {
  func.func @_gather(%arg0: i32, %arg1: i32, %arg2: memref<819200xi32, #tpu.memory_space<hbm>>, %arg3: memref<1000000x64xf32, #tpu.memory_space<hbm>>, %arg4: memref<50x8x128x8x128xf32, #tpu.memory_space<hbm>>, %arg5: memref<25600xi32, #tpu.memory_space<vmem>>, %arg6: memref<128x64xf32, #tpu.memory_space<vmem>>, %arg7: memref<128x64xf32, #tpu.memory_space<vmem>>, %arg8: memref<8x8x128xf32, #tpu.memory_space<vmem>>, %arg9: memref<8x8x128xf32, #tpu.memory_space<vmem>>, %arg10: memref<!tpu.dma_semaphore, #tpu.memory_space<semaphore_mem>>, %arg11: memref<!tpu.dma_semaphore, #tpu.memory_space<semaphore_mem>>, %arg12: memref<!tpu.dma_semaphore, #tpu.memory_space<semaphore_mem>>, %arg13: memref<!tpu.dma_semaphore, #tpu.memory_space<semaphore_mem>>) attributes {dimension_semantics = [#tpu.dimension_semantics<core_parallel>, #tpu.dimension_semantics<subcore_parallel>], iteration_bounds = array<i64: 2, 16>, scalar_prefetch = 0 : i64, scratch_operands = 9 : i64, tpu.core_type = #tpu.core_type<sc_vector_subcore>, window_params = [{transform_indices = #map}, {transform_indices = #map1}, {transform_indices = #map2}]} {
    %mul3A = arith.constant 2 : i32
    %mul3A_0 = arith.muli %arg1, %mul3A : i32
    %add3A = arith.addi %mul3A_0, %arg0 : i32
    %mul3A_1 = arith.constant 25600 : i32
    %mul3A_2 = arith.muli %add3A, %mul3A_1 : i32
    "tpu.region"() ({
      %run_scoped3A = tpu.sem_alloc : memref<!tpu.dma_semaphore, #tpu.memory_space<semaphore_mem>>
      %dma_start3A_34 = tpu.memref_slice %arg2[%mul3A_2] : memref<819200xi32, #tpu.memory_space<hbm>> -> memref<25600xi32, #tpu.memory_space<hbm>>
      %dma_start3A_35 = tpu.memref_slice %arg2[%mul3A_2] : memref<819200xi32, #tpu.memory_space<hbm>> -> memref<25600xi32, #tpu.memory_space<hbm>>
      tpu.enqueue_dma source(%dma_start3A_35 : memref<25600xi32, #tpu.memory_space<hbm>>) target(%arg5 : memref<25600xi32, #tpu.memory_space<vmem>>) target_semaphore(%run_scoped3A : memref<!tpu.dma_semaphore, #tpu.memory_space<semaphore_mem>>)
      %dma_wait3A_36 = tpu.memref_slice %arg2[%mul3A_2] : memref<819200xi32, #tpu.memory_space<hbm>> -> memref<25600xi32, #tpu.memory_space<hbm>>
      %dma_wait3A_37 = tpu.memref_slice %arg2[%mul3A_2] : memref<819200xi32, #tpu.memory_space<hbm>> -> memref<25600xi32, #tpu.memory_space<hbm>>
      tpu.wait_dma2 semaphore(%run_scoped3A : memref<!tpu.dma_semaphore, #tpu.memory_space<semaphore_mem>>) src(%dma_wait3A_37 : memref<25600xi32, #tpu.memory_space<hbm>>) dst(%arg5 : memref<25600xi32, #tpu.memory_space<vmem>>)
      tpu.yield
    }) : () -> ()
    %dma_start3A = arith.constant 0 : i32
    %dma_start3A_3 = tpu.memref_slice %arg5[%dma_start3A] : memref<25600xi32, #tpu.memory_space<vmem>> -> memref<128xi32, #tpu.memory_space<vmem>>
    %dma_start3A_4 = arith.constant 0 : i32
    %dma_start3A_5 = arith.constant 0 : i32
    %dma_start3A_6 = tpu.memref_slice %arg3[%dma_start3A_4, %dma_start3A_5] : memref<1000000x64xf32, #tpu.memory_space<hbm>> -> memref<1000000x64xf32, #tpu.memory_space<hbm>>
    tpu.enqueue_indirect_dma source(%dma_start3A_6 : memref<1000000x64xf32, #tpu.memory_space<hbm>>) target(%arg6 : memref<128x64xf32, #tpu.memory_space<vmem>>) offsets(%dma_start3A_3 : memref<128xi32, #tpu.memory_space<vmem>>) semaphore(%arg10 : memref<!tpu.dma_semaphore, #tpu.memory_space<semaphore_mem>>)
    %scan3A = arith.constant 0 : i32
    %scan3A_7 = arith.constant 100 : i32
    %scan3A_8 = arith.addi %scan3A, %scan3A_7 : i32
    %scan3A_9 = arith.constant 1 : i32
    scf.for %scan3A_34 = %scan3A to %scan3A_8 step %scan3A_9  : i32 {
      %mul3A_35 = arith.constant 2 : i32
      %mul3A_36 = arith.muli %scan3A_34, %mul3A_35 : i32
      %add3A_37 = arith.constant 0 : i32
      %add3A_38 = arith.addi %add3A_37, %mul3A_36 : i32
      %add3A_39 = arith.constant 0 : i32
      %add3A_40 = arith.addi %add3A_38, %add3A_39 : i32
      %dma_wait3A_41 = arith.constant 0 : i32
      %dma_wait3A_42 = arith.constant 0 : i32
      %dma_wait3A_43 = tpu.memref_slice %arg3[%dma_wait3A_41, %dma_wait3A_42] : memref<1000000x64xf32, #tpu.memory_space<hbm>> -> memref<128x64xf32, #tpu.memory_space<hbm>>
      %dma_wait3A_44 = arith.constant 0 : i32
      %dma_wait3A_45 = arith.constant 0 : i32
      %dma_wait3A_46 = tpu.memref_slice %arg3[%dma_wait3A_44, %dma_wait3A_45] : memref<1000000x64xf32, #tpu.memory_space<hbm>> -> memref<128x64xf32, #tpu.memory_space<hbm>>
      tpu.wait_dma2 semaphore(%arg10 : memref<!tpu.dma_semaphore, #tpu.memory_space<semaphore_mem>>) src(%dma_wait3A_46 : memref<128x64xf32, #tpu.memory_space<hbm>>) dst(%arg6 : memref<128x64xf32, #tpu.memory_space<vmem>>)
      %add3A_47 = arith.constant 1 : i32
      %add3A_48 = arith.addi %add3A_40, %add3A_47 : i32
      %lt3A = arith.constant 200 : i32
      %lt3A_49 = arith.cmpi slt, %add3A_48, %lt3A : i32
      %convert_element_type3A = arith.extui %lt3A_49 : i1 to i32
      %cond3A = arith.constant 0 : i32
      %cond3A_50 = arith.cmpi ne, %convert_element_type3A, %cond3A : i32
      scf.if %cond3A_50 {
        %add3A_231 = arith.constant 1 : i32
        %add3A_232 = arith.addi %add3A_40, %add3A_231 : i32
        %mul3A_233 = arith.constant 128 : i32
        %mul3A_234 = arith.muli %add3A_232, %mul3A_233 : i32
        %dma_start3A_235 = tpu.memref_slice %arg5[%mul3A_234] : memref<25600xi32, #tpu.memory_space<vmem>> -> memref<128xi32, #tpu.memory_space<vmem>>
        %dma_start3A_236 = arith.constant 0 : i32
        %dma_start3A_237 = arith.constant 0 : i32
        %dma_start3A_238 = tpu.memref_slice %arg3[%dma_start3A_236, %dma_start3A_237] : memref<1000000x64xf32, #tpu.memory_space<hbm>> -> memref<1000000x64xf32, #tpu.memory_space<hbm>>
        tpu.enqueue_indirect_dma source(%dma_start3A_238 : memref<1000000x64xf32, #tpu.memory_space<hbm>>) target(%arg7 : memref<128x64xf32, #tpu.memory_space<vmem>>) offsets(%dma_start3A_235 : memref<128xi32, #tpu.memory_space<vmem>>) semaphore(%arg11 : memref<!tpu.dma_semaphore, #tpu.memory_space<semaphore_mem>>)
      } else {
      }
      %ge3A = arith.constant 2 : i32
      %ge3A_51 = arith.cmpi sge, %add3A_40, %ge3A : i32
      %convert_element_type3A_52 = arith.extui %ge3A_51 : i1 to i32
      %cond3A_53 = arith.constant 0 : i32
      %cond3A_54 = arith.cmpi ne, %convert_element_type3A_52, %cond3A_53 : i32
      scf.if %cond3A_54 {
        %dma_wait3A_231 = arith.constant 0 : i32
        %dma_wait3A_232 = arith.constant 0 : i32
        %dma_wait3A_233 = arith.constant 0 : i32
        %dma_wait3A_234 = arith.constant 0 : i32
        %dma_wait3A_235 = arith.constant 0 : i32
        %dma_wait3A_236 = tpu.memref_slice %arg4[%dma_wait3A_231, %dma_wait3A_233, %dma_wait3A_232, %dma_wait3A_234, %dma_wait3A_235] : memref<50x8x128x8x128xf32, #tpu.memory_space<hbm>> -> memref<1x8x1x8x128xf32, #tpu.memory_space<hbm>>
        %dma_wait3A_237 = tpu.memref_squeeze %dma_wait3A_236 : memref<1x8x1x8x128xf32, #tpu.memory_space<hbm>> -> memref<8x8x128xf32, #tpu.memory_space<hbm>>
        %dma_wait3A_238 = arith.constant 0 : i32
        %dma_wait3A_239 = arith.constant 0 : i32
        %dma_wait3A_240 = arith.constant 0 : i32
        %dma_wait3A_241 = tpu.memref_slice %arg4[%dma_wait3A_231, %dma_wait3A_238, %dma_wait3A_232, %dma_wait3A_239, %dma_wait3A_240] : memref<50x8x128x8x128xf32, #tpu.memory_space<hbm>> -> memref<1x8x1x8x128xf32, #tpu.memory_space<hbm>>
        %dma_wait3A_242 = tpu.memref_squeeze %dma_wait3A_241 : memref<1x8x1x8x128xf32, #tpu.memory_space<hbm>> -> memref<8x8x128xf32, #tpu.memory_space<hbm>>
        tpu.wait_dma2 semaphore(%arg12 : memref<!tpu.dma_semaphore, #tpu.memory_space<semaphore_mem>>) src(%arg8 : memref<8x8x128xf32, #tpu.memory_space<vmem>>) dst(%dma_wait3A_242 : memref<8x8x128xf32, #tpu.memory_space<hbm>>)
      } else {
      }
      %iota3A = tpu.iota {dimensions = array<i32: 0>} : vector<16xi32>
      %add3A_55 = arith.constant 0 : i32
      %add3A_56 = vector.broadcast %add3A_55 : i32 to vector<16xi32>
      %add3A_57 = arith.addi %iota3A, %add3A_56 : vector<16xi32>
      %add3A_58 = arith.constant 16 : i32
      %add3A_59 = vector.broadcast %add3A_58 : i32 to vector<16xi32>
      %add3A_60 = arith.addi %iota3A, %add3A_59 : vector<16xi32>
      %add3A_61 = arith.constant 32 : i32
      %add3A_62 = vector.broadcast %add3A_61 : i32 to vector<16xi32>
      %add3A_63 = arith.addi %iota3A, %add3A_62 : vector<16xi32>
      %add3A_64 = arith.constant 48 : i32
      %add3A_65 = vector.broadcast %add3A_64 : i32 to vector<16xi32>
      %add3A_66 = arith.addi %iota3A, %add3A_65 : vector<16xi32>
      %add3A_67 = arith.constant 64 : i32
      %add3A_68 = vector.broadcast %add3A_67 : i32 to vector<16xi32>
      %add3A_69 = arith.addi %iota3A, %add3A_68 : vector<16xi32>
      %add3A_70 = arith.constant 80 : i32
      %add3A_71 = vector.broadcast %add3A_70 : i32 to vector<16xi32>
      %add3A_72 = arith.addi %iota3A, %add3A_71 : vector<16xi32>
      %add3A_73 = arith.constant 96 : i32
      %add3A_74 = vector.broadcast %add3A_73 : i32 to vector<16xi32>
      %add3A_75 = arith.addi %iota3A, %add3A_74 : vector<16xi32>
      %add3A_76 = arith.constant 112 : i32
      %add3A_77 = vector.broadcast %add3A_76 : i32 to vector<16xi32>
      %add3A_78 = arith.addi %iota3A, %add3A_77 : vector<16xi32>
      %scan3A_79 = arith.constant 0 : i32
      %scan3A_80 = arith.constant 16 : i32
      %scan3A_81 = arith.addi %scan3A_79, %scan3A_80 : i32
      %scan3A_82 = arith.constant 1 : i32
      scf.for %scan3A_231 = %scan3A_79 to %scan3A_81 step %scan3A_82  : i32 {
        %mul3A_232 = arith.constant 1 : i32
        %mul3A_233 = arith.muli %scan3A_231, %mul3A_232 : i32
        %add3A_234 = arith.constant 0 : i32
        %add3A_235 = arith.addi %add3A_234, %mul3A_233 : i32
        %add3A_236 = vector.broadcast %add3A_235 : i32 to vector<16xi32>
        %add3A_237 = arith.addi %iota3A, %add3A_236 : vector<16xi32>
        %jit3A_238 = arith.constant 16 : i32
        %eq3A_239 = arith.constant 0 : i32
        %eq3A_240 = arith.cmpi eq, %jit3A_238, %eq3A_239 : i32
        %jit3A_241 = arith.constant 1 : i32
        %select_n3A_242 = arith.select %eq3A_240, %jit3A_241, %jit3A_238 : i32
        %rem3A_243 = vector.broadcast %select_n3A_242 : i32 to vector<16xi32>
        %rem3A_244 = arith.remsi %add3A_237, %rem3A_243 : vector<16xi32>
        %ne3A_245 = arith.constant 0 : i32
        %ne3A_246 = vector.broadcast %ne3A_245 : i32 to vector<16xi32>
        %ne3A_247 = arith.cmpi ne, %rem3A_244, %ne3A_246 : vector<16xi32>
        %lt3A_248 = arith.constant 0 : i32
        %lt3A_249 = vector.broadcast %lt3A_248 : i32 to vector<16xi32>
        %lt3A_250 = arith.cmpi slt, %rem3A_244, %lt3A_249 : vector<16xi32>
        %lt3A_251 = arith.constant 0 : i32
        %lt3A_252 = arith.cmpi slt, %select_n3A_242, %lt3A_251 : i32
        %ne3A_253 = vector.broadcast %lt3A_252 : i1 to vector<16xi1>
        %ne3A_254 = vector.broadcast %ne3A_253 : vector<16xi1> to vector<16xi1>
        %ne3A_255 = arith.xori %lt3A_250, %ne3A_254 : vector<16xi1>
        %and3A_256 = arith.andi %ne3A_255, %ne3A_247 : vector<16xi1>
        %add3A_257 = vector.broadcast %select_n3A_242 : i32 to vector<16xi32>
        %add3A_258 = arith.addi %rem3A_244, %add3A_257 : vector<16xi32>
        %select_n3A_259 = arith.select %and3A_256, %add3A_258, %rem3A_244 : vector<16xi1>, vector<16xi32>
        %add3A_260 = arith.constant 0 : i32
        %add3A_261 = vector.broadcast %add3A_260 : i32 to vector<16xi32>
        %add3A_262 = arith.addi %select_n3A_259, %add3A_261 : vector<16xi32>
        %jit3A_263 = arith.constant 8 : i32
        %div3A_264 = vector.broadcast %jit3A_263 : i32 to vector<16xi32>
        %div3A_265 = arith.divsi %add3A_262, %div3A_264 : vector<16xi32>
        %sign3A_266 = arith.constant 0 : i32
        %sign3A_267 = vector.broadcast %sign3A_266 : i32 to vector<16xi32>
        %sign3A_268 = arith.cmpi sgt, %add3A_262, %sign3A_267 : vector<16xi32>
        %sign3A_269 = arith.extui %sign3A_268 : vector<16xi1> to vector<16xi32>
        %sign3A_270 = arith.constant 0 : i32
        %sign3A_271 = vector.broadcast %sign3A_270 : i32 to vector<16xi32>
        %sign3A_272 = arith.cmpi slt, %add3A_262, %sign3A_271 : vector<16xi32>
        %sign3A_273 = arith.extui %sign3A_272 : vector<16xi1> to vector<16xi32>
        %sign3A_274 = arith.subi %sign3A_269, %sign3A_273 : vector<16xi32>
        %sign3A_275 = arith.constant 0 : i32
        %sign3A_276 = arith.cmpi sgt, %jit3A_263, %sign3A_275 : i32
        %sign3A_277 = arith.extui %sign3A_276 : i1 to i32
        %sign3A_278 = arith.constant 0 : i32
        %sign3A_279 = arith.cmpi slt, %jit3A_263, %sign3A_278 : i32
        %sign3A_280 = arith.extui %sign3A_279 : i1 to i32
        %sign3A_281 = arith.subi %sign3A_277, %sign3A_280 : i32
        %ne3A_282 = vector.broadcast %sign3A_281 : i32 to vector<16xi32>
        %ne3A_283 = arith.cmpi ne, %sign3A_274, %ne3A_282 : vector<16xi32>
        %rem3A_284 = vector.broadcast %jit3A_263 : i32 to vector<16xi32>
        %rem3A_285 = arith.remsi %add3A_262, %rem3A_284 : vector<16xi32>
        %ne3A_286 = arith.constant 0 : i32
        %ne3A_287 = vector.broadcast %ne3A_286 : i32 to vector<16xi32>
        %ne3A_288 = arith.cmpi ne, %rem3A_285, %ne3A_287 : vector<16xi32>
        %and3A_289 = arith.andi %ne3A_283, %ne3A_288 : vector<16xi1>
        %sub3A_290 = arith.constant 1 : i32
        %sub3A_291 = vector.broadcast %sub3A_290 : i32 to vector<16xi32>
        %sub3A_292 = arith.subi %div3A_265, %sub3A_291 : vector<16xi32>
        %select_n3A_293 = arith.select %and3A_289, %sub3A_292, %div3A_265 : vector<16xi1>, vector<16xi32>
        %jit3A_294 = arith.constant 8 : i32
        %eq3A_295 = arith.constant 0 : i32
        %eq3A_296 = arith.cmpi eq, %jit3A_294, %eq3A_295 : i32
        %jit3A_297 = arith.constant 1 : i32
        %select_n3A_298 = arith.select %eq3A_296, %jit3A_297, %jit3A_294 : i32
        %rem3A_299 = vector.broadcast %select_n3A_298 : i32 to vector<16xi32>
        %rem3A_300 = arith.remsi %add3A_262, %rem3A_299 : vector<16xi32>
        %ne3A_301 = arith.constant 0 : i32
        %ne3A_302 = vector.broadcast %ne3A_301 : i32 to vector<16xi32>
        %ne3A_303 = arith.cmpi ne, %rem3A_300, %ne3A_302 : vector<16xi32>
        %lt3A_304 = arith.constant 0 : i32
        %lt3A_305 = vector.broadcast %lt3A_304 : i32 to vector<16xi32>
        %lt3A_306 = arith.cmpi slt, %rem3A_300, %lt3A_305 : vector<16xi32>
        %lt3A_307 = arith.constant 0 : i32
        %lt3A_308 = arith.cmpi slt, %select_n3A_298, %lt3A_307 : i32
        %ne3A_309 = vector.broadcast %lt3A_308 : i1 to vector<16xi1>
        %ne3A_310 = vector.broadcast %ne3A_309 : vector<16xi1> to vector<16xi1>
        %ne3A_311 = arith.xori %lt3A_306, %ne3A_310 : vector<16xi1>
        %and3A_312 = arith.andi %ne3A_311, %ne3A_303 : vector<16xi1>
        %add3A_313 = vector.broadcast %select_n3A_298 : i32 to vector<16xi32>
        %add3A_314 = arith.addi %rem3A_300, %add3A_313 : vector<16xi32>
        %select_n3A_315 = arith.select %and3A_312, %add3A_314, %rem3A_300 : vector<16xi1>, vector<16xi32>
        %gather3A = tpu.vector_load_idx %arg6[%add3A_57, %add3A_262] : memref<128x64xf32, #tpu.memory_space<vmem>>[vector<16xi32>, vector<16xi32>], vector<16xf32>,
        %gather3A_316 = tpu.vector_load_idx %arg6[%add3A_60, %add3A_262] : memref<128x64xf32, #tpu.memory_space<vmem>>[vector<16xi32>, vector<16xi32>], vector<16xf32>,
        %gather3A_317 = tpu.vector_load_idx %arg6[%add3A_63, %add3A_262] : memref<128x64xf32, #tpu.memory_space<vmem>>[vector<16xi32>, vector<16xi32>], vector<16xf32>,
        %gather3A_318 = tpu.vector_load_idx %arg6[%add3A_66, %add3A_262] : memref<128x64xf32, #tpu.memory_space<vmem>>[vector<16xi32>, vector<16xi32>], vector<16xf32>,
        %gather3A_319 = tpu.vector_load_idx %arg6[%add3A_69, %add3A_262] : memref<128x64xf32, #tpu.memory_space<vmem>>[vector<16xi32>, vector<16xi32>], vector<16xf32>,
        %gather3A_320 = tpu.vector_load_idx %arg6[%add3A_72, %add3A_262] : memref<128x64xf32, #tpu.memory_space<vmem>>[vector<16xi32>, vector<16xi32>], vector<16xf32>,
        %gather3A_321 = tpu.vector_load_idx %arg6[%add3A_75, %add3A_262] : memref<128x64xf32, #tpu.memory_space<vmem>>[vector<16xi32>, vector<16xi32>], vector<16xf32>,
        %gather3A_322 = tpu.vector_load_idx %arg6[%add3A_78, %add3A_262] : memref<128x64xf32, #tpu.memory_space<vmem>>[vector<16xi32>, vector<16xi32>], vector<16xf32>,
        %add3A_323 = arith.constant 16 : i32
        %add3A_324 = vector.broadcast %add3A_323 : i32 to vector<16xi32>
        %add3A_325 = arith.addi %select_n3A_259, %add3A_324 : vector<16xi32>
        %jit3A_326 = arith.constant 8 : i32
        %div3A_327 = vector.broadcast %jit3A_326 : i32 to vector<16xi32>
        %div3A_328 = arith.divsi %add3A_325, %div3A_327 : vector<16xi32>
        %sign3A_329 = arith.constant 0 : i32
        %sign3A_330 = vector.broadcast %sign3A_329 : i32 to vector<16xi32>
        %sign3A_331 = arith.cmpi sgt, %add3A_325, %sign3A_330 : vector<16xi32>
        %sign3A_332 = arith.extui %sign3A_331 : vector<16xi1> to vector<16xi32>
        %sign3A_333 = arith.constant 0 : i32
        %sign3A_334 = vector.broadcast %sign3A_333 : i32 to vector<16xi32>
        %sign3A_335 = arith.cmpi slt, %add3A_325, %sign3A_334 : vector<16xi32>
        %sign3A_336 = arith.extui %sign3A_335 : vector<16xi1> to vector<16xi32>
        %sign3A_337 = arith.subi %sign3A_332, %sign3A_336 : vector<16xi32>
        %sign3A_338 = arith.constant 0 : i32
        %sign3A_339 = arith.cmpi sgt, %jit3A_326, %sign3A_338 : i32
        %sign3A_340 = arith.extui %sign3A_339 : i1 to i32
        %sign3A_341 = arith.constant 0 : i32
        %sign3A_342 = arith.cmpi slt, %jit3A_326, %sign3A_341 : i32
        %sign3A_343 = arith.extui %sign3A_342 : i1 to i32
        %sign3A_344 = arith.subi %sign3A_340, %sign3A_343 : i32
        %ne3A_345 = vector.broadcast %sign3A_344 : i32 to vector<16xi32>
        %ne3A_346 = arith.cmpi ne, %sign3A_337, %ne3A_345 : vector<16xi32>
        %rem3A_347 = vector.broadcast %jit3A_326 : i32 to vector<16xi32>
        %rem3A_348 = arith.remsi %add3A_325, %rem3A_347 : vector<16xi32>
        %ne3A_349 = arith.constant 0 : i32
        %ne3A_350 = vector.broadcast %ne3A_349 : i32 to vector<16xi32>
        %ne3A_351 = arith.cmpi ne, %rem3A_348, %ne3A_350 : vector<16xi32>
        %and3A_352 = arith.andi %ne3A_346, %ne3A_351 : vector<16xi1>
        %sub3A_353 = arith.constant 1 : i32
        %sub3A_354 = vector.broadcast %sub3A_353 : i32 to vector<16xi32>
        %sub3A_355 = arith.subi %div3A_328, %sub3A_354 : vector<16xi32>
        %select_n3A_356 = arith.select %and3A_352, %sub3A_355, %div3A_328 : vector<16xi1>, vector<16xi32>
        %jit3A_357 = arith.constant 8 : i32
        %eq3A_358 = arith.constant 0 : i32
        %eq3A_359 = arith.cmpi eq, %jit3A_357, %eq3A_358 : i32
        %jit3A_360 = arith.constant 1 : i32
        %select_n3A_361 = arith.select %eq3A_359, %jit3A_360, %jit3A_357 : i32
        %rem3A_362 = vector.broadcast %select_n3A_361 : i32 to vector<16xi32>
        %rem3A_363 = arith.remsi %add3A_325, %rem3A_362 : vector<16xi32>
        %ne3A_364 = arith.constant 0 : i32
        %ne3A_365 = vector.broadcast %ne3A_364 : i32 to vector<16xi32>
        %ne3A_366 = arith.cmpi ne, %rem3A_363, %ne3A_365 : vector<16xi32>
        %lt3A_367 = arith.constant 0 : i32
        %lt3A_368 = vector.broadcast %lt3A_367 : i32 to vector<16xi32>
        %lt3A_369 = arith.cmpi slt, %rem3A_363, %lt3A_368 : vector<16xi32>
        %lt3A_370 = arith.constant 0 : i32
        %lt3A_371 = arith.cmpi slt, %select_n3A_361, %lt3A_370 : i32
        %ne3A_372 = vector.broadcast %lt3A_371 : i1 to vector<16xi1>
        %ne3A_373 = vector.broadcast %ne3A_372 : vector<16xi1> to vector<16xi1>
        %ne3A_374 = arith.xori %lt3A_369, %ne3A_373 : vector<16xi1>
        %and3A_375 = arith.andi %ne3A_374, %ne3A_366 : vector<16xi1>
        %add3A_376 = vector.broadcast %select_n3A_361 : i32 to vector<16xi32>
        %add3A_377 = arith.addi %rem3A_363, %add3A_376 : vector<16xi32>
        %select_n3A_378 = arith.select %and3A_375, %add3A_377, %rem3A_363 : vector<16xi1>, vector<16xi32>
        %gather3A_379 = tpu.vector_load_idx %arg6[%add3A_57, %add3A_325] : memref<128x64xf32, #tpu.memory_space<vmem>>[vector<16xi32>, vector<16xi32>], vector<16xf32>,
        %gather3A_380 = tpu.vector_load_idx %arg6[%add3A_60, %add3A_325] : memref<128x64xf32, #tpu.memory_space<vmem>>[vector<16xi32>, vector<16xi32>], vector<16xf32>,
        %gather3A_381 = tpu.vector_load_idx %arg6[%add3A_63, %add3A_325] : memref<128x64xf32, #tpu.memory_space<vmem>>[vector<16xi32>, vector<16xi32>], vector<16xf32>,
        tpu.vector_store_idx %arg8[%select_n3A_293, %select_n3A_315, %add3A_57], %gather3A : memref<8x8x128xf32, #tpu.memory_space<vmem>>[vector<16xi32>, vector<16xi32>, vector<16xi32>], vector<16xf32>,
        %gather3A_382 = tpu.vector_load_idx %arg6[%add3A_66, %add3A_325] : memref<128x64xf32, #tpu.memory_space<vmem>>[vector<16xi32>, vector<16xi32>], vector<16xf32>,
        tpu.vector_store_idx %arg8[%select_n3A_293, %select_n3A_315, %add3A_60], %gather3A_316 : memref<8x8x128xf32, #tpu.memory_space<vmem>>[vector<16xi32>, vector<16xi32>, vector<16xi32>], vector<16xf32>,
        %gather3A_383 = tpu.vector_load_idx %arg6[%add3A_69, %add3A_325] : memref<128x64xf32, #tpu.memory_space<vmem>>[vector<16xi32>, vector<16xi32>], vector<16xf32>,
        tpu.vector_store_idx %arg8[%select_n3A_293, %select_n3A_315, %add3A_63], %gather3A_317 : memref<8x8x128xf32, #tpu.memory_space<vmem>>[vector<16xi32>, vector<16xi32>, vector<16xi32>], vector<16xf32>,
        %gather3A_384 = tpu.vector_load_idx %arg6[%add3A_72, %add3A_325] : memref<128x64xf32, #tpu.memory_space<vmem>>[vector<16xi32>, vector<16xi32>], vector<16xf32>,
        tpu.vector_store_idx %arg8[%select_n3A_293, %select_n3A_315, %add3A_66], %gather3A_318 : memref<8x8x128xf32, #tpu.memory_space<vmem>>[vector<16xi32>, vector<16xi32>, vector<16xi32>], vector<16xf32>,
        %gather3A_385 = tpu.vector_load_idx %arg6[%add3A_75, %add3A_325] : memref<128x64xf32, #tpu.memory_space<vmem>>[vector<16xi32>, vector<16xi32>], vector<16xf32>,
        tpu.vector_store_idx %arg8[%select_n3A_293, %select_n3A_315, %add3A_69], %gather3A_319 : memref<8x8x128xf32, #tpu.memory_space<vmem>>[vector<16xi32>, vector<16xi32>, vector<16xi32>], vector<16xf32>,
        %gather3A_386 = tpu.vector_load_idx %arg6[%add3A_78, %add3A_325] : memref<128x64xf32, #tpu.memory_space<vmem>>[vector<16xi32>, vector<16xi32>], vector<16xf32>,
        tpu.vector_store_idx %arg8[%select_n3A_293, %select_n3A_315, %add3A_72], %gather3A_320 : memref<8x8x128xf32, #tpu.memory_space<vmem>>[vector<16xi32>, vector<16xi32>, vector<16xi32>], vector<16xf32>,
        %add3A_387 = arith.constant 32 : i32
        %add3A_388 = vector.broadcast %add3A_387 : i32 to vector<16xi32>
        %add3A_389 = arith.addi %select_n3A_259, %add3A_388 : vector<16xi32>
        %jit3A_390 = arith.constant 8 : i32
        %div3A_391 = vector.broadcast %jit3A_390 : i32 to vector<16xi32>
        %div3A_392 = arith.divsi %add3A_389, %div3A_391 : vector<16xi32>
        %sign3A_393 = arith.constant 0 : i32
        %sign3A_394 = vector.broadcast %sign3A_393 : i32 to vector<16xi32>
        %sign3A_395 = arith.cmpi sgt, %add3A_389, %sign3A_394 : vector<16xi32>
        %sign3A_396 = arith.extui %sign3A_395 : vector<16xi1> to vector<16xi32>
        %sign3A_397 = arith.constant 0 : i32
        %sign3A_398 = vector.broadcast %sign3A_397 : i32 to vector<16xi32>
        %sign3A_399 = arith.cmpi slt, %add3A_389, %sign3A_398 : vector<16xi32>
        %sign3A_400 = arith.extui %sign3A_399 : vector<16xi1> to vector<16xi32>
        %sign3A_401 = arith.subi %sign3A_396, %sign3A_400 : vector<16xi32>
        %sign3A_402 = arith.constant 0 : i32
        %sign3A_403 = arith.cmpi sgt, %jit3A_390, %sign3A_402 : i32
        %sign3A_404 = arith.extui %sign3A_403 : i1 to i32
        %sign3A_405 = arith.constant 0 : i32
        %sign3A_406 = arith.cmpi slt, %jit3A_390, %sign3A_405 : i32
        %sign3A_407 = arith.extui %sign3A_406 : i1 to i32
        %sign3A_408 = arith.subi %sign3A_404, %sign3A_407 : i32
        %ne3A_409 = vector.broadcast %sign3A_408 : i32 to vector<16xi32>
        %ne3A_410 = arith.cmpi ne, %sign3A_401, %ne3A_409 : vector<16xi32>
        %rem3A_411 = vector.broadcast %jit3A_390 : i32 to vector<16xi32>
        %rem3A_412 = arith.remsi %add3A_389, %rem3A_411 : vector<16xi32>
        %ne3A_413 = arith.constant 0 : i32
        %ne3A_414 = vector.broadcast %ne3A_413 : i32 to vector<16xi32>
        %ne3A_415 = arith.cmpi ne, %rem3A_412, %ne3A_414 : vector<16xi32>
        %and3A_416 = arith.andi %ne3A_410, %ne3A_415 : vector<16xi1>
        %sub3A_417 = arith.constant 1 : i32
        %sub3A_418 = vector.broadcast %sub3A_417 : i32 to vector<16xi32>
        %sub3A_419 = arith.subi %div3A_392, %sub3A_418 : vector<16xi32>
        %select_n3A_420 = arith.select %and3A_416, %sub3A_419, %div3A_392 : vector<16xi1>, vector<16xi32>
        %jit3A_421 = arith.constant 8 : i32
        %eq3A_422 = arith.constant 0 : i32
        %eq3A_423 = arith.cmpi eq, %jit3A_421, %eq3A_422 : i32
        %jit3A_424 = arith.constant 1 : i32
        %select_n3A_425 = arith.select %eq3A_423, %jit3A_424, %jit3A_421 : i32
        %rem3A_426 = vector.broadcast %select_n3A_425 : i32 to vector<16xi32>
        %rem3A_427 = arith.remsi %add3A_389, %rem3A_426 : vector<16xi32>
        %ne3A_428 = arith.constant 0 : i32
        %ne3A_429 = vector.broadcast %ne3A_428 : i32 to vector<16xi32>
        %ne3A_430 = arith.cmpi ne, %rem3A_427, %ne3A_429 : vector<16xi32>
        %lt3A_431 = arith.constant 0 : i32
        %lt3A_432 = vector.broadcast %lt3A_431 : i32 to vector<16xi32>
        %lt3A_433 = arith.cmpi slt, %rem3A_427, %lt3A_432 : vector<16xi32>
        %lt3A_434 = arith.constant 0 : i32
        %lt3A_435 = arith.cmpi slt, %select_n3A_425, %lt3A_434 : i32
        %ne3A_436 = vector.broadcast %lt3A_435 : i1 to vector<16xi1>
        %ne3A_437 = vector.broadcast %ne3A_436 : vector<16xi1> to vector<16xi1>
        %ne3A_438 = arith.xori %lt3A_433, %ne3A_437 : vector<16xi1>
        %and3A_439 = arith.andi %ne3A_438, %ne3A_430 : vector<16xi1>
        %add3A_440 = vector.broadcast %select_n3A_425 : i32 to vector<16xi32>
        %add3A_441 = arith.addi %rem3A_427, %add3A_440 : vector<16xi32>
        %select_n3A_442 = arith.select %and3A_439, %add3A_441, %rem3A_427 : vector<16xi1>, vector<16xi32>
        %gather3A_443 = tpu.vector_load_idx %arg6[%add3A_57, %add3A_389] : memref<128x64xf32, #tpu.memory_space<vmem>>[vector<16xi32>, vector<16xi32>], vector<16xf32>,
        tpu.vector_store_idx %arg8[%select_n3A_293, %select_n3A_315, %add3A_75], %gather3A_321 : memref<8x8x128xf32, #tpu.memory_space<vmem>>[vector<16xi32>, vector<16xi32>, vector<16xi32>], vector<16xf32>,
        %gather3A_444 = tpu.vector_load_idx %arg6[%add3A_60, %add3A_389] : memref<128x64xf32, #tpu.memory_space<vmem>>[vector<16xi32>, vector<16xi32>], vector<16xf32>,
        tpu.vector_store_idx %arg8[%select_n3A_293, %select_n3A_315, %add3A_78], %gather3A_322 : memref<8x8x128xf32, #tpu.memory_space<vmem>>[vector<16xi32>, vector<16xi32>, vector<16xi32>], vector<16xf32>,
        %gather3A_445 = tpu.vector_load_idx %arg6[%add3A_63, %add3A_389] : memref<128x64xf32, #tpu.memory_space<vmem>>[vector<16xi32>, vector<16xi32>], vector<16xf32>,
        tpu.vector_store_idx %arg8[%select_n3A_356, %select_n3A_378, %add3A_57], %gather3A_379 : memref<8x8x128xf32, #tpu.memory_space<vmem>>[vector<16xi32>, vector<16xi32>, vector<16xi32>], vector<16xf32>,
        %gather3A_446 = tpu.vector_load_idx %arg6[%add3A_66, %add3A_389] : memref<128x64xf32, #tpu.memory_space<vmem>>[vector<16xi32>, vector<16xi32>], vector<16xf32>,
        tpu.vector_store_idx %arg8[%select_n3A_356, %select_n3A_378, %add3A_60], %gather3A_380 : memref<8x8x128xf32, #tpu.memory_space<vmem>>[vector<16xi32>, vector<16xi32>, vector<16xi32>], vector<16xf32>,
        %gather3A_447 = tpu.vector_load_idx %arg6[%add3A_69, %add3A_389] : memref<128x64xf32, #tpu.memory_space<vmem>>[vector<16xi32>, vector<16xi32>], vector<16xf32>,
        tpu.vector_store_idx %arg8[%select_n3A_356, %select_n3A_378, %add3A_63], %gather3A_381 : memref<8x8x128xf32, #tpu.memory_space<vmem>>[vector<16xi32>, vector<16xi32>, vector<16xi32>], vector<16xf32>,
        %gather3A_448 = tpu.vector_load_idx %arg6[%add3A_72, %add3A_389] : memref<128x64xf32, #tpu.memory_space<vmem>>[vector<16xi32>, vector<16xi32>], vector<16xf32>,
        tpu.vector_store_idx %arg8[%select_n3A_356, %select_n3A_378, %add3A_66], %gather3A_382 : memref<8x8x128xf32, #tpu.memory_space<vmem>>[vector<16xi32>, vector<16xi32>, vector<16xi32>], vector<16xf32>,
        %gather3A_449 = tpu.vector_load_idx %arg6[%add3A_75, %add3A_389] : memref<128x64xf32, #tpu.memory_space<vmem>>[vector<16xi32>, vector<16xi32>], vector<16xf32>,
        tpu.vector_store_idx %arg8[%select_n3A_356, %select_n3A_378, %add3A_69], %gather3A_383 : memref<8x8x128xf32, #tpu.memory_space<vmem>>[vector<16xi32>, vector<16xi32>, vector<16xi32>], vector<16xf32>,
        %gather3A_450 = tpu.vector_load_idx %arg6[%add3A_78, %add3A_389] : memref<128x64xf32, #tpu.memory_space<vmem>>[vector<16xi32>, vector<16xi32>], vector<16xf32>,
        tpu.vector_store_idx %arg8[%select_n3A_356, %select_n3A_378, %add3A_72], %gather3A_384 : memref<8x8x128xf32, #tpu.memory_space<vmem>>[vector<16xi32>, vector<16xi32>, vector<16xi32>], vector<16xf32>,
        %add3A_451 = arith.constant 48 : i32
        %add3A_452 = vector.broadcast %add3A_451 : i32 to vector<16xi32>
        %add3A_453 = arith.addi %select_n3A_259, %add3A_452 : vector<16xi32>
        %jit3A_454 = arith.constant 8 : i32
        %div3A_455 = vector.broadcast %jit3A_454 : i32 to vector<16xi32>
        %div3A_456 = arith.divsi %add3A_453, %div3A_455 : vector<16xi32>
        %sign3A_457 = arith.constant 0 : i32
        %sign3A_458 = vector.broadcast %sign3A_457 : i32 to vector<16xi32>
        %sign3A_459 = arith.cmpi sgt, %add3A_453, %sign3A_458 : vector<16xi32>
        %sign3A_460 = arith.extui %sign3A_459 : vector<16xi1> to vector<16xi32>
        %sign3A_461 = arith.constant 0 : i32
        %sign3A_462 = vector.broadcast %sign3A_461 : i32 to vector<16xi32>
        %sign3A_463 = arith.cmpi slt, %add3A_453, %sign3A_462 : vector<16xi32>
        %sign3A_464 = arith.extui %sign3A_463 : vector<16xi1> to vector<16xi32>
        %sign3A_465 = arith.subi %sign3A_460, %sign3A_464 : vector<16xi32>
        %sign3A_466 = arith.constant 0 : i32
        %sign3A_467 = arith.cmpi sgt, %jit3A_454, %sign3A_466 : i32
        %sign3A_468 = arith.extui %sign3A_467 : i1 to i32
        %sign3A_469 = arith.constant 0 : i32
        %sign3A_470 = arith.cmpi slt, %jit3A_454, %sign3A_469 : i32
        %sign3A_471 = arith.extui %sign3A_470 : i1 to i32
        %sign3A_472 = arith.subi %sign3A_468, %sign3A_471 : i32
        %ne3A_473 = vector.broadcast %sign3A_472 : i32 to vector<16xi32>
        %ne3A_474 = arith.cmpi ne, %sign3A_465, %ne3A_473 : vector<16xi32>
        %rem3A_475 = vector.broadcast %jit3A_454 : i32 to vector<16xi32>
        %rem3A_476 = arith.remsi %add3A_453, %rem3A_475 : vector<16xi32>
        %ne3A_477 = arith.constant 0 : i32
        %ne3A_478 = vector.broadcast %ne3A_477 : i32 to vector<16xi32>
        %ne3A_479 = arith.cmpi ne, %rem3A_476, %ne3A_478 : vector<16xi32>
        %and3A_480 = arith.andi %ne3A_474, %ne3A_479 : vector<16xi1>
        %sub3A_481 = arith.constant 1 : i32
        %sub3A_482 = vector.broadcast %sub3A_481 : i32 to vector<16xi32>
        %sub3A_483 = arith.subi %div3A_456, %sub3A_482 : vector<16xi32>
        %select_n3A_484 = arith.select %and3A_480, %sub3A_483, %div3A_456 : vector<16xi1>, vector<16xi32>
        %jit3A_485 = arith.constant 8 : i32
        %eq3A_486 = arith.constant 0 : i32
        %eq3A_487 = arith.cmpi eq, %jit3A_485, %eq3A_486 : i32
        %jit3A_488 = arith.constant 1 : i32
        %select_n3A_489 = arith.select %eq3A_487, %jit3A_488, %jit3A_485 : i32
        %rem3A_490 = vector.broadcast %select_n3A_489 : i32 to vector<16xi32>
        %rem3A_491 = arith.remsi %add3A_453, %rem3A_490 : vector<16xi32>
        %ne3A_492 = arith.constant 0 : i32
        %ne3A_493 = vector.broadcast %ne3A_492 : i32 to vector<16xi32>
        %ne3A_494 = arith.cmpi ne, %rem3A_491, %ne3A_493 : vector<16xi32>
        %lt3A_495 = arith.constant 0 : i32
        %lt3A_496 = vector.broadcast %lt3A_495 : i32 to vector<16xi32>
        %lt3A_497 = arith.cmpi slt, %rem3A_491, %lt3A_496 : vector<16xi32>
        %lt3A_498 = arith.constant 0 : i32
        %lt3A_499 = arith.cmpi slt, %select_n3A_489, %lt3A_498 : i32
        %ne3A_500 = vector.broadcast %lt3A_499 : i1 to vector<16xi1>
        %ne3A_501 = vector.broadcast %ne3A_500 : vector<16xi1> to vector<16xi1>
        %ne3A_502 = arith.xori %lt3A_497, %ne3A_501 : vector<16xi1>
        %and3A_503 = arith.andi %ne3A_502, %ne3A_494 : vector<16xi1>
        %add3A_504 = vector.broadcast %select_n3A_489 : i32 to vector<16xi32>
        %add3A_505 = arith.addi %rem3A_491, %add3A_504 : vector<16xi32>
        %select_n3A_506 = arith.select %and3A_503, %add3A_505, %rem3A_491 : vector<16xi1>, vector<16xi32>
        %gather3A_507 = tpu.vector_load_idx %arg6[%add3A_57, %add3A_453] : memref<128x64xf32, #tpu.memory_space<vmem>>[vector<16xi32>, vector<16xi32>], vector<16xf32>,
        tpu.vector_store_idx %arg8[%select_n3A_356, %select_n3A_378, %add3A_75], %gather3A_385 : memref<8x8x128xf32, #tpu.memory_space<vmem>>[vector<16xi32>, vector<16xi32>, vector<16xi32>], vector<16xf32>,
        %gather3A_508 = tpu.vector_load_idx %arg6[%add3A_60, %add3A_453] : memref<128x64xf32, #tpu.memory_space<vmem>>[vector<16xi32>, vector<16xi32>], vector<16xf32>,
        tpu.vector_store_idx %arg8[%select_n3A_356, %select_n3A_378, %add3A_78], %gather3A_386 : memref<8x8x128xf32, #tpu.memory_space<vmem>>[vector<16xi32>, vector<16xi32>, vector<16xi32>], vector<16xf32>,
        %gather3A_509 = tpu.vector_load_idx %arg6[%add3A_63, %add3A_453] : memref<128x64xf32, #tpu.memory_space<vmem>>[vector<16xi32>, vector<16xi32>], vector<16xf32>,
        tpu.vector_store_idx %arg8[%select_n3A_420, %select_n3A_442, %add3A_57], %gather3A_443 : memref<8x8x128xf32, #tpu.memory_space<vmem>>[vector<16xi32>, vector<16xi32>, vector<16xi32>], vector<16xf32>,
        %gather3A_510 = tpu.vector_load_idx %arg6[%add3A_66, %add3A_453] : memref<128x64xf32, #tpu.memory_space<vmem>>[vector<16xi32>, vector<16xi32>], vector<16xf32>,
        tpu.vector_store_idx %arg8[%select_n3A_420, %select_n3A_442, %add3A_60], %gather3A_444 : memref<8x8x128xf32, #tpu.memory_space<vmem>>[vector<16xi32>, vector<16xi32>, vector<16xi32>], vector<16xf32>,
        %gather3A_511 = tpu.vector_load_idx %arg6[%add3A_69, %add3A_453] : memref<128x64xf32, #tpu.memory_space<vmem>>[vector<16xi32>, vector<16xi32>], vector<16xf32>,
        tpu.vector_store_idx %arg8[%select_n3A_420, %select_n3A_442, %add3A_63], %gather3A_445 : memref<8x8x128xf32, #tpu.memory_space<vmem>>[vector<16xi32>, vector<16xi32>, vector<16xi32>], vector<16xf32>,
        %gather3A_512 = tpu.vector_load_idx %arg6[%add3A_72, %add3A_453] : memref<128x64xf32, #tpu.memory_space<vmem>>[vector<16xi32>, vector<16xi32>], vector<16xf32>,
        tpu.vector_store_idx %arg8[%select_n3A_420, %select_n3A_442, %add3A_66], %gather3A_446 : memref<8x8x128xf32, #tpu.memory_space<vmem>>[vector<16xi32>, vector<16xi32>, vector<16xi32>], vector<16xf32>,
        %gather3A_513 = tpu.vector_load_idx %arg6[%add3A_75, %add3A_453] : memref<128x64xf32, #tpu.memory_space<vmem>>[vector<16xi32>, vector<16xi32>], vector<16xf32>,
        tpu.vector_store_idx %arg8[%select_n3A_420, %select_n3A_442, %add3A_69], %gather3A_447 : memref<8x8x128xf32, #tpu.memory_space<vmem>>[vector<16xi32>, vector<16xi32>, vector<16xi32>], vector<16xf32>,
        %gather3A_514 = tpu.vector_load_idx %arg6[%add3A_78, %add3A_453] : memref<128x64xf32, #tpu.memory_space<vmem>>[vector<16xi32>, vector<16xi32>], vector<16xf32>,
        tpu.vector_store_idx %arg8[%select_n3A_420, %select_n3A_442, %add3A_72], %gather3A_448 : memref<8x8x128xf32, #tpu.memory_space<vmem>>[vector<16xi32>, vector<16xi32>, vector<16xi32>], vector<16xf32>,
        tpu.vector_store_idx %arg8[%select_n3A_420, %select_n3A_442, %add3A_75], %gather3A_449 : memref<8x8x128xf32, #tpu.memory_space<vmem>>[vector<16xi32>, vector<16xi32>, vector<16xi32>], vector<16xf32>,
        tpu.vector_store_idx %arg8[%select_n3A_420, %select_n3A_442, %add3A_78], %gather3A_450 : memref<8x8x128xf32, #tpu.memory_space<vmem>>[vector<16xi32>, vector<16xi32>, vector<16xi32>], vector<16xf32>,
        tpu.vector_store_idx %arg8[%select_n3A_484, %select_n3A_506, %add3A_57], %gather3A_507 : memref<8x8x128xf32, #tpu.memory_space<vmem>>[vector<16xi32>, vector<16xi32>, vector<16xi32>], vector<16xf32>,
        tpu.vector_store_idx %arg8[%select_n3A_484, %select_n3A_506, %add3A_60], %gather3A_508 : memref<8x8x128xf32, #tpu.memory_space<vmem>>[vector<16xi32>, vector<16xi32>, vector<16xi32>], vector<16xf32>,
        tpu.vector_store_idx %arg8[%select_n3A_484, %select_n3A_506, %add3A_63], %gather3A_509 : memref<8x8x128xf32, #tpu.memory_space<vmem>>[vector<16xi32>, vector<16xi32>, vector<16xi32>], vector<16xf32>,
        tpu.vector_store_idx %arg8[%select_n3A_484, %select_n3A_506, %add3A_66], %gather3A_510 : memref<8x8x128xf32, #tpu.memory_space<vmem>>[vector<16xi32>, vector<16xi32>, vector<16xi32>], vector<16xf32>,
        tpu.vector_store_idx %arg8[%select_n3A_484, %select_n3A_506, %add3A_69], %gather3A_511 : memref<8x8x128xf32, #tpu.memory_space<vmem>>[vector<16xi32>, vector<16xi32>, vector<16xi32>], vector<16xf32>,
        tpu.vector_store_idx %arg8[%select_n3A_484, %select_n3A_506, %add3A_72], %gather3A_512 : memref<8x8x128xf32, #tpu.memory_space<vmem>>[vector<16xi32>, vector<16xi32>, vector<16xi32>], vector<16xf32>,
        tpu.vector_store_idx %arg8[%select_n3A_484, %select_n3A_506, %add3A_75], %gather3A_513 : memref<8x8x128xf32, #tpu.memory_space<vmem>>[vector<16xi32>, vector<16xi32>, vector<16xi32>], vector<16xf32>,
        tpu.vector_store_idx %arg8[%select_n3A_484, %select_n3A_506, %add3A_78], %gather3A_514 : memref<8x8x128xf32, #tpu.memory_space<vmem>>[vector<16xi32>, vector<16xi32>, vector<16xi32>], vector<16xf32>,
      }
      %scan3A_83 = arith.constant 16 : i32
      %mul3A_84 = arith.constant 200 : i32
      %mul3A_85 = arith.muli %add3A, %mul3A_84 : i32
      %add3A_86 = arith.addi %mul3A_85, %add3A_40 : i32
      %jit3A = arith.constant 128 : i32
      %div3A = arith.divsi %add3A_86, %jit3A : i32
      %sign3A = arith.constant 0 : i32
      %sign3A_87 = arith.cmpi sgt, %add3A_86, %sign3A : i32
      %sign3A_88 = arith.extui %sign3A_87 : i1 to i32
      %sign3A_89 = arith.constant 0 : i32
      %sign3A_90 = arith.cmpi slt, %add3A_86, %sign3A_89 : i32
      %sign3A_91 = arith.extui %sign3A_90 : i1 to i32
      %sign3A_92 = arith.subi %sign3A_88, %sign3A_91 : i32
      %sign3A_93 = arith.constant 0 : i32
      %sign3A_94 = arith.cmpi sgt, %jit3A, %sign3A_93 : i32
      %sign3A_95 = arith.extui %sign3A_94 : i1 to i32
      %sign3A_96 = arith.constant 0 : i32
      %sign3A_97 = arith.cmpi slt, %jit3A, %sign3A_96 : i32
      %sign3A_98 = arith.extui %sign3A_97 : i1 to i32
      %sign3A_99 = arith.subi %sign3A_95, %sign3A_98 : i32
      %ne3A = arith.cmpi ne, %sign3A_92, %sign3A_99 : i32
      %rem3A = arith.remsi %add3A_86, %jit3A : i32
      %ne3A_100 = arith.constant 0 : i32
      %ne3A_101 = arith.cmpi ne, %rem3A, %ne3A_100 : i32
      %and3A = arith.andi %ne3A, %ne3A_101 : i1
      %sub3A = arith.constant 1 : i32
      %sub3A_102 = arith.subi %div3A, %sub3A : i32
      %select_n3A = arith.select %and3A, %sub3A_102, %div3A : i32
      %jit3A_103 = arith.constant 128 : i32
      %eq3A = arith.constant 0 : i32
      %eq3A_104 = arith.cmpi eq, %jit3A_103, %eq3A : i32
      %jit3A_105 = arith.constant 1 : i32
      %select_n3A_106 = arith.select %eq3A_104, %jit3A_105, %jit3A_103 : i32
      %rem3A_107 = arith.remsi %add3A_86, %select_n3A_106 : i32
      %ne3A_108 = arith.constant 0 : i32
      %ne3A_109 = arith.cmpi ne, %rem3A_107, %ne3A_108 : i32
      %lt3A_110 = arith.constant 0 : i32
      %lt3A_111 = arith.cmpi slt, %rem3A_107, %lt3A_110 : i32
      %lt3A_112 = arith.constant 0 : i32
      %lt3A_113 = arith.cmpi slt, %select_n3A_106, %lt3A_112 : i32
      %ne3A_114 = arith.xori %lt3A_111, %lt3A_113 : i1
      %and3A_115 = arith.andi %ne3A_114, %ne3A_109 : i1
      %add3A_116 = arith.addi %rem3A_107, %select_n3A_106 : i32
      %select_n3A_117 = arith.select %and3A_115, %add3A_116, %rem3A_107 : i32
      %dma_start3A_118 = arith.constant 0 : i32
      %dma_start3A_119 = arith.constant 0 : i32
      %dma_start3A_120 = arith.constant 0 : i32
      %dma_start3A_121 = tpu.memref_slice %arg4[%select_n3A, %dma_start3A_118, %select_n3A_117, %dma_start3A_119, %dma_start3A_120] : memref<50x8x128x8x128xf32, #tpu.memory_space<hbm>> -> memref<1x8x1x8x128xf32, #tpu.memory_space<hbm>>
      %dma_start3A_122 = tpu.memref_squeeze %dma_start3A_121 : memref<1x8x1x8x128xf32, #tpu.memory_space<hbm>> -> memref<8x8x128xf32, #tpu.memory_space<hbm>>
      %dma_start3A_123 = arith.constant 0 : i32
      %dma_start3A_124 = arith.constant 0 : i32
      %dma_start3A_125 = arith.constant 0 : i32
      %dma_start3A_126 = tpu.memref_slice %arg4[%select_n3A, %dma_start3A_123, %select_n3A_117, %dma_start3A_124, %dma_start3A_125] : memref<50x8x128x8x128xf32, #tpu.memory_space<hbm>> -> memref<1x8x1x8x128xf32, #tpu.memory_space<hbm>>
      %dma_start3A_127 = tpu.memref_squeeze %dma_start3A_126 : memref<1x8x1x8x128xf32, #tpu.memory_space<hbm>> -> memref<8x8x128xf32, #tpu.memory_space<hbm>>
      tpu.enqueue_dma source(%arg8 : memref<8x8x128xf32, #tpu.memory_space<vmem>>) target(%dma_start3A_127 : memref<8x8x128xf32, #tpu.memory_space<hbm>>) target_semaphore(%arg12 : memref<!tpu.dma_semaphore, #tpu.memory_space<semaphore_mem>>)
      %add3A_128 = arith.constant 1 : i32
      %add3A_129 = arith.addi %add3A_38, %add3A_128 : i32
      %dma_wait3A_130 = arith.constant 0 : i32
      %dma_wait3A_131 = arith.constant 0 : i32
      %dma_wait3A_132 = tpu.memref_slice %arg3[%dma_wait3A_130, %dma_wait3A_131] : memref<1000000x64xf32, #tpu.memory_space<hbm>> -> memref<128x64xf32, #tpu.memory_space<hbm>>
      %dma_wait3A_133 = arith.constant 0 : i32
      %dma_wait3A_134 = arith.constant 0 : i32
      %dma_wait3A_135 = tpu.memref_slice %arg3[%dma_wait3A_133, %dma_wait3A_134] : memref<1000000x64xf32, #tpu.memory_space<hbm>> -> memref<128x64xf32, #tpu.memory_space<hbm>>
      tpu.wait_dma2 semaphore(%arg11 : memref<!tpu.dma_semaphore, #tpu.memory_space<semaphore_mem>>) src(%dma_wait3A_135 : memref<128x64xf32, #tpu.memory_space<hbm>>) dst(%arg7 : memref<128x64xf32, #tpu.memory_space<vmem>>)
      %add3A_136 = arith.constant 1 : i32
      %add3A_137 = arith.addi %add3A_129, %add3A_136 : i32
      %lt3A_138 = arith.constant 200 : i32
      %lt3A_139 = arith.cmpi slt, %add3A_137, %lt3A_138 : i32
      %convert_element_type3A_140 = arith.extui %lt3A_139 : i1 to i32
      %cond3A_141 = arith.constant 0 : i32
      %cond3A_142 = arith.cmpi ne, %convert_element_type3A_140, %cond3A_141 : i32
      scf.if %cond3A_142 {
        %add3A_231 = arith.constant 1 : i32
        %add3A_232 = arith.addi %add3A_129, %add3A_231 : i32
        %mul3A_233 = arith.constant 128 : i32
        %mul3A_234 = arith.muli %add3A_232, %mul3A_233 : i32
        %dma_start3A_235 = tpu.memref_slice %arg5[%mul3A_234] : memref<25600xi32, #tpu.memory_space<vmem>> -> memref<128xi32, #tpu.memory_space<vmem>>
        %dma_start3A_236 = arith.constant 0 : i32
        %dma_start3A_237 = arith.constant 0 : i32
        %dma_start3A_238 = tpu.memref_slice %arg3[%dma_start3A_236, %dma_start3A_237] : memref<1000000x64xf32, #tpu.memory_space<hbm>> -> memref<1000000x64xf32, #tpu.memory_space<hbm>>
        tpu.enqueue_indirect_dma source(%dma_start3A_238 : memref<1000000x64xf32, #tpu.memory_space<hbm>>) target(%arg6 : memref<128x64xf32, #tpu.memory_space<vmem>>) offsets(%dma_start3A_235 : memref<128xi32, #tpu.memory_space<vmem>>) semaphore(%arg10 : memref<!tpu.dma_semaphore, #tpu.memory_space<semaphore_mem>>)
      } else {
      }
      %ge3A_143 = arith.constant 2 : i32
      %ge3A_144 = arith.cmpi sge, %add3A_129, %ge3A_143 : i32
      %convert_element_type3A_145 = arith.extui %ge3A_144 : i1 to i32
      %cond3A_146 = arith.constant 0 : i32
      %cond3A_147 = arith.cmpi ne, %convert_element_type3A_145, %cond3A_146 : i32
      scf.if %cond3A_147 {
        %dma_wait3A_231 = arith.constant 0 : i32
        %dma_wait3A_232 = arith.constant 0 : i32
        %dma_wait3A_233 = arith.constant 0 : i32
        %dma_wait3A_234 = arith.constant 0 : i32
        %dma_wait3A_235 = arith.constant 0 : i32
        %dma_wait3A_236 = tpu.memref_slice %arg4[%dma_wait3A_231, %dma_wait3A_233, %dma_wait3A_232, %dma_wait3A_234, %dma_wait3A_235] : memref<50x8x128x8x128xf32, #tpu.memory_space<hbm>> -> memref<1x8x1x8x128xf32, #tpu.memory_space<hbm>>
        %dma_wait3A_237 = tpu.memref_squeeze %dma_wait3A_236 : memref<1x8x1x8x128xf32, #tpu.memory_space<hbm>> -> memref<8x8x128xf32, #tpu.memory_space<hbm>>
        %dma_wait3A_238 = arith.constant 0 : i32
        %dma_wait3A_239 = arith.constant 0 : i32
        %dma_wait3A_240 = arith.constant 0 : i32
        %dma_wait3A_241 = tpu.memref_slice %arg4[%dma_wait3A_231, %dma_wait3A_238, %dma_wait3A_232, %dma_wait3A_239, %dma_wait3A_240] : memref<50x8x128x8x128xf32, #tpu.memory_space<hbm>> -> memref<1x8x1x8x128xf32, #tpu.memory_space<hbm>>
        %dma_wait3A_242 = tpu.memref_squeeze %dma_wait3A_241 : memref<1x8x1x8x128xf32, #tpu.memory_space<hbm>> -> memref<8x8x128xf32, #tpu.memory_space<hbm>>
        tpu.wait_dma2 semaphore(%arg13 : memref<!tpu.dma_semaphore, #tpu.memory_space<semaphore_mem>>) src(%arg9 : memref<8x8x128xf32, #tpu.memory_space<vmem>>) dst(%dma_wait3A_242 : memref<8x8x128xf32, #tpu.memory_space<hbm>>)
      } else {
      }
      %iota3A_148 = tpu.iota {dimensions = array<i32: 0>} : vector<16xi32>
      %add3A_149 = arith.constant 0 : i32
      %add3A_150 = vector.broadcast %add3A_149 : i32 to vector<16xi32>
      %add3A_151 = arith.addi %iota3A_148, %add3A_150 : vector<16xi32>
      %add3A_152 = arith.constant 16 : i32
      %add3A_153 = vector.broadcast %add3A_152 : i32 to vector<16xi32>
      %add3A_154 = arith.addi %iota3A_148, %add3A_153 : vector<16xi32>
      %add3A_155 = arith.constant 32 : i32
      %add3A_156 = vector.broadcast %add3A_155 : i32 to vector<16xi32>
      %add3A_157 = arith.addi %iota3A_148, %add3A_156 : vector<16xi32>
      %add3A_158 = arith.constant 48 : i32
      %add3A_159 = vector.broadcast %add3A_158 : i32 to vector<16xi32>
      %add3A_160 = arith.addi %iota3A_148, %add3A_159 : vector<16xi32>
      %add3A_161 = arith.constant 64 : i32
      %add3A_162 = vector.broadcast %add3A_161 : i32 to vector<16xi32>
      %add3A_163 = arith.addi %iota3A_148, %add3A_162 : vector<16xi32>
      %add3A_164 = arith.constant 80 : i32
      %add3A_165 = vector.broadcast %add3A_164 : i32 to vector<16xi32>
      %add3A_166 = arith.addi %iota3A_148, %add3A_165 : vector<16xi32>
      %add3A_167 = arith.constant 96 : i32
      %add3A_168 = vector.broadcast %add3A_167 : i32 to vector<16xi32>
      %add3A_169 = arith.addi %iota3A_148, %add3A_168 : vector<16xi32>
      %add3A_170 = arith.constant 112 : i32
      %add3A_171 = vector.broadcast %add3A_170 : i32 to vector<16xi32>
      %add3A_172 = arith.addi %iota3A_148, %add3A_171 : vector<16xi32>
      %scan3A_173 = arith.constant 0 : i32
      %scan3A_174 = arith.constant 16 : i32
      %scan3A_175 = arith.addi %scan3A_173, %scan3A_174 : i32
      %scan3A_176 = arith.constant 1 : i32
      scf.for %scan3A_231 = %scan3A_173 to %scan3A_175 step %scan3A_176  : i32 {
        %mul3A_232 = arith.constant 1 : i32
        %mul3A_233 = arith.muli %scan3A_231, %mul3A_232 : i32
        %add3A_234 = arith.constant 0 : i32
        %add3A_235 = arith.addi %add3A_234, %mul3A_233 : i32
        %add3A_236 = vector.broadcast %add3A_235 : i32 to vector<16xi32>
        %add3A_237 = arith.addi %iota3A_148, %add3A_236 : vector<16xi32>
        %jit3A_238 = arith.constant 16 : i32
        %eq3A_239 = arith.constant 0 : i32
        %eq3A_240 = arith.cmpi eq, %jit3A_238, %eq3A_239 : i32
        %jit3A_241 = arith.constant 1 : i32
        %select_n3A_242 = arith.select %eq3A_240, %jit3A_241, %jit3A_238 : i32
        %rem3A_243 = vector.broadcast %select_n3A_242 : i32 to vector<16xi32>
        %rem3A_244 = arith.remsi %add3A_237, %rem3A_243 : vector<16xi32>
        %ne3A_245 = arith.constant 0 : i32
        %ne3A_246 = vector.broadcast %ne3A_245 : i32 to vector<16xi32>
        %ne3A_247 = arith.cmpi ne, %rem3A_244, %ne3A_246 : vector<16xi32>
        %lt3A_248 = arith.constant 0 : i32
        %lt3A_249 = vector.broadcast %lt3A_248 : i32 to vector<16xi32>
        %lt3A_250 = arith.cmpi slt, %rem3A_244, %lt3A_249 : vector<16xi32>
        %lt3A_251 = arith.constant 0 : i32
        %lt3A_252 = arith.cmpi slt, %select_n3A_242, %lt3A_251 : i32
        %ne3A_253 = vector.broadcast %lt3A_252 : i1 to vector<16xi1>
        %ne3A_254 = vector.broadcast %ne3A_253 : vector<16xi1> to vector<16xi1>
        %ne3A_255 = arith.xori %lt3A_250, %ne3A_254 : vector<16xi1>
        %and3A_256 = arith.andi %ne3A_255, %ne3A_247 : vector<16xi1>
        %add3A_257 = vector.broadcast %select_n3A_242 : i32 to vector<16xi32>
        %add3A_258 = arith.addi %rem3A_244, %add3A_257 : vector<16xi32>
        %select_n3A_259 = arith.select %and3A_256, %add3A_258, %rem3A_244 : vector<16xi1>, vector<16xi32>
        %add3A_260 = arith.constant 0 : i32
        %add3A_261 = vector.broadcast %add3A_260 : i32 to vector<16xi32>
        %add3A_262 = arith.addi %select_n3A_259, %add3A_261 : vector<16xi32>
        %jit3A_263 = arith.constant 8 : i32
        %div3A_264 = vector.broadcast %jit3A_263 : i32 to vector<16xi32>
        %div3A_265 = arith.divsi %add3A_262, %div3A_264 : vector<16xi32>
        %sign3A_266 = arith.constant 0 : i32
        %sign3A_267 = vector.broadcast %sign3A_266 : i32 to vector<16xi32>
        %sign3A_268 = arith.cmpi sgt, %add3A_262, %sign3A_267 : vector<16xi32>
        %sign3A_269 = arith.extui %sign3A_268 : vector<16xi1> to vector<16xi32>
        %sign3A_270 = arith.constant 0 : i32
        %sign3A_271 = vector.broadcast %sign3A_270 : i32 to vector<16xi32>
        %sign3A_272 = arith.cmpi slt, %add3A_262, %sign3A_271 : vector<16xi32>
        %sign3A_273 = arith.extui %sign3A_272 : vector<16xi1> to vector<16xi32>
        %sign3A_274 = arith.subi %sign3A_269, %sign3A_273 : vector<16xi32>
        %sign3A_275 = arith.constant 0 : i32
        %sign3A_276 = arith.cmpi sgt, %jit3A_263, %sign3A_275 : i32
        %sign3A_277 = arith.extui %sign3A_276 : i1 to i32
        %sign3A_278 = arith.constant 0 : i32
        %sign3A_279 = arith.cmpi slt, %jit3A_263, %sign3A_278 : i32
        %sign3A_280 = arith.extui %sign3A_279 : i1 to i32
        %sign3A_281 = arith.subi %sign3A_277, %sign3A_280 : i32
        %ne3A_282 = vector.broadcast %sign3A_281 : i32 to vector<16xi32>
        %ne3A_283 = arith.cmpi ne, %sign3A_274, %ne3A_282 : vector<16xi32>
        %rem3A_284 = vector.broadcast %jit3A_263 : i32 to vector<16xi32>
        %rem3A_285 = arith.remsi %add3A_262, %rem3A_284 : vector<16xi32>
        %ne3A_286 = arith.constant 0 : i32
        %ne3A_287 = vector.broadcast %ne3A_286 : i32 to vector<16xi32>
        %ne3A_288 = arith.cmpi ne, %rem3A_285, %ne3A_287 : vector<16xi32>
        %and3A_289 = arith.andi %ne3A_283, %ne3A_288 : vector<16xi1>
        %sub3A_290 = arith.constant 1 : i32
        %sub3A_291 = vector.broadcast %sub3A_290 : i32 to vector<16xi32>
        %sub3A_292 = arith.subi %div3A_265, %sub3A_291 : vector<16xi32>
        %select_n3A_293 = arith.select %and3A_289, %sub3A_292, %div3A_265 : vector<16xi1>, vector<16xi32>
        %jit3A_294 = arith.constant 8 : i32
        %eq3A_295 = arith.constant 0 : i32
        %eq3A_296 = arith.cmpi eq, %jit3A_294, %eq3A_295 : i32
        %jit3A_297 = arith.constant 1 : i32
        %select_n3A_298 = arith.select %eq3A_296, %jit3A_297, %jit3A_294 : i32
        %rem3A_299 = vector.broadcast %select_n3A_298 : i32 to vector<16xi32>
        %rem3A_300 = arith.remsi %add3A_262, %rem3A_299 : vector<16xi32>
        %ne3A_301 = arith.constant 0 : i32
        %ne3A_302 = vector.broadcast %ne3A_301 : i32 to vector<16xi32>
        %ne3A_303 = arith.cmpi ne, %rem3A_300, %ne3A_302 : vector<16xi32>
        %lt3A_304 = arith.constant 0 : i32
        %lt3A_305 = vector.broadcast %lt3A_304 : i32 to vector<16xi32>
        %lt3A_306 = arith.cmpi slt, %rem3A_300, %lt3A_305 : vector<16xi32>
        %lt3A_307 = arith.constant 0 : i32
        %lt3A_308 = arith.cmpi slt, %select_n3A_298, %lt3A_307 : i32
        %ne3A_309 = vector.broadcast %lt3A_308 : i1 to vector<16xi1>
        %ne3A_310 = vector.broadcast %ne3A_309 : vector<16xi1> to vector<16xi1>
        %ne3A_311 = arith.xori %lt3A_306, %ne3A_310 : vector<16xi1>
        %and3A_312 = arith.andi %ne3A_311, %ne3A_303 : vector<16xi1>
        %add3A_313 = vector.broadcast %select_n3A_298 : i32 to vector<16xi32>
        %add3A_314 = arith.addi %rem3A_300, %add3A_313 : vector<16xi32>
        %select_n3A_315 = arith.select %and3A_312, %add3A_314, %rem3A_300 : vector<16xi1>, vector<16xi32>
        %gather3A = tpu.vector_load_idx %arg7[%add3A_151, %add3A_262] : memref<128x64xf32, #tpu.memory_space<vmem>>[vector<16xi32>, vector<16xi32>], vector<16xf32>,
        %gather3A_316 = tpu.vector_load_idx %arg7[%add3A_154, %add3A_262] : memref<128x64xf32, #tpu.memory_space<vmem>>[vector<16xi32>, vector<16xi32>], vector<16xf32>,
        %gather3A_317 = tpu.vector_load_idx %arg7[%add3A_157, %add3A_262] : memref<128x64xf32, #tpu.memory_space<vmem>>[vector<16xi32>, vector<16xi32>], vector<16xf32>,
        %gather3A_318 = tpu.vector_load_idx %arg7[%add3A_160, %add3A_262] : memref<128x64xf32, #tpu.memory_space<vmem>>[vector<16xi32>, vector<16xi32>], vector<16xf32>,
        %gather3A_319 = tpu.vector_load_idx %arg7[%add3A_163, %add3A_262] : memref<128x64xf32, #tpu.memory_space<vmem>>[vector<16xi32>, vector<16xi32>], vector<16xf32>,
        %gather3A_320 = tpu.vector_load_idx %arg7[%add3A_166, %add3A_262] : memref<128x64xf32, #tpu.memory_space<vmem>>[vector<16xi32>, vector<16xi32>], vector<16xf32>,
        %gather3A_321 = tpu.vector_load_idx %arg7[%add3A_169, %add3A_262] : memref<128x64xf32, #tpu.memory_space<vmem>>[vector<16xi32>, vector<16xi32>], vector<16xf32>,
        %gather3A_322 = tpu.vector_load_idx %arg7[%add3A_172, %add3A_262] : memref<128x64xf32, #tpu.memory_space<vmem>>[vector<16xi32>, vector<16xi32>], vector<16xf32>,
        %add3A_323 = arith.constant 16 : i32
        %add3A_324 = vector.broadcast %add3A_323 : i32 to vector<16xi32>
        %add3A_325 = arith.addi %select_n3A_259, %add3A_324 : vector<16xi32>
        %jit3A_326 = arith.constant 8 : i32
        %div3A_327 = vector.broadcast %jit3A_326 : i32 to vector<16xi32>
        %div3A_328 = arith.divsi %add3A_325, %div3A_327 : vector<16xi32>
        %sign3A_329 = arith.constant 0 : i32
        %sign3A_330 = vector.broadcast %sign3A_329 : i32 to vector<16xi32>
        %sign3A_331 = arith.cmpi sgt, %add3A_325, %sign3A_330 : vector<16xi32>
        %sign3A_332 = arith.extui %sign3A_331 : vector<16xi1> to vector<16xi32>
        %sign3A_333 = arith.constant 0 : i32
        %sign3A_334 = vector.broadcast %sign3A_333 : i32 to vector<16xi32>
        %sign3A_335 = arith.cmpi slt, %add3A_325, %sign3A_334 : vector<16xi32>
        %sign3A_336 = arith.extui %sign3A_335 : vector<16xi1> to vector<16xi32>
        %sign3A_337 = arith.subi %sign3A_332, %sign3A_336 : vector<16xi32>
        %sign3A_338 = arith.constant 0 : i32
        %sign3A_339 = arith.cmpi sgt, %jit3A_326, %sign3A_338 : i32
        %sign3A_340 = arith.extui %sign3A_339 : i1 to i32
        %sign3A_341 = arith.constant 0 : i32
        %sign3A_342 = arith.cmpi slt, %jit3A_326, %sign3A_341 : i32
        %sign3A_343 = arith.extui %sign3A_342 : i1 to i32
        %sign3A_344 = arith.subi %sign3A_340, %sign3A_343 : i32
        %ne3A_345 = vector.broadcast %sign3A_344 : i32 to vector<16xi32>
        %ne3A_346 = arith.cmpi ne, %sign3A_337, %ne3A_345 : vector<16xi32>
        %rem3A_347 = vector.broadcast %jit3A_326 : i32 to vector<16xi32>
        %rem3A_348 = arith.remsi %add3A_325, %rem3A_347 : vector<16xi32>
        %ne3A_349 = arith.constant 0 : i32
        %ne3A_350 = vector.broadcast %ne3A_349 : i32 to vector<16xi32>
        %ne3A_351 = arith.cmpi ne, %rem3A_348, %ne3A_350 : vector<16xi32>
        %and3A_352 = arith.andi %ne3A_346, %ne3A_351 : vector<16xi1>
        %sub3A_353 = arith.constant 1 : i32
        %sub3A_354 = vector.broadcast %sub3A_353 : i32 to vector<16xi32>
        %sub3A_355 = arith.subi %div3A_328, %sub3A_354 : vector<16xi32>
        %select_n3A_356 = arith.select %and3A_352, %sub3A_355, %div3A_328 : vector<16xi1>, vector<16xi32>
        %jit3A_357 = arith.constant 8 : i32
        %eq3A_358 = arith.constant 0 : i32
        %eq3A_359 = arith.cmpi eq, %jit3A_357, %eq3A_358 : i32
        %jit3A_360 = arith.constant 1 : i32
        %select_n3A_361 = arith.select %eq3A_359, %jit3A_360, %jit3A_357 : i32
        %rem3A_362 = vector.broadcast %select_n3A_361 : i32 to vector<16xi32>
        %rem3A_363 = arith.remsi %add3A_325, %rem3A_362 : vector<16xi32>
        %ne3A_364 = arith.constant 0 : i32
        %ne3A_365 = vector.broadcast %ne3A_364 : i32 to vector<16xi32>
        %ne3A_366 = arith.cmpi ne, %rem3A_363, %ne3A_365 : vector<16xi32>
        %lt3A_367 = arith.constant 0 : i32
        %lt3A_368 = vector.broadcast %lt3A_367 : i32 to vector<16xi32>
        %lt3A_369 = arith.cmpi slt, %rem3A_363, %lt3A_368 : vector<16xi32>
        %lt3A_370 = arith.constant 0 : i32
        %lt3A_371 = arith.cmpi slt, %select_n3A_361, %lt3A_370 : i32
        %ne3A_372 = vector.broadcast %lt3A_371 : i1 to vector<16xi1>
        %ne3A_373 = vector.broadcast %ne3A_372 : vector<16xi1> to vector<16xi1>
        %ne3A_374 = arith.xori %lt3A_369, %ne3A_373 : vector<16xi1>
        %and3A_375 = arith.andi %ne3A_374, %ne3A_366 : vector<16xi1>
        %add3A_376 = vector.broadcast %select_n3A_361 : i32 to vector<16xi32>
        %add3A_377 = arith.addi %rem3A_363, %add3A_376 : vector<16xi32>
        %select_n3A_378 = arith.select %and3A_375, %add3A_377, %rem3A_363 : vector<16xi1>, vector<16xi32>
        %gather3A_379 = tpu.vector_load_idx %arg7[%add3A_151, %add3A_325] : memref<128x64xf32, #tpu.memory_space<vmem>>[vector<16xi32>, vector<16xi32>], vector<16xf32>,
        %gather3A_380 = tpu.vector_load_idx %arg7[%add3A_154, %add3A_325] : memref<128x64xf32, #tpu.memory_space<vmem>>[vector<16xi32>, vector<16xi32>], vector<16xf32>,
        %gather3A_381 = tpu.vector_load_idx %arg7[%add3A_157, %add3A_325] : memref<128x64xf32, #tpu.memory_space<vmem>>[vector<16xi32>, vector<16xi32>], vector<16xf32>,
        tpu.vector_store_idx %arg9[%select_n3A_293, %select_n3A_315, %add3A_151], %gather3A : memref<8x8x128xf32, #tpu.memory_space<vmem>>[vector<16xi32>, vector<16xi32>, vector<16xi32>], vector<16xf32>,
        %gather3A_382 = tpu.vector_load_idx %arg7[%add3A_160, %add3A_325] : memref<128x64xf32, #tpu.memory_space<vmem>>[vector<16xi32>, vector<16xi32>], vector<16xf32>,
        tpu.vector_store_idx %arg9[%select_n3A_293, %select_n3A_315, %add3A_154], %gather3A_316 : memref<8x8x128xf32, #tpu.memory_space<vmem>>[vector<16xi32>, vector<16xi32>, vector<16xi32>], vector<16xf32>,
        %gather3A_383 = tpu.vector_load_idx %arg7[%add3A_163, %add3A_325] : memref<128x64xf32, #tpu.memory_space<vmem>>[vector<16xi32>, vector<16xi32>], vector<16xf32>,
        tpu.vector_store_idx %arg9[%select_n3A_293, %select_n3A_315, %add3A_157], %gather3A_317 : memref<8x8x128xf32, #tpu.memory_space<vmem>>[vector<16xi32>, vector<16xi32>, vector<16xi32>], vector<16xf32>,
        %gather3A_384 = tpu.vector_load_idx %arg7[%add3A_166, %add3A_325] : memref<128x64xf32, #tpu.memory_space<vmem>>[vector<16xi32>, vector<16xi32>], vector<16xf32>,
        tpu.vector_store_idx %arg9[%select_n3A_293, %select_n3A_315, %add3A_160], %gather3A_318 : memref<8x8x128xf32, #tpu.memory_space<vmem>>[vector<16xi32>, vector<16xi32>, vector<16xi32>], vector<16xf32>,
        %gather3A_385 = tpu.vector_load_idx %arg7[%add3A_169, %add3A_325] : memref<128x64xf32, #tpu.memory_space<vmem>>[vector<16xi32>, vector<16xi32>], vector<16xf32>,
        tpu.vector_store_idx %arg9[%select_n3A_293, %select_n3A_315, %add3A_163], %gather3A_319 : memref<8x8x128xf32, #tpu.memory_space<vmem>>[vector<16xi32>, vector<16xi32>, vector<16xi32>], vector<16xf32>,
        %gather3A_386 = tpu.vector_load_idx %arg7[%add3A_172, %add3A_325] : memref<128x64xf32, #tpu.memory_space<vmem>>[vector<16xi32>, vector<16xi32>], vector<16xf32>,
        tpu.vector_store_idx %arg9[%select_n3A_293, %select_n3A_315, %add3A_166], %gather3A_320 : memref<8x8x128xf32, #tpu.memory_space<vmem>>[vector<16xi32>, vector<16xi32>, vector<16xi32>], vector<16xf32>,
        %add3A_387 = arith.constant 32 : i32
        %add3A_388 = vector.broadcast %add3A_387 : i32 to vector<16xi32>
        %add3A_389 = arith.addi %select_n3A_259, %add3A_388 : vector<16xi32>
        %jit3A_390 = arith.constant 8 : i32
        %div3A_391 = vector.broadcast %jit3A_390 : i32 to vector<16xi32>
        %div3A_392 = arith.divsi %add3A_389, %div3A_391 : vector<16xi32>
        %sign3A_393 = arith.constant 0 : i32
        %sign3A_394 = vector.broadcast %sign3A_393 : i32 to vector<16xi32>
        %sign3A_395 = arith.cmpi sgt, %add3A_389, %sign3A_394 : vector<16xi32>
        %sign3A_396 = arith.extui %sign3A_395 : vector<16xi1> to vector<16xi32>
        %sign3A_397 = arith.constant 0 : i32
        %sign3A_398 = vector.broadcast %sign3A_397 : i32 to vector<16xi32>
        %sign3A_399 = arith.cmpi slt, %add3A_389, %sign3A_398 : vector<16xi32>
        %sign3A_400 = arith.extui %sign3A_399 : vector<16xi1> to vector<16xi32>
        %sign3A_401 = arith.subi %sign3A_396, %sign3A_400 : vector<16xi32>
        %sign3A_402 = arith.constant 0 : i32
        %sign3A_403 = arith.cmpi sgt, %jit3A_390, %sign3A_402 : i32
        %sign3A_404 = arith.extui %sign3A_403 : i1 to i32
        %sign3A_405 = arith.constant 0 : i32
        %sign3A_406 = arith.cmpi slt, %jit3A_390, %sign3A_405 : i32
        %sign3A_407 = arith.extui %sign3A_406 : i1 to i32
        %sign3A_408 = arith.subi %sign3A_404, %sign3A_407 : i32
        %ne3A_409 = vector.broadcast %sign3A_408 : i32 to vector<16xi32>
        %ne3A_410 = arith.cmpi ne, %sign3A_401, %ne3A_409 : vector<16xi32>
        %rem3A_411 = vector.broadcast %jit3A_390 : i32 to vector<16xi32>
        %rem3A_412 = arith.remsi %add3A_389, %rem3A_411 : vector<16xi32>
        %ne3A_413 = arith.constant 0 : i32
        %ne3A_414 = vector.broadcast %ne3A_413 : i32 to vector<16xi32>
        %ne3A_415 = arith.cmpi ne, %rem3A_412, %ne3A_414 : vector<16xi32>
        %and3A_416 = arith.andi %ne3A_410, %ne3A_415 : vector<16xi1>
        %sub3A_417 = arith.constant 1 : i32
        %sub3A_418 = vector.broadcast %sub3A_417 : i32 to vector<16xi32>
        %sub3A_419 = arith.subi %div3A_392, %sub3A_418 : vector<16xi32>
        %select_n3A_420 = arith.select %and3A_416, %sub3A_419, %div3A_392 : vector<16xi1>, vector<16xi32>
        %jit3A_421 = arith.constant 8 : i32
        %eq3A_422 = arith.constant 0 : i32
        %eq3A_423 = arith.cmpi eq, %jit3A_421, %eq3A_422 : i32
        %jit3A_424 = arith.constant 1 : i32
        %select_n3A_425 = arith.select %eq3A_423, %jit3A_424, %jit3A_421 : i32
        %rem3A_426 = vector.broadcast %select_n3A_425 : i32 to vector<16xi32>
        %rem3A_427 = arith.remsi %add3A_389, %rem3A_426 : vector<16xi32>
        %ne3A_428 = arith.constant 0 : i32
        %ne3A_429 = vector.broadcast %ne3A_428 : i32 to vector<16xi32>
        %ne3A_430 = arith.cmpi ne, %rem3A_427, %ne3A_429 : vector<16xi32>
        %lt3A_431 = arith.constant 0 : i32
        %lt3A_432 = vector.broadcast %lt3A_431 : i32 to vector<16xi32>
        %lt3A_433 = arith.cmpi slt, %rem3A_427, %lt3A_432 : vector<16xi32>
        %lt3A_434 = arith.constant 0 : i32
        %lt3A_435 = arith.cmpi slt, %select_n3A_425, %lt3A_434 : i32
        %ne3A_436 = vector.broadcast %lt3A_435 : i1 to vector<16xi1>
        %ne3A_437 = vector.broadcast %ne3A_436 : vector<16xi1> to vector<16xi1>
        %ne3A_438 = arith.xori %lt3A_433, %ne3A_437 : vector<16xi1>
        %and3A_439 = arith.andi %ne3A_438, %ne3A_430 : vector<16xi1>
        %add3A_440 = vector.broadcast %select_n3A_425 : i32 to vector<16xi32>
        %add3A_441 = arith.addi %rem3A_427, %add3A_440 : vector<16xi32>
        %select_n3A_442 = arith.select %and3A_439, %add3A_441, %rem3A_427 : vector<16xi1>, vector<16xi32>
        %gather3A_443 = tpu.vector_load_idx %arg7[%add3A_151, %add3A_389] : memref<128x64xf32, #tpu.memory_space<vmem>>[vector<16xi32>, vector<16xi32>], vector<16xf32>,
        tpu.vector_store_idx %arg9[%select_n3A_293, %select_n3A_315, %add3A_169], %gather3A_321 : memref<8x8x128xf32, #tpu.memory_space<vmem>>[vector<16xi32>, vector<16xi32>, vector<16xi32>], vector<16xf32>,
        %gather3A_444 = tpu.vector_load_idx %arg7[%add3A_154, %add3A_389] : memref<128x64xf32, #tpu.memory_space<vmem>>[vector<16xi32>, vector<16xi32>], vector<16xf32>,
        tpu.vector_store_idx %arg9[%select_n3A_293, %select_n3A_315, %add3A_172], %gather3A_322 : memref<8x8x128xf32, #tpu.memory_space<vmem>>[vector<16xi32>, vector<16xi32>, vector<16xi32>], vector<16xf32>,
        %gather3A_445 = tpu.vector_load_idx %arg7[%add3A_157, %add3A_389] : memref<128x64xf32, #tpu.memory_space<vmem>>[vector<16xi32>, vector<16xi32>], vector<16xf32>,
        tpu.vector_store_idx %arg9[%select_n3A_356, %select_n3A_378, %add3A_151], %gather3A_379 : memref<8x8x128xf32, #tpu.memory_space<vmem>>[vector<16xi32>, vector<16xi32>, vector<16xi32>], vector<16xf32>,
        %gather3A_446 = tpu.vector_load_idx %arg7[%add3A_160, %add3A_389] : memref<128x64xf32, #tpu.memory_space<vmem>>[vector<16xi32>, vector<16xi32>], vector<16xf32>,
        tpu.vector_store_idx %arg9[%select_n3A_356, %select_n3A_378, %add3A_154], %gather3A_380 : memref<8x8x128xf32, #tpu.memory_space<vmem>>[vector<16xi32>, vector<16xi32>, vector<16xi32>], vector<16xf32>,
        %gather3A_447 = tpu.vector_load_idx %arg7[%add3A_163, %add3A_389] : memref<128x64xf32, #tpu.memory_space<vmem>>[vector<16xi32>, vector<16xi32>], vector<16xf32>,
        tpu.vector_store_idx %arg9[%select_n3A_356, %select_n3A_378, %add3A_157], %gather3A_381 : memref<8x8x128xf32, #tpu.memory_space<vmem>>[vector<16xi32>, vector<16xi32>, vector<16xi32>], vector<16xf32>,
        %gather3A_448 = tpu.vector_load_idx %arg7[%add3A_166, %add3A_389] : memref<128x64xf32, #tpu.memory_space<vmem>>[vector<16xi32>, vector<16xi32>], vector<16xf32>,
        tpu.vector_store_idx %arg9[%select_n3A_356, %select_n3A_378, %add3A_160], %gather3A_382 : memref<8x8x128xf32, #tpu.memory_space<vmem>>[vector<16xi32>, vector<16xi32>, vector<16xi32>], vector<16xf32>,
        %gather3A_449 = tpu.vector_load_idx %arg7[%add3A_169, %add3A_389] : memref<128x64xf32, #tpu.memory_space<vmem>>[vector<16xi32>, vector<16xi32>], vector<16xf32>,
        tpu.vector_store_idx %arg9[%select_n3A_356, %select_n3A_378, %add3A_163], %gather3A_383 : memref<8x8x128xf32, #tpu.memory_space<vmem>>[vector<16xi32>, vector<16xi32>, vector<16xi32>], vector<16xf32>,
        %gather3A_450 = tpu.vector_load_idx %arg7[%add3A_172, %add3A_389] : memref<128x64xf32, #tpu.memory_space<vmem>>[vector<16xi32>, vector<16xi32>], vector<16xf32>,
        tpu.vector_store_idx %arg9[%select_n3A_356, %select_n3A_378, %add3A_166], %gather3A_384 : memref<8x8x128xf32, #tpu.memory_space<vmem>>[vector<16xi32>, vector<16xi32>, vector<16xi32>], vector<16xf32>,
        %add3A_451 = arith.constant 48 : i32
        %add3A_452 = vector.broadcast %add3A_451 : i32 to vector<16xi32>
        %add3A_453 = arith.addi %select_n3A_259, %add3A_452 : vector<16xi32>
        %jit3A_454 = arith.constant 8 : i32
        %div3A_455 = vector.broadcast %jit3A_454 : i32 to vector<16xi32>
        %div3A_456 = arith.divsi %add3A_453, %div3A_455 : vector<16xi32>
        %sign3A_457 = arith.constant 0 : i32
        %sign3A_458 = vector.broadcast %sign3A_457 : i32 to vector<16xi32>
        %sign3A_459 = arith.cmpi sgt, %add3A_453, %sign3A_458 : vector<16xi32>
        %sign3A_460 = arith.extui %sign3A_459 : vector<16xi1> to vector<16xi32>
        %sign3A_461 = arith.constant 0 : i32
        %sign3A_462 = vector.broadcast %sign3A_461 : i32 to vector<16xi32>
        %sign3A_463 = arith.cmpi slt, %add3A_453, %sign3A_462 : vector<16xi32>
        %sign3A_464 = arith.extui %sign3A_463 : vector<16xi1> to vector<16xi32>
        %sign3A_465 = arith.subi %sign3A_460, %sign3A_464 : vector<16xi32>
        %sign3A_466 = arith.constant 0 : i32
        %sign3A_467 = arith.cmpi sgt, %jit3A_454, %sign3A_466 : i32
        %sign3A_468 = arith.extui %sign3A_467 : i1 to i32
        %sign3A_469 = arith.constant 0 : i32
        %sign3A_470 = arith.cmpi slt, %jit3A_454, %sign3A_469 : i32
        %sign3A_471 = arith.extui %sign3A_470 : i1 to i32
        %sign3A_472 = arith.subi %sign3A_468, %sign3A_471 : i32
        %ne3A_473 = vector.broadcast %sign3A_472 : i32 to vector<16xi32>
        %ne3A_474 = arith.cmpi ne, %sign3A_465, %ne3A_473 : vector<16xi32>
        %rem3A_475 = vector.broadcast %jit3A_454 : i32 to vector<16xi32>
        %rem3A_476 = arith.remsi %add3A_453, %rem3A_475 : vector<16xi32>
        %ne3A_477 = arith.constant 0 : i32
        %ne3A_478 = vector.broadcast %ne3A_477 : i32 to vector<16xi32>
        %ne3A_479 = arith.cmpi ne, %rem3A_476, %ne3A_478 : vector<16xi32>
        %and3A_480 = arith.andi %ne3A_474, %ne3A_479 : vector<16xi1>
        %sub3A_481 = arith.constant 1 : i32
        %sub3A_482 = vector.broadcast %sub3A_481 : i32 to vector<16xi32>
        %sub3A_483 = arith.subi %div3A_456, %sub3A_482 : vector<16xi32>
        %select_n3A_484 = arith.select %and3A_480, %sub3A_483, %div3A_456 : vector<16xi1>, vector<16xi32>
        %jit3A_485 = arith.constant 8 : i32
        %eq3A_486 = arith.constant 0 : i32
        %eq3A_487 = arith.cmpi eq, %jit3A_485, %eq3A_486 : i32
        %jit3A_488 = arith.constant 1 : i32
        %select_n3A_489 = arith.select %eq3A_487, %jit3A_488, %jit3A_485 : i32
        %rem3A_490 = vector.broadcast %select_n3A_489 : i32 to vector<16xi32>
        %rem3A_491 = arith.remsi %add3A_453, %rem3A_490 : vector<16xi32>
        %ne3A_492 = arith.constant 0 : i32
        %ne3A_493 = vector.broadcast %ne3A_492 : i32 to vector<16xi32>
        %ne3A_494 = arith.cmpi ne, %rem3A_491, %ne3A_493 : vector<16xi32>
        %lt3A_495 = arith.constant 0 : i32
        %lt3A_496 = vector.broadcast %lt3A_495 : i32 to vector<16xi32>
        %lt3A_497 = arith.cmpi slt, %rem3A_491, %lt3A_496 : vector<16xi32>
        %lt3A_498 = arith.constant 0 : i32
        %lt3A_499 = arith.cmpi slt, %select_n3A_489, %lt3A_498 : i32
        %ne3A_500 = vector.broadcast %lt3A_499 : i1 to vector<16xi1>
        %ne3A_501 = vector.broadcast %ne3A_500 : vector<16xi1> to vector<16xi1>
        %ne3A_502 = arith.xori %lt3A_497, %ne3A_501 : vector<16xi1>
        %and3A_503 = arith.andi %ne3A_502, %ne3A_494 : vector<16xi1>
        %add3A_504 = vector.broadcast %select_n3A_489 : i32 to vector<16xi32>
        %add3A_505 = arith.addi %rem3A_491, %add3A_504 : vector<16xi32>
        %select_n3A_506 = arith.select %and3A_503, %add3A_505, %rem3A_491 : vector<16xi1>, vector<16xi32>
        %gather3A_507 = tpu.vector_load_idx %arg7[%add3A_151, %add3A_453] : memref<128x64xf32, #tpu.memory_space<vmem>>[vector<16xi32>, vector<16xi32>], vector<16xf32>,
        tpu.vector_store_idx %arg9[%select_n3A_356, %select_n3A_378, %add3A_169], %gather3A_385 : memref<8x8x128xf32, #tpu.memory_space<vmem>>[vector<16xi32>, vector<16xi32>, vector<16xi32>], vector<16xf32>,
        %gather3A_508 = tpu.vector_load_idx %arg7[%add3A_154, %add3A_453] : memref<128x64xf32, #tpu.memory_space<vmem>>[vector<16xi32>, vector<16xi32>], vector<16xf32>,
        tpu.vector_store_idx %arg9[%select_n3A_356, %select_n3A_378, %add3A_172], %gather3A_386 : memref<8x8x128xf32, #tpu.memory_space<vmem>>[vector<16xi32>, vector<16xi32>, vector<16xi32>], vector<16xf32>,
        %gather3A_509 = tpu.vector_load_idx %arg7[%add3A_157, %add3A_453] : memref<128x64xf32, #tpu.memory_space<vmem>>[vector<16xi32>, vector<16xi32>], vector<16xf32>,
        tpu.vector_store_idx %arg9[%select_n3A_420, %select_n3A_442, %add3A_151], %gather3A_443 : memref<8x8x128xf32, #tpu.memory_space<vmem>>[vector<16xi32>, vector<16xi32>, vector<16xi32>], vector<16xf32>,
        %gather3A_510 = tpu.vector_load_idx %arg7[%add3A_160, %add3A_453] : memref<128x64xf32, #tpu.memory_space<vmem>>[vector<16xi32>, vector<16xi32>], vector<16xf32>,
        tpu.vector_store_idx %arg9[%select_n3A_420, %select_n3A_442, %add3A_154], %gather3A_444 : memref<8x8x128xf32, #tpu.memory_space<vmem>>[vector<16xi32>, vector<16xi32>, vector<16xi32>], vector<16xf32>,
        %gather3A_511 = tpu.vector_load_idx %arg7[%add3A_163, %add3A_453] : memref<128x64xf32, #tpu.memory_space<vmem>>[vector<16xi32>, vector<16xi32>], vector<16xf32>,
        tpu.vector_store_idx %arg9[%select_n3A_420, %select_n3A_442, %add3A_157], %gather3A_445 : memref<8x8x128xf32, #tpu.memory_space<vmem>>[vector<16xi32>, vector<16xi32>, vector<16xi32>], vector<16xf32>,
        %gather3A_512 = tpu.vector_load_idx %arg7[%add3A_166, %add3A_453] : memref<128x64xf32, #tpu.memory_space<vmem>>[vector<16xi32>, vector<16xi32>], vector<16xf32>,
        tpu.vector_store_idx %arg9[%select_n3A_420, %select_n3A_442, %add3A_160], %gather3A_446 : memref<8x8x128xf32, #tpu.memory_space<vmem>>[vector<16xi32>, vector<16xi32>, vector<16xi32>], vector<16xf32>,
        %gather3A_513 = tpu.vector_load_idx %arg7[%add3A_169, %add3A_453] : memref<128x64xf32, #tpu.memory_space<vmem>>[vector<16xi32>, vector<16xi32>], vector<16xf32>,
        tpu.vector_store_idx %arg9[%select_n3A_420, %select_n3A_442, %add3A_163], %gather3A_447 : memref<8x8x128xf32, #tpu.memory_space<vmem>>[vector<16xi32>, vector<16xi32>, vector<16xi32>], vector<16xf32>,
        %gather3A_514 = tpu.vector_load_idx %arg7[%add3A_172, %add3A_453] : memref<128x64xf32, #tpu.memory_space<vmem>>[vector<16xi32>, vector<16xi32>], vector<16xf32>,
        tpu.vector_store_idx %arg9[%select_n3A_420, %select_n3A_442, %add3A_166], %gather3A_448 : memref<8x8x128xf32, #tpu.memory_space<vmem>>[vector<16xi32>, vector<16xi32>, vector<16xi32>], vector<16xf32>,
        tpu.vector_store_idx %arg9[%select_n3A_420, %select_n3A_442, %add3A_169], %gather3A_449 : memref<8x8x128xf32, #tpu.memory_space<vmem>>[vector<16xi32>, vector<16xi32>, vector<16xi32>], vector<16xf32>,
        tpu.vector_store_idx %arg9[%select_n3A_420, %select_n3A_442, %add3A_172], %gather3A_450 : memref<8x8x128xf32, #tpu.memory_space<vmem>>[vector<16xi32>, vector<16xi32>, vector<16xi32>], vector<16xf32>,
        tpu.vector_store_idx %arg9[%select_n3A_484, %select_n3A_506, %add3A_151], %gather3A_507 : memref<8x8x128xf32, #tpu.memory_space<vmem>>[vector<16xi32>, vector<16xi32>, vector<16xi32>], vector<16xf32>,
        tpu.vector_store_idx %arg9[%select_n3A_484, %select_n3A_506, %add3A_154], %gather3A_508 : memref<8x8x128xf32, #tpu.memory_space<vmem>>[vector<16xi32>, vector<16xi32>, vector<16xi32>], vector<16xf32>,
        tpu.vector_store_idx %arg9[%select_n3A_484, %select_n3A_506, %add3A_157], %gather3A_509 : memref<8x8x128xf32, #tpu.memory_space<vmem>>[vector<16xi32>, vector<16xi32>, vector<16xi32>], vector<16xf32>,
        tpu.vector_store_idx %arg9[%select_n3A_484, %select_n3A_506, %add3A_160], %gather3A_510 : memref<8x8x128xf32, #tpu.memory_space<vmem>>[vector<16xi32>, vector<16xi32>, vector<16xi32>], vector<16xf32>,
        tpu.vector_store_idx %arg9[%select_n3A_484, %select_n3A_506, %add3A_163], %gather3A_511 : memref<8x8x128xf32, #tpu.memory_space<vmem>>[vector<16xi32>, vector<16xi32>, vector<16xi32>], vector<16xf32>,
        tpu.vector_store_idx %arg9[%select_n3A_484, %select_n3A_506, %add3A_166], %gather3A_512 : memref<8x8x128xf32, #tpu.memory_space<vmem>>[vector<16xi32>, vector<16xi32>, vector<16xi32>], vector<16xf32>,
        tpu.vector_store_idx %arg9[%select_n3A_484, %select_n3A_506, %add3A_169], %gather3A_513 : memref<8x8x128xf32, #tpu.memory_space<vmem>>[vector<16xi32>, vector<16xi32>, vector<16xi32>], vector<16xf32>,
        tpu.vector_store_idx %arg9[%select_n3A_484, %select_n3A_506, %add3A_172], %gather3A_514 : memref<8x8x128xf32, #tpu.memory_space<vmem>>[vector<16xi32>, vector<16xi32>, vector<16xi32>], vector<16xf32>,
      }
      %scan3A_177 = arith.constant 16 : i32
      %mul3A_178 = arith.constant 200 : i32
      %mul3A_179 = arith.muli %add3A, %mul3A_178 : i32
      %add3A_180 = arith.addi %mul3A_179, %add3A_129 : i32
      %jit3A_181 = arith.constant 128 : i32
      %div3A_182 = arith.divsi %add3A_180, %jit3A_181 : i32
      %sign3A_183 = arith.constant 0 : i32
      %sign3A_184 = arith.cmpi sgt, %add3A_180, %sign3A_183 : i32
      %sign3A_185 = arith.extui %sign3A_184 : i1 to i32
      %sign3A_186 = arith.constant 0 : i32
      %sign3A_187 = arith.cmpi slt, %add3A_180, %sign3A_186 : i32
      %sign3A_188 = arith.extui %sign3A_187 : i1 to i32
      %sign3A_189 = arith.subi %sign3A_185, %sign3A_188 : i32
      %sign3A_190 = arith.constant 0 : i32
      %sign3A_191 = arith.cmpi sgt, %jit3A_181, %sign3A_190 : i32
      %sign3A_192 = arith.extui %sign3A_191 : i1 to i32
      %sign3A_193 = arith.constant 0 : i32
      %sign3A_194 = arith.cmpi slt, %jit3A_181, %sign3A_193 : i32
      %sign3A_195 = arith.extui %sign3A_194 : i1 to i32
      %sign3A_196 = arith.subi %sign3A_192, %sign3A_195 : i32
      %ne3A_197 = arith.cmpi ne, %sign3A_189, %sign3A_196 : i32
      %rem3A_198 = arith.remsi %add3A_180, %jit3A_181 : i32
      %ne3A_199 = arith.constant 0 : i32
      %ne3A_200 = arith.cmpi ne, %rem3A_198, %ne3A_199 : i32
      %and3A_201 = arith.andi %ne3A_197, %ne3A_200 : i1
      %sub3A_202 = arith.constant 1 : i32
      %sub3A_203 = arith.subi %div3A_182, %sub3A_202 : i32
      %select_n3A_204 = arith.select %and3A_201, %sub3A_203, %div3A_182 : i32
      %jit3A_205 = arith.constant 128 : i32
      %eq3A_206 = arith.constant 0 : i32
      %eq3A_207 = arith.cmpi eq, %jit3A_205, %eq3A_206 : i32
      %jit3A_208 = arith.constant 1 : i32
      %select_n3A_209 = arith.select %eq3A_207, %jit3A_208, %jit3A_205 : i32
      %rem3A_210 = arith.remsi %add3A_180, %select_n3A_209 : i32
      %ne3A_211 = arith.constant 0 : i32
      %ne3A_212 = arith.cmpi ne, %rem3A_210, %ne3A_211 : i32
      %lt3A_213 = arith.constant 0 : i32
      %lt3A_214 = arith.cmpi slt, %rem3A_210, %lt3A_213 : i32
      %lt3A_215 = arith.constant 0 : i32
      %lt3A_216 = arith.cmpi slt, %select_n3A_209, %lt3A_215 : i32
      %ne3A_217 = arith.xori %lt3A_214, %lt3A_216 : i1
      %and3A_218 = arith.andi %ne3A_217, %ne3A_212 : i1
      %add3A_219 = arith.addi %rem3A_210, %select_n3A_209 : i32
      %select_n3A_220 = arith.select %and3A_218, %add3A_219, %rem3A_210 : i32
      %dma_start3A_221 = arith.constant 0 : i32
      %dma_start3A_222 = arith.constant 0 : i32
      %dma_start3A_223 = arith.constant 0 : i32
      %dma_start3A_224 = tpu.memref_slice %arg4[%select_n3A_204, %dma_start3A_221, %select_n3A_220, %dma_start3A_222, %dma_start3A_223] : memref<50x8x128x8x128xf32, #tpu.memory_space<hbm>> -> memref<1x8x1x8x128xf32, #tpu.memory_space<hbm>>
      %dma_start3A_225 = tpu.memref_squeeze %dma_start3A_224 : memref<1x8x1x8x128xf32, #tpu.memory_space<hbm>> -> memref<8x8x128xf32, #tpu.memory_space<hbm>>
      %dma_start3A_226 = arith.constant 0 : i32
      %dma_start3A_227 = arith.constant 0 : i32
      %dma_start3A_228 = arith.constant 0 : i32
      %dma_start3A_229 = tpu.memref_slice %arg4[%select_n3A_204, %dma_start3A_226, %select_n3A_220, %dma_start3A_227, %dma_start3A_228] : memref<50x8x128x8x128xf32, #tpu.memory_space<hbm>> -> memref<1x8x1x8x128xf32, #tpu.memory_space<hbm>>
      %dma_start3A_230 = tpu.memref_squeeze %dma_start3A_229 : memref<1x8x1x8x128xf32, #tpu.memory_space<hbm>> -> memref<8x8x128xf32, #tpu.memory_space<hbm>>
      tpu.enqueue_dma source(%arg9 : memref<8x8x128xf32, #tpu.memory_space<vmem>>) target(%dma_start3A_230 : memref<8x8x128xf32, #tpu.memory_space<hbm>>) target_semaphore(%arg13 : memref<!tpu.dma_semaphore, #tpu.memory_space<semaphore_mem>>)
    }
    %scan3A_10 = arith.constant 100 : i32
    %dma_wait3A = arith.constant 0 : i32
    %dma_wait3A_11 = arith.constant 0 : i32
    %dma_wait3A_12 = arith.constant 0 : i32
    %dma_wait3A_13 = arith.constant 0 : i32
    %dma_wait3A_14 = arith.constant 0 : i32
    %dma_wait3A_15 = tpu.memref_slice %arg4[%dma_wait3A, %dma_wait3A_12, %dma_wait3A_11, %dma_wait3A_13, %dma_wait3A_14] : memref<50x8x128x8x128xf32, #tpu.memory_space<hbm>> -> memref<1x8x1x8x128xf32, #tpu.memory_space<hbm>>
    %dma_wait3A_16 = tpu.memref_squeeze %dma_wait3A_15 : memref<1x8x1x8x128xf32, #tpu.memory_space<hbm>> -> memref<8x8x128xf32, #tpu.memory_space<hbm>>
    %dma_wait3A_17 = arith.constant 0 : i32
    %dma_wait3A_18 = arith.constant 0 : i32
    %dma_wait3A_19 = arith.constant 0 : i32
    %dma_wait3A_20 = tpu.memref_slice %arg4[%dma_wait3A, %dma_wait3A_17, %dma_wait3A_11, %dma_wait3A_18, %dma_wait3A_19] : memref<50x8x128x8x128xf32, #tpu.memory_space<hbm>> -> memref<1x8x1x8x128xf32, #tpu.memory_space<hbm>>
    %dma_wait3A_21 = tpu.memref_squeeze %dma_wait3A_20 : memref<1x8x1x8x128xf32, #tpu.memory_space<hbm>> -> memref<8x8x128xf32, #tpu.memory_space<hbm>>
    tpu.wait_dma2 semaphore(%arg12 : memref<!tpu.dma_semaphore, #tpu.memory_space<semaphore_mem>>) src(%arg8 : memref<8x8x128xf32, #tpu.memory_space<vmem>>) dst(%dma_wait3A_21 : memref<8x8x128xf32, #tpu.memory_space<hbm>>)
    %dma_wait3A_22 = arith.constant 0 : i32
    %dma_wait3A_23 = arith.constant 0 : i32
    %dma_wait3A_24 = arith.constant 0 : i32
    %dma_wait3A_25 = arith.constant 0 : i32
    %dma_wait3A_26 = arith.constant 0 : i32
    %dma_wait3A_27 = tpu.memref_slice %arg4[%dma_wait3A_22, %dma_wait3A_24, %dma_wait3A_23, %dma_wait3A_25, %dma_wait3A_26] : memref<50x8x128x8x128xf32, #tpu.memory_space<hbm>> -> memref<1x8x1x8x128xf32, #tpu.memory_space<hbm>>
    %dma_wait3A_28 = tpu.memref_squeeze %dma_wait3A_27 : memref<1x8x1x8x128xf32, #tpu.memory_space<hbm>> -> memref<8x8x128xf32, #tpu.memory_space<hbm>>
    %dma_wait3A_29 = arith.constant 0 : i32
    %dma_wait3A_30 = arith.constant 0 : i32
    %dma_wait3A_31 = arith.constant 0 : i32
    %dma_wait3A_32 = tpu.memref_slice %arg4[%dma_wait3A_22, %dma_wait3A_29, %dma_wait3A_23, %dma_wait3A_30, %dma_wait3A_31] : memref<50x8x128x8x128xf32, #tpu.memory_space<hbm>> -> memref<1x8x1x8x128xf32, #tpu.memory_space<hbm>>
    %dma_wait3A_33 = tpu.memref_squeeze %dma_wait3A_32 : memref<1x8x1x8x128xf32, #tpu.memory_space<hbm>> -> memref<8x8x128xf32, #tpu.memory_space<hbm>>
    tpu.wait_dma2 semaphore(%arg13 : memref<!tpu.dma_semaphore, #tpu.memory_space<semaphore_mem>>) src(%arg9 : memref<8x8x128xf32, #tpu.memory_space<vmem>>) dst(%dma_wait3A_33 : memref<8x8x128xf32, #tpu.memory_space<hbm>>)
    return
  }
}

</mosaic_0001>

<sc_bundles>
// kernel: kernel.4.cloned.1.call-start
scs
__scs_entry_jumppad:
0x0: {  	(pc) =	sbr.rel $0x88, $3  }
0x1: {  	(tag) =	ssettag $0x0;
	lr =	simm.s32 $0x1  }
0x2: {  	[smem:$0x3F9F] =	sst lr;
	_ =	strace $0xD0000000  }
0x3: {  	_ = 	snop  }
0x4: {  	_ = 	snop  }
0x5: {  	_ = 	snop  }
0x6: {  	_ = 	snop  }
0x7: {  	_ = 	snop  }
__scs_overlays_trampoline_lowered:
0x8: {  	[smem:$0x3FAE] =	sst s0  }
0x9: {  	[smem:$0x3FAF] =	sst s1  }
0xa: {  	[smem:$0x3FB0] =	sst s2  }
0xb: {  	[smem:$0x3FB1] =	sst s3  }
0xc: {  	[smem:$0x3FB2] =	sst s4  }
0xd: {  	[smem:$0x3FB3] =	sst s5  }
0xe: {  	[smem:$0x3FB4] =	sst s6  }
0xf: {  	[smem:$0x3FB5] =	sst s7  }
0x10: {  	[smem:$0x3FB6] =	sst s8  }
0x11: {  	[smem:$0x3FB7] =	sst s9;
	s0 =	simm.s32 @!p0 $0x0  }
0x12: {  	s1 =	sld [smem:$0x3F9D];
	s0 =	simm.s32 @p0 $0x1  }
0x13: {  	[smem:$0x3FB8] =	sst s0;
	s0 =	simm.s32 @!p1 $0x0  }
0x14: {  	s2 =	sld [smem:$0x3F9C];
	s0 =	simm.s32 @p1 $0x1  }
0x15: {  	[smem:$0x3FB9] =	sst s0;
	s0 =	simm.s32 @!p2 $0x0  }
0x16: {  	s3 =	sld [smem:$0x3FDB];
	s0 =	simm.s32 @p2 $0x1  }
0x17: {  	s4 =	simm.s32 $0x1BF5;
	[smem:$0x3FBB] =	sst s0  }
0x18: {  	s0 =	sld [smem:$0x3F9E];
	_ =	swait.ge [sflag:s4], $0x0  }
0x19: {  	s7 =	sld [smem:$0x3F9F]  }
0x1a: {  	s8 =	sadd.s32 $0xFFFFE003, lr  }
0x1b: {  	s9 =	sadd.s32 $0xFFFFFEF7, lr;
	s5 =	simm.s32 $0xFFFFFFFF;
	p2 =	slt.u32 s8, $0xFFFFF086  }
0x1c: {  	p1 =	slt.u32 s9, $0xF7A;
	s5 =	simm.s32 @!p2 $0x0  }
0x1d: {  	s5 =	simm.s32 @p1 $0x1;
	p0 =	seq.s32 s7, s2  }
0x1e: {  	s7 =	smul.u32 @!p0 $0xF7A, s2;
	p2 =	seq.s32 @!p0 s5, $0x0  }
0x1f: {  	s9 =	smul.u32 $0xF7A, s1;
	s8 =	simm.s32 @!p0 $0x1BF5;
	p2 =	por !p2, p0  }
0x20: {  	[sflag:s8] =	ssyncset.s32 @!p0 $0xFFFFF086;
	s6 =	sadd.s32 @!p0 s3, s7;
	s7 =	simm.s32 @!p0 $0x108  }
0x21: {  	s3 =	sadd.s32 s3, s9;
	s6 =	sadd.s32 @!p0 $0x88, s6;
	s7 =	simm.s32 @p2 $0x1082  }
0x22: {  	[simem:s7], [sflag:s8] =	dma.local @!p0 [hbm:s6], $0xF7A  }
0x23: {  	s9 =	sor.u32 $0xD0000000, s2;
	s6 =	simm.s32 $0x108;
	_ =	swait.ge @!p0 [sflag:s8], $0x0  }
0x24: {  	s3 =	sadd.s32 $0x88, s3;
	s6 =	simm.s32 @!p1 $0x1082;
	[sflag:s4] =	ssyncset.s32 $0xFFFFF086  }
0x25: {  	[simem:s6], [sflag:s4] =	dma.local [hbm:s3], $0xF7A  }
0x26: {  	[smem:$0x3F9F] =	sst s1;
	(tag) =	ssettag s2;
	_ =	strace s9  }
0x27: {  	s1 =	sld [smem:$0x3FAF]  }
0x28: {  	s2 =	sld [smem:$0x3FB0]  }
0x29: {  	s4 =	sld [smem:$0x3FB2]  }
0x2a: {  	p0 =	seq.s32 s5, $0x0;
	s5 =	sld [smem:$0x3FB3]  }
0x2b: {  	s6 =	sld [smem:$0x3FB4]  }
0x2c: {  	s7 =	sld [smem:$0x3FB5]  }
0x2d: {  	s3 =	simm.s32 $0x108;
	s8 =	sld [smem:$0x3FB6]  }
0x2e: {  	s3 =	simm.s32 @!p0 $0x1082;
	s9 =	sld [smem:$0x3FB7]  }
0x2f: {  	lr =	sadd.s32 s0, s3;
	s0 =	sld [smem:$0x3FAE]  }
0x30: {  	s3 =	sld [smem:$0x3FB1]  }
0x31: {  	[smem:$0x3FBA] =	sst s10  }
0x32: {  	s10 =	sld [smem:$0x3FB8];
	_ =	sdelay $0x3  }
0x33: {  	p0 =	seq.s32 s10, $0x1;
	s10 =	sld [smem:$0x3FBA];
	_ =	sdelay $0x3  }
0x34: {  	[smem:$0x3FBA] =	sst s10  }
0x35: {  	s10 =	sld [smem:$0x3FB9];
	_ =	sdelay $0x3  }
0x36: {  	p1 =	seq.s32 s10, $0x1;
	s10 =	sld [smem:$0x3FBA];
	_ =	sdelay $0x3  }
0x37: {  	[smem:$0x3FBA] =	sst s10  }
0x38: {  	s10 =	sld [smem:$0x3FBB]  }
0x39: {  	_ = 	snop;
	(pc) =	sbr.ind lr, $3  }
0x3a: {  	_ = 	snop  }
0x3b: {  	_ = 	snop  }
0x3c: {  	p2 =	seq.s32 s10, $0x1;
	s10 =	sld [smem:$0x3FBA]  }
0x3d: {  	_ =	shalt  }
0x3e: {  	_ =	shalt  }
0x3f: {  	_ =	shalt  }
0x40: {  	_ =	shalt  }
0x41: {  	_ =	shalt  }
0x42: {  	_ =	shalt  }
0x43: {  	_ =	shalt  }
0x44: {  	_ =	shalt  }
0x45: {  	_ =	shalt  }
0x46: {  	_ =	shalt  }
0x47: {  	_ =	shalt  }
0x48: {  	_ =	shalt  }
0x49: {  	_ =	shalt  }
0x4a: {  	_ =	shalt  }
0x4b: {  	_ =	shalt  }
0x4c: {  	_ =	shalt  }
0x4d: {  	_ =	shalt  }
0x4e: {  	_ =	shalt  }
0x4f: {  	_ =	shalt  }
0x50: {  	_ =	shalt  }
0x51: {  	_ =	shalt  }
0x52: {  	_ =	shalt  }
0x53: {  	_ =	shalt  }
0x54: {  	_ =	shalt  }
0x55: {  	_ =	shalt  }
0x56: {  	_ =	shalt  }
0x57: {  	_ =	shalt  }
0x58: {  	_ =	shalt  }
0x59: {  	_ =	shalt  }
0x5a: {  	_ =	shalt  }
0x5b: {  	_ =	shalt  }
0x5c: {  	_ =	shalt  }
0x5d: {  	_ =	shalt  }
0x5e: {  	_ =	shalt  }
0x5f: {  	_ =	shalt  }
0x60: {  	_ =	shalt  }
0x61: {  	_ =	shalt  }
0x62: {  	_ =	shalt  }
0x63: {  	_ =	shalt  }
0x64: {  	_ =	shalt  }
0x65: {  	_ =	shalt  }
0x66: {  	_ =	shalt  }
0x67: {  	_ =	shalt  }
0x68: {  	_ =	shalt  }
0x69: {  	_ =	shalt  }
0x6a: {  	_ =	shalt  }
0x6b: {  	_ =	shalt  }
0x6c: {  	_ =	shalt  }
0x6d: {  	_ =	shalt  }
0x6e: {  	_ =	shalt  }
0x6f: {  	_ =	shalt  }
0x70: {  	_ =	shalt  }
0x71: {  	_ =	shalt  }
0x72: {  	_ =	shalt  }
0x73: {  	_ =	shalt  }
0x74: {  	_ =	shalt  }
0x75: {  	_ =	shalt  }
0x76: {  	_ =	shalt  }
0x77: {  	_ =	shalt  }
0x78: {  	_ =	shalt  }
0x79: {  	_ =	shalt  }
0x7a: {  	_ =	shalt  }
0x7b: {  	_ =	shalt  }
0x7c: {  	_ =	shalt  }
0x7d: {  	_ =	shalt  }
0x7e: {  	_ =	shalt  }
0x7f: {  	_ =	shalt  }
0x80: {  	_ =	shalt  }
0x81: {  	_ =	shalt  }
0x82: {  	_ =	shalt  }
0x83: {  	_ =	shalt  }
0x84: {  	_ =	shalt  }
0x85: {  	_ =	shalt  }
0x86: {  	_ =	shalt  }
0x87: {  	_ =	shalt  }
.Lfunc_end0:
.L_simem_size_0:
called_computation_lowered:
.L_overlay_start_0:
0x88: {  	s2 =	sld [smem:$0x3FD9]  }
0x89: {  	s3 =	sld [smem:$0x3FFE];
	_ =	sdelay $0x1  }
0x8a: {  	s1 =	srdreg.scid  }
0x8b: {  	s0 =	sand.u32 $0x1, s1  }
0x8c: {  	s17 =	sshll.u32 s0, $0xA;
	s2 =	sadd.s32 s3, s2  }
0x8d: {  	s2 =	sadd.s32 s2, s17  }
0x8e: {  	[smem:$0x3FC6] =	sst s2  }
0x8f: {  	_ = 	snop  }
0x90: {  	s2 =	sld [smem:$0x3FC8];
	(tm) =	ssettm $0x1  }
0x91: {  	s18 =	sld [smem:$0x3FFB];
	_ =	sdelay $0x3  }
0x92: {  	_ =	strace s18  }
0x93: {  	s3 =	sld [smem:$0x3FFC];
	_ =	sdelay $0x3  }
0x94: {  	_ =	strace s3  }
0x95: {  	s3 =	sld [smem:$0x3FFD];
	_ =	sdelay $0x3  }
0x96: {  	_ =	strace s3  }
0x97: {  	_ =	strace $0x8FFFFFFF  }
0x98: {  	s19 =	sld [smem:$0x3FDB];
	_ =	sdelay $0x1  }
0x99: {  	s4 =	simm.s32 $_scs_section_size  }
0x9a: {  	s5 =	simm.s32 $_size__tile_overlayer_lowered;
	s6 =	simm.s32 $_tile_overlayer_lowered  }
0x9b: {  	s22 =	simm.s32 $0x1BFF;
	s21 =	sshll.u32 s6, $0x1;
	s3 =	sadd.s32 s4, s19  }
0x9c: {  	s7 =	simm.s32 $0x0;
	s20 =	sshll.u32 s5, $0x1;
	s5 =	sadd.s32 s21, s3  }
0x9d: {  	[timem:s7], [sflag:s22] =	dma.local [hbm:s5], s20  }
0x9e: {  	_ =	swait.ge [sflag:s22], s20  }
0x9f: {  	s4 =	ssub.s32 $0x0, s20;
	[sflag:s22] =	ssyncset.done $0x0  }
0xa0: {  	[sflag:s22] =	ssyncadd.s32 s4;
	_ =	sdelay $0x1  }
0xa1: {  	s23 =	simm.s32 $0x1B8B  }
0xa2: {  	_ =	swait.ge [sflag:s23], $0x1  }
0xa3: {  	[sflag:s23] =	ssyncset.done $0x0  }
0xa4: {  	s25 =	simm.s32 $0x1B8E;
	s24 =	sld [smem:$0x3FFE];
	[sflag:s23] =	ssyncadd.s32 $0xFFFFFFFF  }
0xa5: {  	s26 =	simm.s32 $execute0_lowered;
	[smem:$0x3FD2] =	sst s25  }
0xa6: {  	s5 =	sshll.u32 s26, $0x1;
	_ =	strace $0x80000046;
	[dreg:$0x1] =	wrdreg $0xFFFFFFFF  }
0xa7: {  	s28 =	simm.s32 $_size_execute0_lowered;
	s3 =	sadd.s32 s3, s5;
	[dreg:$0x0] =	wrdreg $0x0  }
0xa8: {  	s5 =	sshll.u32 s28, $0x1;
	[dreg:$0x2] =	wrdreg s3  }
0xa9: {  	[dreg:$0x3] =	wrdreg s5  }
0xaa: {  	[dreg:$0x4] =	wrdreg $0xC0  }
0xab: {  	_ =	task [dreg:s7], $0x5FFFF  }
0xac: {  	[dreg:$0x1] =	wrdreg $0xFFFFFFFF  }
0xad: {  	[dreg:$0x0] =	wrdreg $0x60  }
0xae: {  	[dreg:$0x2] =	wrdreg s2  }
0xaf: {  	[dreg:$0x3] =	wrdreg s24  }
0xb0: {  	[dreg:$0x4] =	wrdreg $0x9  }
0xb1: {  	_ =	task.clear_ibuf [dreg:s7], $0x5FFFF;
	_ =	strace $0x90000046  }
0xb2: {  	s29 =	simm.s32 $0x9;
	_ =	strace $0x80000048  }
0xb3: {  	_ =	swait.ge [sflag:s29], $0x1  }
0xb4: {  	[sflag:s29] =	ssyncadd.s32 $0xFFFFFFFF  }
0xb5: {  	_ =	strace $0x90000048  }
0xb6: {  	_ =	sfence  }
0xb7: {  	s30 =	sld [smem:$0x0];
	_ =	sdelay $0x2  }
0xb8: {  	s31 =	sshll.u32 s1, $0xD;
	s1 =	sshrl.u32 s1, $0x2  }
0xb9: {  	s3 =	sand.u32 $0x4000, s31;
	s1 =	sadd.s32 s1, s30  }
0xba: {  	s0 =	sor.u32 s3, s0;
	s1 =	sshll.u32 s1, $0x11  }
0xbb: {  	s0 =	sor.u32 s1, s0  }
0xbc: {  	s0 =	sadd.s32 $0x8F2B, s0  }
0xbd: {  	[sflag:s0] =	ssyncadd.remote.s32 $0x1  }
0xbe: {  	_ =	sfence.sel $0xFFFF  }
0xbf: {  	[dreg:$0x0] =	wrdreg $0xFFFFFFFF;
	(pc) =	sbr.abs _section_cstart, $3  }
0xc0: {  	[dreg:$0x1] =	wrdreg $0xFFFFFFFF  }
0xc1: {  	_ =	task.clear_ibuf [dreg:s7], $0x2FFFF;
	_ =	strace $0x9FFFFFFF  }
0xc2: {  	(tm) =	ssettm $0x7FFFFFFF  }
0xc3: {  	_ =	shalt  }
tec
execute0_lowered:
.L_overlay_start_1:
0x0: {  	(tag) =	ssettag $0x1  }
0x1: {  	v1 =	vlaneseq.u32  }
0x2: {  	v0 =	vor.u32 $0x800, v1  }
0x3: {  	[tilespmem:$0x1FC10] =	vst v0;
	v0 =	vor.u32 $0x1000, v1  }
0x4: {  	[tilespmem:$0x1FC20] =	vst v0;
	v0 =	vor.u32 $0x1800, v1  }
0x5: {  	[tilespmem:$0x1FC30] =	vst v0;
	v0 =	vor.u32 $0x10, v1  }
0x6: {  	[tilespmem:$0x1FC40] =	vst v0;
	v0 =	vor.u32 $0x810, v1  }
0x7: {  	[tilespmem:$0x1FC50] =	vst v0;
	v0 =	vor.u32 $0x1010, v1  }
0x8: {  	[tilespmem:$0x1FC60] =	vst v0;
	v0 =	vor.u32 $0x1810, v1  }
0x9: {  	[tilespmem:$0x1FC70] =	vst v0;
	v0 =	vor.u32 $0x20, v1  }
0xa: {  	[tilespmem:$0x1FC80] =	vst v0;
	v0 =	vor.u32 $0x820, v1  }
0xb: {  	v2 =	vmul.u32 $0x40, v1;
	[tilespmem:$0x1FC90] =	vst v0;
	v0 =	vor.u32 $0x1020, v1  }
0xc: {  	[tilespmem:$0x1FCA0] =	vst v0;
	v0 =	vor.u32 $0x1820, v1  }
0xd: {  	[tilespmem:$0x1FCB0] =	vst v0;
	v0 =	vor.u32 $0x10, v2  }
0xe: {  	[tilespmem:$0x1FCC0] =	vst v0;
	v0 =	vor.u32 $0x30, v1  }
0xf: {  	[tilespmem:$0x1FCD0] =	vst v0;
	v0 =	vor.u32 $0x20, v2  }
0x10: {  	[tilespmem:$0x1FCE0] =	vst v0;
	v0 =	vor.u32 $0x830, v1  }
0x11: {  	[tilespmem:$0x1FCF0] =	vst v0;
	v0 =	vor.u32 $0x30, v2  }
0x12: {  	[tilespmem:$0x1FD00] =	vst v0;
	v0 =	vor.u32 $0x1030, v1  }
0x13: {  	[tilespmem:$0x1FD10] =	vst v0;
	v0 =	vor.u32 $0x400, v2  }
0x14: {  	[tilespmem:$0x1FD20] =	vst v0;
	v0 =	vor.u32 $0x1830, v1  }
0x15: {  	[tilespmem:$0x1FD30] =	vst v0;
	v0 =	vor.u32 $0x410, v2  }
0x16: {  	[tilespmem:$0x1FD40] =	vst v0;
	v0 =	vor.u32 $0x420, v2  }
0x17: {  	[tilespmem:$0x1FD50] =	vst v0;
	v0 =	vor.u32 $0x430, v2  }
0x18: {  	[tilespmem:$0x1FD60] =	vst v0;
	v0 =	vor.u32 $0x800, v2  }
0x19: {  	[tilespmem:$0x1FD70] =	vst v0;
	v0 =	vor.u32 $0x810, v2  }
0x1a: {  	[tilespmem:$0x1FD80] =	vst v0;
	v0 =	vor.u32 $0x820, v2  }
0x1b: {  	s6 =	rddreg [dreg:$0x0];
	[tilespmem:$0x1FD90] =	vst v0;
	v0 =	vor.u32 $0x830, v2  }
0x1c: {  	s7 =	rddreg [dreg:$0x1];
	s2 =	simm.s32 $0x0;
	[tilespmem:$0x1FDA0] =	vst v0;
	v0 =	vor.u32 $0xC00, v2  }
0x1d: {  	s1 =	srdreg.scid;
	[smem:$0x7FF] =	sst s2;
	[tilespmem:$0x1FDB0] =	vst v0;
	v0 =	vor.u32 $0xC10, v2  }
0x1e: {  	s3 =	sand.u32 $0x1, s1;
	s1 =	rddreg [dreg:$0x2];
	v8 =	vor.u32 $0x1800, v2;
	_ =	strace $0x80000047;
	[tilespmem:$0x1FDC0] =	vst v0  }
0x1f: {  	[tilespmem:$0x1FDF0] =	vst v8  }
0x20: {  	v9 =	vor.u32 $0x40, v1;
	[tilespmem:$0x1FE60] =	vst v2  }
0x21: {  	v57 =	vor.u32 $0x840, v1;
	[tilespmem:$0x1FE80] =	vst v9  }
0x22: {  	v56 =	vor.u32 $0x1040, v1;
	[tilespmem:$0x1FE90] =	vst v57  }
0x23: {  	v13 =	vor.u32 $0x1840, v1;
	[tilespmem:$0x1FEA0] =	vst v56  }
0x24: {  	v53 =	vor.u32 $0x50, v1;
	[tilespmem:$0x1FEB0] =	vst v13  }
0x25: {  	v18 =	vor.u32 $0x850, v1;
	[tilespmem:$0x1FEC0] =	vst v53  }
0x26: {  	v55 =	vor.u32 $0x1050, v1;
	[tilespmem:$0x1FED0] =	vst v18  }
0x27: {  	v58 =	vor.u32 $0x1850, v1;
	[tilespmem:$0x1FEE0] =	vst v55  }
0x28: {  	v59 =	vor.u32 $0x60, v1;
	[tilespmem:$0x1FEF0] =	vst v58  }
0x29: {  	v60 =	vor.u32 $0x860, v1;
	[tilespmem:$0x1FF00] =	vst v59  }
0x2a: {  	v61 =	vor.u32 $0x1060, v1;
	[tilespmem:$0x1FF10] =	vst v60  }
0x2b: {  	v62 =	vor.u32 $0x1000, v2;
	[tilespmem:$0x1FF20] =	vst v61  }
0x2c: {  	v63 =	vor.u32 $0x1860, v1;
	[tilespmem:$0x1FF30] =	vst v62  }
0x2d: {  	v3 =	vor.u32 $0x70, v1;
	[tilespmem:$0x1FF40] =	vst v63  }
0x2e: {  	v4 =	vor.u32 $0x1020, v2;
	[tilespmem:$0x1FF60] =	vst v3  }
0x2f: {  	v6 =	vor.u32 $0x870, v1;
	[tilespmem:$0x1FF70] =	vst v4  }
0x30: {  	v5 =	vor.u32 $0x1030, v2;
	[tilespmem:$0x1FF80] =	vst v6  }
0x31: {  	v11 =	vor.u32 $0x1070, v1;
	[tilespmem:$0x1FF90] =	vst v5  }
0x32: {  	v7 =	vor.u32 $0x1400, v2;
	[tilespmem:$0x1FFA0] =	vst v11  }
0x33: {  	v15 =	vor.u32 $0x1870, v1;
	[tilespmem:$0x1FFB0] =	vst v7  }
0x34: {  	v14 =	vor.u32 $0x1410, v2;
	[tilespmem:$0x1FFC0] =	vst v15  }
0x35: {  	v17 =	vor.u32 $0x1420, v2;
	[tilespmem:$0x1FFD0] =	vst v14  }
0x36: {  	v19 =	vor.u32 $0x1430, v2;
	[tilespmem:$0x1FFE0] =	vst v17  }
0x37: {  	s0 =	stileid.u32;
	s9 =	simm.s32 $0x400;
	v0 =	vor.u32 $0xC20, v2;
	[tilespmem:$0x1FFF0] =	vst v19  }
0x38: {  	s10 =	simm.s32 $0x7A1400;
	s11 =	simm.s32 $0x1;
	s12 =	simm.s32 $0x4000;
	v8 =	vor.u32 $0x1810, v2;
	[tilespmem:$0x1FDD0] =	vst v0  }
0x39: {  	s13 =	simm.s32 $0x2;
	s14 =	simm.s32 $0x2000;
	s15 =	simm.s32 $0x6000;
	v0 =	vor.u32 $0xC30, v2;
	[tilespmem:$0x1FE00] =	vst v8  }
0x3a: {  	s17 =	simm.s32 $0x4;
	s18 =	simm.s32 $0x8000;
	s19 =	simm.s32 $0x5;
	v8 =	vor.u32 $0x1820, v2;
	[tilespmem:$0x1FDE0] =	vst v0  }
0x3b: {  	s20 =	simm.s32 $0xA000;
	s21 =	simm.s32 $0x0;
	s4 =	sshll.u32 s0, $0x1;
	[tilespmem:$0x1FE10] =	vst v8;
	v8 =	vor.u32 $0x1830, v2  }
0x3c: {  	p0 =	slt.u32 s0, $0x2;
	s16 =	sor.u32 s3, s4;
	s3 =	ssub.s32 $0x2, s3;
	v0 =	vor.u32 $0x1010, v2;
	[tilespmem:$0x1FE20] =	vst v8  }
.Ltmp0:
0x3d: {  	s4 =	sshll.u32 s16, $0xA;
	s5 =	sshrl.u32 s3, $0x1;
	v8 =	vor.u32 $0x1C00, v2;
	[tilespmem:$0x1FF50] =	vst v0;
	(pc) =	sbr.rel .LBB2_1-.Ltmp0, $4  }
0x3e: {  	s31 =	sshll.u32 s16, $0x7;
	s4 =	sadd.s32 s4, s7;
	s8 =	ssub.s32 s3, s5;
	[tilespmem:$0x1FE30] =	vst v8;
	v8 =	vor.u32 $0x1C10, v2  }
0x3f: {  	s3 =	simm.s32 $0xF5;
	s5 =	sadd.s32 s6, s31;
	s6 =	sadd.s32 $0xF4200, s6;
	[tilespmem:$0x1FE40] =	vst v8;
	v8 =	vor.u32 $0x1C20, v2  }
0x40: {  	s7 =	sadd.s32 $0x7A1A00, s7;
	s3 =	simm.s32 @!p0 $0xF4;
	s4 =	sadd.s32 $0xA00, s4;
	v2 =	vor.u32 $0x1C30, v2;
	[tilespmem:$0x1FE50] =	vst v8  }
0x41: {  	s8 =	smax.u32 s8, $0x1;
	p0 =	sne.s32 s16, $0x0;
	s16 =	simm.s32 $0x3;
	[tilespmem:$0x1FE70] =	vst v2  }
.LBB2_11:
0x42: {  	_ =	swait.ge [sflag:s16], $0x2000  }
.Ltmp1:
0x43: {  	[sflag:s16] =	ssyncset.done $0x0;
	(pc) =	sbr.rel @!p0 .LBB2_12-.Ltmp1, $4  }
0x44: {  	[sflag:s16] =	ssyncadd.s32 $0xFFFFE000  }
0x45: {  	_ =	swait.ge [sflag:s17], $0x2000  }
0x46: {  	[sflag:s17] =	ssyncset.done $0x0  }
0x47: {  	[sflag:s17] =	ssyncadd.s32 $0xFFFFE000  }
.LBB2_15:
0x48: {  	s21 =	sadd.s32 $0x1, s21  }
0x49: {  	p1 =	sne.s32 s21, s8  }
.Ltmp2:
0x4a: {  	_ = 	snop;
	(pc) =	sbr.rel @!p1 .LBB2_16-.Ltmp2, $1  }
0x4b: {  	_ =	sdelay $0x3  }
.LBB2_1:
.Ltmp3:
0x4c: {  	(pc) =	sbr.rel .LBB2_2-.Ltmp3, $3  }
0x4d: {  	_ =	sdelay $0x1  }
0x4e: {  	[tilespmem:s2], [sflag:$0x1] =	stream.strided.gather [hbm4b:s5+s9], $0x2000, s10, s9, $0x38;
	[tilespmem:$0xB000] =	vst v63  }
0x4f: {  	s22 =	simm.s32 $0x0  }
.LBB2_10:
0x50: {  	s22 =	sadd.s32 $0x1, s22  }
0x51: {  	p1 =	sne.s32 s22, $0x7B  }
.Ltmp4:
0x52: {  	_ = 	snop;
	(pc) =	sbr.rel @!p1 .LBB2_11-.Ltmp4, $1  }
0x53: {  	_ =	sdelay $0x3  }
.LBB2_2:
0x54: {  	s24 =	sshll.u32 s22, $0x1  }
0x55: {  	p1 =	slt.u32 s24, s3  }
.Ltmp5:
0x56: {  	_ = 	snop;
	(pc) =	sbr.rel @!p1 .LBB2_6-.Ltmp5, $2  }
0x57: {  	_ =	sdelay $0x2  }
0x58: {  	s23 =	sor.u32 $0x1, s24  }
0x59: {  	s23 =	sor.u32 $0x1, s24;
	_ =	swait.ge [sflag:s11], $0x2000  }
0x5a: {  	p1 =	sge.u32 s23, s3;
	[sflag:s11] =	ssyncset.done $0x0  }
0x5b: {  	s25 =	sshll.u32 @!p1 s23, $0xC;
	[sflag:s11] =	ssyncadd.s32 $0xFFFFE000;
	s26 =	simm.s32 @!p1 $0x400  }
0x5c: {  	s28 =	simm.s32 @!p1 $0x7A1400;
	s29 =	simm.s32 @!p1 $0x2000;
	s25 =	sadd.s32 @!p1 s25, s5  }
0x5d: {  	[tilespmem:s29], [sflag:$0x2] =	stream.strided.gather @!p1 [hbm4b:s25+s26], $0x2000, s28, s26, $0x38;
	[tilespmem:$0xB000] =	vst v63  }
0x5e: {  	p1 =	seq.s32 s22, $0x0  }
0x5f: {  	s25 =	simm.s32 @!p1 $0x3  }
0x60: {  	_ =	swait.ge @!p1 [sflag:s25], $0x2000  }
0x61: {  	v2 =	vld [tilespmem:$0x1FC10]  }
0x62: {  	v3 =	vld [tilespmem:$0x1FC20]  }
0x63: {  	v4 =	vld [tilespmem:$0x1FC30]  }
0x64: {  	v5 =	vld [tilespmem:$0x1FC40]  }
0x65: {  	v6 =	vld [tilespmem:$0x1FC50]  }
0x66: {  	v7 =	vld [tilespmem:$0x1FC60]  }
0x67: {  	v8 =	vld [tilespmem:$0x1FC70]  }
0x68: {  	v9 =	vld [tilespmem:$0x1FC80]  }
0x69: {  	v10 =	vld [tilespmem:$0x1FE60]  }
0x6a: {  	v11 =	vld [tilespmem:$0x1FC90]  }
0x6b: {  	v12 =	vld [tilespmem:$0x1FCA0]  }
0x6c: {  	v54 =	vmov v13;
	v13 =	vld [tilespmem:$0x1FCB0]  }
0x6d: {  	v14 =	vld [tilespmem:$0x1FCC0]  }
0x6e: {  	v15 =	vld [tilespmem:$0x1FCD0]  }
0x6f: {  	v16 =	vld [tilespmem:$0x1FCE0]  }
0x70: {  	v17 =	vld [tilespmem:$0x1FCF0]  }
0x71: {  	v52 =	vmov v18;
	v18 =	vld [tilespmem:$0x1FD00]  }
0x72: {  	v19 =	vld [tilespmem:$0x1FD10]  }
0x73: {  	v20 =	vld [tilespmem:$0x1FD20]  }
0x74: {  	v21 =	vld [tilespmem:$0x1FD30]  }
0x75: {  	v23 =	vld [tilespmem:$0x1FD40]  }
0x76: {  	v25 =	vld [tilespmem:$0x1FD50]  }
0x77: {  	v27 =	vld [tilespmem:$0x1FD60]  }
0x78: {  	v29 =	vld [tilespmem:$0x1FD70]  }
0x79: {  	v31 =	vld [tilespmem:$0x1FD80]  }
0x7a: {  	v33 =	vld [tilespmem:$0x1FD90]  }
0x7b: {  	v35 =	vld [tilespmem:$0x1FDA0]  }
0x7c: {  	v37 =	vld [tilespmem:$0x1FDB0]  }
0x7d: {  	v39 =	vld [tilespmem:$0x1FDC0]  }
0x7e: {  	[sflag:s25] =	ssyncset.done @!p1 $0x0;
	v41 =	vld [tilespmem:$0x1FDD0]  }
0x7f: {  	v1 =	vlaneseq.u32;
	v51 =	vld [tilespmem:$0x1FDE0];
	[sflag:s25] =	ssyncadd.s32 @!p1 $0xFFFFE000;
	s25 =	simm.s32 $0x0  }
.LBB2_4:
0x80: {  	v22 =	vadd.s32 s25, v1  }
0x81: {  	v24 =	vand.u32 $0xF, v22  }
0x82: {  	v26 =	vshll.u32 v24, $0x7  }
0x83: {  	v28 =	vor.u32 v1, v26  }
0x84: {  	v30 =	vor.u32 v2, v26  }
0x85: {  	v32 =	vor.u32 v3, v26  }
0x86: {  	v34 =	vor.u32 v4, v26  }
0x87: {  	v36 =	vor.u32 v5, v26  }
0x88: {  	v38 =	vor.u32 v6, v26;
	v28 =	vld.idx.msk [tilespmem:v28+s2+$0x0], $0xffff  }
0x89: {  	v40 =	vor.u32 v7, v26;
	v30 =	vld.idx.msk [tilespmem:v30+s2+$0x0], $0xffff  }
0x8a: {  	v42 =	vor.u32 v8, v26;
	v32 =	vld.idx.msk [tilespmem:v32+s2+$0x0], $0xffff  }
0x8b: {  	v43 =	vor.u32 v9, v26;
	v34 =	vld.idx.msk [tilespmem:v34+s2+$0x0], $0xffff  }
0x8c: {  	v44 =	vor.u32 v11, v26;
	v36 =	vld.idx.msk [tilespmem:v36+s2+$0x0], $0xffff  }
0x8d: {  	v46 =	vor.u32 v10, v24;
	v45 =	vor.u32 v12, v26;
	v38 =	vld.idx.msk [tilespmem:v38+s2+$0x0], $0xffff  }
0x8e: {  	v47 =	vor.u32 v13, v26;
	v40 =	vld.idx.msk [tilespmem:v40+s2+$0x0], $0xffff  }
0x8f: {  	v42 =	vld.idx.msk [tilespmem:v42+s2+$0x0], $0xffff  }
0x90: {  	v48 =	vor.u32 v14, v22;
	v43 =	vld.idx.msk [tilespmem:v43+s2+$0x0], $0xffff  }
0x91: {  	v50 =	vor.u32 v16, v24;
	v49 =	vor.u32 v15, v26;
	v44 =	vld.idx.msk [tilespmem:v44+s2+$0x0], $0xffff  }
0x92: {  	v45 =	vld.idx.msk [tilespmem:v45+s2+$0x0], $0xffff;
	[tilespmem:v46+s12+$0x0] =	vst.idx.msk $0xffff, v28;
	v28 =	vor.u32 v17, v26  }
0x93: {  	v46 =	vld.idx.msk [tilespmem:v47+s2+$0x0], $0xffff;
	v47 =	vor.u32 v18, v22;
	_ =	sdelay $0x1  }
0x94: {  	[tilespmem:v48+s12+$0x0] =	vst.idx.msk $0xffff, v30  }
0x95: {  	v48 =	vld.idx.msk [tilespmem:v49+s2+$0x0], $0xffff;
	[tilespmem:v50+s12+$0x0] =	vst.idx.msk $0xffff, v32  }
0x96: {  	v28 =	vld.idx.msk [tilespmem:v28+s2+$0x0], $0xffff  }
0x97: {  	[tilespmem:v47+s12+$0x0] =	vst.idx.msk $0xffff, v34;
	v47 =	vld [tilespmem:$0x1FE80];
	_ =	sdelay $0x2  }
0x98: {  	v30 =	vor.u32 v19, v26;
	v49 =	vor.u32 v20, v24  }
0x99: {  	v32 =	vor.u32 v21, v26;
	v50 =	vor.u32 v23, v22  }
0x9a: {  	v34 =	vor.u32 v47, v26;
	v47 =	vor.u32 v25, v24;
	_ =	sdelay $0x2  }
0x9b: {  	v30 =	vld.idx.msk [tilespmem:v30+s2+$0x0], $0xffff;
	[tilespmem:v49+s12+$0x0] =	vst.idx.msk $0xffff, v36;
	v36 =	vor.u32 v57, v26;
	v49 =	vor.u32 v27, v22  }
0x9c: {  	v32 =	vld.idx.msk [tilespmem:v32+s2+$0x0], $0xffff;
	[tilespmem:v50+s12+$0x0] =	vst.idx.msk $0xffff, v38;
	v38 =	vor.u32 v56, v26;
	v50 =	vor.u32 v29, v24  }
0x9d: {  	v34 =	vld.idx.msk [tilespmem:v34+s2+$0x0], $0xffff;
	[tilespmem:v47+s12+$0x0] =	vst.idx.msk $0xffff, v40;
	v40 =	vor.u32 v54, v26;
	v47 =	vor.u32 v31, v22;
	_ =	sdelay $0x2  }
0x9e: {  	v36 =	vld.idx.msk [tilespmem:v36+s2+$0x0], $0xffff;
	[tilespmem:v49+s12+$0x0] =	vst.idx.msk $0xffff, v42;
	v42 =	vor.u32 v53, v26;
	v49 =	vor.u32 v33, v24  }
0x9f: {  	v38 =	vld.idx.msk [tilespmem:v38+s2+$0x0], $0xffff;
	[tilespmem:v50+s12+$0x0] =	vst.idx.msk $0xffff, v43;
	v43 =	vor.u32 v52, v26;
	v50 =	vor.u32 v35, v22  }
0xa0: {  	v40 =	vld.idx.msk [tilespmem:v40+s2+$0x0], $0xffff;
	[tilespmem:v47+s12+$0x0] =	vst.idx.msk $0xffff, v44;
	v44 =	vor.u32 v55, v26;
	v47 =	vor.u32 v37, v24;
	_ =	sdelay $0x2  }
0xa1: {  	v42 =	vld.idx.msk [tilespmem:v42+s2+$0x0], $0xffff;
	[tilespmem:v49+s12+$0x0] =	vst.idx.msk $0xffff, v45;
	v45 =	vor.u32 v58, v26;
	v49 =	vor.u32 v39, v22  }
0xa2: {  	v43 =	vld.idx.msk [tilespmem:v43+s2+$0x0], $0xffff;
	[tilespmem:v50+s12+$0x0] =	vst.idx.msk $0xffff, v46;
	v46 =	vor.u32 v59, v26;
	v50 =	vor.u32 v41, v24  }
0xa3: {  	v44 =	vld.idx.msk [tilespmem:v44+s2+$0x0], $0xffff;
	[tilespmem:v47+s12+$0x0] =	vst.idx.msk $0xffff, v48;
	v47 =	vor.u32 v60, v26  }
0xa4: {  	v48 =	vor.u32 v51, v22;
	_ =	sdelay $0x1  }
0xa5: {  	v45 =	vld.idx.msk [tilespmem:v45+s2+$0x0], $0xffff;
	[tilespmem:v49+s12+$0x0] =	vst.idx.msk $0xffff, v28  }
0xa6: {  	v46 =	vld.idx.msk [tilespmem:v46+s2+$0x0], $0xffff;
	[tilespmem:v50+s12+$0x0] =	vst.idx.msk $0xffff, v30  }
0xa7: {  	v47 =	vld.idx.msk [tilespmem:v47+s2+$0x0], $0xffff  }
0xa8: {  	[tilespmem:v48+s12+$0x0] =	vst.idx.msk $0xffff, v32;
	v48 =	vld [tilespmem:$0x1FF60];
	_ =	sdelay $0x1  }
0xa9: {  	v28 =	vor.u32 v61, v26  }
0xaa: {  	v49 =	vor.u32 v62, v24;
	_ =	sdelay $0x1  }
0xab: {  	v30 =	vor.u32 v63, v26;
	v32 =	vor.u32 v48, v26;
	v48 =	vld [tilespmem:$0x1FF70]  }
0xac: {  	v50 =	vor.u32 v0, v22  }
0xad: {  	v28 =	vld.idx.msk [tilespmem:v28+s2+$0x0], $0xffff  }
0xae: {  	[tilespmem:v49+s12+$0x0] =	vst.idx.msk $0xffff, v34;
	v49 =	vld [tilespmem:$0x1FF80];
	_ =	sdelay $0x1  }
0xaf: {  	v30 =	vld.idx.msk [tilespmem:v30+s2+$0x0], $0xffff;
	v48 =	vor.u32 v48, v24  }
0xb0: {  	[tilespmem:v50+s12+$0x0] =	vst.idx.msk $0xffff, v36;
	v50 =	vld [tilespmem:$0x1FFA0];
	_ =	sdelay $0x1  }
0xb1: {  	v34 =	vor.u32 v49, v26;
	v49 =	vld [tilespmem:$0x1FF90]  }
0xb2: {  	v32 =	vld.idx.msk [tilespmem:v32+s2+$0x0], $0xffff  }
0xb3: {  	[tilespmem:v48+s12+$0x0] =	vst.idx.msk $0xffff, v38;
	v48 =	vld [tilespmem:$0x1FFC0]  }
0xb4: {  	v36 =	vor.u32 v50, v26;
	v50 =	vld [tilespmem:$0x1FFB0];
	_ =	sdelay $0x1  }
0xb5: {  	v49 =	vor.u32 v49, v22;
	_ =	sdelay $0x1  }
0xb6: {  	v26 =	vor.u32 v48, v26;
	v48 =	vld [tilespmem:$0x1FFD0]  }
0xb7: {  	v50 =	vor.u32 v50, v24  }
0xb8: {  	v34 =	vld.idx.msk [tilespmem:v34+s2+$0x0], $0xffff  }
0xb9: {  	[tilespmem:v49+s12+$0x0] =	vst.idx.msk $0xffff, v40;
	v49 =	vld [tilespmem:$0x1FFE0];
	_ =	sdelay $0x1  }
0xba: {  	v36 =	vld.idx.msk [tilespmem:v36+s2+$0x0], $0xffff;
	v38 =	vor.u32 v48, v22  }
0xbb: {  	[tilespmem:v50+s12+$0x0] =	vst.idx.msk $0xffff, v42;
	v50 =	vld [tilespmem:$0x1FDF0]  }
0xbc: {  	v48 =	vld [tilespmem:$0x1FFF0]  }
0xbd: {  	v40 =	vor.u32 v49, v24;
	v49 =	vld [tilespmem:$0x1FE00]  }
0xbe: {  	v26 =	vld.idx.msk [tilespmem:v26+s2+$0x0], $0xffff  }
0xbf: {  	[tilespmem:v38+s12+$0x0] =	vst.idx.msk $0xffff, v43;
	v43 =	vld [tilespmem:$0x1FE10];
	_ =	sdelay $0x1  }
0xc0: {  	v48 =	vor.u32 v48, v22  }
0xc1: {  	v42 =	vor.u32 v50, v24  }
0xc2: {  	v49 =	vor.u32 v49, v22  }
0xc3: {  	v38 =	vor.u32 v43, v24  }
0xc4: {  	[tilespmem:v40+s12+$0x0] =	vst.idx.msk $0xffff, v44;
	v44 =	vld [tilespmem:$0x1FE20]  }
0xc5: {  	[tilespmem:v48+s12+$0x0] =	vst.idx.msk $0xffff, v45;
	v45 =	vld [tilespmem:$0x1FE30]  }
0xc6: {  	v48 =	vld [tilespmem:$0x1FE40];
	[tilespmem:v42+s12+$0x0] =	vst.idx.msk $0xffff, v46  }
0xc7: {  	v50 =	vld [tilespmem:$0x1FE50];
	[tilespmem:v49+s12+$0x0] =	vst.idx.msk $0xffff, v47  }
0xc8: {  	[tilespmem:v38+s12+$0x0] =	vst.idx.msk $0xffff, v28;
	v28 =	vld [tilespmem:$0x1FE70]  }
0xc9: {  	v40 =	vor.u32 v44, v22  }
0xca: {  	v43 =	vor.u32 v45, v24  }
0xcb: {  	v42 =	vor.u32 v48, v22  }
0xcc: {  	v24 =	vor.u32 v50, v24  }
0xcd: {  	p1 =	sne.s32 s25, $0xF;
	v22 =	vor.u32 v28, v22  }
.Ltmp6:
0xce: {  	[tilespmem:v40+s12+$0x0] =	vst.idx.msk $0xffff, v30;
	(pc) =	sbr.rel @p1 .LBB2_4-.Ltmp6, $4  }
0xcf: {  	[tilespmem:v43+s12+$0x0] =	vst.idx.msk $0xffff, v32  }
0xd0: {  	[tilespmem:v42+s12+$0x0] =	vst.idx.msk $0xffff, v34  }
0xd1: {  	[tilespmem:v24+s12+$0x0] =	vst.idx.msk $0xffff, v36  }
0xd2: {  	s25 =	sadd.s32 $0x1, s25;
	[tilespmem:v22+s12+$0x0] =	vst.idx.msk $0xffff, v26  }
0xd3: {  	s25 =	sshll.u32 s22, $0x10  }
0xd4: {  	s25 =	sadd.s32 s25, s4  }
0xd5: {  	v9 =	vld [tilespmem:$0x1FE80];
	v13 =	vmov v54;
	v18 =	vmov v52;
	[hbm4b:s25+s2] =	stream.linear.scatter [tilespmem:s12], [sflag:$0x3], $0x2000, $0x38  }
.LBB2_6:
0xd6: {  	p1 =	sge.u32 s23, s3  }
.Ltmp7:
0xd7: {  	_ = 	snop;
	(pc) =	sbr.rel @p1 .LBB2_10-.Ltmp7, $1  }
0xd8: {  	_ =	sdelay $0x3  }
0xd9: {  	s24 =	sadd.s32 $0x2, s24;
	_ =	swait.ge [sflag:s13], $0x2000  }
0xda: {  	p1 =	sge.u32 s24, s3;
	[sflag:s13] =	ssyncset.done $0x0  }
0xdb: {  	s24 =	sshll.u32 @!p1 s24, $0xC;
	[sflag:s13] =	ssyncadd.s32 $0xFFFFE000;
	s25 =	simm.s32 @!p1 $0x400  }
0xdc: {  	s26 =	simm.s32 @!p1 $0x7A1400;
	s28 =	simm.s32 @!p1 $0x0;
	s24 =	sadd.s32 @!p1 s24, s5  }
0xdd: {  	[tilespmem:s28], [sflag:$0x1] =	stream.strided.gather @!p1 [hbm4b:s24+s25], $0x2000, s26, s25, $0x38;
	[tilespmem:$0xB000] =	vst v63  }
0xde: {  	p1 =	seq.s32 s22, $0x0  }
0xdf: {  	s24 =	simm.s32 @!p1 $0x4  }
0xe0: {  	_ =	swait.ge @!p1 [sflag:s24], $0x2000  }
0xe1: {  	v2 =	vld [tilespmem:$0x1FC10]  }
0xe2: {  	v3 =	vld [tilespmem:$0x1FC20]  }
0xe3: {  	v4 =	vld [tilespmem:$0x1FC30]  }
0xe4: {  	v5 =	vld [tilespmem:$0x1FC40]  }
0xe5: {  	v6 =	vld [tilespmem:$0x1FC50]  }
0xe6: {  	v7 =	vld [tilespmem:$0x1FC60]  }
0xe7: {  	v8 =	vld [tilespmem:$0x1FC70]  }
0xe8: {  	v54 =	vmov v9;
	v9 =	vld [tilespmem:$0x1FC80]  }
0xe9: {  	v10 =	vld [tilespmem:$0x1FE60]  }
0xea: {  	v11 =	vld [tilespmem:$0x1FC90]  }
0xeb: {  	v12 =	vld [tilespmem:$0x1FCA0]  }
0xec: {  	v1 =	vmov v13;
	v13 =	vld [tilespmem:$0x1FCB0]  }
0xed: {  	v14 =	vld [tilespmem:$0x1FCC0]  }
0xee: {  	v15 =	vld [tilespmem:$0x1FCD0]  }
0xef: {  	v16 =	vld [tilespmem:$0x1FCE0]  }
0xf0: {  	v17 =	vld [tilespmem:$0x1FCF0]  }
0xf1: {  	v52 =	vld [tilespmem:$0x1FD00]  }
0xf2: {  	v19 =	vld [tilespmem:$0x1FD10]  }
0xf3: {  	v20 =	vld [tilespmem:$0x1FD20]  }
0xf4: {  	v21 =	vld [tilespmem:$0x1FD30]  }
0xf5: {  	v23 =	vld [tilespmem:$0x1FD40]  }
0xf6: {  	v25 =	vld [tilespmem:$0x1FD50]  }
0xf7: {  	v27 =	vld [tilespmem:$0x1FD60]  }
0xf8: {  	v29 =	vld [tilespmem:$0x1FD70]  }
0xf9: {  	v31 =	vld [tilespmem:$0x1FD80]  }
0xfa: {  	v33 =	vld [tilespmem:$0x1FD90]  }
0xfb: {  	v35 =	vld [tilespmem:$0x1FDA0]  }
0xfc: {  	v37 =	vld [tilespmem:$0x1FDB0]  }
0xfd: {  	v39 =	vld [tilespmem:$0x1FDC0]  }
0xfe: {  	[sflag:s24] =	ssyncset.done @!p1 $0x0;
	v41 =	vld [tilespmem:$0x1FDD0]  }
0xff: {  	v51 =	vld [tilespmem:$0x1FDE0];
	[sflag:s24] =	ssyncadd.s32 @!p1 $0xFFFFE000;
	s24 =	simm.s32 $0x0  }
.LBB2_8:
0x100: {  	v28 =	vlaneseq.u32  }
0x101: {  	v22 =	vadd.s32 s24, v28  }
0x102: {  	v24 =	vand.u32 $0xF, v22  }
0x103: {  	v26 =	vshll.u32 v24, $0x7  }
0x104: {  	v28 =	vor.u32 v28, v26  }
0x105: {  	v30 =	vor.u32 v2, v26  }
0x106: {  	v32 =	vor.u32 v3, v26  }
0x107: {  	v34 =	vor.u32 v4, v26  }
0x108: {  	v36 =	vor.u32 v5, v26  }
0x109: {  	v38 =	vor.u32 v6, v26;
	v28 =	vld.idx.msk [tilespmem:v28+s14+$0x0], $0xffff  }
0x10a: {  	v40 =	vor.u32 v7, v26;
	v30 =	vld.idx.msk [tilespmem:v30+s14+$0x0], $0xffff  }
0x10b: {  	v42 =	vor.u32 v8, v26;
	v32 =	vld.idx.msk [tilespmem:v32+s14+$0x0], $0xffff  }
0x10c: {  	v43 =	vor.u32 v9, v26;
	v34 =	vld.idx.msk [tilespmem:v34+s14+$0x0], $0xffff  }
0x10d: {  	v44 =	vor.u32 v11, v26;
	v36 =	vld.idx.msk [tilespmem:v36+s14+$0x0], $0xffff  }
0x10e: {  	v46 =	vor.u32 v10, v24;
	v45 =	vor.u32 v12, v26;
	v38 =	vld.idx.msk [tilespmem:v38+s14+$0x0], $0xffff  }
0x10f: {  	v47 =	vor.u32 v13, v26;
	v40 =	vld.idx.msk [tilespmem:v40+s14+$0x0], $0xffff  }
0x110: {  	v42 =	vld.idx.msk [tilespmem:v42+s14+$0x0], $0xffff  }
0x111: {  	v48 =	vor.u32 v14, v22;
	v43 =	vld.idx.msk [tilespmem:v43+s14+$0x0], $0xffff  }
0x112: {  	v49 =	vor.u32 v15, v26;
	v44 =	vld.idx.msk [tilespmem:v44+s14+$0x0], $0xffff  }
0x113: {  	v50 =	vor.u32 v16, v24;
	v45 =	vld.idx.msk [tilespmem:v45+s14+$0x0], $0xffff;
	[tilespmem:v46+s15+$0x0] =	vst.idx.msk $0xffff, v28  }
0x114: {  	v28 =	vor.u32 v17, v26;
	v46 =	vld.idx.msk [tilespmem:v47+s14+$0x0], $0xffff;
	v47 =	vor.u32 v52, v22;
	_ =	sdelay $0x1  }
0x115: {  	[tilespmem:v48+s15+$0x0] =	vst.idx.msk $0xffff, v30  }
0x116: {  	v30 =	vor.u32 v19, v26;
	v48 =	vld.idx.msk [tilespmem:v49+s14+$0x0], $0xffff;
	v49 =	vor.u32 v20, v24  }
0x117: {  	[tilespmem:v50+s15+$0x0] =	vst.idx.msk $0xffff, v32;
	v32 =	vor.u32 v21, v26;
	v50 =	vor.u32 v23, v22  }
0x118: {  	v28 =	vld.idx.msk [tilespmem:v28+s14+$0x0], $0xffff;
	[tilespmem:v47+s15+$0x0] =	vst.idx.msk $0xffff, v34;
	v34 =	vor.u32 v54, v26;
	v47 =	vor.u32 v25, v24;
	_ =	sdelay $0x2  }
0x119: {  	v30 =	vld.idx.msk [tilespmem:v30+s14+$0x0], $0xffff;
	[tilespmem:v49+s15+$0x0] =	vst.idx.msk $0xffff, v36;
	v36 =	vor.u32 v57, v26;
	v49 =	vor.u32 v27, v22  }
0x11a: {  	v32 =	vld.idx.msk [tilespmem:v32+s14+$0x0], $0xffff;
	[tilespmem:v50+s15+$0x0] =	vst.idx.msk $0xffff, v38;
	v38 =	vor.u32 v56, v26;
	v50 =	vor.u32 v29, v24  }
0x11b: {  	v34 =	vld.idx.msk [tilespmem:v34+s14+$0x0], $0xffff;
	[tilespmem:v47+s15+$0x0] =	vst.idx.msk $0xffff, v40;
	v40 =	vor.u32 v1, v26;
	v47 =	vor.u32 v31, v22;
	_ =	sdelay $0x2  }
0x11c: {  	v36 =	vld.idx.msk [tilespmem:v36+s14+$0x0], $0xffff;
	[tilespmem:v49+s15+$0x0] =	vst.idx.msk $0xffff, v42;
	v42 =	vor.u32 v53, v26;
	v49 =	vor.u32 v33, v24  }
0x11d: {  	v38 =	vld.idx.msk [tilespmem:v38+s14+$0x0], $0xffff;
	[tilespmem:v50+s15+$0x0] =	vst.idx.msk $0xffff, v43;
	v43 =	vor.u32 v18, v26;
	v50 =	vor.u32 v35, v22  }
0x11e: {  	v40 =	vld.idx.msk [tilespmem:v40+s14+$0x0], $0xffff;
	[tilespmem:v47+s15+$0x0] =	vst.idx.msk $0xffff, v44;
	v44 =	vor.u32 v55, v26;
	v47 =	vor.u32 v37, v24;
	_ =	sdelay $0x2  }
0x11f: {  	v42 =	vld.idx.msk [tilespmem:v42+s14+$0x0], $0xffff;
	[tilespmem:v49+s15+$0x0] =	vst.idx.msk $0xffff, v45;
	v45 =	vor.u32 v58, v26;
	v49 =	vor.u32 v39, v22  }
0x120: {  	v43 =	vld.idx.msk [tilespmem:v43+s14+$0x0], $0xffff;
	[tilespmem:v50+s15+$0x0] =	vst.idx.msk $0xffff, v46;
	v46 =	vor.u32 v59, v26;
	v50 =	vor.u32 v41, v24  }
0x121: {  	v44 =	vld.idx.msk [tilespmem:v44+s14+$0x0], $0xffff;
	[tilespmem:v47+s15+$0x0] =	vst.idx.msk $0xffff, v48;
	v47 =	vor.u32 v60, v26  }
0x122: {  	v48 =	vor.u32 v51, v22;
	_ =	sdelay $0x1  }
0x123: {  	v45 =	vld.idx.msk [tilespmem:v45+s14+$0x0], $0xffff;
	[tilespmem:v49+s15+$0x0] =	vst.idx.msk $0xffff, v28  }
0x124: {  	v46 =	vld.idx.msk [tilespmem:v46+s14+$0x0], $0xffff;
	[tilespmem:v50+s15+$0x0] =	vst.idx.msk $0xffff, v30  }
0x125: {  	v47 =	vld.idx.msk [tilespmem:v47+s14+$0x0], $0xffff  }
0x126: {  	[tilespmem:v48+s15+$0x0] =	vst.idx.msk $0xffff, v32;
	v48 =	vld [tilespmem:$0x1FF60];
	_ =	sdelay $0x1  }
0x127: {  	v28 =	vor.u32 v61, v26  }
0x128: {  	v49 =	vor.u32 v62, v24;
	_ =	sdelay $0x1  }
0x129: {  	v30 =	vor.u32 v63, v26;
	v32 =	vor.u32 v48, v26;
	v48 =	vld [tilespmem:$0x1FF70]  }
0x12a: {  	v50 =	vor.u32 v0, v22  }
0x12b: {  	v28 =	vld.idx.msk [tilespmem:v28+s14+$0x0], $0xffff  }
0x12c: {  	[tilespmem:v49+s15+$0x0] =	vst.idx.msk $0xffff, v34;
	v49 =	vld [tilespmem:$0x1FF80];
	_ =	sdelay $0x1  }
0x12d: {  	v30 =	vld.idx.msk [tilespmem:v30+s14+$0x0], $0xffff;
	v48 =	vor.u32 v48, v24  }
0x12e: {  	[tilespmem:v50+s15+$0x0] =	vst.idx.msk $0xffff, v36;
	v50 =	vld [tilespmem:$0x1FFA0];
	_ =	sdelay $0x1  }
0x12f: {  	v34 =	vor.u32 v49, v26;
	v49 =	vld [tilespmem:$0x1FF90]  }
0x130: {  	v32 =	vld.idx.msk [tilespmem:v32+s14+$0x0], $0xffff  }
0x131: {  	[tilespmem:v48+s15+$0x0] =	vst.idx.msk $0xffff, v38;
	v48 =	vld [tilespmem:$0x1FFC0]  }
0x132: {  	v36 =	vor.u32 v50, v26;
	v50 =	vld [tilespmem:$0x1FFB0];
	_ =	sdelay $0x1  }
0x133: {  	v49 =	vor.u32 v49, v22;
	_ =	sdelay $0x1  }
0x134: {  	v26 =	vor.u32 v48, v26;
	v48 =	vld [tilespmem:$0x1FFD0]  }
0x135: {  	v50 =	vor.u32 v50, v24  }
0x136: {  	v34 =	vld.idx.msk [tilespmem:v34+s14+$0x0], $0xffff  }
0x137: {  	[tilespmem:v49+s15+$0x0] =	vst.idx.msk $0xffff, v40;
	v49 =	vld [tilespmem:$0x1FFE0];
	_ =	sdelay $0x1  }
0x138: {  	v36 =	vld.idx.msk [tilespmem:v36+s14+$0x0], $0xffff;
	v38 =	vor.u32 v48, v22  }
0x139: {  	[tilespmem:v50+s15+$0x0] =	vst.idx.msk $0xffff, v42;
	v50 =	vld [tilespmem:$0x1FDF0]  }
0x13a: {  	v48 =	vld [tilespmem:$0x1FFF0]  }
0x13b: {  	v40 =	vor.u32 v49, v24;
	v49 =	vld [tilespmem:$0x1FE00]  }
0x13c: {  	v26 =	vld.idx.msk [tilespmem:v26+s14+$0x0], $0xffff  }
0x13d: {  	[tilespmem:v38+s15+$0x0] =	vst.idx.msk $0xffff, v43;
	v43 =	vld [tilespmem:$0x1FE10];
	_ =	sdelay $0x1  }
0x13e: {  	v48 =	vor.u32 v48, v22  }
0x13f: {  	v42 =	vor.u32 v50, v24  }
0x140: {  	v49 =	vor.u32 v49, v22  }
0x141: {  	v38 =	vor.u32 v43, v24  }
0x142: {  	[tilespmem:v40+s15+$0x0] =	vst.idx.msk $0xffff, v44;
	v44 =	vld [tilespmem:$0x1FE20]  }
0x143: {  	[tilespmem:v48+s15+$0x0] =	vst.idx.msk $0xffff, v45;
	v45 =	vld [tilespmem:$0x1FE30]  }
0x144: {  	v48 =	vld [tilespmem:$0x1FE40];
	[tilespmem:v42+s15+$0x0] =	vst.idx.msk $0xffff, v46  }
0x145: {  	v50 =	vld [tilespmem:$0x1FE50];
	[tilespmem:v49+s15+$0x0] =	vst.idx.msk $0xffff, v47  }
0x146: {  	[tilespmem:v38+s15+$0x0] =	vst.idx.msk $0xffff, v28;
	v28 =	vld [tilespmem:$0x1FE70]  }
0x147: {  	v40 =	vor.u32 v44, v22  }
0x148: {  	v43 =	vor.u32 v45, v24  }
0x149: {  	v42 =	vor.u32 v48, v22  }
0x14a: {  	v24 =	vor.u32 v50, v24  }
0x14b: {  	p1 =	sne.s32 s24, $0xF;
	v22 =	vor.u32 v28, v22  }
.Ltmp8:
0x14c: {  	[tilespmem:v40+s15+$0x0] =	vst.idx.msk $0xffff, v30;
	(pc) =	sbr.rel @p1 .LBB2_8-.Ltmp8, $4  }
0x14d: {  	[tilespmem:v43+s15+$0x0] =	vst.idx.msk $0xffff, v32  }
0x14e: {  	[tilespmem:v42+s15+$0x0] =	vst.idx.msk $0xffff, v34  }
0x14f: {  	[tilespmem:v24+s15+$0x0] =	vst.idx.msk $0xffff, v36  }
0x150: {  	s24 =	sadd.s32 $0x1, s24;
	[tilespmem:v22+s15+$0x0] =	vst.idx.msk $0xffff, v26  }
.Ltmp9:
0x151: {  	(pc) =	sbr.rel .LBB2_10-.Ltmp9, $4  }
0x152: {  	_ = 	snop  }
0x153: {  	s23 =	sshll.u32 s23, $0xF  }
0x154: {  	s23 =	sadd.s32 s23, s4  }
0x155: {  	v9 =	vmov v54;
	v13 =	vmov v1;
	[hbm4b:s23+s2] =	stream.linear.scatter [tilespmem:s15], [sflag:$0x4], $0x2000, $0x38;
	[tilespmem:$0xB000] =	vst v63  }
.LBB2_12:
0x156: {  	v4 =	vld [tilespmem:$0x1FC40];
	[tilespmem:s18], [sflag:$0x5] =	stream.strided.gather [hbm4b:s6+s9], $0x2000, s10, s9, $0x38  }
0x157: {  	v11 =	vld [tilespmem:$0x1FCA0];
	_ =	swait.ge [sflag:s19], $0x2000  }
0x158: {  	v5 =	vld [tilespmem:$0x1FC50]  }
0x159: {  	v2 =	vld [tilespmem:$0x1FC20]  }
0x15a: {  	v1 =	vld [tilespmem:$0x1FC10]  }
0x15b: {  	v3 =	vld [tilespmem:$0x1FC30]  }
0x15c: {  	v8 =	vld [tilespmem:$0x1FC80]  }
0x15d: {  	v6 =	vld [tilespmem:$0x1FC60]  }
0x15e: {  	v7 =	vld [tilespmem:$0x1FC70]  }
0x15f: {  	v10 =	vld [tilespmem:$0x1FC90]  }
0x160: {  	v9 =	vld [tilespmem:$0x1FE60]  }
0x161: {  	v12 =	vld [tilespmem:$0x1FCB0]  }
0x162: {  	v13 =	vld [tilespmem:$0x1FCC0]  }
0x163: {  	v14 =	vld [tilespmem:$0x1FCD0]  }
0x164: {  	v15 =	vld [tilespmem:$0x1FCE0]  }
0x165: {  	v16 =	vld [tilespmem:$0x1FCF0]  }
0x166: {  	v17 =	vld [tilespmem:$0x1FD00]  }
0x167: {  	v18 =	vld [tilespmem:$0x1FD10]  }
0x168: {  	v19 =	vld [tilespmem:$0x1FD20]  }
0x169: {  	v20 =	vld [tilespmem:$0x1FD30]  }
0x16a: {  	s22 =	simm.s32 $0x0;
	v0 =	vlaneseq.u32;
	v21 =	vld [tilespmem:$0x1FD40]  }
0x16b: {  	v22 =	vadd.s32 s22, v0;
	v33 =	vld [tilespmem:$0x1FDA0]  }
0x16c: {  	v24 =	vand.u32 $0xF, v22;
	v23 =	vld [tilespmem:$0x1FD50]  }
0x16d: {  	v25 =	vld [tilespmem:$0x1FD60];
	v28 =	vshll.u32 v24, $0x7  }
0x16e: {  	v27 =	vld [tilespmem:$0x1FD70];
	v32 =	vor.u32 v0, v28  }
0x16f: {  	v41 =	vld [tilespmem:$0x1FDE0];
	v26 =	vor.u32 v4, v28  }
0x170: {  	v29 =	vld [tilespmem:$0x1FD80];
	v30 =	vor.u32 v11, v28  }
0x171: {  	[sflag:s19] =	ssyncset.done $0x0;
	v39 =	vld [tilespmem:$0x1FDD0];
	v34 =	vor.u32 v5, v28  }
0x172: {  	v35 =	vld [tilespmem:$0x1FDB0];
	[sflag:s19] =	ssyncadd.s32 $0xFFFFE000;
	v36 =	vor.u32 v2, v28  }
0x173: {  	v38 =	vor.u32 v1, v28;
	v32 =	vld.idx.msk [tilespmem:v32+s18+$0x0], $0xffff  }
0x174: {  	v40 =	vor.u32 v3, v28;
	v42 =	vld.idx.msk [tilespmem:v26+s18+$0x0], $0xffff  }
0x175: {  	v43 =	vor.u32 v6, v28;
	v26 =	vld.idx.msk [tilespmem:v30+s18+$0x0], $0xffff  }
0x176: {  	v57 =	vor.u32 v7, v28;
	v31 =	vld.idx.msk [tilespmem:v34+s18+$0x0], $0xffff  }
0x177: {  	v44 =	vor.u32 v10, v28;
	v36 =	vld.idx.msk [tilespmem:v36+s18+$0x0], $0xffff  }
0x178: {  	v58 =	vor.u32 v9, v24;
	v30 =	vor.u32 v8, v28;
	v46 =	vld.idx.msk [tilespmem:v38+s18+$0x0], $0xffff  }
0x179: {  	v48 =	vor.u32 v12, v28;
	v49 =	vor.u32 v13, v22;
	v47 =	vld.idx.msk [tilespmem:v40+s18+$0x0], $0xffff  }
0x17a: {  	v50 =	vor.u32 v14, v28;
	v59 =	vor.u32 v15, v24;
	v45 =	vld.idx.msk [tilespmem:v43+s18+$0x0], $0xffff  }
0x17b: {  	v60 =	vor.u32 v16, v28;
	v61 =	vor.u32 v17, v22;
	v43 =	vld.idx.msk [tilespmem:v57+s18+$0x0], $0xffff  }
0x17c: {  	v62 =	vor.u32 v18, v28;
	v63 =	vor.u32 v19, v24;
	v38 =	vld.idx.msk [tilespmem:v44+s18+$0x0], $0xffff  }
0x17d: {  	v52 =	vor.u32 v20, v28;
	v30 =	vld.idx.msk [tilespmem:v30+s18+$0x0], $0xffff;
	[tilespmem:v58+s20+$0x0] =	vst.idx.msk $0xffff, v32  }
0x17e: {  	v54 =	vor.u32 v21, v22;
	v34 =	vld.idx.msk [tilespmem:v48+s18+$0x0], $0xffff;
	[tilespmem:v49+s20+$0x0] =	vst.idx.msk $0xffff, v46  }
0x17f: {  	v40 =	vld.idx.msk [tilespmem:v50+s18+$0x0], $0xffff;
	[tilespmem:v59+s20+$0x0] =	vst.idx.msk $0xffff, v36  }
0x180: {  	v44 =	vld.idx.msk [tilespmem:v60+s18+$0x0], $0xffff;
	[tilespmem:v61+s20+$0x0] =	vst.idx.msk $0xffff, v47  }
0x181: {  	v46 =	vld.idx.msk [tilespmem:v62+s18+$0x0], $0xffff;
	[tilespmem:v63+s20+$0x0] =	vst.idx.msk $0xffff, v42  }
0x182: {  	v48 =	vld.idx.msk [tilespmem:v52+s18+$0x0], $0xffff  }
0x183: {  	[tilespmem:v54+s20+$0x0] =	vst.idx.msk $0xffff, v31;
	v31 =	vld [tilespmem:$0x1FD90]  }
0x184: {  	v37 =	vld [tilespmem:$0x1FDC0];
	v53 =	vor.u32 v23, v24  }
0x185: {  	v51 =	vor.u32 v25, v22  }
0x186: {  	s31 =	simm.s32 $0x1;
	v28 =	vor.u32 v33, v22;
	v49 =	vor.u32 v39, v24;
	v50 =	vor.u32 v27, v24  }
0x187: {  	v36 =	vadd.s32 s31, v0;
	v47 =	vor.u32 v41, v22;
	v52 =	vor.u32 v29, v22  }
0x188: {  	s22 =	simm.s32 $0x2;
	v32 =	vor.u32 v33, v36;
	v42 =	vand.u32 $0xF, v36;
	v54 =	vor.u32 v31, v24  }
.LBB2_13:
0x189: {  	p1 =	sne.s32 s22, $0xF;
	v55 =	vshll.u32 v42, $0x7;
	[tilespmem:v53+s20+$0x0] =	vst.idx.msk $0xffff, v45;
	v45 =	vor.u32 v35, v24;
	v53 =	vor.u32 v37, v22;
	s23 =	smov.u32 s22;
	s22 =	sadd.s32 $0x1, s22  }
0x18a: {  	v22 =	vmov v36;
	v56 =	vor.u32 v0, v55;
	v57 =	vor.u32 v1, v55;
	[tilespmem:v51+s20+$0x0] =	vst.idx.msk $0xffff, v43  }
0x18b: {  	v24 =	vmov v42;
	v36 =	vor.u32 v3, v55;
	v43 =	vor.u32 v4, v55;
	[tilespmem:v50+s20+$0x0] =	vst.idx.msk $0xffff, v30  }
0x18c: {  	v42 =	vor.u32 v6, v55;
	v50 =	vor.u32 v7, v55;
	[tilespmem:v52+s20+$0x0] =	vst.idx.msk $0xffff, v38  }
0x18d: {  	v30 =	vor.u32 v8, v55;
	v38 =	vor.u32 v10, v55;
	[tilespmem:v54+s20+$0x0] =	vst.idx.msk $0xffff, v26  }
0x18e: {  	v51 =	vor.u32 v2, v55;
	v52 =	vor.u32 v5, v55;
	[tilespmem:v28+s20+$0x0] =	vst.idx.msk $0xffff, v34;
	v28 =	vmov v32  }
0x18f: {  	v26 =	vor.u32 v11, v55;
	[tilespmem:v45+s20+$0x0] =	vst.idx.msk $0xffff, v40  }
0x190: {  	[tilespmem:v53+s20+$0x0] =	vst.idx.msk $0xffff, v44  }
0x191: {  	[tilespmem:v49+s20+$0x0] =	vst.idx.msk $0xffff, v46  }
0x192: {  	[tilespmem:v47+s20+$0x0] =	vst.idx.msk $0xffff, v48  }
0x193: {  	v32 =	vld.idx.msk [tilespmem:v43+s18+$0x0], $0xffff  }
0x194: {  	v26 =	vld.idx.msk [tilespmem:v26+s18+$0x0], $0xffff  }
0x195: {  	v34 =	vld.idx.msk [tilespmem:v56+s18+$0x0], $0xffff  }
0x196: {  	v54 =	vld.idx.msk [tilespmem:v52+s18+$0x0], $0xffff  }
0x197: {  	v44 =	vld.idx.msk [tilespmem:v51+s18+$0x0], $0xffff  }
0x198: {  	v40 =	vld.idx.msk [tilespmem:v57+s18+$0x0], $0xffff  }
0x199: {  	v46 =	vor.u32 v9, v24;
	v36 =	vld.idx.msk [tilespmem:v36+s18+$0x0], $0xffff  }
0x19a: {  	v47 =	vor.u32 v12, v55;
	v30 =	vld.idx.msk [tilespmem:v30+s18+$0x0], $0xffff  }
0x19b: {  	v45 =	vld.idx.msk [tilespmem:v42+s18+$0x0], $0xffff;
	v42 =	vor.u32 v13, v22  }
0x19c: {  	v48 =	vor.u32 v14, v55;
	v43 =	vld.idx.msk [tilespmem:v50+s18+$0x0], $0xffff  }
0x19d: {  	v49 =	vor.u32 v15, v24;
	v38 =	vld.idx.msk [tilespmem:v38+s18+$0x0], $0xffff  }
0x19e: {  	[tilespmem:v46+s20+$0x0] =	vst.idx.msk $0xffff, v34;
	v46 =	vor.u32 v16, v55  }
0x19f: {  	v34 =	vld.idx.msk [tilespmem:v47+s18+$0x0], $0xffff;
	v47 =	vor.u32 v17, v22  }
0x1a0: {  	[tilespmem:v42+s20+$0x0] =	vst.idx.msk $0xffff, v40;
	v42 =	vor.u32 v18, v55  }
0x1a1: {  	v40 =	vld.idx.msk [tilespmem:v48+s18+$0x0], $0xffff;
	v48 =	vor.u32 v19, v24  }
0x1a2: {  	[tilespmem:v49+s20+$0x0] =	vst.idx.msk $0xffff, v44;
	v49 =	vor.u32 v20, v55  }
0x1a3: {  	v55 =	vor.u32 v21, v22;
	v44 =	vld.idx.msk [tilespmem:v46+s18+$0x0], $0xffff  }
.Ltmp10:
0x1a4: {  	v53 =	vor.u32 v23, v24;
	[tilespmem:v47+s20+$0x0] =	vst.idx.msk $0xffff, v36;
	(pc) =	sbr.rel @p1 .LBB2_13-.Ltmp10, $4  }
0x1a5: {  	v51 =	vor.u32 v25, v22;
	v46 =	vld.idx.msk [tilespmem:v42+s18+$0x0], $0xffff  }
0x1a6: {  	v50 =	vor.u32 v27, v24;
	v47 =	vor.u32 v41, v22;
	[tilespmem:v48+s20+$0x0] =	vst.idx.msk $0xffff, v32  }
0x1a7: {  	v52 =	vor.u32 v29, v22;
	v36 =	vadd.s32 s23, v0;
	v48 =	vld.idx.msk [tilespmem:v49+s18+$0x0], $0xffff;
	v49 =	vor.u32 v39, v24  }
0x1a8: {  	v42 =	vand.u32 $0xF, v36;
	v32 =	vor.u32 v33, v36;
	[tilespmem:v55+s20+$0x0] =	vst.idx.msk $0xffff, v54;
	v54 =	vor.u32 v31, v24  }
0x1a9: {  	_ =	sdelay $0x3  }
0x1aa: {  	[tilespmem:v53+s20+$0x0] =	vst.idx.msk $0xffff, v45  }
0x1ab: {  	v24 =	vor.u32 v35, v24;
	[tilespmem:v51+s20+$0x0] =	vst.idx.msk $0xffff, v43  }
0x1ac: {  	v22 =	vor.u32 v37, v22;
	[tilespmem:v50+s20+$0x0] =	vst.idx.msk $0xffff, v30  }
0x1ad: {  	[tilespmem:v52+s20+$0x0] =	vst.idx.msk $0xffff, v38  }
0x1ae: {  	v30 =	vshll.u32 v42, $0x7;
	[tilespmem:v54+s20+$0x0] =	vst.idx.msk $0xffff, v26  }
0x1af: {  	v50 =	vor.u32 v4, v30;
	[tilespmem:v28+s20+$0x0] =	vst.idx.msk $0xffff, v34  }
0x1b0: {  	v51 =	vor.u32 v11, v30;
	[tilespmem:v24+s20+$0x0] =	vst.idx.msk $0xffff, v40  }
0x1b1: {  	v52 =	vor.u32 v0, v30;
	[tilespmem:v22+s20+$0x0] =	vst.idx.msk $0xffff, v44  }
0x1b2: {  	v53 =	vor.u32 v5, v30;
	[tilespmem:v49+s20+$0x0] =	vst.idx.msk $0xffff, v46  }
0x1b3: {  	v54 =	vor.u32 v2, v30;
	[tilespmem:v47+s20+$0x0] =	vst.idx.msk $0xffff, v48  }
0x1b4: {  	v55 =	vor.u32 v1, v30;
	v26 =	vld.idx.msk [tilespmem:v50+s18+$0x0], $0xffff  }
0x1b5: {  	v56 =	vor.u32 v3, v30;
	v28 =	vld.idx.msk [tilespmem:v51+s18+$0x0], $0xffff  }
0x1b6: {  	v57 =	vor.u32 v8, v30;
	v24 =	vld.idx.msk [tilespmem:v52+s18+$0x0], $0xffff  }
0x1b7: {  	v58 =	vor.u32 v6, v30;
	v22 =	vld.idx.msk [tilespmem:v53+s18+$0x0], $0xffff  }
0x1b8: {  	v59 =	vor.u32 v7, v30;
	v34 =	vld.idx.msk [tilespmem:v54+s18+$0x0], $0xffff  }
0x1b9: {  	v61 =	vor.u32 v9, v42;
	v60 =	vor.u32 v10, v30;
	v38 =	vld.idx.msk [tilespmem:v55+s18+$0x0], $0xffff  }
0x1ba: {  	v63 =	vor.u32 v13, v36;
	v62 =	vor.u32 v12, v30;
	v40 =	vld.idx.msk [tilespmem:v56+s18+$0x0], $0xffff  }
0x1bb: {  	v4 =	vor.u32 v14, v30;
	v5 =	vor.u32 v15, v42;
	v43 =	vld.idx.msk [tilespmem:v57+s18+$0x0], $0xffff  }
0x1bc: {  	v6 =	vor.u32 v16, v30;
	v7 =	vor.u32 v17, v36;
	v44 =	vld.idx.msk [tilespmem:v58+s18+$0x0], $0xffff  }
0x1bd: {  	v45 =	vld.idx.msk [tilespmem:v59+s18+$0x0], $0xffff;
	v52 =	vor.u32 v18, v30;
	v53 =	vor.u32 v19, v42  }
0x1be: {  	v46 =	vld.idx.msk [tilespmem:v60+s18+$0x0], $0xffff;
	v30 =	vor.u32 v20, v30;
	v54 =	vor.u32 v21, v36;
	[tilespmem:v61+s20+$0x0] =	vst.idx.msk $0xffff, v24  }
0x1bf: {  	v55 =	vor.u32 v23, v42;
	v47 =	vld.idx.msk [tilespmem:v62+s18+$0x0], $0xffff;
	[tilespmem:v63+s20+$0x0] =	vst.idx.msk $0xffff, v38  }
0x1c0: {  	v56 =	vor.u32 v25, v36;
	v49 =	vld.idx.msk [tilespmem:v4+s18+$0x0], $0xffff;
	[tilespmem:v5+s20+$0x0] =	vst.idx.msk $0xffff, v34  }
0x1c1: {  	v57 =	vor.u32 v27, v42;
	v24 =	vld.idx.msk [tilespmem:v6+s18+$0x0], $0xffff;
	[tilespmem:v7+s20+$0x0] =	vst.idx.msk $0xffff, v40  }
0x1c2: {  	v58 =	vor.u32 v29, v36;
	v38 =	vld.idx.msk [tilespmem:v52+s18+$0x0], $0xffff;
	[tilespmem:v53+s20+$0x0] =	vst.idx.msk $0xffff, v26  }
0x1c3: {  	v59 =	vor.u32 v31, v42;
	v30 =	vld.idx.msk [tilespmem:v30+s18+$0x0], $0xffff;
	[tilespmem:v54+s20+$0x0] =	vst.idx.msk $0xffff, v22  }
0x1c4: {  	[tilespmem:v55+s20+$0x0] =	vst.idx.msk $0xffff, v44  }
0x1c5: {  	v60 =	vor.u32 v35, v42;
	[tilespmem:v56+s20+$0x0] =	vst.idx.msk $0xffff, v45  }
0x1c6: {  	v61 =	vor.u32 v37, v36;
	[tilespmem:v57+s20+$0x0] =	vst.idx.msk $0xffff, v43  }
0x1c7: {  	v62 =	vor.u32 v39, v42;
	[tilespmem:v58+s20+$0x0] =	vst.idx.msk $0xffff, v46  }
0x1c8: {  	v63 =	vor.u32 v41, v36;
	[tilespmem:v59+s20+$0x0] =	vst.idx.msk $0xffff, v28  }
0x1c9: {  	[tilespmem:v32+s20+$0x0] =	vst.idx.msk $0xffff, v47  }
0x1ca: {  	[tilespmem:v60+s20+$0x0] =	vst.idx.msk $0xffff, v49  }
0x1cb: {  	[tilespmem:v61+s20+$0x0] =	vst.idx.msk $0xffff, v24  }
0x1cc: {  	[tilespmem:v62+s20+$0x0] =	vst.idx.msk $0xffff, v38  }
0x1cd: {  	[tilespmem:v63+s20+$0x0] =	vst.idx.msk $0xffff, v30  }
0x1ce: {  	[hbm4b:s7+s2] =	stream.linear.scatter [tilespmem:s20], [sflag:$0x5], $0x1000, $0x38;
	[tilespmem:$0xB000] =	vst v63  }
0x1cf: {  	_ =	swait.ge [sflag:s19], $0x1000  }
0x1d0: {  	v9 =	vld [tilespmem:$0x1FE80]  }
0x1d1: {  	v57 =	vld [tilespmem:$0x1FE90]  }
0x1d2: {  	v56 =	vld [tilespmem:$0x1FEA0]  }
0x1d3: {  	v13 =	vld [tilespmem:$0x1FEB0]  }
0x1d4: {  	v53 =	vld [tilespmem:$0x1FEC0]  }
0x1d5: {  	v18 =	vld [tilespmem:$0x1FED0]  }
0x1d6: {  	v55 =	vld [tilespmem:$0x1FEE0]  }
0x1d7: {  	v58 =	vld [tilespmem:$0x1FEF0]  }
0x1d8: {  	v59 =	vld [tilespmem:$0x1FF00]  }
.Ltmp11:
0x1d9: {  	v60 =	vld [tilespmem:$0x1FF10];
	(pc) =	sbr.rel .LBB2_15-.Ltmp11, $4  }
0x1da: {  	v61 =	vld [tilespmem:$0x1FF20]  }
0x1db: {  	v62 =	vld [tilespmem:$0x1FF30]  }
0x1dc: {  	[sflag:s19] =	ssyncset.done $0x0;
	v63 =	vld [tilespmem:$0x1FF40]  }
0x1dd: {  	v0 =	vld [tilespmem:$0x1FF50];
	[sflag:s19] =	ssyncadd.s32 $0xFFFFF000  }
.LBB2_16:
0x1de: {  	_ =	sfence.sel $0x180000  }
0x1df: {  	[bflag:$0x0] =	sbarrier.arrive $0xFFFF  }
0x1e0: {  	p0 =	sne.s32 s0, $0x0;
	_ =	strace $0x90000047  }
0x1e1: {  	s0 =	sadd.s32 @!p0 $0x100000, s1;
	[bflag:$0x2] =	sbarrier.arrive $0xFFFF  }
0x1e2: {  	[sflag:s0] =	ssyncadd.tile.s32 @!p0 $0x1;
	_ =	shalt  }
.Lfunc_end2:
_tile_overlayer_lowered:
.L_overlay_start_2:
0x1e3: {  	(tag) =	ssettag $0x2  }
0x1e4: {  	s0 =	rddreg [dreg:$0x0];
	s2 =	stileid.u32  }
0x1e5: {  	s1 =	rddreg [dreg:$0x1];
	p0 =	sne.s32 s2, $0x0  }
0x1e6: {  	s3 =	rddreg [dreg:$0x2];
	[bflag:$0x3] =	sbarrier.arrive $0xFFFF;
	s2 =	simm.s32 @!p0 $0x1C05  }
0x1e7: {  	[timem:s3], [sflag:s2] =	dma.local @!p0 [hbm:s0], s1  }
0x1e8: {  	s0 =	simm.s32 @!p0 $0x5  }
0x1e9: {  	_ =	swait.ge @!p0 [sflag:s0], s1  }
0x1ea: {  	s1 =	ssub.s32 @!p0 $0x0, s1;
	[sflag:s0] =	ssyncset.done @!p0 $0x0  }
0x1eb: {  	[sflag:s0] =	ssyncadd.s32 @!p0 s1  }
0x1ec: {  	[bflag:$0x3] =	sbarrier.arrive $0xFFFF  }
0x1ed: {  	_ =	shalt  }

// kernel: kernel.7.cloned.1.call-start
scs
__scs_entry_jumppad:
0x0: {  	(pc) =	sbr.rel $0x88, $3  }
0x1: {  	(tag) =	ssettag $0x0;
	lr =	simm.s32 $0x1  }
0x2: {  	[smem:$0x3F9F] =	sst lr;
	_ =	strace $0xD0000000  }
0x3: {  	_ = 	snop  }
0x4: {  	_ = 	snop  }
0x5: {  	_ = 	snop  }
0x6: {  	_ = 	snop  }
0x7: {  	_ = 	snop  }
__scs_overlays_trampoline_lowered:
0x8: {  	[smem:$0x3FAE] =	sst s0  }
0x9: {  	[smem:$0x3FAF] =	sst s1  }
0xa: {  	[smem:$0x3FB0] =	sst s2  }
0xb: {  	[smem:$0x3FB1] =	sst s3  }
0xc: {  	[smem:$0x3FB2] =	sst s4  }
0xd: {  	[smem:$0x3FB3] =	sst s5  }
0xe: {  	[smem:$0x3FB4] =	sst s6  }
0xf: {  	[smem:$0x3FB5] =	sst s7  }
0x10: {  	[smem:$0x3FB6] =	sst s8  }
0x11: {  	[smem:$0x3FB7] =	sst s9;
	s0 =	simm.s32 @!p0 $0x0  }
0x12: {  	s1 =	sld [smem:$0x3F9D];
	s0 =	simm.s32 @p0 $0x1  }
0x13: {  	[smem:$0x3FB8] =	sst s0;
	s0 =	simm.s32 @!p1 $0x0  }
0x14: {  	s2 =	sld [smem:$0x3F9C];
	s0 =	simm.s32 @p1 $0x1  }
0x15: {  	[smem:$0x3FB9] =	sst s0;
	s0 =	simm.s32 @!p2 $0x0  }
0x16: {  	s3 =	sld [smem:$0x3FDB];
	s0 =	simm.s32 @p2 $0x1  }
0x17: {  	s4 =	simm.s32 $0x1BF5;
	[smem:$0x3FBB] =	sst s0  }
0x18: {  	s0 =	sld [smem:$0x3F9E];
	_ =	swait.ge [sflag:s4], $0x0  }
0x19: {  	s7 =	sld [smem:$0x3F9F]  }
0x1a: {  	s8 =	sadd.s32 $0xFFFFE003, lr  }
0x1b: {  	s9 =	sadd.s32 $0xFFFFFEF7, lr;
	s5 =	simm.s32 $0xFFFFFFFF;
	p2 =	slt.u32 s8, $0xFFFFF086  }
0x1c: {  	p1 =	slt.u32 s9, $0xF7A;
	s5 =	simm.s32 @!p2 $0x0  }
0x1d: {  	s5 =	simm.s32 @p1 $0x1;
	p0 =	seq.s32 s7, s2  }
0x1e: {  	s7 =	smul.u32 @!p0 $0xF7A, s2;
	p2 =	seq.s32 @!p0 s5, $0x0  }
0x1f: {  	s9 =	smul.u32 $0xF7A, s1;
	s8 =	simm.s32 @!p0 $0x1BF5;
	p2 =	por !p2, p0  }
0x20: {  	[sflag:s8] =	ssyncset.s32 @!p0 $0xFFFFF086;
	s6 =	sadd.s32 @!p0 s3, s7;
	s7 =	simm.s32 @!p0 $0x108  }
0x21: {  	s3 =	sadd.s32 s3, s9;
	s6 =	sadd.s32 @!p0 $0x88, s6;
	s7 =	simm.s32 @p2 $0x1082  }
0x22: {  	[simem:s7], [sflag:s8] =	dma.local @!p0 [hbm:s6], $0xF7A  }
0x23: {  	s9 =	sor.u32 $0xD0000000, s2;
	s6 =	simm.s32 $0x108;
	_ =	swait.ge @!p0 [sflag:s8], $0x0  }
0x24: {  	s3 =	sadd.s32 $0x88, s3;
	s6 =	simm.s32 @!p1 $0x1082;
	[sflag:s4] =	ssyncset.s32 $0xFFFFF086  }
0x25: {  	[simem:s6], [sflag:s4] =	dma.local [hbm:s3], $0xF7A  }
0x26: {  	[smem:$0x3F9F] =	sst s1;
	(tag) =	ssettag s2;
	_ =	strace s9  }
0x27: {  	s1 =	sld [smem:$0x3FAF]  }
0x28: {  	s2 =	sld [smem:$0x3FB0]  }
0x29: {  	s4 =	sld [smem:$0x3FB2]  }
0x2a: {  	p0 =	seq.s32 s5, $0x0;
	s5 =	sld [smem:$0x3FB3]  }
0x2b: {  	s6 =	sld [smem:$0x3FB4]  }
0x2c: {  	s7 =	sld [smem:$0x3FB5]  }
0x2d: {  	s3 =	simm.s32 $0x108;
	s8 =	sld [smem:$0x3FB6]  }
0x2e: {  	s3 =	simm.s32 @!p0 $0x1082;
	s9 =	sld [smem:$0x3FB7]  }
0x2f: {  	lr =	sadd.s32 s0, s3;
	s0 =	sld [smem:$0x3FAE]  }
0x30: {  	s3 =	sld [smem:$0x3FB1]  }
0x31: {  	[smem:$0x3FBA] =	sst s10  }
0x32: {  	s10 =	sld [smem:$0x3FB8];
	_ =	sdelay $0x3  }
0x33: {  	p0 =	seq.s32 s10, $0x1;
	s10 =	sld [smem:$0x3FBA];
	_ =	sdelay $0x3  }
0x34: {  	[smem:$0x3FBA] =	sst s10  }
0x35: {  	s10 =	sld [smem:$0x3FB9];
	_ =	sdelay $0x3  }
0x36: {  	p1 =	seq.s32 s10, $0x1;
	s10 =	sld [smem:$0x3FBA];
	_ =	sdelay $0x3  }
0x37: {  	[smem:$0x3FBA] =	sst s10  }
0x38: {  	s10 =	sld [smem:$0x3FBB]  }
0x39: {  	_ = 	snop;
	(pc) =	sbr.ind lr, $3  }
0x3a: {  	_ = 	snop  }
0x3b: {  	_ = 	snop  }
0x3c: {  	p2 =	seq.s32 s10, $0x1;
	s10 =	sld [smem:$0x3FBA]  }
0x3d: {  	_ =	shalt  }
0x3e: {  	_ =	shalt  }
0x3f: {  	_ =	shalt  }
0x40: {  	_ =	shalt  }
0x41: {  	_ =	shalt  }
0x42: {  	_ =	shalt  }
0x43: {  	_ =	shalt  }
0x44: {  	_ =	shalt  }
0x45: {  	_ =	shalt  }
0x46: {  	_ =	shalt  }
0x47: {  	_ =	shalt  }
0x48: {  	_ =	shalt  }
0x49: {  	_ =	shalt  }
0x4a: {  	_ =	shalt  }
0x4b: {  	_ =	shalt  }
0x4c: {  	_ =	shalt  }
0x4d: {  	_ =	shalt  }
0x4e: {  	_ =	shalt  }
0x4f: {  	_ =	shalt  }
0x50: {  	_ =	shalt  }
0x51: {  	_ =	shalt  }
0x52: {  	_ =	shalt  }
0x53: {  	_ =	shalt  }
0x54: {  	_ =	shalt  }
0x55: {  	_ =	shalt  }
0x56: {  	_ =	shalt  }
0x57: {  	_ =	shalt  }
0x58: {  	_ =	shalt  }
0x59: {  	_ =	shalt  }
0x5a: {  	_ =	shalt  }
0x5b: {  	_ =	shalt  }
0x5c: {  	_ =	shalt  }
0x5d: {  	_ =	shalt  }
0x5e: {  	_ =	shalt  }
0x5f: {  	_ =	shalt  }
0x60: {  	_ =	shalt  }
0x61: {  	_ =	shalt  }
0x62: {  	_ =	shalt  }
0x63: {  	_ =	shalt  }
0x64: {  	_ =	shalt  }
0x65: {  	_ =	shalt  }
0x66: {  	_ =	shalt  }
0x67: {  	_ =	shalt  }
0x68: {  	_ =	shalt  }
0x69: {  	_ =	shalt  }
0x6a: {  	_ =	shalt  }
0x6b: {  	_ =	shalt  }
0x6c: {  	_ =	shalt  }
0x6d: {  	_ =	shalt  }
0x6e: {  	_ =	shalt  }
0x6f: {  	_ =	shalt  }
0x70: {  	_ =	shalt  }
0x71: {  	_ =	shalt  }
0x72: {  	_ =	shalt  }
0x73: {  	_ =	shalt  }
0x74: {  	_ =	shalt  }
0x75: {  	_ =	shalt  }
0x76: {  	_ =	shalt  }
0x77: {  	_ =	shalt  }
0x78: {  	_ =	shalt  }
0x79: {  	_ =	shalt  }
0x7a: {  	_ =	shalt  }
0x7b: {  	_ =	shalt  }
0x7c: {  	_ =	shalt  }
0x7d: {  	_ =	shalt  }
0x7e: {  	_ =	shalt  }
0x7f: {  	_ =	shalt  }
0x80: {  	_ =	shalt  }
0x81: {  	_ =	shalt  }
0x82: {  	_ =	shalt  }
0x83: {  	_ =	shalt  }
0x84: {  	_ =	shalt  }
0x85: {  	_ =	shalt  }
0x86: {  	_ =	shalt  }
0x87: {  	_ =	shalt  }
.Lfunc_end0:
.L_simem_size_0:
called_computation.1_lowered:
.L_overlay_start_0:
0x88: {  	s2 =	sld [smem:$0x3FD9]  }
0x89: {  	s3 =	sld [smem:$0x3FFE];
	_ =	sdelay $0x1  }
0x8a: {  	s1 =	srdreg.scid  }
0x8b: {  	s0 =	sand.u32 $0x1, s1  }
0x8c: {  	s17 =	sshll.u32 s0, $0xA;
	s2 =	sadd.s32 s3, s2  }
0x8d: {  	s2 =	sadd.s32 s2, s17  }
0x8e: {  	[smem:$0x3FC6] =	sst s2  }
0x8f: {  	_ = 	snop  }
0x90: {  	s2 =	sld [smem:$0x3FD0];
	(tm) =	ssettm $0x1  }
0x91: {  	s18 =	sld [smem:$0x3FFB];
	_ =	sdelay $0x3  }
0x92: {  	_ =	strace s18  }
0x93: {  	s3 =	sld [smem:$0x3FFC];
	_ =	sdelay $0x3  }
0x94: {  	_ =	strace s3  }
0x95: {  	s3 =	sld [smem:$0x3FFD];
	_ =	sdelay $0x3  }
0x96: {  	_ =	strace s3  }
0x97: {  	_ =	strace $0x8FFFFFFF  }
0x98: {  	s19 =	sld [smem:$0x3FDB];
	_ =	sdelay $0x1  }
0x99: {  	s4 =	simm.s32 $_scs_section_size  }
0x9a: {  	s5 =	simm.s32 $_size__tile_overlayer_lowered;
	s6 =	simm.s32 $_tile_overlayer_lowered  }
0x9b: {  	s22 =	simm.s32 $0x1BFF;
	s21 =	sshll.u32 s6, $0x1;
	s3 =	sadd.s32 s4, s19  }
0x9c: {  	s7 =	simm.s32 $0x0;
	s20 =	sshll.u32 s5, $0x1;
	s5 =	sadd.s32 s21, s3  }
0x9d: {  	[timem:s7], [sflag:s22] =	dma.local [hbm:s5], s20  }
0x9e: {  	_ =	swait.ge [sflag:s22], s20  }
0x9f: {  	s4 =	ssub.s32 $0x0, s20;
	[sflag:s22] =	ssyncset.done $0x0  }
0xa0: {  	[sflag:s22] =	ssyncadd.s32 s4;
	_ =	sdelay $0x1  }
0xa1: {  	s23 =	simm.s32 $0x1B8B  }
0xa2: {  	_ =	swait.ge [sflag:s23], $0x1  }
0xa3: {  	[sflag:s23] =	ssyncset.done $0x0  }
0xa4: {  	s25 =	simm.s32 $0x1B8E;
	s24 =	sld [smem:$0x3FFE];
	[sflag:s23] =	ssyncadd.s32 $0xFFFFFFFF  }
0xa5: {  	s26 =	simm.s32 $execute0_lowered;
	[smem:$0x3FD2] =	sst s25  }
0xa6: {  	s5 =	sshll.u32 s26, $0x1;
	_ =	strace $0x80000049;
	[dreg:$0x1] =	wrdreg $0xFFFFFFFF  }
0xa7: {  	s28 =	simm.s32 $_size_execute0_lowered;
	s3 =	sadd.s32 s3, s5;
	[dreg:$0x0] =	wrdreg $0x0  }
0xa8: {  	s5 =	sshll.u32 s28, $0x1;
	[dreg:$0x2] =	wrdreg s3  }
0xa9: {  	[dreg:$0x3] =	wrdreg s5  }
0xaa: {  	[dreg:$0x4] =	wrdreg $0xC0  }
0xab: {  	_ =	task [dreg:s7], $0x5FFFF  }
0xac: {  	[dreg:$0x1] =	wrdreg $0xFFFFFFFF  }
0xad: {  	[dreg:$0x0] =	wrdreg $0x60  }
0xae: {  	[dreg:$0x2] =	wrdreg s24  }
0xaf: {  	[dreg:$0x3] =	wrdreg s2  }
0xb0: {  	[dreg:$0x4] =	wrdreg $0x9  }
0xb1: {  	_ =	task.clear_ibuf [dreg:s7], $0x5FFFF;
	_ =	strace $0x90000049  }
0xb2: {  	s29 =	simm.s32 $0x9;
	_ =	strace $0x8000004B  }
0xb3: {  	_ =	swait.ge [sflag:s29], $0x1  }
0xb4: {  	[sflag:s29] =	ssyncadd.s32 $0xFFFFFFFF  }
0xb5: {  	_ =	strace $0x9000004B  }
0xb6: {  	_ =	sfence  }
0xb7: {  	s30 =	sld [smem:$0x0];
	_ =	sdelay $0x2  }
0xb8: {  	s31 =	sshll.u32 s1, $0xD;
	s1 =	sshrl.u32 s1, $0x2  }
0xb9: {  	s3 =	sand.u32 $0x4000, s31;
	s1 =	sadd.s32 s1, s30  }
0xba: {  	s0 =	sor.u32 s3, s0;
	s1 =	sshll.u32 s1, $0x11  }
0xbb: {  	s0 =	sor.u32 s1, s0  }
0xbc: {  	s0 =	sadd.s32 $0x8F2B, s0  }
0xbd: {  	[sflag:s0] =	ssyncadd.remote.s32 $0x1  }
0xbe: {  	_ =	sfence.sel $0xFFFF  }
0xbf: {  	[dreg:$0x0] =	wrdreg $0xFFFFFFFF;
	(pc) =	sbr.abs _section_cstart, $3  }
0xc0: {  	[dreg:$0x1] =	wrdreg $0xFFFFFFFF  }
0xc1: {  	_ =	task.clear_ibuf [dreg:s7], $0x2FFFF;
	_ =	strace $0x9FFFFFFF  }
0xc2: {  	(tm) =	ssettm $0x7FFFFFFF  }
0xc3: {  	_ =	shalt  }
tec
execute0_lowered:
.L_overlay_start_1:
0x0: {  	(tag) =	ssettag $0x1  }
0x1: {  	s1 =	srdreg.scid  }
0x2: {  	s0 =	stileid.u32;
	s4 =	rddreg [dreg:$0x0]  }
0x3: {  	s2 =	rddreg [dreg:$0x1];
	s3 =	simm.s32 $0x0;
	s9 =	simm.s32 $0x80  }
0x4: {  	s10 =	simm.s32 $0x6400;
	s11 =	simm.s32 $0x1;
	s12 =	simm.s32 $0x8400  }
0x5: {  	s13 =	simm.s32 $0xA400;
	s14 =	simm.s32 $0x400;
	s15 =	simm.s32 $0x20000  }
0x6: {  	s16 =	simm.s32 $0x2;
	s17 =	simm.s32 $0xC400;
	s18 =	simm.s32 $0x3  }
0x7: {  	v0 =	vlaneseq.u32;
	s19 =	simm.s32 $0x4;
	s5 =	sand.u32 $0x1, s1;
	s31 =	sshll.u32 s0, $0x1  }
0x8: {  	s20 =	simm.s32 $0x0;
	s1 =	rddreg [dreg:$0x2];
	v1 =	vmul.u32 $0x40, v0;
	v9 =	vor.u32 $0x10, v0;
	v10 =	vor.u32 $0x20, v0;
	s6 =	sor.u32 s5, s31  }
0x9: {  	[smem:$0x7FF] =	sst s3;
	v11 =	vor.u32 $0x30, v0;
	v12 =	vor.u32 $0x40, v0;
	v13 =	vor.u32 $0x50, v0;
	s5 =	ssub.s32 $0x2, s5;
	s7 =	smul.u32 $0xC80, s6  }
0xa: {  	v14 =	vor.u32 $0x60, v0;
	v15 =	vor.u32 $0x70, v0;
	_ =	strace $0x8000004A;
	s8 =	sshrl.u32 s5, $0x1;
	s6 =	smul.u32 $0xC8, s6;
	v2 =	vor.u32 $0x400, v1  }
0xb: {  	v3 =	vor.u32 $0x800, v1;
	v4 =	vor.u32 $0xC00, v1;
	v5 =	vor.u32 $0x1000, v1;
	s8 =	ssub.s32 s5, s8;
	s7 =	sadd.s32 s7, s4;
	s4 =	sadd.s32 $0xA00, s4  }
0xc: {  	v6 =	vor.u32 $0x1400, v1;
	v7 =	vor.u32 $0x1800, v1;
	v8 =	vor.u32 $0x1C00, v1;
	s5 =	sadd.s32 $0x7A1C00, s7;
	s7 =	smax.u32 s8, $0x1;
	s8 =	simm.s32 $0x5  }
.LBB2_1:
0xd: {  	[tilespmem:s3], [sflag:$0x5] =	stream.linear.gather [hbm4b:s5+s3], $0x6400, $0x38;
	[tilespmem:$0xE400] =	vst v63  }
0xe: {  	_ =	swait.ge [sflag:s8], $0x6400  }
0xf: {  	[sflag:s8] =	ssyncset.done $0x0  }
0x10: {  	s21 =	simm.s32 $0x0;
	[sflag:s8] =	ssyncadd.s32 $0xFFFF9C00  }
0x11: {  	[tilespmem:s10], [sflag:$0x1] =	stream.indirect.gather [hbm4b:s4+s9], $0x40, s3, s9, $0xb8;
	[tilespmem:$0xE400] =	vst v63  }
.LBB2_2:
0x12: {  	_ =	swait.ge [sflag:s11], $0x2000;
	s22 =	sshllo.u32 s21, $0x1  }
0x13: {  	p0 =	seq.s32 s21, $0x0;
	[sflag:s11] =	ssyncset.done $0x0;
	s23 =	sshll.u32 s22, $0x7  }
0x14: {  	s24 =	simm.s32 @!p0 $0x3;
	[sflag:s11] =	ssyncadd.s32 $0xFFFFE000;
	s23 =	sand.u32 $0x3FFFFF80, s23  }
0x15: {  	[tilespmem:s12], [sflag:$0x2] =	stream.indirect.gather [hbm4b:s4+s9], $0x40, s23, s9, $0xb8;
	[tilespmem:$0xE400] =	vst v63  }
0x16: {  	_ =	swait.ge @!p0 [sflag:s24], $0x2000  }
0x17: {  	[sflag:s24] =	ssyncset.done @!p0 $0x0  }
0x18: {  	s23 =	sshll.u32 s21, $0x1;
	[sflag:s24] =	ssyncadd.s32 @!p0 $0xFFFFE000;
	s24 =	simm.s32 $0x0  }
.LBB2_3:
0x19: {  	v16 =	vadd.s32 s24, v0  }
0x1a: {  	v17 =	vand.u32 $0xF, v16  }
0x1b: {  	v18 =	vor.u32 v1, v17  }
0x1c: {  	v19 =	vor.u32 v2, v17  }
0x1d: {  	v20 =	vor.u32 v3, v17  }
0x1e: {  	v21 =	vor.u32 v4, v17  }
0x1f: {  	v22 =	vor.u32 v5, v17  }
0x20: {  	v23 =	vor.u32 v6, v17;
	v18 =	vld.idx.msk [tilespmem:v18+s10+$0x0], $0xffff  }
0x21: {  	v25 =	vor.u32 $0x10, v16;
	v24 =	vor.u32 v7, v17;
	v19 =	vld.idx.msk [tilespmem:v19+s10+$0x0], $0xffff  }
0x22: {  	v26 =	vor.u32 v8, v17;
	v27 =	vand.u32 $0x1F, v25;
	v20 =	vld.idx.msk [tilespmem:v20+s10+$0x0], $0xffff  }
0x23: {  	v30 =	vshll.u32 v16, $0x7;
	v28 =	vor.u32 v1, v27;
	v21 =	vld.idx.msk [tilespmem:v21+s10+$0x0], $0xffff  }
0x24: {  	v32 =	vand.u32 $0x780, v30;
	v29 =	vor.u32 v2, v27;
	v22 =	vld.idx.msk [tilespmem:v22+s10+$0x0], $0xffff  }
0x25: {  	v50 =	vand.u32 $0x7, v16;
	v31 =	vor.u32 v3, v27;
	v33 =	vor.u32 v0, v32;
	v23 =	vld.idx.msk [tilespmem:v23+s10+$0x0], $0xffff  }
0x26: {  	v16 =	vor.u32 $0x30, v16;
	v34 =	vor.u32 v4, v27;
	v35 =	vor.u32 v9, v32;
	v24 =	vld.idx.msk [tilespmem:v24+s10+$0x0], $0xffff  }
0x27: {  	v17 =	vor.u32 $0x20, v17;
	v36 =	vor.u32 v5, v27;
	v37 =	vor.u32 v10, v32;
	v26 =	vld.idx.msk [tilespmem:v26+s10+$0x0], $0xffff  }
0x28: {  	v25 =	vshll.u32 v25, $0x7;
	v46 =	vor.u32 v6, v27;
	v47 =	vor.u32 v11, v32;
	v28 =	vld.idx.msk [tilespmem:v28+s10+$0x0], $0xffff  }
0x29: {  	v48 =	vor.u32 v7, v27;
	v49 =	vor.u32 v12, v32;
	v27 =	vor.u32 v8, v27;
	v29 =	vld.idx.msk [tilespmem:v29+s10+$0x0], $0xffff  }
0x2a: {  	v30 =	vand.u32 $0x380, v30;
	v51 =	vand.u32 $0x28, v17;
	v52 =	vor.u32 v13, v32;
	v31 =	vld.idx.msk [tilespmem:v31+s10+$0x0], $0xffff;
	[tilespmem:v33+s13+$0x0] =	vst.idx.msk $0xffff, v18  }
0x2b: {  	v54 =	vor.u32 v14, v32;
	v32 =	vor.u32 v15, v32;
	v33 =	vld.idx.msk [tilespmem:v34+s10+$0x0], $0xffff;
	[tilespmem:v35+s13+$0x0] =	vst.idx.msk $0xffff, v19  }
0x2c: {  	v42 =	vand.u32 $0x3F, v16;
	v25 =	vand.u32 $0xC00, v25;
	v35 =	vld.idx.msk [tilespmem:v36+s10+$0x0], $0xffff;
	[tilespmem:v37+s13+$0x0] =	vst.idx.msk $0xffff, v20;
	v20 =	vor.u32 v50, v51  }
0x2d: {  	v43 =	vor.u32 v1, v42;
	v45 =	vor.u32 v2, v42;
	v53 =	vor.u32 v1, v20  }
0x2e: {  	v17 =	vshll.u32 v17, $0x7;
	v25 =	vor.u32 v30, v25;
	v55 =	vor.u32 v2, v20  }
0x2f: {  	v57 =	vor.u32 v0, v25;
	v18 =	vld.idx.msk [tilespmem:v46+s10+$0x0], $0xffff;
	[tilespmem:v47+s13+$0x0] =	vst.idx.msk $0xffff, v21;
	v56 =	vor.u32 v3, v20  }
0x30: {  	v59 =	vor.u32 v9, v25;
	v58 =	vor.u32 v4, v20;
	v19 =	vld.idx.msk [tilespmem:v48+s10+$0x0], $0xffff;
	[tilespmem:v49+s13+$0x0] =	vst.idx.msk $0xffff, v22  }
0x31: {  	v61 =	vor.u32 v10, v25;
	v60 =	vor.u32 v5, v20;
	v27 =	vld.idx.msk [tilespmem:v27+s10+$0x0], $0xffff;
	[tilespmem:v52+s13+$0x0] =	vst.idx.msk $0xffff, v23  }
0x32: {  	v63 =	vor.u32 v11, v25;
	v62 =	vor.u32 v6, v20;
	v21 =	vld.idx.msk [tilespmem:v53+s10+$0x0], $0xffff;
	[tilespmem:v54+s13+$0x0] =	vst.idx.msk $0xffff, v24  }
0x33: {  	v40 =	vor.u32 v12, v25;
	v39 =	vor.u32 v7, v20;
	v22 =	vld.idx.msk [tilespmem:v55+s10+$0x0], $0xffff;
	[tilespmem:v32+s13+$0x0] =	vst.idx.msk $0xffff, v26  }
0x34: {  	v41 =	vor.u32 v13, v25;
	v20 =	vor.u32 v8, v20;
	v23 =	vld.idx.msk [tilespmem:v56+s10+$0x0], $0xffff;
	[tilespmem:v57+s13+$0x0] =	vst.idx.msk $0xffff, v28  }
0x35: {  	v16 =	vshll.u32 v16, $0x7;
	v17 =	vand.u32 $0x1400, v17;
	v44 =	vor.u32 v14, v25;
	v24 =	vld.idx.msk [tilespmem:v58+s10+$0x0], $0xffff;
	[tilespmem:v59+s13+$0x0] =	vst.idx.msk $0xffff, v29  }
0x36: {  	v25 =	vor.u32 v15, v25;
	v17 =	vor.u32 v30, v17;
	v26 =	vld.idx.msk [tilespmem:v60+s10+$0x0], $0xffff;
	[tilespmem:v61+s13+$0x0] =	vst.idx.msk $0xffff, v31  }
0x37: {  	v46 =	vor.u32 v3, v42;
	v47 =	vor.u32 v0, v17;
	v28 =	vld.idx.msk [tilespmem:v62+s10+$0x0], $0xffff;
	[tilespmem:v63+s13+$0x0] =	vst.idx.msk $0xffff, v33  }
0x38: {  	v48 =	vor.u32 v4, v42;
	v49 =	vor.u32 v9, v17;
	v29 =	vld.idx.msk [tilespmem:v39+s10+$0x0], $0xffff;
	[tilespmem:v40+s13+$0x0] =	vst.idx.msk $0xffff, v35  }
0x39: {  	v50 =	vor.u32 v5, v42;
	v51 =	vor.u32 v10, v17;
	v20 =	vld.idx.msk [tilespmem:v20+s10+$0x0], $0xffff;
	[tilespmem:v41+s13+$0x0] =	vst.idx.msk $0xffff, v18  }
0x3a: {  	v52 =	vor.u32 v6, v42;
	v53 =	vor.u32 v11, v17;
	v31 =	vld.idx.msk [tilespmem:v43+s10+$0x0], $0xffff;
	[tilespmem:v44+s13+$0x0] =	vst.idx.msk $0xffff, v19  }
0x3b: {  	v54 =	vor.u32 v7, v42;
	v55 =	vor.u32 v12, v17;
	v34 =	vld.idx.msk [tilespmem:v45+s10+$0x0], $0xffff;
	[tilespmem:v25+s13+$0x0] =	vst.idx.msk $0xffff, v27  }
0x3c: {  	v56 =	vor.u32 v8, v42;
	v57 =	vor.u32 v13, v17;
	v18 =	vld.idx.msk [tilespmem:v46+s10+$0x0], $0xffff;
	[tilespmem:v47+s13+$0x0] =	vst.idx.msk $0xffff, v21  }
0x3d: {  	v16 =	vand.u32 $0x1C00, v16;
	v58 =	vor.u32 v14, v17;
	v19 =	vld.idx.msk [tilespmem:v48+s10+$0x0], $0xffff;
	[tilespmem:v49+s13+$0x0] =	vst.idx.msk $0xffff, v22  }
0x3e: {  	v16 =	vor.u32 v30, v16;
	v17 =	vor.u32 v15, v17;
	v25 =	vld.idx.msk [tilespmem:v50+s10+$0x0], $0xffff;
	[tilespmem:v51+s13+$0x0] =	vst.idx.msk $0xffff, v23  }
0x3f: {  	v59 =	vor.u32 v0, v16;
	v21 =	vld.idx.msk [tilespmem:v52+s10+$0x0], $0xffff;
	[tilespmem:v53+s13+$0x0] =	vst.idx.msk $0xffff, v24  }
0x40: {  	v30 =	vor.u32 v9, v16;
	v22 =	vld.idx.msk [tilespmem:v54+s10+$0x0], $0xffff;
	[tilespmem:v55+s13+$0x0] =	vst.idx.msk $0xffff, v26  }
0x41: {  	v60 =	vor.u32 v10, v16;
	v23 =	vld.idx.msk [tilespmem:v56+s10+$0x0], $0xffff;
	[tilespmem:v57+s13+$0x0] =	vst.idx.msk $0xffff, v28  }
0x42: {  	v61 =	vor.u32 v11, v16;
	[tilespmem:v58+s13+$0x0] =	vst.idx.msk $0xffff, v29  }
0x43: {  	[tilespmem:v17+s13+$0x0] =	vst.idx.msk $0xffff, v20;
	v17 =	vor.u32 v12, v16  }
0x44: {  	v62 =	vor.u32 v13, v16;
	[tilespmem:v59+s13+$0x0] =	vst.idx.msk $0xffff, v31  }
0x45: {  	v63 =	vor.u32 v14, v16;
	[tilespmem:v30+s13+$0x0] =	vst.idx.msk $0xffff, v34  }
0x46: {  	p0 =	sne.s32 s24, $0xF;
	v16 =	vor.u32 v15, v16;
	[tilespmem:v60+s13+$0x0] =	vst.idx.msk $0xffff, v18  }
.Ltmp0:
0x47: {  	[tilespmem:v61+s13+$0x0] =	vst.idx.msk $0xffff, v19;
	(pc) =	sbr.rel @p0 .LBB2_3-.Ltmp0, $4  }
0x48: {  	[tilespmem:v17+s13+$0x0] =	vst.idx.msk $0xffff, v25  }
0x49: {  	[tilespmem:v62+s13+$0x0] =	vst.idx.msk $0xffff, v21  }
0x4a: {  	[tilespmem:v63+s13+$0x0] =	vst.idx.msk $0xffff, v22  }
0x4b: {  	s24 =	sadd.s32 $0x1, s24;
	[tilespmem:v16+s13+$0x0] =	vst.idx.msk $0xffff, v23  }
0x4c: {  	s23 =	sadd.s32 s6, s23  }
0x4d: {  	s24 =	sshll.u32 s23, $0x7  }
0x4e: {  	s23 =	sshll.u32 s23, $0xA;
	s24 =	sand.u32 $0x3F00, s24  }
0x4f: {  	s23 =	sand.u32 $0xFFE0000, s23;
	s24 =	sadd.s32 s2, s24  }
0x50: {  	p0 =	seq.s32 s21, $0x63;
	s23 =	sadd.s32 s23, s24  }
0x51: {  	[hbm4b:s23+s14] =	stream.strided.scatter [tilespmem:s13], [sflag:$0x3], $0x2000, s15, s14, $0x38;
	[tilespmem:$0xE400] =	vst v63  }
0x52: {  	p1 =	seq.s32 @!p0 s21, $0x0;
	s23 =	sshll.u32 @!p0 s21, $0x8;
	_ =	swait.ge [sflag:s16], $0x2000  }
0x53: {  	s25 =	simm.s32 @!p0 $0x6400;
	s23 =	sand.u32 @!p0 $0x3FFFFF00, s23;
	[sflag:s16] =	ssyncset.done $0x0  }
0x54: {  	s24 =	simm.s32 @!p0 $0x80;
	s23 =	sadd.s32 @!p0 $0x100, s23;
	[sflag:s16] =	ssyncadd.s32 $0xFFFFE000  }
0x55: {  	[tilespmem:s25], [sflag:$0x1] =	stream.indirect.gather @!p0 [hbm4b:s4+s24], $0x40, s23, s24, $0xb8;
	[tilespmem:$0xE400] =	vst v63  }
0x56: {  	p0 =	por p0, !p1  }
0x57: {  	_ =	swait.ge @p0 [sflag:s19], $0x2000  }
0x58: {  	[sflag:s19] =	ssyncset.done @p0 $0x0  }
0x59: {  	s23 =	simm.s32 $0x0;
	[sflag:s19] =	ssyncadd.s32 @p0 $0xFFFFE000  }
.LBB2_5:
0x5a: {  	v16 =	vadd.s32 s23, v0  }
0x5b: {  	v17 =	vand.u32 $0xF, v16  }
0x5c: {  	v18 =	vor.u32 v1, v17  }
0x5d: {  	v19 =	vor.u32 v2, v17  }
0x5e: {  	v20 =	vor.u32 v3, v17  }
0x5f: {  	v21 =	vor.u32 v4, v17  }
0x60: {  	v22 =	vor.u32 v5, v17  }
0x61: {  	v23 =	vor.u32 v6, v17;
	v18 =	vld.idx.msk [tilespmem:v18+s12+$0x0], $0xffff  }
0x62: {  	v25 =	vor.u32 $0x10, v16;
	v24 =	vor.u32 v7, v17;
	v19 =	vld.idx.msk [tilespmem:v19+s12+$0x0], $0xffff  }
0x63: {  	v26 =	vor.u32 v8, v17;
	v27 =	vand.u32 $0x1F, v25;
	v20 =	vld.idx.msk [tilespmem:v20+s12+$0x0], $0xffff  }
0x64: {  	v30 =	vshll.u32 v16, $0x7;
	v28 =	vor.u32 v1, v27;
	v21 =	vld.idx.msk [tilespmem:v21+s12+$0x0], $0xffff  }
0x65: {  	v32 =	vand.u32 $0x780, v30;
	v29 =	vor.u32 v2, v27;
	v22 =	vld.idx.msk [tilespmem:v22+s12+$0x0], $0xffff  }
0x66: {  	v50 =	vand.u32 $0x7, v16;
	v31 =	vor.u32 v3, v27;
	v33 =	vor.u32 v0, v32;
	v23 =	vld.idx.msk [tilespmem:v23+s12+$0x0], $0xffff  }
0x67: {  	v16 =	vor.u32 $0x30, v16;
	v34 =	vor.u32 v4, v27;
	v35 =	vor.u32 v9, v32;
	v24 =	vld.idx.msk [tilespmem:v24+s12+$0x0], $0xffff  }
0x68: {  	v17 =	vor.u32 $0x20, v17;
	v36 =	vor.u32 v5, v27;
	v37 =	vor.u32 v10, v32;
	v26 =	vld.idx.msk [tilespmem:v26+s12+$0x0], $0xffff  }
0x69: {  	v25 =	vshll.u32 v25, $0x7;
	v46 =	vor.u32 v6, v27;
	v47 =	vor.u32 v11, v32;
	v28 =	vld.idx.msk [tilespmem:v28+s12+$0x0], $0xffff  }
0x6a: {  	v48 =	vor.u32 v7, v27;
	v49 =	vor.u32 v12, v32;
	v27 =	vor.u32 v8, v27;
	v29 =	vld.idx.msk [tilespmem:v29+s12+$0x0], $0xffff  }
0x6b: {  	v30 =	vand.u32 $0x380, v30;
	v51 =	vand.u32 $0x28, v17;
	v52 =	vor.u32 v13, v32;
	v31 =	vld.idx.msk [tilespmem:v31+s12+$0x0], $0xffff;
	[tilespmem:v33+s17+$0x0] =	vst.idx.msk $0xffff, v18  }
0x6c: {  	v54 =	vor.u32 v14, v32;
	v32 =	vor.u32 v15, v32;
	v33 =	vld.idx.msk [tilespmem:v34+s12+$0x0], $0xffff;
	[tilespmem:v35+s17+$0x0] =	vst.idx.msk $0xffff, v19  }
0x6d: {  	v42 =	vand.u32 $0x3F, v16;
	v25 =	vand.u32 $0xC00, v25;
	v35 =	vld.idx.msk [tilespmem:v36+s12+$0x0], $0xffff;
	[tilespmem:v37+s17+$0x0] =	vst.idx.msk $0xffff, v20;
	v20 =	vor.u32 v50, v51  }
0x6e: {  	v43 =	vor.u32 v1, v42;
	v45 =	vor.u32 v2, v42;
	v53 =	vor.u32 v1, v20  }
0x6f: {  	v17 =	vshll.u32 v17, $0x7;
	v25 =	vor.u32 v30, v25;
	v55 =	vor.u32 v2, v20  }
0x70: {  	v57 =	vor.u32 v0, v25;
	v18 =	vld.idx.msk [tilespmem:v46+s12+$0x0], $0xffff;
	[tilespmem:v47+s17+$0x0] =	vst.idx.msk $0xffff, v21;
	v56 =	vor.u32 v3, v20  }
0x71: {  	v59 =	vor.u32 v9, v25;
	v58 =	vor.u32 v4, v20;
	v19 =	vld.idx.msk [tilespmem:v48+s12+$0x0], $0xffff;
	[tilespmem:v49+s17+$0x0] =	vst.idx.msk $0xffff, v22  }
0x72: {  	v61 =	vor.u32 v10, v25;
	v60 =	vor.u32 v5, v20;
	v27 =	vld.idx.msk [tilespmem:v27+s12+$0x0], $0xffff;
	[tilespmem:v52+s17+$0x0] =	vst.idx.msk $0xffff, v23  }
0x73: {  	v63 =	vor.u32 v11, v25;
	v62 =	vor.u32 v6, v20;
	v21 =	vld.idx.msk [tilespmem:v53+s12+$0x0], $0xffff;
	[tilespmem:v54+s17+$0x0] =	vst.idx.msk $0xffff, v24  }
0x74: {  	v40 =	vor.u32 v12, v25;
	v39 =	vor.u32 v7, v20;
	v22 =	vld.idx.msk [tilespmem:v55+s12+$0x0], $0xffff;
	[tilespmem:v32+s17+$0x0] =	vst.idx.msk $0xffff, v26  }
0x75: {  	v41 =	vor.u32 v13, v25;
	v20 =	vor.u32 v8, v20;
	v23 =	vld.idx.msk [tilespmem:v56+s12+$0x0], $0xffff;
	[tilespmem:v57+s17+$0x0] =	vst.idx.msk $0xffff, v28  }
0x76: {  	v16 =	vshll.u32 v16, $0x7;
	v17 =	vand.u32 $0x1400, v17;
	v44 =	vor.u32 v14, v25;
	v24 =	vld.idx.msk [tilespmem:v58+s12+$0x0], $0xffff;
	[tilespmem:v59+s17+$0x0] =	vst.idx.msk $0xffff, v29  }
0x77: {  	v25 =	vor.u32 v15, v25;
	v17 =	vor.u32 v30, v17;
	v26 =	vld.idx.msk [tilespmem:v60+s12+$0x0], $0xffff;
	[tilespmem:v61+s17+$0x0] =	vst.idx.msk $0xffff, v31  }
0x78: {  	v46 =	vor.u32 v3, v42;
	v47 =	vor.u32 v0, v17;
	v28 =	vld.idx.msk [tilespmem:v62+s12+$0x0], $0xffff;
	[tilespmem:v63+s17+$0x0] =	vst.idx.msk $0xffff, v33  }
0x79: {  	v48 =	vor.u32 v4, v42;
	v49 =	vor.u32 v9, v17;
	v29 =	vld.idx.msk [tilespmem:v39+s12+$0x0], $0xffff;
	[tilespmem:v40+s17+$0x0] =	vst.idx.msk $0xffff, v35  }
0x7a: {  	v50 =	vor.u32 v5, v42;
	v51 =	vor.u32 v10, v17;
	v20 =	vld.idx.msk [tilespmem:v20+s12+$0x0], $0xffff;
	[tilespmem:v41+s17+$0x0] =	vst.idx.msk $0xffff, v18  }
0x7b: {  	v52 =	vor.u32 v6, v42;
	v53 =	vor.u32 v11, v17;
	v31 =	vld.idx.msk [tilespmem:v43+s12+$0x0], $0xffff;
	[tilespmem:v44+s17+$0x0] =	vst.idx.msk $0xffff, v19  }
0x7c: {  	v54 =	vor.u32 v7, v42;
	v55 =	vor.u32 v12, v17;
	v34 =	vld.idx.msk [tilespmem:v45+s12+$0x0], $0xffff;
	[tilespmem:v25+s17+$0x0] =	vst.idx.msk $0xffff, v27  }
0x7d: {  	v56 =	vor.u32 v8, v42;
	v57 =	vor.u32 v13, v17;
	v18 =	vld.idx.msk [tilespmem:v46+s12+$0x0], $0xffff;
	[tilespmem:v47+s17+$0x0] =	vst.idx.msk $0xffff, v21  }
0x7e: {  	v16 =	vand.u32 $0x1C00, v16;
	v58 =	vor.u32 v14, v17;
	v19 =	vld.idx.msk [tilespmem:v48+s12+$0x0], $0xffff;
	[tilespmem:v49+s17+$0x0] =	vst.idx.msk $0xffff, v22  }
0x7f: {  	v16 =	vor.u32 v30, v16;
	v17 =	vor.u32 v15, v17;
	v25 =	vld.idx.msk [tilespmem:v50+s12+$0x0], $0xffff;
	[tilespmem:v51+s17+$0x0] =	vst.idx.msk $0xffff, v23  }
0x80: {  	v59 =	vor.u32 v0, v16;
	v21 =	vld.idx.msk [tilespmem:v52+s12+$0x0], $0xffff;
	[tilespmem:v53+s17+$0x0] =	vst.idx.msk $0xffff, v24  }
0x81: {  	v30 =	vor.u32 v9, v16;
	v22 =	vld.idx.msk [tilespmem:v54+s12+$0x0], $0xffff;
	[tilespmem:v55+s17+$0x0] =	vst.idx.msk $0xffff, v26  }
0x82: {  	v60 =	vor.u32 v10, v16;
	v23 =	vld.idx.msk [tilespmem:v56+s12+$0x0], $0xffff;
	[tilespmem:v57+s17+$0x0] =	vst.idx.msk $0xffff, v28  }
0x83: {  	v61 =	vor.u32 v11, v16;
	[tilespmem:v58+s17+$0x0] =	vst.idx.msk $0xffff, v29  }
0x84: {  	[tilespmem:v17+s17+$0x0] =	vst.idx.msk $0xffff, v20;
	v17 =	vor.u32 v12, v16  }
0x85: {  	v62 =	vor.u32 v13, v16;
	[tilespmem:v59+s17+$0x0] =	vst.idx.msk $0xffff, v31  }
0x86: {  	v63 =	vor.u32 v14, v16;
	[tilespmem:v30+s17+$0x0] =	vst.idx.msk $0xffff, v34  }
0x87: {  	p0 =	sne.s32 s23, $0xF;
	v16 =	vor.u32 v15, v16;
	[tilespmem:v60+s17+$0x0] =	vst.idx.msk $0xffff, v18  }
.Ltmp1:
0x88: {  	[tilespmem:v61+s17+$0x0] =	vst.idx.msk $0xffff, v19;
	(pc) =	sbr.rel @p0 .LBB2_5-.Ltmp1, $4  }
0x89: {  	[tilespmem:v17+s17+$0x0] =	vst.idx.msk $0xffff, v25  }
0x8a: {  	[tilespmem:v62+s17+$0x0] =	vst.idx.msk $0xffff, v21  }
0x8b: {  	[tilespmem:v63+s17+$0x0] =	vst.idx.msk $0xffff, v22  }
0x8c: {  	s23 =	sadd.s32 $0x1, s23;
	[tilespmem:v16+s17+$0x0] =	vst.idx.msk $0xffff, v23  }
0x8d: {  	s21 =	sadd.s32 $0x1, s21  }
0x8e: {  	s22 =	sadd.s32 s6, s22;
	p0 =	sne.s32 s21, $0x64  }
.Ltmp2:
0x8f: {  	s23 =	sshll.u32 s22, $0x7;
	(pc) =	sbr.rel @p0 .LBB2_2-.Ltmp2, $4  }
0x90: {  	s22 =	sshll.u32 s22, $0xA;
	s23 =	sand.u32 $0x3F80, s23  }
0x91: {  	s22 =	sand.u32 $0xFFE0000, s22;
	s23 =	sadd.s32 s2, s23  }
0x92: {  	s22 =	sadd.s32 s22, s23  }
0x93: {  	[hbm4b:s22+s14] =	stream.strided.scatter [tilespmem:s17], [sflag:$0x4], $0x2000, s15, s14, $0x38;
	[tilespmem:$0xE400] =	vst v63  }
0x94: {  	s20 =	sadd.s32 $0x1, s20  }
0x95: {  	_ =	swait.ge [sflag:s18], $0x2000;
	p0 =	sne.s32 s20, s7  }
.Ltmp3:
0x96: {  	[sflag:s18] =	ssyncset.done $0x0;
	(pc) =	sbr.rel @p0 .LBB2_1-.Ltmp3, $4  }
0x97: {  	[sflag:s18] =	ssyncadd.s32 $0xFFFFE000  }
0x98: {  	_ =	swait.ge [sflag:s19], $0x2000  }
0x99: {  	[sflag:s19] =	ssyncset.done $0x0  }
0x9a: {  	[sflag:s19] =	ssyncadd.s32 $0xFFFFE000  }
0x9b: {  	_ =	sfence.sel $0x180000  }
0x9c: {  	[bflag:$0x0] =	sbarrier.arrive $0xFFFF  }
0x9d: {  	p0 =	sne.s32 s0, $0x0;
	_ =	strace $0x9000004A  }
0x9e: {  	s0 =	sadd.s32 @!p0 $0x100000, s1;
	[bflag:$0x2] =	sbarrier.arrive $0xFFFF  }
0x9f: {  	[sflag:s0] =	ssyncadd.tile.s32 @!p0 $0x1;
	_ =	shalt  }
.Lfunc_end2:
_tile_overlayer_lowered:
.L_overlay_start_2:
0xa0: {  	(tag) =	ssettag $0x2  }
0xa1: {  	s0 =	rddreg [dreg:$0x0];
	s2 =	stileid.u32  }
0xa2: {  	s1 =	rddreg [dreg:$0x1];
	p0 =	sne.s32 s2, $0x0  }
0xa3: {  	s3 =	rddreg [dreg:$0x2];
	[bflag:$0x3] =	sbarrier.arrive $0xFFFF;
	s2 =	simm.s32 @!p0 $0x1C05  }
0xa4: {  	[timem:s3], [sflag:s2] =	dma.local @!p0 [hbm:s0], s1  }
0xa5: {  	s0 =	simm.s32 @!p0 $0x5  }
0xa6: {  	_ =	swait.ge @!p0 [sflag:s0], s1  }
0xa7: {  	s1 =	ssub.s32 @!p0 $0x0, s1;
	[sflag:s0] =	ssyncset.done @!p0 $0x0  }
0xa8: {  	[sflag:s0] =	ssyncadd.s32 @!p0 s1  }
0xa9: {  	[bflag:$0x3] =	sbarrier.arrive $0xFFFF  }
0xaa: {  	_ =	shalt  }

</sc_bundles>
